<compile_context>
chip_gen: v7x
topology: tpu7x:2x2x1
jax: 0.10.2.dev20260603
libtpu: 0.0.44.dev20260713+nightly
codegen_flags: <defaults>
</compile_context>

<pallas_src>
import math

import jax
import jax.numpy as jnp
from jax import lax
from jax.experimental import pallas as pl
from jax.experimental.pallas import tpu as pltpu
from jax.experimental.pallas import tpu_sc as plsc

B, L = 4096, 50
N = B * L
OUT_D = 63
G_D = 48
NC, NS = 2, 16
NW = NC * NS
ROWS_PER_W = B // NW
R_TILE = 8
E_TILE = R_TILE * L
N_TILES = ROWS_PER_W // R_TILE
G_CHUNKS = [(lo, min(128, E_TILE - lo)) for lo in range(0, E_TILE, 128)]


def _body(tpad_h, idx_h, pk_h,
          scal_h, enht_h, edit_h, sealt_h, segt_h, sin_h, cos_h,
          out_h,
          out_t, g48, sp48, idx_v, pk_v, scal_v, enh_t, edi_t, seal_t,
          seg_t, sin_t, cos_t, rhist, shist, sem_in, sem_g, sem_out):
    wid = lax.axis_index("s") * NC + lax.axis_index("c")
    sid = lax.axis_index("s")
    pltpu.sync_copy(enht_h, enh_t)
    pltpu.sync_copy(edit_h, edi_t)
    pltpu.sync_copy(sealt_h, seal_t)
    pltpu.sync_copy(segt_h, seg_t)
    pltpu.sync_copy(sin_h, sin_t)
    pltpu.sync_copy(cos_h, cos_t)

    iota = lax.iota(jnp.int32, 16)
    ones = jnp.ones((16,), jnp.float32)
    base_w = wid * (ROWS_PER_W * L)
    rowb_w = wid * ROWS_PER_W

    def col(c):
        return jnp.full((16,), c, jnp.int32)

    def fire_in(t, b):
        base = base_w + t * E_TILE
        rowb = rowb_w + t * R_TILE
        pltpu.async_copy(idx_h.at[pl.ds(base, E_TILE)], idx_v.at[b], sem_in)
        pltpu.async_copy(pk_h.at[pl.ds(base, E_TILE)], pk_v.at[b], sem_in)
        pltpu.async_copy(scal_h.at[pl.ds(rowb, R_TILE)], scal_v.at[b],
                         sem_in)

    def drain_in():
        pltpu.make_async_copy(idx_h.at[pl.ds(0, E_TILE)], idx_v.at[0],
                              sem_in).wait()
        pltpu.make_async_copy(pk_h.at[pl.ds(0, E_TILE)], pk_v.at[0],
                              sem_in).wait()
        pltpu.make_async_copy(scal_h.at[pl.ds(0, R_TILE)], scal_v.at[0],
                              sem_in).wait()

    def fire_g(b):
        for lo, n in G_CHUNKS:
            pltpu.async_copy(tpad_h.at[idx_v.at[b, pl.ds(lo, n)]],
                             g48.at[b, pl.ds(lo, n)], sem_g)

    def drain_g():
        for lo, n in G_CHUNKS:
            pltpu.make_async_copy(tpad_h.at[pl.ds(0, n)],
                                  g48.at[0, pl.ds(0, n)], sem_g).wait()

    def fire_out(t, b):
        rowb = rowb_w + t * R_TILE
        for r in range(R_TILE):
            pltpu.async_copy(out_t.at[b, pl.ds(L * r, L)],
                             out_h.at[rowb + r], sem_out)


    def drain_out():
        for r in range(R_TILE):
            pltpu.make_async_copy(out_h.at[0], out_t.at[0, pl.ds(0, L)],
                                  sem_out).wait()


    def assemble(b):
        bb = jnp.full((16,), b, jnp.int32)

        @plsc.parallel_loop(0, R_TILE, step=1, carry=jnp.int32(0))
        def _rows(r, cry):
            e0 = r * L
            rr = iota * 0 + r
            zf = jnp.zeros((16,), jnp.float32)
            plsc.store_scatter(rhist, [rr, iota], zf)
            plsc.store_scatter(shist, [rr, iota], zf)
            groups = []
            for g in range(4):
                rem = min(16, L - 16 * g)
                valid = iota < rem
                lidx = jnp.minimum(16 * g + iota, L - 1)
                eidx = e0 + lidx
                pkv = plsc.load_gather(pk_v, [bb, eidx])
                rv = jnp.where(valid, (pkv >> 17) & 15, 15)
                sv = jnp.where(valid, (pkv >> 14) & 7, 15)
                groups.append((lidx, eidx, valid, rv, sv, pkv))
                plsc.addupdate_scatter(rhist, [rr, rv], ones, mask=valid)
                plsc.addupdate_scatter(shist, [rr, sv], ones, mask=valid)
            for lidx, eidx, valid, rv, sv, pkv in groups:
                same_rank = plsc.load_gather(rhist, [rr, rv])
                same_suit = plsc.load_gather(shist, [rr, sv])
                up = plsc.load_gather(rhist, [rr, jnp.maximum(rv - 1, 0)])
                down = plsc.load_gather(rhist, [rr, jnp.minimum(rv + 1, 15)])
                m0 = rv == 0
                zero = jnp.zeros((16,), jnp.float32)
                f_sr = jnp.where(m0, zero, same_rank * 0.2)
                f_ss = jnp.where(m0, zero, same_suit * 0.2)
                f_up = jnp.where(m0, zero, up)
                f_dn = jnp.where(m0, zero, down)
                sinv = plsc.load_gather(sin_t, [rv])
                cosv = plsc.load_gather(cos_t, [rv])
                plsc.addupdate_scatter(out_t, [bb, eidx, col(37)], cosv,
                                       mask=valid)
                plsc.addupdate_scatter(out_t, [bb, eidx, col(38)], sinv,
                                       mask=valid)
                plsc.addupdate_scatter(out_t, [bb, eidx, col(39)], f_dn,
                                       mask=valid)
                plsc.addupdate_scatter(out_t, [bb, eidx, col(40)], f_up,
                                       mask=valid)
                plsc.addupdate_scatter(out_t, [bb, eidx, col(41)], f_ss,
                                       mask=valid)
                plsc.addupdate_scatter(out_t, [bb, eidx, col(42)], f_sr,
                                       mask=valid)
                plsc.addupdate_scatter(out_t, [bb, eidx, sv], ones,
                                       mask=valid)
                plsc.addupdate_scatter(out_t, [bb, eidx, rv + 5], ones,
                                       mask=valid)
                for fv, tab_ref, c0 in (((pkv >> 10) & 15, seg_t, 47),
                                        (pkv & 15, enh_t, 51),
                                        ((pkv >> 4) & 7, edi_t, 55),
                                        ((pkv >> 7) & 7, seal_t, 59)):
                    for c in range(4):
                        plsc.store_scatter(
                            out_t, [bb, eidx, col(c0 + c)],
                            plsc.load_gather(tab_ref, [fv, col(c)]),
                            mask=valid)
                for c in range(4):
                    s = plsc.load_gather(scal_v, [bb, rr, lidx * 4 + c])
                    plsc.store_scatter(out_t, [bb, eidx, col(43 + c)], s,
                                       mask=valid)
            return cry

    fire_in(0, 0)
    drain_in()
    fire_g(0)
    fire_in(1, 1)

    def tile_body(t, carry):
        b = t % 2
        drain_g()
        pltpu.sync_copy(g48.at[b], sp48.at[sid])
        pltpu.sync_copy(sp48.at[sid], out_t.at[b, :, pl.ds(0, G_D)])

        @pl.when(t < N_TILES - 1)
        def _():
            drain_in()

        assemble(b)

        @pl.when(t > 0)
        def _():
            drain_out()
        fire_out(t, b)

        @pl.when(t < N_TILES - 1)
        def _():
            fire_g(1 - b)

        @pl.when(t < N_TILES - 2)
        def _():
            fire_in(jnp.minimum(t + 2, N_TILES - 1), b)
        return carry

    lax.fori_loop(0, N_TILES, tile_body, 0)
    drain_out()


@jax.jit
def _run(tpad, idx_f, pk_f,
         scal_f, enh_table, edi_table, seal_table, seg_table, sin_tab,
         cos_tab):
    mesh = plsc.VectorSubcoreMesh(core_axis_name="c", subcore_axis_name="s")
    f = pl.kernel(
        _body,
        out_type=jax.ShapeDtypeStruct((B, L, OUT_D), jnp.float32),
        mesh=mesh,
        compiler_params=pltpu.CompilerParams(needs_layout_passes=False,
                                             use_tc_tiling_on_sc=False),
        scratch_types=[
            pltpu.VMEM((2, E_TILE, OUT_D), jnp.float32),
            pltpu.VMEM((2, E_TILE, G_D), jnp.float32),
            pltpu.VMEM_SHARED((NS, E_TILE, G_D), jnp.float32),
            pltpu.VMEM((2, E_TILE), jnp.int32),
            pltpu.VMEM((2, E_TILE), jnp.int32),
            pltpu.VMEM((2, R_TILE, 4 * L), jnp.float32),
            pltpu.VMEM((16, 4), jnp.float32),
            pltpu.VMEM((8, 4), jnp.float32),
            pltpu.VMEM((8, 4), jnp.float32),
            pltpu.VMEM((16, 4), jnp.float32),
            pltpu.VMEM((16,), jnp.float32),
            pltpu.VMEM((16,), jnp.float32),
            pltpu.VMEM((R_TILE, 16), jnp.float32),
            pltpu.VMEM((R_TILE, 16), jnp.float32),
            pltpu.SemaphoreType.DMA,
            pltpu.SemaphoreType.DMA,
            pltpu.SemaphoreType.DMA,
        ],
    )
    return f(tpad, idx_f, pk_f,
             scal_f, enh_table, edi_table, seal_table, seg_table,
             sin_tab, cos_tab)


def kernel(indices, enhancement, edition, seal, segment, suit, rank,
           scalar_properties, debuffed,
           idx_table, enh_table, edi_table, seal_table, seg_table,
           suit_table, rank_table):
    tpad = jnp.pad(idx_table, ((0, 0), (0, G_D - idx_table.shape[1])))
    ang = jnp.arange(16, dtype=jnp.float32) * (2.0 * math.pi / 13.0)
    sin_tab = jnp.sin(ang)
    cos_tab = jnp.cos(ang)
    scale = jnp.array([10.0, 100.0, 100.0, 10.0], jnp.float32)
    scal_pre = (scalar_properties
                * (1.0 - debuffed.astype(jnp.float32))[:, :, None] / scale)
    pk = (enhancement | (edition << 4) | (seal << 7) | (segment << 10)
          | (suit << 14) | (rank << 17))
    emb = _run(
        tpad,
        indices.reshape(-1), pk.reshape(-1),
        scal_pre.reshape(B, 4 * L),
        enh_table, edi_table, seal_table, seg_table, sin_tab, cos_tab)
    return emb, (indices == 0) & (rank == 0)

# --- scband reference (transcript-rebuilt; emitter-appended) ---
"""Pipeline reference for scband-universal-card-encoder-21311627723307 (READ-ONLY COPY).

The authoritative reference and input builder live on the scoring server;
editing this copy changes nothing except your own understanding.
"""

import jax, jax.numpy as jnp
import numpy as np
import math

TOTAL_CARDS = 1000
NUM_ENH = 16
NUM_EDI = 8
NUM_SEAL = 8
NUM_SEG = 16
NUM_SUITS = 5
NUM_RANKS = 14
MAIN = 43
B, L = 4096, 50


def setup_inputs(seed: int = 0):
    key = jax.random.key(seed)
    ks = jax.random.split(key, 16)
    inp = {}
    inp["indices"] = jax.random.randint(ks[0], (B, L), 0, TOTAL_CARDS)
    inp["enhancement"] = jax.random.randint(ks[1], (B, L), 0, NUM_ENH)
    inp["edition"] = jax.random.randint(ks[2], (B, L), 0, NUM_EDI)
    inp["seal"] = jax.random.randint(ks[3], (B, L), 0, NUM_SEAL)
    inp["segment"] = jax.random.randint(ks[4], (B, L), 0, NUM_SEG)
    inp["suit"] = jax.random.randint(ks[5], (B, L), 0, NUM_SUITS)
    inp["rank"] = jax.random.randint(ks[6], (B, L), 0, NUM_RANKS)
    inp["scalar_properties"] = jax.random.uniform(ks[7], (B, L, 4), dtype=jnp.float32)
    inp["debuffed"] = jax.random.randint(ks[8], (B, L), 0, 2)
    # learned embedding tables (padding_idx=0 row zeroed, as in torch init)
    inp["idx_table"] = jax.random.normal(ks[9], (TOTAL_CARDS, MAIN), dtype=jnp.float32).at[0].set(0.0)
    inp["enh_table"] = jax.random.normal(ks[10], (NUM_ENH, 4), dtype=jnp.float32).at[0].set(0.0)
    inp["edi_table"] = jax.random.normal(ks[11], (NUM_EDI, 4), dtype=jnp.float32).at[0].set(0.0)
    inp["seal_table"] = jax.random.normal(ks[12], (NUM_SEAL, 4), dtype=jnp.float32).at[0].set(0.0)
    inp["seg_table"] = jax.random.normal(ks[13], (NUM_SEG, 4), dtype=jnp.float32).at[0].set(0.0)
    # frozen one-hot suit / rank tables (requires_grad=False in torch)
    inp["suit_table"] = jnp.eye(NUM_SUITS, dtype=jnp.float32)
    rt = jnp.zeros((NUM_RANKS, MAIN - NUM_SUITS), dtype=jnp.float32)
    rt = rt.at[jnp.arange(NUM_RANKS), jnp.arange(NUM_RANKS)].set(1.0)
    inp["rank_table"] = rt
    return inp


def reference(indices, enhancement, edition, seal, segment, suit, rank,
              scalar_properties, debuffed,
              idx_table, enh_table, edi_table, seal_table, seg_table,
              suit_table, rank_table):
    idx_emb = jnp.take(idx_table, indices, axis=0)
    enh_emb = jnp.take(enh_table, enhancement, axis=0)
    edi_emb = jnp.take(edi_table, edition, axis=0)
    seal_emb = jnp.take(seal_table, seal, axis=0)
    seg_emb = jnp.take(seg_table, segment, axis=0)
    suit_emb = jnp.take(suit_table, suit, axis=0)
    rank_emb = jnp.take(rank_table, rank, axis=0)
    ranks = rank
    suits = suit
    same_rank = (ranks[:, :, None] == ranks[:, None, :]).sum(-1)
    same_suit = (suits[:, :, None] == suits[:, None, :]).sum(-1)
    rank_up = (ranks[:, :, None] == ranks[:, None, :] + 1).sum(-1)
    rank_down = (ranks[:, :, None] == ranks[:, None, :] - 1).sum(-1)
    rank_sin = jnp.sin(ranks.astype(jnp.float32) * (2.0 * math.pi / 13.0))
    rank_cos = jnp.cos(ranks.astype(jnp.float32) * (2.0 * math.pi / 13.0))
    mask = ranks == 0
    same_rank = jnp.where(mask, 0.0, same_rank.astype(jnp.float32) / 5.0)
    same_suit = jnp.where(mask, 0.0, same_suit.astype(jnp.float32) / 5.0)
    rank_up = jnp.where(mask, 0.0, rank_up.astype(jnp.float32))
    rank_down = jnp.where(mask, 0.0, rank_down.astype(jnp.float32))
    rank_emb = rank_emb.at[:, :, -1].set(same_rank)
    rank_emb = rank_emb.at[:, :, -2].set(same_suit)
    rank_emb = rank_emb.at[:, :, -3].set(rank_up)
    rank_emb = rank_emb.at[:, :, -4].set(rank_down)
    rank_emb = rank_emb.at[:, :, -5].set(rank_sin)
    rank_emb = rank_emb.at[:, :, -6].set(rank_cos)
    suit_rank_emb = jnp.concatenate((suit_emb, rank_emb), axis=-1)
    scalars = scalar_properties.astype(jnp.float32)
    is_debuffed = debuffed.astype(jnp.float32)[:, :, None]
    scalars = scalars * (1.0 - is_debuffed)
    scale = jnp.array([10.0, 100.0, 100.0, 10.0], dtype=jnp.float32)
    scalars = scalars / scale
    embeddings = jnp.concatenate(
        [idx_emb + suit_rank_emb, scalars, seg_emb, enh_emb, edi_emb, seal_emb], axis=-1)
    return (embeddings, (indices == 0) & mask)

if __name__ == "__main__":
    import jax
    _d = setup_inputs()
    print(jax.jit(kernel)(*tuple(_d.values())))

</pallas_src>

<mosaic_0001>
#map = affine_map<(d0, d1) -> (0, 0)>
#map1 = affine_map<(d0, d1) -> (0)>
#map2 = affine_map<(d0, d1) -> (0, 0, 0)>
module attributes {stable_mosaic.version = 14 : i64} {
  func.func @_body(%arg0: i32, %arg1: i32, %arg2: memref<1000x48xf32, #tpu.memory_space<hbm>>, %arg3: memref<204800xi32, #tpu.memory_space<hbm>>, %arg4: memref<204800xi32, #tpu.memory_space<hbm>>, %arg5: memref<4096x200xf32, #tpu.memory_space<hbm>>, %arg6: memref<16x4xf32, #tpu.memory_space<hbm>>, %arg7: memref<8x4xf32, #tpu.memory_space<hbm>>, %arg8: memref<8x4xf32, #tpu.memory_space<hbm>>, %arg9: memref<16x4xf32, #tpu.memory_space<hbm>>, %arg10: memref<16xf32, #tpu.memory_space<hbm>>, %arg11: memref<16xf32, #tpu.memory_space<hbm>>, %arg12: memref<4096x50x63xf32, #tpu.memory_space<hbm>>, %arg13: memref<2x400x63xf32, #tpu.memory_space<vmem>>, %arg14: memref<2x400x48xf32, #tpu.memory_space<vmem>>, %arg15: memref<16x400x48xf32, #tpu.memory_space<vmem_shared>>, %arg16: memref<2x400xi32, #tpu.memory_space<vmem>>, %arg17: memref<2x400xi32, #tpu.memory_space<vmem>>, %arg18: memref<2x8x200xf32, #tpu.memory_space<vmem>>, %arg19: memref<16x4xf32, #tpu.memory_space<vmem>>, %arg20: memref<8x4xf32, #tpu.memory_space<vmem>>, %arg21: memref<8x4xf32, #tpu.memory_space<vmem>>, %arg22: memref<16x4xf32, #tpu.memory_space<vmem>>, %arg23: memref<16xf32, #tpu.memory_space<vmem>>, %arg24: memref<16xf32, #tpu.memory_space<vmem>>, %arg25: memref<8x16xf32, #tpu.memory_space<vmem>>, %arg26: memref<8x16xf32, #tpu.memory_space<vmem>>, %arg27: memref<!tpu.dma_semaphore, #tpu.memory_space<semaphore_mem>>, %arg28: memref<!tpu.dma_semaphore, #tpu.memory_space<semaphore_mem>>, %arg29: memref<!tpu.dma_semaphore, #tpu.memory_space<semaphore_mem>>) attributes {dimension_semantics = [#tpu.dimension_semantics<core_parallel>, #tpu.dimension_semantics<subcore_parallel>], iteration_bounds = array<i64: 2, 16>, scalar_prefetch = 0 : i64, scratch_operands = 17 : i64, tpu.core_type = #tpu.core_type<sc_vector_subcore>, window_params = [{transform_indices = #map}, {transform_indices = #map1}, {transform_indices = #map1}, {transform_indices = #map}, {transform_indices = #map}, {transform_indices = #map}, {transform_indices = #map}, {transform_indices = #map}, {transform_indices = #map1}, {transform_indices = #map1}, {transform_indices = #map2}]} {
    %mul3A = arith.constant 2 : i32
    %mul3A_0 = arith.muli %arg1, %mul3A : i32
    %add3A = arith.addi %mul3A_0, %arg0 : i32
    "tpu.region"() ({
      %run_scoped3A = tpu.sem_alloc : memref<!tpu.dma_semaphore, #tpu.memory_space<semaphore_mem>>
      tpu.enqueue_dma source(%arg6 : memref<16x4xf32, #tpu.memory_space<hbm>>) target(%arg19 : memref<16x4xf32, #tpu.memory_space<vmem>>) target_semaphore(%run_scoped3A : memref<!tpu.dma_semaphore, #tpu.memory_space<semaphore_mem>>)
      tpu.wait_dma2 semaphore(%run_scoped3A : memref<!tpu.dma_semaphore, #tpu.memory_space<semaphore_mem>>) src(%arg6 : memref<16x4xf32, #tpu.memory_space<hbm>>) dst(%arg19 : memref<16x4xf32, #tpu.memory_space<vmem>>)
      tpu.yield
    }) : () -> ()
    "tpu.region"() ({
      %run_scoped3A = tpu.sem_alloc : memref<!tpu.dma_semaphore, #tpu.memory_space<semaphore_mem>>
      tpu.enqueue_dma source(%arg7 : memref<8x4xf32, #tpu.memory_space<hbm>>) target(%arg20 : memref<8x4xf32, #tpu.memory_space<vmem>>) target_semaphore(%run_scoped3A : memref<!tpu.dma_semaphore, #tpu.memory_space<semaphore_mem>>)
      tpu.wait_dma2 semaphore(%run_scoped3A : memref<!tpu.dma_semaphore, #tpu.memory_space<semaphore_mem>>) src(%arg7 : memref<8x4xf32, #tpu.memory_space<hbm>>) dst(%arg20 : memref<8x4xf32, #tpu.memory_space<vmem>>)
      tpu.yield
    }) : () -> ()
    "tpu.region"() ({
      %run_scoped3A = tpu.sem_alloc : memref<!tpu.dma_semaphore, #tpu.memory_space<semaphore_mem>>
      tpu.enqueue_dma source(%arg8 : memref<8x4xf32, #tpu.memory_space<hbm>>) target(%arg21 : memref<8x4xf32, #tpu.memory_space<vmem>>) target_semaphore(%run_scoped3A : memref<!tpu.dma_semaphore, #tpu.memory_space<semaphore_mem>>)
      tpu.wait_dma2 semaphore(%run_scoped3A : memref<!tpu.dma_semaphore, #tpu.memory_space<semaphore_mem>>) src(%arg8 : memref<8x4xf32, #tpu.memory_space<hbm>>) dst(%arg21 : memref<8x4xf32, #tpu.memory_space<vmem>>)
      tpu.yield
    }) : () -> ()
    "tpu.region"() ({
      %run_scoped3A = tpu.sem_alloc : memref<!tpu.dma_semaphore, #tpu.memory_space<semaphore_mem>>
      tpu.enqueue_dma source(%arg9 : memref<16x4xf32, #tpu.memory_space<hbm>>) target(%arg22 : memref<16x4xf32, #tpu.memory_space<vmem>>) target_semaphore(%run_scoped3A : memref<!tpu.dma_semaphore, #tpu.memory_space<semaphore_mem>>)
      tpu.wait_dma2 semaphore(%run_scoped3A : memref<!tpu.dma_semaphore, #tpu.memory_space<semaphore_mem>>) src(%arg9 : memref<16x4xf32, #tpu.memory_space<hbm>>) dst(%arg22 : memref<16x4xf32, #tpu.memory_space<vmem>>)
      tpu.yield
    }) : () -> ()
    "tpu.region"() ({
      %run_scoped3A = tpu.sem_alloc : memref<!tpu.dma_semaphore, #tpu.memory_space<semaphore_mem>>
      tpu.enqueue_dma source(%arg10 : memref<16xf32, #tpu.memory_space<hbm>>) target(%arg23 : memref<16xf32, #tpu.memory_space<vmem>>) target_semaphore(%run_scoped3A : memref<!tpu.dma_semaphore, #tpu.memory_space<semaphore_mem>>)
      tpu.wait_dma2 semaphore(%run_scoped3A : memref<!tpu.dma_semaphore, #tpu.memory_space<semaphore_mem>>) src(%arg10 : memref<16xf32, #tpu.memory_space<hbm>>) dst(%arg23 : memref<16xf32, #tpu.memory_space<vmem>>)
      tpu.yield
    }) : () -> ()
    "tpu.region"() ({
      %run_scoped3A = tpu.sem_alloc : memref<!tpu.dma_semaphore, #tpu.memory_space<semaphore_mem>>
      tpu.enqueue_dma source(%arg11 : memref<16xf32, #tpu.memory_space<hbm>>) target(%arg24 : memref<16xf32, #tpu.memory_space<vmem>>) target_semaphore(%run_scoped3A : memref<!tpu.dma_semaphore, #tpu.memory_space<semaphore_mem>>)
      tpu.wait_dma2 semaphore(%run_scoped3A : memref<!tpu.dma_semaphore, #tpu.memory_space<semaphore_mem>>) src(%arg11 : memref<16xf32, #tpu.memory_space<hbm>>) dst(%arg24 : memref<16xf32, #tpu.memory_space<vmem>>)
      tpu.yield
    }) : () -> ()
    %iota3A = tpu.iota {dimensions = array<i32: 0>} : vector<16xi32>
    %broadcast_in_dim3A = arith.constant 1.000000e+00 : f32
    %broadcast_in_dim3A_1 = vector.broadcast %broadcast_in_dim3A : f32 to vector<16xf32>
    %mul3A_2 = arith.constant 6400 : i32
    %mul3A_3 = arith.muli %add3A, %mul3A_2 : i32
    %mul3A_4 = arith.constant 128 : i32
    %mul3A_5 = arith.muli %add3A, %mul3A_4 : i32
    %add3A_6 = arith.constant 0 : i32
    %add3A_7 = arith.addi %mul3A_3, %add3A_6 : i32
    %add3A_8 = arith.constant 0 : i32
    %add3A_9 = arith.addi %mul3A_5, %add3A_8 : i32
    %dma_start3A = arith.constant 0 : i32
    %dma_start3A_10 = arith.constant 0 : i32
    %dma_start3A_11 = tpu.memref_slice %arg16[%dma_start3A, %dma_start3A_10] : memref<2x400xi32, #tpu.memory_space<vmem>> -> memref<1x400xi32, #tpu.memory_space<vmem>>
    %dma_start3A_12 = tpu.memref_squeeze %dma_start3A_11 : memref<1x400xi32, #tpu.memory_space<vmem>> -> memref<400xi32, #tpu.memory_space<vmem>>
    %dma_start3A_13 = tpu.memref_slice %arg3[%add3A_7] : memref<204800xi32, #tpu.memory_space<hbm>> -> memref<400xi32, #tpu.memory_space<hbm>>
    %dma_start3A_14 = arith.constant 0 : i32
    %dma_start3A_15 = tpu.memref_slice %arg16[%dma_start3A, %dma_start3A_14] : memref<2x400xi32, #tpu.memory_space<vmem>> -> memref<1x400xi32, #tpu.memory_space<vmem>>
    %dma_start3A_16 = tpu.memref_squeeze %dma_start3A_15 : memref<1x400xi32, #tpu.memory_space<vmem>> -> memref<400xi32, #tpu.memory_space<vmem>>
    %dma_start3A_17 = tpu.memref_slice %arg3[%add3A_7] : memref<204800xi32, #tpu.memory_space<hbm>> -> memref<400xi32, #tpu.memory_space<hbm>>
    tpu.enqueue_dma source(%dma_start3A_17 : memref<400xi32, #tpu.memory_space<hbm>>) target(%dma_start3A_16 : memref<400xi32, #tpu.memory_space<vmem>>) target_semaphore(%arg27 : memref<!tpu.dma_semaphore, #tpu.memory_space<semaphore_mem>>)
    %dma_start3A_18 = arith.constant 0 : i32
    %dma_start3A_19 = arith.constant 0 : i32
    %dma_start3A_20 = tpu.memref_slice %arg17[%dma_start3A_18, %dma_start3A_19] : memref<2x400xi32, #tpu.memory_space<vmem>> -> memref<1x400xi32, #tpu.memory_space<vmem>>
    %dma_start3A_21 = tpu.memref_squeeze %dma_start3A_20 : memref<1x400xi32, #tpu.memory_space<vmem>> -> memref<400xi32, #tpu.memory_space<vmem>>
    %dma_start3A_22 = tpu.memref_slice %arg4[%add3A_7] : memref<204800xi32, #tpu.memory_space<hbm>> -> memref<400xi32, #tpu.memory_space<hbm>>
    %dma_start3A_23 = arith.constant 0 : i32
    %dma_start3A_24 = tpu.memref_slice %arg17[%dma_start3A_18, %dma_start3A_23] : memref<2x400xi32, #tpu.memory_space<vmem>> -> memref<1x400xi32, #tpu.memory_space<vmem>>
    %dma_start3A_25 = tpu.memref_squeeze %dma_start3A_24 : memref<1x400xi32, #tpu.memory_space<vmem>> -> memref<400xi32, #tpu.memory_space<vmem>>
    %dma_start3A_26 = tpu.memref_slice %arg4[%add3A_7] : memref<204800xi32, #tpu.memory_space<hbm>> -> memref<400xi32, #tpu.memory_space<hbm>>
    tpu.enqueue_dma source(%dma_start3A_26 : memref<400xi32, #tpu.memory_space<hbm>>) target(%dma_start3A_25 : memref<400xi32, #tpu.memory_space<vmem>>) target_semaphore(%arg27 : memref<!tpu.dma_semaphore, #tpu.memory_space<semaphore_mem>>)
    %dma_start3A_27 = arith.constant 0 : i32
    %dma_start3A_28 = arith.constant 0 : i32
    %dma_start3A_29 = arith.constant 0 : i32
    %dma_start3A_30 = tpu.memref_slice %arg18[%dma_start3A_27, %dma_start3A_28, %dma_start3A_29] : memref<2x8x200xf32, #tpu.memory_space<vmem>> -> memref<1x8x200xf32, #tpu.memory_space<vmem>>
    %dma_start3A_31 = tpu.memref_squeeze %dma_start3A_30 : memref<1x8x200xf32, #tpu.memory_space<vmem>> -> memref<8x200xf32, #tpu.memory_space<vmem>>
    %dma_start3A_32 = arith.constant 0 : i32
    %dma_start3A_33 = tpu.memref_slice %arg5[%add3A_9, %dma_start3A_32] : memref<4096x200xf32, #tpu.memory_space<hbm>> -> memref<8x200xf32, #tpu.memory_space<hbm>>
    %dma_start3A_34 = arith.constant 0 : i32
    %dma_start3A_35 = arith.constant 0 : i32
    %dma_start3A_36 = tpu.memref_slice %arg18[%dma_start3A_27, %dma_start3A_34, %dma_start3A_35] : memref<2x8x200xf32, #tpu.memory_space<vmem>> -> memref<1x8x200xf32, #tpu.memory_space<vmem>>
    %dma_start3A_37 = tpu.memref_squeeze %dma_start3A_36 : memref<1x8x200xf32, #tpu.memory_space<vmem>> -> memref<8x200xf32, #tpu.memory_space<vmem>>
    %dma_start3A_38 = arith.constant 0 : i32
    %dma_start3A_39 = tpu.memref_slice %arg5[%add3A_9, %dma_start3A_38] : memref<4096x200xf32, #tpu.memory_space<hbm>> -> memref<8x200xf32, #tpu.memory_space<hbm>>
    tpu.enqueue_dma source(%dma_start3A_39 : memref<8x200xf32, #tpu.memory_space<hbm>>) target(%dma_start3A_37 : memref<8x200xf32, #tpu.memory_space<vmem>>) target_semaphore(%arg27 : memref<!tpu.dma_semaphore, #tpu.memory_space<semaphore_mem>>)
    %dma_wait3A = arith.constant 0 : i32
    %dma_wait3A_40 = arith.constant 0 : i32
    %dma_wait3A_41 = tpu.memref_slice %arg16[%dma_wait3A, %dma_wait3A_40] : memref<2x400xi32, #tpu.memory_space<vmem>> -> memref<1x400xi32, #tpu.memory_space<vmem>>
    %dma_wait3A_42 = tpu.memref_squeeze %dma_wait3A_41 : memref<1x400xi32, #tpu.memory_space<vmem>> -> memref<400xi32, #tpu.memory_space<vmem>>
    %dma_wait3A_43 = arith.constant 0 : i32
    %dma_wait3A_44 = tpu.memref_slice %arg3[%dma_wait3A_43] : memref<204800xi32, #tpu.memory_space<hbm>> -> memref<400xi32, #tpu.memory_space<hbm>>
    %dma_wait3A_45 = arith.constant 0 : i32
    %dma_wait3A_46 = tpu.memref_slice %arg16[%dma_wait3A, %dma_wait3A_45] : memref<2x400xi32, #tpu.memory_space<vmem>> -> memref<1x400xi32, #tpu.memory_space<vmem>>
    %dma_wait3A_47 = tpu.memref_squeeze %dma_wait3A_46 : memref<1x400xi32, #tpu.memory_space<vmem>> -> memref<400xi32, #tpu.memory_space<vmem>>
    %dma_wait3A_48 = arith.constant 0 : i32
    %dma_wait3A_49 = tpu.memref_slice %arg3[%dma_wait3A_48] : memref<204800xi32, #tpu.memory_space<hbm>> -> memref<400xi32, #tpu.memory_space<hbm>>
    tpu.wait_dma2 semaphore(%arg27 : memref<!tpu.dma_semaphore, #tpu.memory_space<semaphore_mem>>) src(%dma_wait3A_49 : memref<400xi32, #tpu.memory_space<hbm>>) dst(%dma_wait3A_47 : memref<400xi32, #tpu.memory_space<vmem>>)
    %dma_wait3A_50 = arith.constant 0 : i32
    %dma_wait3A_51 = arith.constant 0 : i32
    %dma_wait3A_52 = tpu.memref_slice %arg17[%dma_wait3A_50, %dma_wait3A_51] : memref<2x400xi32, #tpu.memory_space<vmem>> -> memref<1x400xi32, #tpu.memory_space<vmem>>
    %dma_wait3A_53 = tpu.memref_squeeze %dma_wait3A_52 : memref<1x400xi32, #tpu.memory_space<vmem>> -> memref<400xi32, #tpu.memory_space<vmem>>
    %dma_wait3A_54 = arith.constant 0 : i32
    %dma_wait3A_55 = tpu.memref_slice %arg4[%dma_wait3A_54] : memref<204800xi32, #tpu.memory_space<hbm>> -> memref<400xi32, #tpu.memory_space<hbm>>
    %dma_wait3A_56 = arith.constant 0 : i32
    %dma_wait3A_57 = tpu.memref_slice %arg17[%dma_wait3A_50, %dma_wait3A_56] : memref<2x400xi32, #tpu.memory_space<vmem>> -> memref<1x400xi32, #tpu.memory_space<vmem>>
    %dma_wait3A_58 = tpu.memref_squeeze %dma_wait3A_57 : memref<1x400xi32, #tpu.memory_space<vmem>> -> memref<400xi32, #tpu.memory_space<vmem>>
    %dma_wait3A_59 = arith.constant 0 : i32
    %dma_wait3A_60 = tpu.memref_slice %arg4[%dma_wait3A_59] : memref<204800xi32, #tpu.memory_space<hbm>> -> memref<400xi32, #tpu.memory_space<hbm>>
    tpu.wait_dma2 semaphore(%arg27 : memref<!tpu.dma_semaphore, #tpu.memory_space<semaphore_mem>>) src(%dma_wait3A_60 : memref<400xi32, #tpu.memory_space<hbm>>) dst(%dma_wait3A_58 : memref<400xi32, #tpu.memory_space<vmem>>)
    %dma_wait3A_61 = arith.constant 0 : i32
    %dma_wait3A_62 = arith.constant 0 : i32
    %dma_wait3A_63 = arith.constant 0 : i32
    %dma_wait3A_64 = tpu.memref_slice %arg18[%dma_wait3A_61, %dma_wait3A_62, %dma_wait3A_63] : memref<2x8x200xf32, #tpu.memory_space<vmem>> -> memref<1x8x200xf32, #tpu.memory_space<vmem>>
    %dma_wait3A_65 = tpu.memref_squeeze %dma_wait3A_64 : memref<1x8x200xf32, #tpu.memory_space<vmem>> -> memref<8x200xf32, #tpu.memory_space<vmem>>
    %dma_wait3A_66 = arith.constant 0 : i32
    %dma_wait3A_67 = arith.constant 0 : i32
    %dma_wait3A_68 = tpu.memref_slice %arg5[%dma_wait3A_66, %dma_wait3A_67] : memref<4096x200xf32, #tpu.memory_space<hbm>> -> memref<8x200xf32, #tpu.memory_space<hbm>>
    %dma_wait3A_69 = arith.constant 0 : i32
    %dma_wait3A_70 = arith.constant 0 : i32
    %dma_wait3A_71 = tpu.memref_slice %arg18[%dma_wait3A_61, %dma_wait3A_69, %dma_wait3A_70] : memref<2x8x200xf32, #tpu.memory_space<vmem>> -> memref<1x8x200xf32, #tpu.memory_space<vmem>>
    %dma_wait3A_72 = tpu.memref_squeeze %dma_wait3A_71 : memref<1x8x200xf32, #tpu.memory_space<vmem>> -> memref<8x200xf32, #tpu.memory_space<vmem>>
    %dma_wait3A_73 = arith.constant 0 : i32
    %dma_wait3A_74 = arith.constant 0 : i32
    %dma_wait3A_75 = tpu.memref_slice %arg5[%dma_wait3A_73, %dma_wait3A_74] : memref<4096x200xf32, #tpu.memory_space<hbm>> -> memref<8x200xf32, #tpu.memory_space<hbm>>
    tpu.wait_dma2 semaphore(%arg27 : memref<!tpu.dma_semaphore, #tpu.memory_space<semaphore_mem>>) src(%dma_wait3A_75 : memref<8x200xf32, #tpu.memory_space<hbm>>) dst(%dma_wait3A_72 : memref<8x200xf32, #tpu.memory_space<vmem>>)
    %dma_start3A_76 = arith.constant 0 : i32
    %dma_start3A_77 = arith.constant 0 : i32
    %dma_start3A_78 = arith.constant 0 : i32
    %dma_start3A_79 = arith.constant 0 : i32
    %dma_start3A_80 = tpu.memref_slice %arg14[%dma_start3A_77, %dma_start3A_78, %dma_start3A_79] : memref<2x400x48xf32, #tpu.memory_space<vmem>> -> memref<1x128x48xf32, #tpu.memory_space<vmem>>
    %dma_start3A_81 = tpu.memref_squeeze %dma_start3A_80 : memref<1x128x48xf32, #tpu.memory_space<vmem>> -> memref<128x48xf32, #tpu.memory_space<vmem>>
    %dma_start3A_82 = arith.constant 0 : i32
    %dma_start3A_83 = tpu.memref_slice %arg16[%dma_start3A_76, %dma_start3A_82] : memref<2x400xi32, #tpu.memory_space<vmem>> -> memref<1x128xi32, #tpu.memory_space<vmem>>
    %dma_start3A_84 = tpu.memref_squeeze %dma_start3A_83 : memref<1x128xi32, #tpu.memory_space<vmem>> -> memref<128xi32, #tpu.memory_space<vmem>>
    %dma_start3A_85 = arith.constant 0 : i32
    %dma_start3A_86 = arith.constant 0 : i32
    %dma_start3A_87 = tpu.memref_slice %arg2[%dma_start3A_85, %dma_start3A_86] : memref<1000x48xf32, #tpu.memory_space<hbm>> -> memref<1000x48xf32, #tpu.memory_space<hbm>>
    tpu.enqueue_indirect_dma source(%dma_start3A_87 : memref<1000x48xf32, #tpu.memory_space<hbm>>) target(%dma_start3A_81 : memref<128x48xf32, #tpu.memory_space<vmem>>) offsets(%dma_start3A_84 : memref<128xi32, #tpu.memory_space<vmem>>) semaphore(%arg28 : memref<!tpu.dma_semaphore, #tpu.memory_space<semaphore_mem>>)
    %dma_start3A_88 = arith.constant 0 : i32
    %dma_start3A_89 = arith.constant 0 : i32
    %dma_start3A_90 = arith.constant 128 : i32
    %dma_start3A_91 = arith.constant 0 : i32
    %dma_start3A_92 = tpu.memref_slice %arg14[%dma_start3A_89, %dma_start3A_90, %dma_start3A_91] : memref<2x400x48xf32, #tpu.memory_space<vmem>> -> memref<1x128x48xf32, #tpu.memory_space<vmem>>
    %dma_start3A_93 = tpu.memref_squeeze %dma_start3A_92 : memref<1x128x48xf32, #tpu.memory_space<vmem>> -> memref<128x48xf32, #tpu.memory_space<vmem>>
    %dma_start3A_94 = arith.constant 128 : i32
    %dma_start3A_95 = tpu.memref_slice %arg16[%dma_start3A_88, %dma_start3A_94] : memref<2x400xi32, #tpu.memory_space<vmem>> -> memref<1x128xi32, #tpu.memory_space<vmem>>
    %dma_start3A_96 = tpu.memref_squeeze %dma_start3A_95 : memref<1x128xi32, #tpu.memory_space<vmem>> -> memref<128xi32, #tpu.memory_space<vmem>>
    %dma_start3A_97 = arith.constant 0 : i32
    %dma_start3A_98 = arith.constant 0 : i32
    %dma_start3A_99 = tpu.memref_slice %arg2[%dma_start3A_97, %dma_start3A_98] : memref<1000x48xf32, #tpu.memory_space<hbm>> -> memref<1000x48xf32, #tpu.memory_space<hbm>>
    tpu.enqueue_indirect_dma source(%dma_start3A_99 : memref<1000x48xf32, #tpu.memory_space<hbm>>) target(%dma_start3A_93 : memref<128x48xf32, #tpu.memory_space<vmem>>) offsets(%dma_start3A_96 : memref<128xi32, #tpu.memory_space<vmem>>) semaphore(%arg28 : memref<!tpu.dma_semaphore, #tpu.memory_space<semaphore_mem>>)
    %dma_start3A_100 = arith.constant 0 : i32
    %dma_start3A_101 = arith.constant 0 : i32
    %dma_start3A_102 = arith.constant 256 : i32
    %dma_start3A_103 = arith.constant 0 : i32
    %dma_start3A_104 = tpu.memref_slice %arg14[%dma_start3A_101, %dma_start3A_102, %dma_start3A_103] : memref<2x400x48xf32, #tpu.memory_space<vmem>> -> memref<1x128x48xf32, #tpu.memory_space<vmem>>
    %dma_start3A_105 = tpu.memref_squeeze %dma_start3A_104 : memref<1x128x48xf32, #tpu.memory_space<vmem>> -> memref<128x48xf32, #tpu.memory_space<vmem>>
    %dma_start3A_106 = arith.constant 256 : i32
    %dma_start3A_107 = tpu.memref_slice %arg16[%dma_start3A_100, %dma_start3A_106] : memref<2x400xi32, #tpu.memory_space<vmem>> -> memref<1x128xi32, #tpu.memory_space<vmem>>
    %dma_start3A_108 = tpu.memref_squeeze %dma_start3A_107 : memref<1x128xi32, #tpu.memory_space<vmem>> -> memref<128xi32, #tpu.memory_space<vmem>>
    %dma_start3A_109 = arith.constant 0 : i32
    %dma_start3A_110 = arith.constant 0 : i32
    %dma_start3A_111 = tpu.memref_slice %arg2[%dma_start3A_109, %dma_start3A_110] : memref<1000x48xf32, #tpu.memory_space<hbm>> -> memref<1000x48xf32, #tpu.memory_space<hbm>>
    tpu.enqueue_indirect_dma source(%dma_start3A_111 : memref<1000x48xf32, #tpu.memory_space<hbm>>) target(%dma_start3A_105 : memref<128x48xf32, #tpu.memory_space<vmem>>) offsets(%dma_start3A_108 : memref<128xi32, #tpu.memory_space<vmem>>) semaphore(%arg28 : memref<!tpu.dma_semaphore, #tpu.memory_space<semaphore_mem>>)
    %dma_start3A_112 = arith.constant 0 : i32
    %dma_start3A_113 = arith.constant 0 : i32
    %dma_start3A_114 = arith.constant 384 : i32
    %dma_start3A_115 = arith.constant 0 : i32
    %dma_start3A_116 = tpu.memref_slice %arg14[%dma_start3A_113, %dma_start3A_114, %dma_start3A_115] : memref<2x400x48xf32, #tpu.memory_space<vmem>> -> memref<1x16x48xf32, #tpu.memory_space<vmem>>
    %dma_start3A_117 = tpu.memref_squeeze %dma_start3A_116 : memref<1x16x48xf32, #tpu.memory_space<vmem>> -> memref<16x48xf32, #tpu.memory_space<vmem>>
    %dma_start3A_118 = arith.constant 384 : i32
    %dma_start3A_119 = tpu.memref_slice %arg16[%dma_start3A_112, %dma_start3A_118] : memref<2x400xi32, #tpu.memory_space<vmem>> -> memref<1x16xi32, #tpu.memory_space<vmem>>
    %dma_start3A_120 = tpu.memref_squeeze %dma_start3A_119 : memref<1x16xi32, #tpu.memory_space<vmem>> -> memref<16xi32, #tpu.memory_space<vmem>>
    %dma_start3A_121 = arith.constant 0 : i32
    %dma_start3A_122 = arith.constant 0 : i32
    %dma_start3A_123 = tpu.memref_slice %arg2[%dma_start3A_121, %dma_start3A_122] : memref<1000x48xf32, #tpu.memory_space<hbm>> -> memref<1000x48xf32, #tpu.memory_space<hbm>>
    tpu.enqueue_indirect_dma source(%dma_start3A_123 : memref<1000x48xf32, #tpu.memory_space<hbm>>) target(%dma_start3A_117 : memref<16x48xf32, #tpu.memory_space<vmem>>) offsets(%dma_start3A_120 : memref<16xi32, #tpu.memory_space<vmem>>) semaphore(%arg28 : memref<!tpu.dma_semaphore, #tpu.memory_space<semaphore_mem>>)
    %add3A_124 = arith.constant 400 : i32
    %add3A_125 = arith.addi %mul3A_3, %add3A_124 : i32
    %add3A_126 = arith.constant 8 : i32
    %add3A_127 = arith.addi %mul3A_5, %add3A_126 : i32
    %dma_start3A_128 = arith.constant 1 : i32
    %dma_start3A_129 = arith.constant 0 : i32
    %dma_start3A_130 = tpu.memref_slice %arg16[%dma_start3A_128, %dma_start3A_129] : memref<2x400xi32, #tpu.memory_space<vmem>> -> memref<1x400xi32, #tpu.memory_space<vmem>>
    %dma_start3A_131 = tpu.memref_squeeze %dma_start3A_130 : memref<1x400xi32, #tpu.memory_space<vmem>> -> memref<400xi32, #tpu.memory_space<vmem>>
    %dma_start3A_132 = tpu.memref_slice %arg3[%add3A_125] : memref<204800xi32, #tpu.memory_space<hbm>> -> memref<400xi32, #tpu.memory_space<hbm>>
    %dma_start3A_133 = arith.constant 0 : i32
    %dma_start3A_134 = tpu.memref_slice %arg16[%dma_start3A_128, %dma_start3A_133] : memref<2x400xi32, #tpu.memory_space<vmem>> -> memref<1x400xi32, #tpu.memory_space<vmem>>
    %dma_start3A_135 = tpu.memref_squeeze %dma_start3A_134 : memref<1x400xi32, #tpu.memory_space<vmem>> -> memref<400xi32, #tpu.memory_space<vmem>>
    %dma_start3A_136 = tpu.memref_slice %arg3[%add3A_125] : memref<204800xi32, #tpu.memory_space<hbm>> -> memref<400xi32, #tpu.memory_space<hbm>>
    tpu.enqueue_dma source(%dma_start3A_136 : memref<400xi32, #tpu.memory_space<hbm>>) target(%dma_start3A_135 : memref<400xi32, #tpu.memory_space<vmem>>) target_semaphore(%arg27 : memref<!tpu.dma_semaphore, #tpu.memory_space<semaphore_mem>>)
    %dma_start3A_137 = arith.constant 1 : i32
    %dma_start3A_138 = arith.constant 0 : i32
    %dma_start3A_139 = tpu.memref_slice %arg17[%dma_start3A_137, %dma_start3A_138] : memref<2x400xi32, #tpu.memory_space<vmem>> -> memref<1x400xi32, #tpu.memory_space<vmem>>
    %dma_start3A_140 = tpu.memref_squeeze %dma_start3A_139 : memref<1x400xi32, #tpu.memory_space<vmem>> -> memref<400xi32, #tpu.memory_space<vmem>>
    %dma_start3A_141 = tpu.memref_slice %arg4[%add3A_125] : memref<204800xi32, #tpu.memory_space<hbm>> -> memref<400xi32, #tpu.memory_space<hbm>>
    %dma_start3A_142 = arith.constant 0 : i32
    %dma_start3A_143 = tpu.memref_slice %arg17[%dma_start3A_137, %dma_start3A_142] : memref<2x400xi32, #tpu.memory_space<vmem>> -> memref<1x400xi32, #tpu.memory_space<vmem>>
    %dma_start3A_144 = tpu.memref_squeeze %dma_start3A_143 : memref<1x400xi32, #tpu.memory_space<vmem>> -> memref<400xi32, #tpu.memory_space<vmem>>
    %dma_start3A_145 = tpu.memref_slice %arg4[%add3A_125] : memref<204800xi32, #tpu.memory_space<hbm>> -> memref<400xi32, #tpu.memory_space<hbm>>
    tpu.enqueue_dma source(%dma_start3A_145 : memref<400xi32, #tpu.memory_space<hbm>>) target(%dma_start3A_144 : memref<400xi32, #tpu.memory_space<vmem>>) target_semaphore(%arg27 : memref<!tpu.dma_semaphore, #tpu.memory_space<semaphore_mem>>)
    %dma_start3A_146 = arith.constant 1 : i32
    %dma_start3A_147 = arith.constant 0 : i32
    %dma_start3A_148 = arith.constant 0 : i32
    %dma_start3A_149 = tpu.memref_slice %arg18[%dma_start3A_146, %dma_start3A_147, %dma_start3A_148] : memref<2x8x200xf32, #tpu.memory_space<vmem>> -> memref<1x8x200xf32, #tpu.memory_space<vmem>>
    %dma_start3A_150 = tpu.memref_squeeze %dma_start3A_149 : memref<1x8x200xf32, #tpu.memory_space<vmem>> -> memref<8x200xf32, #tpu.memory_space<vmem>>
    %dma_start3A_151 = arith.constant 0 : i32
    %dma_start3A_152 = tpu.memref_slice %arg5[%add3A_127, %dma_start3A_151] : memref<4096x200xf32, #tpu.memory_space<hbm>> -> memref<8x200xf32, #tpu.memory_space<hbm>>
    %dma_start3A_153 = arith.constant 0 : i32
    %dma_start3A_154 = arith.constant 0 : i32
    %dma_start3A_155 = tpu.memref_slice %arg18[%dma_start3A_146, %dma_start3A_153, %dma_start3A_154] : memref<2x8x200xf32, #tpu.memory_space<vmem>> -> memref<1x8x200xf32, #tpu.memory_space<vmem>>
    %dma_start3A_156 = tpu.memref_squeeze %dma_start3A_155 : memref<1x8x200xf32, #tpu.memory_space<vmem>> -> memref<8x200xf32, #tpu.memory_space<vmem>>
    %dma_start3A_157 = arith.constant 0 : i32
    %dma_start3A_158 = tpu.memref_slice %arg5[%add3A_127, %dma_start3A_157] : memref<4096x200xf32, #tpu.memory_space<hbm>> -> memref<8x200xf32, #tpu.memory_space<hbm>>
    tpu.enqueue_dma source(%dma_start3A_158 : memref<8x200xf32, #tpu.memory_space<hbm>>) target(%dma_start3A_156 : memref<8x200xf32, #tpu.memory_space<vmem>>) target_semaphore(%arg27 : memref<!tpu.dma_semaphore, #tpu.memory_space<semaphore_mem>>)
    %scan3A = arith.constant 0 : i32
    %scan3A_159 = arith.constant 0 : i32
    %scan3A_160 = arith.constant 16 : i32
    %scan3A_161 = arith.addi %scan3A_159, %scan3A_160 : i32
    %scan3A_162 = arith.constant 1 : i32
    scf.for %scan3A_308 = %scan3A_159 to %scan3A_161 step %scan3A_162  : i32 {
      %jit3A = arith.constant 2 : i32
      %eq3A = arith.constant 0 : i32
      %eq3A_309 = arith.cmpi eq, %jit3A, %eq3A : i32
      %jit3A_310 = arith.constant 1 : i32
      %select_n3A = arith.select %eq3A_309, %jit3A_310, %jit3A : i32
      %rem3A = arith.remsi %scan3A_308, %select_n3A : i32
      %ne3A = arith.constant 0 : i32
      %ne3A_311 = arith.cmpi ne, %rem3A, %ne3A : i32
      %lt3A = arith.constant 0 : i32
      %lt3A_312 = arith.cmpi slt, %rem3A, %lt3A : i32
      %lt3A_313 = arith.constant 0 : i32
      %lt3A_314 = arith.cmpi slt, %select_n3A, %lt3A_313 : i32
      %ne3A_315 = arith.xori %lt3A_312, %lt3A_314 : i1
      %and3A = arith.andi %ne3A_315, %ne3A_311 : i1
      %add3A_316 = arith.addi %rem3A, %select_n3A : i32
      %select_n3A_317 = arith.select %and3A, %add3A_316, %rem3A : i32
      %dma_wait3A_318 = arith.constant 0 : i32
      %dma_wait3A_319 = arith.constant 0 : i32
      %dma_wait3A_320 = arith.constant 0 : i32
      %dma_wait3A_321 = tpu.memref_slice %arg14[%dma_wait3A_318, %dma_wait3A_319, %dma_wait3A_320] : memref<2x400x48xf32, #tpu.memory_space<vmem>> -> memref<1x128x48xf32, #tpu.memory_space<vmem>>
      %dma_wait3A_322 = tpu.memref_squeeze %dma_wait3A_321 : memref<1x128x48xf32, #tpu.memory_space<vmem>> -> memref<128x48xf32, #tpu.memory_space<vmem>>
      %dma_wait3A_323 = arith.constant 0 : i32
      %dma_wait3A_324 = arith.constant 0 : i32
      %dma_wait3A_325 = tpu.memref_slice %arg2[%dma_wait3A_323, %dma_wait3A_324] : memref<1000x48xf32, #tpu.memory_space<hbm>> -> memref<128x48xf32, #tpu.memory_space<hbm>>
      %dma_wait3A_326 = arith.constant 0 : i32
      %dma_wait3A_327 = arith.constant 0 : i32
      %dma_wait3A_328 = tpu.memref_slice %arg14[%dma_wait3A_318, %dma_wait3A_326, %dma_wait3A_327] : memref<2x400x48xf32, #tpu.memory_space<vmem>> -> memref<1x128x48xf32, #tpu.memory_space<vmem>>
      %dma_wait3A_329 = tpu.memref_squeeze %dma_wait3A_328 : memref<1x128x48xf32, #tpu.memory_space<vmem>> -> memref<128x48xf32, #tpu.memory_space<vmem>>
      %dma_wait3A_330 = arith.constant 0 : i32
      %dma_wait3A_331 = arith.constant 0 : i32
      %dma_wait3A_332 = tpu.memref_slice %arg2[%dma_wait3A_330, %dma_wait3A_331] : memref<1000x48xf32, #tpu.memory_space<hbm>> -> memref<128x48xf32, #tpu.memory_space<hbm>>
      tpu.wait_dma2 semaphore(%arg28 : memref<!tpu.dma_semaphore, #tpu.memory_space<semaphore_mem>>) src(%dma_wait3A_332 : memref<128x48xf32, #tpu.memory_space<hbm>>) dst(%dma_wait3A_329 : memref<128x48xf32, #tpu.memory_space<vmem>>)
      %dma_wait3A_333 = arith.constant 0 : i32
      %dma_wait3A_334 = arith.constant 0 : i32
      %dma_wait3A_335 = arith.constant 0 : i32
      %dma_wait3A_336 = tpu.memref_slice %arg14[%dma_wait3A_333, %dma_wait3A_334, %dma_wait3A_335] : memref<2x400x48xf32, #tpu.memory_space<vmem>> -> memref<1x128x48xf32, #tpu.memory_space<vmem>>
      %dma_wait3A_337 = tpu.memref_squeeze %dma_wait3A_336 : memref<1x128x48xf32, #tpu.memory_space<vmem>> -> memref<128x48xf32, #tpu.memory_space<vmem>>
      %dma_wait3A_338 = arith.constant 0 : i32
      %dma_wait3A_339 = arith.constant 0 : i32
      %dma_wait3A_340 = tpu.memref_slice %arg2[%dma_wait3A_338, %dma_wait3A_339] : memref<1000x48xf32, #tpu.memory_space<hbm>> -> memref<128x48xf32, #tpu.memory_space<hbm>>
      %dma_wait3A_341 = arith.constant 0 : i32
      %dma_wait3A_342 = arith.constant 0 : i32
      %dma_wait3A_343 = tpu.memref_slice %arg14[%dma_wait3A_333, %dma_wait3A_341, %dma_wait3A_342] : memref<2x400x48xf32, #tpu.memory_space<vmem>> -> memref<1x128x48xf32, #tpu.memory_space<vmem>>
      %dma_wait3A_344 = tpu.memref_squeeze %dma_wait3A_343 : memref<1x128x48xf32, #tpu.memory_space<vmem>> -> memref<128x48xf32, #tpu.memory_space<vmem>>
      %dma_wait3A_345 = arith.constant 0 : i32
      %dma_wait3A_346 = arith.constant 0 : i32
      %dma_wait3A_347 = tpu.memref_slice %arg2[%dma_wait3A_345, %dma_wait3A_346] : memref<1000x48xf32, #tpu.memory_space<hbm>> -> memref<128x48xf32, #tpu.memory_space<hbm>>
      tpu.wait_dma2 semaphore(%arg28 : memref<!tpu.dma_semaphore, #tpu.memory_space<semaphore_mem>>) src(%dma_wait3A_347 : memref<128x48xf32, #tpu.memory_space<hbm>>) dst(%dma_wait3A_344 : memref<128x48xf32, #tpu.memory_space<vmem>>)
      %dma_wait3A_348 = arith.constant 0 : i32
      %dma_wait3A_349 = arith.constant 0 : i32
      %dma_wait3A_350 = arith.constant 0 : i32
      %dma_wait3A_351 = tpu.memref_slice %arg14[%dma_wait3A_348, %dma_wait3A_349, %dma_wait3A_350] : memref<2x400x48xf32, #tpu.memory_space<vmem>> -> memref<1x128x48xf32, #tpu.memory_space<vmem>>
      %dma_wait3A_352 = tpu.memref_squeeze %dma_wait3A_351 : memref<1x128x48xf32, #tpu.memory_space<vmem>> -> memref<128x48xf32, #tpu.memory_space<vmem>>
      %dma_wait3A_353 = arith.constant 0 : i32
      %dma_wait3A_354 = arith.constant 0 : i32
      %dma_wait3A_355 = tpu.memref_slice %arg2[%dma_wait3A_353, %dma_wait3A_354] : memref<1000x48xf32, #tpu.memory_space<hbm>> -> memref<128x48xf32, #tpu.memory_space<hbm>>
      %dma_wait3A_356 = arith.constant 0 : i32
      %dma_wait3A_357 = arith.constant 0 : i32
      %dma_wait3A_358 = tpu.memref_slice %arg14[%dma_wait3A_348, %dma_wait3A_356, %dma_wait3A_357] : memref<2x400x48xf32, #tpu.memory_space<vmem>> -> memref<1x128x48xf32, #tpu.memory_space<vmem>>
      %dma_wait3A_359 = tpu.memref_squeeze %dma_wait3A_358 : memref<1x128x48xf32, #tpu.memory_space<vmem>> -> memref<128x48xf32, #tpu.memory_space<vmem>>
      %dma_wait3A_360 = arith.constant 0 : i32
      %dma_wait3A_361 = arith.constant 0 : i32
      %dma_wait3A_362 = tpu.memref_slice %arg2[%dma_wait3A_360, %dma_wait3A_361] : memref<1000x48xf32, #tpu.memory_space<hbm>> -> memref<128x48xf32, #tpu.memory_space<hbm>>
      tpu.wait_dma2 semaphore(%arg28 : memref<!tpu.dma_semaphore, #tpu.memory_space<semaphore_mem>>) src(%dma_wait3A_362 : memref<128x48xf32, #tpu.memory_space<hbm>>) dst(%dma_wait3A_359 : memref<128x48xf32, #tpu.memory_space<vmem>>)
      %dma_wait3A_363 = arith.constant 0 : i32
      %dma_wait3A_364 = arith.constant 0 : i32
      %dma_wait3A_365 = arith.constant 0 : i32
      %dma_wait3A_366 = tpu.memref_slice %arg14[%dma_wait3A_363, %dma_wait3A_364, %dma_wait3A_365] : memref<2x400x48xf32, #tpu.memory_space<vmem>> -> memref<1x16x48xf32, #tpu.memory_space<vmem>>
      %dma_wait3A_367 = tpu.memref_squeeze %dma_wait3A_366 : memref<1x16x48xf32, #tpu.memory_space<vmem>> -> memref<16x48xf32, #tpu.memory_space<vmem>>
      %dma_wait3A_368 = arith.constant 0 : i32
      %dma_wait3A_369 = arith.constant 0 : i32
      %dma_wait3A_370 = tpu.memref_slice %arg2[%dma_wait3A_368, %dma_wait3A_369] : memref<1000x48xf32, #tpu.memory_space<hbm>> -> memref<16x48xf32, #tpu.memory_space<hbm>>
      %dma_wait3A_371 = arith.constant 0 : i32
      %dma_wait3A_372 = arith.constant 0 : i32
      %dma_wait3A_373 = tpu.memref_slice %arg14[%dma_wait3A_363, %dma_wait3A_371, %dma_wait3A_372] : memref<2x400x48xf32, #tpu.memory_space<vmem>> -> memref<1x16x48xf32, #tpu.memory_space<vmem>>
      %dma_wait3A_374 = tpu.memref_squeeze %dma_wait3A_373 : memref<1x16x48xf32, #tpu.memory_space<vmem>> -> memref<16x48xf32, #tpu.memory_space<vmem>>
      %dma_wait3A_375 = arith.constant 0 : i32
      %dma_wait3A_376 = arith.constant 0 : i32
      %dma_wait3A_377 = tpu.memref_slice %arg2[%dma_wait3A_375, %dma_wait3A_376] : memref<1000x48xf32, #tpu.memory_space<hbm>> -> memref<16x48xf32, #tpu.memory_space<hbm>>
      tpu.wait_dma2 semaphore(%arg28 : memref<!tpu.dma_semaphore, #tpu.memory_space<semaphore_mem>>) src(%dma_wait3A_377 : memref<16x48xf32, #tpu.memory_space<hbm>>) dst(%dma_wait3A_374 : memref<16x48xf32, #tpu.memory_space<vmem>>)
      "tpu.region"() ({
        %run_scoped3A = tpu.sem_alloc : memref<!tpu.dma_semaphore, #tpu.memory_space<semaphore_mem>>
        %dma_start3A_547 = arith.constant 0 : i32
        %dma_start3A_548 = arith.constant 0 : i32
        %dma_start3A_549 = tpu.memref_slice %arg14[%select_n3A_317, %dma_start3A_547, %dma_start3A_548] : memref<2x400x48xf32, #tpu.memory_space<vmem>> -> memref<1x400x48xf32, #tpu.memory_space<vmem>>
        %dma_start3A_550 = tpu.memref_squeeze %dma_start3A_549 : memref<1x400x48xf32, #tpu.memory_space<vmem>> -> memref<400x48xf32, #tpu.memory_space<vmem>>
        %dma_start3A_551 = arith.constant 0 : i32
        %dma_start3A_552 = arith.constant 0 : i32
        %dma_start3A_553 = tpu.memref_slice %arg15[%arg1, %dma_start3A_551, %dma_start3A_552] : memref<16x400x48xf32, #tpu.memory_space<vmem_shared>> -> memref<1x400x48xf32, #tpu.memory_space<vmem_shared>>
        %dma_start3A_554 = tpu.memref_squeeze %dma_start3A_553 : memref<1x400x48xf32, #tpu.memory_space<vmem_shared>> -> memref<400x48xf32, #tpu.memory_space<vmem_shared>>
        %dma_start3A_555 = arith.constant 0 : i32
        %dma_start3A_556 = arith.constant 0 : i32
        %dma_start3A_557 = tpu.memref_slice %arg15[%arg1, %dma_start3A_555, %dma_start3A_556] : memref<16x400x48xf32, #tpu.memory_space<vmem_shared>> -> memref<1x400x48xf32, #tpu.memory_space<vmem_shared>>
        %dma_start3A_558 = tpu.memref_squeeze %dma_start3A_557 : memref<1x400x48xf32, #tpu.memory_space<vmem_shared>> -> memref<400x48xf32, #tpu.memory_space<vmem_shared>>
        %dma_start3A_559 = arith.constant 0 : i32
        %dma_start3A_560 = arith.constant 0 : i32
        %dma_start3A_561 = tpu.memref_slice %arg14[%select_n3A_317, %dma_start3A_559, %dma_start3A_560] : memref<2x400x48xf32, #tpu.memory_space<vmem>> -> memref<1x400x48xf32, #tpu.memory_space<vmem>>
        %dma_start3A_562 = tpu.memref_squeeze %dma_start3A_561 : memref<1x400x48xf32, #tpu.memory_space<vmem>> -> memref<400x48xf32, #tpu.memory_space<vmem>>
        tpu.enqueue_dma source(%dma_start3A_562 : memref<400x48xf32, #tpu.memory_space<vmem>>) target(%dma_start3A_558 : memref<400x48xf32, #tpu.memory_space<vmem_shared>>) target_semaphore(%run_scoped3A : memref<!tpu.dma_semaphore, #tpu.memory_space<semaphore_mem>>)
        %dma_wait3A_563 = arith.constant 0 : i32
        %dma_wait3A_564 = arith.constant 0 : i32
        %dma_wait3A_565 = tpu.memref_slice %arg14[%select_n3A_317, %dma_wait3A_563, %dma_wait3A_564] : memref<2x400x48xf32, #tpu.memory_space<vmem>> -> memref<1x400x48xf32, #tpu.memory_space<vmem>>
        %dma_wait3A_566 = tpu.memref_squeeze %dma_wait3A_565 : memref<1x400x48xf32, #tpu.memory_space<vmem>> -> memref<400x48xf32, #tpu.memory_space<vmem>>
        %dma_wait3A_567 = arith.constant 0 : i32
        %dma_wait3A_568 = arith.constant 0 : i32
        %dma_wait3A_569 = tpu.memref_slice %arg15[%arg1, %dma_wait3A_567, %dma_wait3A_568] : memref<16x400x48xf32, #tpu.memory_space<vmem_shared>> -> memref<1x400x48xf32, #tpu.memory_space<vmem_shared>>
        %dma_wait3A_570 = tpu.memref_squeeze %dma_wait3A_569 : memref<1x400x48xf32, #tpu.memory_space<vmem_shared>> -> memref<400x48xf32, #tpu.memory_space<vmem_shared>>
        %dma_wait3A_571 = arith.constant 0 : i32
        %dma_wait3A_572 = arith.constant 0 : i32
        %dma_wait3A_573 = tpu.memref_slice %arg15[%arg1, %dma_wait3A_571, %dma_wait3A_572] : memref<16x400x48xf32, #tpu.memory_space<vmem_shared>> -> memref<1x400x48xf32, #tpu.memory_space<vmem_shared>>
        %dma_wait3A_574 = tpu.memref_squeeze %dma_wait3A_573 : memref<1x400x48xf32, #tpu.memory_space<vmem_shared>> -> memref<400x48xf32, #tpu.memory_space<vmem_shared>>
        %dma_wait3A_575 = arith.constant 0 : i32
        %dma_wait3A_576 = arith.constant 0 : i32
        %dma_wait3A_577 = tpu.memref_slice %arg14[%select_n3A_317, %dma_wait3A_575, %dma_wait3A_576] : memref<2x400x48xf32, #tpu.memory_space<vmem>> -> memref<1x400x48xf32, #tpu.memory_space<vmem>>
        %dma_wait3A_578 = tpu.memref_squeeze %dma_wait3A_577 : memref<1x400x48xf32, #tpu.memory_space<vmem>> -> memref<400x48xf32, #tpu.memory_space<vmem>>
        tpu.wait_dma2 semaphore(%run_scoped3A : memref<!tpu.dma_semaphore, #tpu.memory_space<semaphore_mem>>) src(%dma_wait3A_578 : memref<400x48xf32, #tpu.memory_space<vmem>>) dst(%dma_wait3A_574 : memref<400x48xf32, #tpu.memory_space<vmem_shared>>)
        tpu.yield
      }) : () -> ()
      "tpu.region"() ({
        %run_scoped3A = tpu.sem_alloc : memref<!tpu.dma_semaphore, #tpu.memory_space<semaphore_mem>>
        %dma_start3A_547 = arith.constant 0 : i32
        %dma_start3A_548 = arith.constant 0 : i32
        %dma_start3A_549 = tpu.memref_slice %arg13[%select_n3A_317, %dma_start3A_547, %dma_start3A_548] : memref<2x400x63xf32, #tpu.memory_space<vmem>> -> memref<1x400x48xf32, #tpu.memory_space<vmem>>
        %dma_start3A_550 = tpu.memref_squeeze %dma_start3A_549 : memref<1x400x48xf32, #tpu.memory_space<vmem>> -> memref<400x48xf32, #tpu.memory_space<vmem>>
        %dma_start3A_551 = arith.constant 0 : i32
        %dma_start3A_552 = arith.constant 0 : i32
        %dma_start3A_553 = tpu.memref_slice %arg15[%arg1, %dma_start3A_551, %dma_start3A_552] : memref<16x400x48xf32, #tpu.memory_space<vmem_shared>> -> memref<1x400x48xf32, #tpu.memory_space<vmem_shared>>
        %dma_start3A_554 = tpu.memref_squeeze %dma_start3A_553 : memref<1x400x48xf32, #tpu.memory_space<vmem_shared>> -> memref<400x48xf32, #tpu.memory_space<vmem_shared>>
        %dma_start3A_555 = arith.constant 0 : i32
        %dma_start3A_556 = arith.constant 0 : i32
        %dma_start3A_557 = tpu.memref_slice %arg13[%select_n3A_317, %dma_start3A_555, %dma_start3A_556] : memref<2x400x63xf32, #tpu.memory_space<vmem>> -> memref<1x400x48xf32, #tpu.memory_space<vmem>>
        %dma_start3A_558 = tpu.memref_squeeze %dma_start3A_557 : memref<1x400x48xf32, #tpu.memory_space<vmem>> -> memref<400x48xf32, #tpu.memory_space<vmem>>
        %dma_start3A_559 = arith.constant 0 : i32
        %dma_start3A_560 = arith.constant 0 : i32
        %dma_start3A_561 = tpu.memref_slice %arg15[%arg1, %dma_start3A_559, %dma_start3A_560] : memref<16x400x48xf32, #tpu.memory_space<vmem_shared>> -> memref<1x400x48xf32, #tpu.memory_space<vmem_shared>>
        %dma_start3A_562 = tpu.memref_squeeze %dma_start3A_561 : memref<1x400x48xf32, #tpu.memory_space<vmem_shared>> -> memref<400x48xf32, #tpu.memory_space<vmem_shared>>
        tpu.enqueue_dma source(%dma_start3A_562 : memref<400x48xf32, #tpu.memory_space<vmem_shared>>) target(%dma_start3A_558 : memref<400x48xf32, #tpu.memory_space<vmem>>) target_semaphore(%run_scoped3A : memref<!tpu.dma_semaphore, #tpu.memory_space<semaphore_mem>>)
        %dma_wait3A_563 = arith.constant 0 : i32
        %dma_wait3A_564 = arith.constant 0 : i32
        %dma_wait3A_565 = tpu.memref_slice %arg13[%select_n3A_317, %dma_wait3A_563, %dma_wait3A_564] : memref<2x400x63xf32, #tpu.memory_space<vmem>> -> memref<1x400x48xf32, #tpu.memory_space<vmem>>
        %dma_wait3A_566 = tpu.memref_squeeze %dma_wait3A_565 : memref<1x400x48xf32, #tpu.memory_space<vmem>> -> memref<400x48xf32, #tpu.memory_space<vmem>>
        %dma_wait3A_567 = arith.constant 0 : i32
        %dma_wait3A_568 = arith.constant 0 : i32
        %dma_wait3A_569 = tpu.memref_slice %arg15[%arg1, %dma_wait3A_567, %dma_wait3A_568] : memref<16x400x48xf32, #tpu.memory_space<vmem_shared>> -> memref<1x400x48xf32, #tpu.memory_space<vmem_shared>>
        %dma_wait3A_570 = tpu.memref_squeeze %dma_wait3A_569 : memref<1x400x48xf32, #tpu.memory_space<vmem_shared>> -> memref<400x48xf32, #tpu.memory_space<vmem_shared>>
        %dma_wait3A_571 = arith.constant 0 : i32
        %dma_wait3A_572 = arith.constant 0 : i32
        %dma_wait3A_573 = tpu.memref_slice %arg13[%select_n3A_317, %dma_wait3A_571, %dma_wait3A_572] : memref<2x400x63xf32, #tpu.memory_space<vmem>> -> memref<1x400x48xf32, #tpu.memory_space<vmem>>
        %dma_wait3A_574 = tpu.memref_squeeze %dma_wait3A_573 : memref<1x400x48xf32, #tpu.memory_space<vmem>> -> memref<400x48xf32, #tpu.memory_space<vmem>>
        %dma_wait3A_575 = arith.constant 0 : i32
        %dma_wait3A_576 = arith.constant 0 : i32
        %dma_wait3A_577 = tpu.memref_slice %arg15[%arg1, %dma_wait3A_575, %dma_wait3A_576] : memref<16x400x48xf32, #tpu.memory_space<vmem_shared>> -> memref<1x400x48xf32, #tpu.memory_space<vmem_shared>>
        %dma_wait3A_578 = tpu.memref_squeeze %dma_wait3A_577 : memref<1x400x48xf32, #tpu.memory_space<vmem_shared>> -> memref<400x48xf32, #tpu.memory_space<vmem_shared>>
        tpu.wait_dma2 semaphore(%run_scoped3A : memref<!tpu.dma_semaphore, #tpu.memory_space<semaphore_mem>>) src(%dma_wait3A_578 : memref<400x48xf32, #tpu.memory_space<vmem_shared>>) dst(%dma_wait3A_574 : memref<400x48xf32, #tpu.memory_space<vmem>>)
        tpu.yield
      }) : () -> ()
      %lt3A_378 = arith.constant 15 : i32
      %lt3A_379 = arith.cmpi slt, %scan3A_308, %lt3A_378 : i32
      %convert_element_type3A = arith.extui %lt3A_379 : i1 to i32
      %cond3A = arith.constant 0 : i32
      %cond3A_380 = arith.cmpi ne, %convert_element_type3A, %cond3A : i32
      scf.if %cond3A_380 {
        %dma_wait3A_547 = arith.constant 0 : i32
        %dma_wait3A_548 = arith.constant 0 : i32
        %dma_wait3A_549 = tpu.memref_slice %arg16[%dma_wait3A_547, %dma_wait3A_548] : memref<2x400xi32, #tpu.memory_space<vmem>> -> memref<1x400xi32, #tpu.memory_space<vmem>>
        %dma_wait3A_550 = tpu.memref_squeeze %dma_wait3A_549 : memref<1x400xi32, #tpu.memory_space<vmem>> -> memref<400xi32, #tpu.memory_space<vmem>>
        %dma_wait3A_551 = arith.constant 0 : i32
        %dma_wait3A_552 = tpu.memref_slice %arg3[%dma_wait3A_551] : memref<204800xi32, #tpu.memory_space<hbm>> -> memref<400xi32, #tpu.memory_space<hbm>>
        %dma_wait3A_553 = arith.constant 0 : i32
        %dma_wait3A_554 = tpu.memref_slice %arg16[%dma_wait3A_547, %dma_wait3A_553] : memref<2x400xi32, #tpu.memory_space<vmem>> -> memref<1x400xi32, #tpu.memory_space<vmem>>
        %dma_wait3A_555 = tpu.memref_squeeze %dma_wait3A_554 : memref<1x400xi32, #tpu.memory_space<vmem>> -> memref<400xi32, #tpu.memory_space<vmem>>
        %dma_wait3A_556 = arith.constant 0 : i32
        %dma_wait3A_557 = tpu.memref_slice %arg3[%dma_wait3A_556] : memref<204800xi32, #tpu.memory_space<hbm>> -> memref<400xi32, #tpu.memory_space<hbm>>
        tpu.wait_dma2 semaphore(%arg27 : memref<!tpu.dma_semaphore, #tpu.memory_space<semaphore_mem>>) src(%dma_wait3A_557 : memref<400xi32, #tpu.memory_space<hbm>>) dst(%dma_wait3A_555 : memref<400xi32, #tpu.memory_space<vmem>>)
        %dma_wait3A_558 = arith.constant 0 : i32
        %dma_wait3A_559 = arith.constant 0 : i32
        %dma_wait3A_560 = tpu.memref_slice %arg17[%dma_wait3A_558, %dma_wait3A_559] : memref<2x400xi32, #tpu.memory_space<vmem>> -> memref<1x400xi32, #tpu.memory_space<vmem>>
        %dma_wait3A_561 = tpu.memref_squeeze %dma_wait3A_560 : memref<1x400xi32, #tpu.memory_space<vmem>> -> memref<400xi32, #tpu.memory_space<vmem>>
        %dma_wait3A_562 = arith.constant 0 : i32
        %dma_wait3A_563 = tpu.memref_slice %arg4[%dma_wait3A_562] : memref<204800xi32, #tpu.memory_space<hbm>> -> memref<400xi32, #tpu.memory_space<hbm>>
        %dma_wait3A_564 = arith.constant 0 : i32
        %dma_wait3A_565 = tpu.memref_slice %arg17[%dma_wait3A_558, %dma_wait3A_564] : memref<2x400xi32, #tpu.memory_space<vmem>> -> memref<1x400xi32, #tpu.memory_space<vmem>>
        %dma_wait3A_566 = tpu.memref_squeeze %dma_wait3A_565 : memref<1x400xi32, #tpu.memory_space<vmem>> -> memref<400xi32, #tpu.memory_space<vmem>>
        %dma_wait3A_567 = arith.constant 0 : i32
        %dma_wait3A_568 = tpu.memref_slice %arg4[%dma_wait3A_567] : memref<204800xi32, #tpu.memory_space<hbm>> -> memref<400xi32, #tpu.memory_space<hbm>>
        tpu.wait_dma2 semaphore(%arg27 : memref<!tpu.dma_semaphore, #tpu.memory_space<semaphore_mem>>) src(%dma_wait3A_568 : memref<400xi32, #tpu.memory_space<hbm>>) dst(%dma_wait3A_566 : memref<400xi32, #tpu.memory_space<vmem>>)
        %dma_wait3A_569 = arith.constant 0 : i32
        %dma_wait3A_570 = arith.constant 0 : i32
        %dma_wait3A_571 = arith.constant 0 : i32
        %dma_wait3A_572 = tpu.memref_slice %arg18[%dma_wait3A_569, %dma_wait3A_570, %dma_wait3A_571] : memref<2x8x200xf32, #tpu.memory_space<vmem>> -> memref<1x8x200xf32, #tpu.memory_space<vmem>>
        %dma_wait3A_573 = tpu.memref_squeeze %dma_wait3A_572 : memref<1x8x200xf32, #tpu.memory_space<vmem>> -> memref<8x200xf32, #tpu.memory_space<vmem>>
        %dma_wait3A_574 = arith.constant 0 : i32
        %dma_wait3A_575 = arith.constant 0 : i32
        %dma_wait3A_576 = tpu.memref_slice %arg5[%dma_wait3A_574, %dma_wait3A_575] : memref<4096x200xf32, #tpu.memory_space<hbm>> -> memref<8x200xf32, #tpu.memory_space<hbm>>
        %dma_wait3A_577 = arith.constant 0 : i32
        %dma_wait3A_578 = arith.constant 0 : i32
        %dma_wait3A_579 = tpu.memref_slice %arg18[%dma_wait3A_569, %dma_wait3A_577, %dma_wait3A_578] : memref<2x8x200xf32, #tpu.memory_space<vmem>> -> memref<1x8x200xf32, #tpu.memory_space<vmem>>
        %dma_wait3A_580 = tpu.memref_squeeze %dma_wait3A_579 : memref<1x8x200xf32, #tpu.memory_space<vmem>> -> memref<8x200xf32, #tpu.memory_space<vmem>>
        %dma_wait3A_581 = arith.constant 0 : i32
        %dma_wait3A_582 = arith.constant 0 : i32
        %dma_wait3A_583 = tpu.memref_slice %arg5[%dma_wait3A_581, %dma_wait3A_582] : memref<4096x200xf32, #tpu.memory_space<hbm>> -> memref<8x200xf32, #tpu.memory_space<hbm>>
        tpu.wait_dma2 semaphore(%arg27 : memref<!tpu.dma_semaphore, #tpu.memory_space<semaphore_mem>>) src(%dma_wait3A_583 : memref<8x200xf32, #tpu.memory_space<hbm>>) dst(%dma_wait3A_580 : memref<8x200xf32, #tpu.memory_space<vmem>>)
      } else {
      }
      %broadcast_in_dim3A_381 = vector.broadcast %select_n3A_317 : i32 to vector<16xi32>
      %parallel_loop3A = arith.constant 0 : i32
      %parallel_loop3A_382 = arith.constant 8 : i32
      %parallel_loop3A_383 = arith.constant 1 : i32
      %parallel_loop3A_384 = arith.constant 0 : i32
      %parallel_loop3A_385 = scf.for %parallel_loop3A_547 = %parallel_loop3A to %parallel_loop3A_382 step %parallel_loop3A_383 iter_args(%parallel_loop3A_548 = %parallel_loop3A_384) -> (i32)  : i32 {
        %parallel_loop3A_549 = arith.constant 50 : i32
        %parallel_loop3A_550 = arith.muli %parallel_loop3A_547, %parallel_loop3A_549 : i32
        %parallel_loop3A_551 = arith.constant 0 : i32
        %parallel_loop3A_552 = vector.broadcast %parallel_loop3A_551 : i32 to vector<16xi32>
        %parallel_loop3A_553 = arith.muli %iota3A, %parallel_loop3A_552 : vector<16xi32>
        %parallel_loop3A_554 = vector.broadcast %parallel_loop3A_547 : i32 to vector<16xi32>
        %parallel_loop3A_555 = arith.addi %parallel_loop3A_553, %parallel_loop3A_554 : vector<16xi32>
        %parallel_loop3A_556 = arith.constant 0.000000e+00 : f32
        %parallel_loop3A_557 = vector.broadcast %parallel_loop3A_556 : f32 to vector<16xf32>
        tpu.vector_store_idx %arg25[%parallel_loop3A_555, %iota3A], %parallel_loop3A_557 : memref<8x16xf32, #tpu.memory_space<vmem>>[vector<16xi32>, vector<16xi32>], vector<16xf32>,
        tpu.vector_store_idx %arg26[%parallel_loop3A_555, %iota3A], %parallel_loop3A_557 : memref<8x16xf32, #tpu.memory_space<vmem>>[vector<16xi32>, vector<16xi32>], vector<16xf32>,
        %parallel_loop3A_558 = arith.constant 16 : i32
        %parallel_loop3A_559 = vector.broadcast %parallel_loop3A_558 : i32 to vector<16xi32>
        %parallel_loop3A_560 = arith.cmpi slt, %iota3A, %parallel_loop3A_559 : vector<16xi32>
        %parallel_loop3A_561 = arith.constant 0 : i32
        %parallel_loop3A_562 = vector.broadcast %parallel_loop3A_561 : i32 to vector<16xi32>
        %parallel_loop3A_563 = arith.addi %parallel_loop3A_562, %iota3A : vector<16xi32>
        %parallel_loop3A_564 = arith.constant 49 : i32
        %parallel_loop3A_565 = vector.broadcast %parallel_loop3A_564 : i32 to vector<16xi32>
        %parallel_loop3A_566 = arith.minsi %parallel_loop3A_563, %parallel_loop3A_565 : vector<16xi32>
        %parallel_loop3A_567 = vector.broadcast %parallel_loop3A_550 : i32 to vector<16xi32>
        %parallel_loop3A_568 = arith.addi %parallel_loop3A_567, %parallel_loop3A_566 : vector<16xi32>
        %parallel_loop3A_569 = tpu.vector_load_idx %arg17[%broadcast_in_dim3A_381, %parallel_loop3A_568] : memref<2x400xi32, #tpu.memory_space<vmem>>[vector<16xi32>, vector<16xi32>], vector<16xi32>,
        %parallel_loop3A_570 = arith.constant 17 : i32
        %parallel_loop3A_571 = vector.broadcast %parallel_loop3A_570 : i32 to vector<16xi32>
        %parallel_loop3A_572 = arith.shrsi %parallel_loop3A_569, %parallel_loop3A_571 : vector<16xi32>
        %parallel_loop3A_573 = arith.constant 15 : i32
        %parallel_loop3A_574 = vector.broadcast %parallel_loop3A_573 : i32 to vector<16xi32>
        %parallel_loop3A_575 = arith.andi %parallel_loop3A_572, %parallel_loop3A_574 : vector<16xi32>
        %parallel_loop3A_576 = arith.constant 15 : i32
        %parallel_loop3A_577 = vector.broadcast %parallel_loop3A_576 : i32 to vector<16xi32>
        %parallel_loop3A_578 = arith.select %parallel_loop3A_560, %parallel_loop3A_575, %parallel_loop3A_577 : vector<16xi1>, vector<16xi32>
        %parallel_loop3A_579 = arith.constant 14 : i32
        %parallel_loop3A_580 = vector.broadcast %parallel_loop3A_579 : i32 to vector<16xi32>
        %parallel_loop3A_581 = arith.shrsi %parallel_loop3A_569, %parallel_loop3A_580 : vector<16xi32>
        %parallel_loop3A_582 = arith.constant 7 : i32
        %parallel_loop3A_583 = vector.broadcast %parallel_loop3A_582 : i32 to vector<16xi32>
        %parallel_loop3A_584 = arith.andi %parallel_loop3A_581, %parallel_loop3A_583 : vector<16xi32>
        %parallel_loop3A_585 = arith.constant 15 : i32
        %parallel_loop3A_586 = vector.broadcast %parallel_loop3A_585 : i32 to vector<16xi32>
        %parallel_loop3A_587 = arith.select %parallel_loop3A_560, %parallel_loop3A_584, %parallel_loop3A_586 : vector<16xi1>, vector<16xi32>
        tpu.vector_store_idx %arg25[%parallel_loop3A_555, %parallel_loop3A_578], %broadcast_in_dim3A_1 masked %parallel_loop3A_560 {add = true} : memref<8x16xf32, #tpu.memory_space<vmem>>[vector<16xi32>, vector<16xi32>], vector<16xf32>, vector<16xi1>
        tpu.vector_store_idx %arg26[%parallel_loop3A_555, %parallel_loop3A_587], %broadcast_in_dim3A_1 masked %parallel_loop3A_560 {add = true} : memref<8x16xf32, #tpu.memory_space<vmem>>[vector<16xi32>, vector<16xi32>], vector<16xf32>, vector<16xi1>
        %parallel_loop3A_588 = arith.constant 16 : i32
        %parallel_loop3A_589 = vector.broadcast %parallel_loop3A_588 : i32 to vector<16xi32>
        %parallel_loop3A_590 = arith.cmpi slt, %iota3A, %parallel_loop3A_589 : vector<16xi32>
        %parallel_loop3A_591 = arith.constant 16 : i32
        %parallel_loop3A_592 = vector.broadcast %parallel_loop3A_591 : i32 to vector<16xi32>
        %parallel_loop3A_593 = arith.addi %parallel_loop3A_592, %iota3A : vector<16xi32>
        %parallel_loop3A_594 = arith.constant 49 : i32
        %parallel_loop3A_595 = vector.broadcast %parallel_loop3A_594 : i32 to vector<16xi32>
        %parallel_loop3A_596 = arith.minsi %parallel_loop3A_593, %parallel_loop3A_595 : vector<16xi32>
        %parallel_loop3A_597 = vector.broadcast %parallel_loop3A_550 : i32 to vector<16xi32>
        %parallel_loop3A_598 = arith.addi %parallel_loop3A_597, %parallel_loop3A_596 : vector<16xi32>
        %parallel_loop3A_599 = tpu.vector_load_idx %arg17[%broadcast_in_dim3A_381, %parallel_loop3A_598] : memref<2x400xi32, #tpu.memory_space<vmem>>[vector<16xi32>, vector<16xi32>], vector<16xi32>,
        %parallel_loop3A_600 = arith.constant 17 : i32
        %parallel_loop3A_601 = vector.broadcast %parallel_loop3A_600 : i32 to vector<16xi32>
        %parallel_loop3A_602 = arith.shrsi %parallel_loop3A_599, %parallel_loop3A_601 : vector<16xi32>
        %parallel_loop3A_603 = arith.constant 15 : i32
        %parallel_loop3A_604 = vector.broadcast %parallel_loop3A_603 : i32 to vector<16xi32>
        %parallel_loop3A_605 = arith.andi %parallel_loop3A_602, %parallel_loop3A_604 : vector<16xi32>
        %parallel_loop3A_606 = arith.constant 15 : i32
        %parallel_loop3A_607 = vector.broadcast %parallel_loop3A_606 : i32 to vector<16xi32>
        %parallel_loop3A_608 = arith.select %parallel_loop3A_590, %parallel_loop3A_605, %parallel_loop3A_607 : vector<16xi1>, vector<16xi32>
        %parallel_loop3A_609 = arith.constant 14 : i32
        %parallel_loop3A_610 = vector.broadcast %parallel_loop3A_609 : i32 to vector<16xi32>
        %parallel_loop3A_611 = arith.shrsi %parallel_loop3A_599, %parallel_loop3A_610 : vector<16xi32>
        %parallel_loop3A_612 = arith.constant 7 : i32
        %parallel_loop3A_613 = vector.broadcast %parallel_loop3A_612 : i32 to vector<16xi32>
        %parallel_loop3A_614 = arith.andi %parallel_loop3A_611, %parallel_loop3A_613 : vector<16xi32>
        %parallel_loop3A_615 = arith.constant 15 : i32
        %parallel_loop3A_616 = vector.broadcast %parallel_loop3A_615 : i32 to vector<16xi32>
        %parallel_loop3A_617 = arith.select %parallel_loop3A_590, %parallel_loop3A_614, %parallel_loop3A_616 : vector<16xi1>, vector<16xi32>
        tpu.vector_store_idx %arg25[%parallel_loop3A_555, %parallel_loop3A_608], %broadcast_in_dim3A_1 masked %parallel_loop3A_590 {add = true} : memref<8x16xf32, #tpu.memory_space<vmem>>[vector<16xi32>, vector<16xi32>], vector<16xf32>, vector<16xi1>
        tpu.vector_store_idx %arg26[%parallel_loop3A_555, %parallel_loop3A_617], %broadcast_in_dim3A_1 masked %parallel_loop3A_590 {add = true} : memref<8x16xf32, #tpu.memory_space<vmem>>[vector<16xi32>, vector<16xi32>], vector<16xf32>, vector<16xi1>
        %parallel_loop3A_618 = arith.constant 16 : i32
        %parallel_loop3A_619 = vector.broadcast %parallel_loop3A_618 : i32 to vector<16xi32>
        %parallel_loop3A_620 = arith.cmpi slt, %iota3A, %parallel_loop3A_619 : vector<16xi32>
        %parallel_loop3A_621 = arith.constant 32 : i32
        %parallel_loop3A_622 = vector.broadcast %parallel_loop3A_621 : i32 to vector<16xi32>
        %parallel_loop3A_623 = arith.addi %parallel_loop3A_622, %iota3A : vector<16xi32>
        %parallel_loop3A_624 = arith.constant 49 : i32
        %parallel_loop3A_625 = vector.broadcast %parallel_loop3A_624 : i32 to vector<16xi32>
        %parallel_loop3A_626 = arith.minsi %parallel_loop3A_623, %parallel_loop3A_625 : vector<16xi32>
        %parallel_loop3A_627 = vector.broadcast %parallel_loop3A_550 : i32 to vector<16xi32>
        %parallel_loop3A_628 = arith.addi %parallel_loop3A_627, %parallel_loop3A_626 : vector<16xi32>
        %parallel_loop3A_629 = tpu.vector_load_idx %arg17[%broadcast_in_dim3A_381, %parallel_loop3A_628] : memref<2x400xi32, #tpu.memory_space<vmem>>[vector<16xi32>, vector<16xi32>], vector<16xi32>,
        %parallel_loop3A_630 = arith.constant 17 : i32
        %parallel_loop3A_631 = vector.broadcast %parallel_loop3A_630 : i32 to vector<16xi32>
        %parallel_loop3A_632 = arith.shrsi %parallel_loop3A_629, %parallel_loop3A_631 : vector<16xi32>
        %parallel_loop3A_633 = arith.constant 15 : i32
        %parallel_loop3A_634 = vector.broadcast %parallel_loop3A_633 : i32 to vector<16xi32>
        %parallel_loop3A_635 = arith.andi %parallel_loop3A_632, %parallel_loop3A_634 : vector<16xi32>
        %parallel_loop3A_636 = arith.constant 15 : i32
        %parallel_loop3A_637 = vector.broadcast %parallel_loop3A_636 : i32 to vector<16xi32>
        %parallel_loop3A_638 = arith.select %parallel_loop3A_620, %parallel_loop3A_635, %parallel_loop3A_637 : vector<16xi1>, vector<16xi32>
        %parallel_loop3A_639 = arith.constant 14 : i32
        %parallel_loop3A_640 = vector.broadcast %parallel_loop3A_639 : i32 to vector<16xi32>
        %parallel_loop3A_641 = arith.shrsi %parallel_loop3A_629, %parallel_loop3A_640 : vector<16xi32>
        %parallel_loop3A_642 = arith.constant 7 : i32
        %parallel_loop3A_643 = vector.broadcast %parallel_loop3A_642 : i32 to vector<16xi32>
        %parallel_loop3A_644 = arith.andi %parallel_loop3A_641, %parallel_loop3A_643 : vector<16xi32>
        %parallel_loop3A_645 = arith.constant 15 : i32
        %parallel_loop3A_646 = vector.broadcast %parallel_loop3A_645 : i32 to vector<16xi32>
        %parallel_loop3A_647 = arith.select %parallel_loop3A_620, %parallel_loop3A_644, %parallel_loop3A_646 : vector<16xi1>, vector<16xi32>
        tpu.vector_store_idx %arg25[%parallel_loop3A_555, %parallel_loop3A_638], %broadcast_in_dim3A_1 masked %parallel_loop3A_620 {add = true} : memref<8x16xf32, #tpu.memory_space<vmem>>[vector<16xi32>, vector<16xi32>], vector<16xf32>, vector<16xi1>
        tpu.vector_store_idx %arg26[%parallel_loop3A_555, %parallel_loop3A_647], %broadcast_in_dim3A_1 masked %parallel_loop3A_620 {add = true} : memref<8x16xf32, #tpu.memory_space<vmem>>[vector<16xi32>, vector<16xi32>], vector<16xf32>, vector<16xi1>
        %parallel_loop3A_648 = arith.constant 2 : i32
        %parallel_loop3A_649 = vector.broadcast %parallel_loop3A_648 : i32 to vector<16xi32>
        %parallel_loop3A_650 = arith.cmpi slt, %iota3A, %parallel_loop3A_649 : vector<16xi32>
        %parallel_loop3A_651 = arith.constant 48 : i32
        %parallel_loop3A_652 = vector.broadcast %parallel_loop3A_651 : i32 to vector<16xi32>
        %parallel_loop3A_653 = arith.addi %parallel_loop3A_652, %iota3A : vector<16xi32>
        %parallel_loop3A_654 = arith.constant 49 : i32
        %parallel_loop3A_655 = vector.broadcast %parallel_loop3A_654 : i32 to vector<16xi32>
        %parallel_loop3A_656 = arith.minsi %parallel_loop3A_653, %parallel_loop3A_655 : vector<16xi32>
        %parallel_loop3A_657 = vector.broadcast %parallel_loop3A_550 : i32 to vector<16xi32>
        %parallel_loop3A_658 = arith.addi %parallel_loop3A_657, %parallel_loop3A_656 : vector<16xi32>
        %parallel_loop3A_659 = tpu.vector_load_idx %arg17[%broadcast_in_dim3A_381, %parallel_loop3A_658] : memref<2x400xi32, #tpu.memory_space<vmem>>[vector<16xi32>, vector<16xi32>], vector<16xi32>,
        %parallel_loop3A_660 = arith.constant 17 : i32
        %parallel_loop3A_661 = vector.broadcast %parallel_loop3A_660 : i32 to vector<16xi32>
        %parallel_loop3A_662 = arith.shrsi %parallel_loop3A_659, %parallel_loop3A_661 : vector<16xi32>
        %parallel_loop3A_663 = arith.constant 15 : i32
        %parallel_loop3A_664 = vector.broadcast %parallel_loop3A_663 : i32 to vector<16xi32>
        %parallel_loop3A_665 = arith.andi %parallel_loop3A_662, %parallel_loop3A_664 : vector<16xi32>
        %parallel_loop3A_666 = arith.constant 15 : i32
        %parallel_loop3A_667 = vector.broadcast %parallel_loop3A_666 : i32 to vector<16xi32>
        %parallel_loop3A_668 = arith.select %parallel_loop3A_650, %parallel_loop3A_665, %parallel_loop3A_667 : vector<16xi1>, vector<16xi32>
        %parallel_loop3A_669 = arith.constant 14 : i32
        %parallel_loop3A_670 = vector.broadcast %parallel_loop3A_669 : i32 to vector<16xi32>
        %parallel_loop3A_671 = arith.shrsi %parallel_loop3A_659, %parallel_loop3A_670 : vector<16xi32>
        %parallel_loop3A_672 = arith.constant 7 : i32
        %parallel_loop3A_673 = vector.broadcast %parallel_loop3A_672 : i32 to vector<16xi32>
        %parallel_loop3A_674 = arith.andi %parallel_loop3A_671, %parallel_loop3A_673 : vector<16xi32>
        %parallel_loop3A_675 = arith.constant 15 : i32
        %parallel_loop3A_676 = vector.broadcast %parallel_loop3A_675 : i32 to vector<16xi32>
        %parallel_loop3A_677 = arith.select %parallel_loop3A_650, %parallel_loop3A_674, %parallel_loop3A_676 : vector<16xi1>, vector<16xi32>
        tpu.vector_store_idx %arg25[%parallel_loop3A_555, %parallel_loop3A_668], %broadcast_in_dim3A_1 masked %parallel_loop3A_650 {add = true} : memref<8x16xf32, #tpu.memory_space<vmem>>[vector<16xi32>, vector<16xi32>], vector<16xf32>, vector<16xi1>
        tpu.vector_store_idx %arg26[%parallel_loop3A_555, %parallel_loop3A_677], %broadcast_in_dim3A_1 masked %parallel_loop3A_650 {add = true} : memref<8x16xf32, #tpu.memory_space<vmem>>[vector<16xi32>, vector<16xi32>], vector<16xf32>, vector<16xi1>
        %parallel_loop3A_678 = tpu.vector_load_idx %arg25[%parallel_loop3A_555, %parallel_loop3A_578] : memref<8x16xf32, #tpu.memory_space<vmem>>[vector<16xi32>, vector<16xi32>], vector<16xf32>,
        %parallel_loop3A_679 = tpu.vector_load_idx %arg26[%parallel_loop3A_555, %parallel_loop3A_587] : memref<8x16xf32, #tpu.memory_space<vmem>>[vector<16xi32>, vector<16xi32>], vector<16xf32>,
        %parallel_loop3A_680 = arith.constant 1 : i32
        %parallel_loop3A_681 = vector.broadcast %parallel_loop3A_680 : i32 to vector<16xi32>
        %parallel_loop3A_682 = arith.subi %parallel_loop3A_578, %parallel_loop3A_681 : vector<16xi32>
        %parallel_loop3A_683 = arith.constant 0 : i32
        %parallel_loop3A_684 = vector.broadcast %parallel_loop3A_683 : i32 to vector<16xi32>
        %parallel_loop3A_685 = arith.maxsi %parallel_loop3A_682, %parallel_loop3A_684 : vector<16xi32>
        %parallel_loop3A_686 = tpu.vector_load_idx %arg25[%parallel_loop3A_555, %parallel_loop3A_685] : memref<8x16xf32, #tpu.memory_space<vmem>>[vector<16xi32>, vector<16xi32>], vector<16xf32>,
        %parallel_loop3A_687 = arith.constant 1 : i32
        %parallel_loop3A_688 = vector.broadcast %parallel_loop3A_687 : i32 to vector<16xi32>
        %parallel_loop3A_689 = arith.addi %parallel_loop3A_578, %parallel_loop3A_688 : vector<16xi32>
        %parallel_loop3A_690 = arith.constant 15 : i32
        %parallel_loop3A_691 = vector.broadcast %parallel_loop3A_690 : i32 to vector<16xi32>
        %parallel_loop3A_692 = arith.minsi %parallel_loop3A_689, %parallel_loop3A_691 : vector<16xi32>
        %parallel_loop3A_693 = tpu.vector_load_idx %arg25[%parallel_loop3A_555, %parallel_loop3A_692] : memref<8x16xf32, #tpu.memory_space<vmem>>[vector<16xi32>, vector<16xi32>], vector<16xf32>,
        %parallel_loop3A_694 = arith.constant 0 : i32
        %parallel_loop3A_695 = vector.broadcast %parallel_loop3A_694 : i32 to vector<16xi32>
        %parallel_loop3A_696 = arith.cmpi eq, %parallel_loop3A_578, %parallel_loop3A_695 : vector<16xi32>
        %parallel_loop3A_697 = arith.constant 0.000000e+00 : f32
        %parallel_loop3A_698 = vector.broadcast %parallel_loop3A_697 : f32 to vector<16xf32>
        %parallel_loop3A_699 = arith.constant 2.000000e-01 : f32
        %parallel_loop3A_700 = vector.broadcast %parallel_loop3A_699 : f32 to vector<16xf32>
        %parallel_loop3A_701 = arith.mulf %parallel_loop3A_678, %parallel_loop3A_700 : vector<16xf32>
        %parallel_loop3A_702 = arith.select %parallel_loop3A_696, %parallel_loop3A_698, %parallel_loop3A_701 : vector<16xi1>, vector<16xf32>
        %parallel_loop3A_703 = arith.constant 2.000000e-01 : f32
        %parallel_loop3A_704 = vector.broadcast %parallel_loop3A_703 : f32 to vector<16xf32>
        %parallel_loop3A_705 = arith.mulf %parallel_loop3A_679, %parallel_loop3A_704 : vector<16xf32>
        %parallel_loop3A_706 = arith.select %parallel_loop3A_696, %parallel_loop3A_698, %parallel_loop3A_705 : vector<16xi1>, vector<16xf32>
        %parallel_loop3A_707 = arith.select %parallel_loop3A_696, %parallel_loop3A_698, %parallel_loop3A_686 : vector<16xi1>, vector<16xf32>
        %parallel_loop3A_708 = arith.select %parallel_loop3A_696, %parallel_loop3A_698, %parallel_loop3A_693 : vector<16xi1>, vector<16xf32>
        %parallel_loop3A_709 = tpu.vector_load_idx %arg23[%parallel_loop3A_578] : memref<16xf32, #tpu.memory_space<vmem>>[vector<16xi32>], vector<16xf32>,
        %parallel_loop3A_710 = tpu.vector_load_idx %arg24[%parallel_loop3A_578] : memref<16xf32, #tpu.memory_space<vmem>>[vector<16xi32>], vector<16xf32>,
        %parallel_loop3A_711 = arith.constant 37 : i32
        %parallel_loop3A_712 = vector.broadcast %parallel_loop3A_711 : i32 to vector<16xi32>
        tpu.vector_store_idx %arg13[%broadcast_in_dim3A_381, %parallel_loop3A_568, %parallel_loop3A_712], %parallel_loop3A_710 masked %parallel_loop3A_560 {add = true} : memref<2x400x63xf32, #tpu.memory_space<vmem>>[vector<16xi32>, vector<16xi32>, vector<16xi32>], vector<16xf32>, vector<16xi1>
        %parallel_loop3A_713 = arith.constant 38 : i32
        %parallel_loop3A_714 = vector.broadcast %parallel_loop3A_713 : i32 to vector<16xi32>
        tpu.vector_store_idx %arg13[%broadcast_in_dim3A_381, %parallel_loop3A_568, %parallel_loop3A_714], %parallel_loop3A_709 masked %parallel_loop3A_560 {add = true} : memref<2x400x63xf32, #tpu.memory_space<vmem>>[vector<16xi32>, vector<16xi32>, vector<16xi32>], vector<16xf32>, vector<16xi1>
        %parallel_loop3A_715 = arith.constant 39 : i32
        %parallel_loop3A_716 = vector.broadcast %parallel_loop3A_715 : i32 to vector<16xi32>
        tpu.vector_store_idx %arg13[%broadcast_in_dim3A_381, %parallel_loop3A_568, %parallel_loop3A_716], %parallel_loop3A_708 masked %parallel_loop3A_560 {add = true} : memref<2x400x63xf32, #tpu.memory_space<vmem>>[vector<16xi32>, vector<16xi32>, vector<16xi32>], vector<16xf32>, vector<16xi1>
        %parallel_loop3A_717 = arith.constant 40 : i32
        %parallel_loop3A_718 = vector.broadcast %parallel_loop3A_717 : i32 to vector<16xi32>
        tpu.vector_store_idx %arg13[%broadcast_in_dim3A_381, %parallel_loop3A_568, %parallel_loop3A_718], %parallel_loop3A_707 masked %parallel_loop3A_560 {add = true} : memref<2x400x63xf32, #tpu.memory_space<vmem>>[vector<16xi32>, vector<16xi32>, vector<16xi32>], vector<16xf32>, vector<16xi1>
        %parallel_loop3A_719 = arith.constant 41 : i32
        %parallel_loop3A_720 = vector.broadcast %parallel_loop3A_719 : i32 to vector<16xi32>
        tpu.vector_store_idx %arg13[%broadcast_in_dim3A_381, %parallel_loop3A_568, %parallel_loop3A_720], %parallel_loop3A_706 masked %parallel_loop3A_560 {add = true} : memref<2x400x63xf32, #tpu.memory_space<vmem>>[vector<16xi32>, vector<16xi32>, vector<16xi32>], vector<16xf32>, vector<16xi1>
        %parallel_loop3A_721 = arith.constant 42 : i32
        %parallel_loop3A_722 = vector.broadcast %parallel_loop3A_721 : i32 to vector<16xi32>
        tpu.vector_store_idx %arg13[%broadcast_in_dim3A_381, %parallel_loop3A_568, %parallel_loop3A_722], %parallel_loop3A_702 masked %parallel_loop3A_560 {add = true} : memref<2x400x63xf32, #tpu.memory_space<vmem>>[vector<16xi32>, vector<16xi32>, vector<16xi32>], vector<16xf32>, vector<16xi1>
        tpu.vector_store_idx %arg13[%broadcast_in_dim3A_381, %parallel_loop3A_568, %parallel_loop3A_587], %broadcast_in_dim3A_1 masked %parallel_loop3A_560 {add = true} : memref<2x400x63xf32, #tpu.memory_space<vmem>>[vector<16xi32>, vector<16xi32>, vector<16xi32>], vector<16xf32>, vector<16xi1>
        %parallel_loop3A_723 = arith.constant 5 : i32
        %parallel_loop3A_724 = vector.broadcast %parallel_loop3A_723 : i32 to vector<16xi32>
        %parallel_loop3A_725 = arith.addi %parallel_loop3A_578, %parallel_loop3A_724 : vector<16xi32>
        tpu.vector_store_idx %arg13[%broadcast_in_dim3A_381, %parallel_loop3A_568, %parallel_loop3A_725], %broadcast_in_dim3A_1 masked %parallel_loop3A_560 {add = true} : memref<2x400x63xf32, #tpu.memory_space<vmem>>[vector<16xi32>, vector<16xi32>, vector<16xi32>], vector<16xf32>, vector<16xi1>
        %parallel_loop3A_726 = arith.constant 10 : i32
        %parallel_loop3A_727 = vector.broadcast %parallel_loop3A_726 : i32 to vector<16xi32>
        %parallel_loop3A_728 = arith.shrsi %parallel_loop3A_569, %parallel_loop3A_727 : vector<16xi32>
        %parallel_loop3A_729 = arith.constant 15 : i32
        %parallel_loop3A_730 = vector.broadcast %parallel_loop3A_729 : i32 to vector<16xi32>
        %parallel_loop3A_731 = arith.andi %parallel_loop3A_728, %parallel_loop3A_730 : vector<16xi32>
        %parallel_loop3A_732 = arith.constant 15 : i32
        %parallel_loop3A_733 = vector.broadcast %parallel_loop3A_732 : i32 to vector<16xi32>
        %parallel_loop3A_734 = arith.andi %parallel_loop3A_569, %parallel_loop3A_733 : vector<16xi32>
        %parallel_loop3A_735 = arith.constant 4 : i32
        %parallel_loop3A_736 = vector.broadcast %parallel_loop3A_735 : i32 to vector<16xi32>
        %parallel_loop3A_737 = arith.shrsi %parallel_loop3A_569, %parallel_loop3A_736 : vector<16xi32>
        %parallel_loop3A_738 = arith.constant 7 : i32
        %parallel_loop3A_739 = vector.broadcast %parallel_loop3A_738 : i32 to vector<16xi32>
        %parallel_loop3A_740 = arith.andi %parallel_loop3A_737, %parallel_loop3A_739 : vector<16xi32>
        %parallel_loop3A_741 = arith.constant 7 : i32
        %parallel_loop3A_742 = vector.broadcast %parallel_loop3A_741 : i32 to vector<16xi32>
        %parallel_loop3A_743 = arith.shrsi %parallel_loop3A_569, %parallel_loop3A_742 : vector<16xi32>
        %parallel_loop3A_744 = arith.constant 7 : i32
        %parallel_loop3A_745 = vector.broadcast %parallel_loop3A_744 : i32 to vector<16xi32>
        %parallel_loop3A_746 = arith.andi %parallel_loop3A_743, %parallel_loop3A_745 : vector<16xi32>
        %parallel_loop3A_747 = arith.constant 47 : i32
        %parallel_loop3A_748 = vector.broadcast %parallel_loop3A_747 : i32 to vector<16xi32>
        %parallel_loop3A_749 = arith.constant 0 : i32
        %parallel_loop3A_750 = vector.broadcast %parallel_loop3A_749 : i32 to vector<16xi32>
        %parallel_loop3A_751 = tpu.vector_load_idx %arg22[%parallel_loop3A_731, %parallel_loop3A_750] : memref<16x4xf32, #tpu.memory_space<vmem>>[vector<16xi32>, vector<16xi32>], vector<16xf32>,
        tpu.vector_store_idx %arg13[%broadcast_in_dim3A_381, %parallel_loop3A_568, %parallel_loop3A_748], %parallel_loop3A_751 masked %parallel_loop3A_560 : memref<2x400x63xf32, #tpu.memory_space<vmem>>[vector<16xi32>, vector<16xi32>, vector<16xi32>], vector<16xf32>, vector<16xi1>
        %parallel_loop3A_752 = arith.constant 48 : i32
        %parallel_loop3A_753 = vector.broadcast %parallel_loop3A_752 : i32 to vector<16xi32>
        %parallel_loop3A_754 = arith.constant 1 : i32
        %parallel_loop3A_755 = vector.broadcast %parallel_loop3A_754 : i32 to vector<16xi32>
        %parallel_loop3A_756 = tpu.vector_load_idx %arg22[%parallel_loop3A_731, %parallel_loop3A_755] : memref<16x4xf32, #tpu.memory_space<vmem>>[vector<16xi32>, vector<16xi32>], vector<16xf32>,
        tpu.vector_store_idx %arg13[%broadcast_in_dim3A_381, %parallel_loop3A_568, %parallel_loop3A_753], %parallel_loop3A_756 masked %parallel_loop3A_560 : memref<2x400x63xf32, #tpu.memory_space<vmem>>[vector<16xi32>, vector<16xi32>, vector<16xi32>], vector<16xf32>, vector<16xi1>
        %parallel_loop3A_757 = arith.constant 49 : i32
        %parallel_loop3A_758 = vector.broadcast %parallel_loop3A_757 : i32 to vector<16xi32>
        %parallel_loop3A_759 = arith.constant 2 : i32
        %parallel_loop3A_760 = vector.broadcast %parallel_loop3A_759 : i32 to vector<16xi32>
        %parallel_loop3A_761 = tpu.vector_load_idx %arg22[%parallel_loop3A_731, %parallel_loop3A_760] : memref<16x4xf32, #tpu.memory_space<vmem>>[vector<16xi32>, vector<16xi32>], vector<16xf32>,
        tpu.vector_store_idx %arg13[%broadcast_in_dim3A_381, %parallel_loop3A_568, %parallel_loop3A_758], %parallel_loop3A_761 masked %parallel_loop3A_560 : memref<2x400x63xf32, #tpu.memory_space<vmem>>[vector<16xi32>, vector<16xi32>, vector<16xi32>], vector<16xf32>, vector<16xi1>
        %parallel_loop3A_762 = arith.constant 50 : i32
        %parallel_loop3A_763 = vector.broadcast %parallel_loop3A_762 : i32 to vector<16xi32>
        %parallel_loop3A_764 = arith.constant 3 : i32
        %parallel_loop3A_765 = vector.broadcast %parallel_loop3A_764 : i32 to vector<16xi32>
        %parallel_loop3A_766 = tpu.vector_load_idx %arg22[%parallel_loop3A_731, %parallel_loop3A_765] : memref<16x4xf32, #tpu.memory_space<vmem>>[vector<16xi32>, vector<16xi32>], vector<16xf32>,
        tpu.vector_store_idx %arg13[%broadcast_in_dim3A_381, %parallel_loop3A_568, %parallel_loop3A_763], %parallel_loop3A_766 masked %parallel_loop3A_560 : memref<2x400x63xf32, #tpu.memory_space<vmem>>[vector<16xi32>, vector<16xi32>, vector<16xi32>], vector<16xf32>, vector<16xi1>
        %parallel_loop3A_767 = arith.constant 51 : i32
        %parallel_loop3A_768 = vector.broadcast %parallel_loop3A_767 : i32 to vector<16xi32>
        %parallel_loop3A_769 = arith.constant 0 : i32
        %parallel_loop3A_770 = vector.broadcast %parallel_loop3A_769 : i32 to vector<16xi32>
        %parallel_loop3A_771 = tpu.vector_load_idx %arg19[%parallel_loop3A_734, %parallel_loop3A_770] : memref<16x4xf32, #tpu.memory_space<vmem>>[vector<16xi32>, vector<16xi32>], vector<16xf32>,
        tpu.vector_store_idx %arg13[%broadcast_in_dim3A_381, %parallel_loop3A_568, %parallel_loop3A_768], %parallel_loop3A_771 masked %parallel_loop3A_560 : memref<2x400x63xf32, #tpu.memory_space<vmem>>[vector<16xi32>, vector<16xi32>, vector<16xi32>], vector<16xf32>, vector<16xi1>
        %parallel_loop3A_772 = arith.constant 52 : i32
        %parallel_loop3A_773 = vector.broadcast %parallel_loop3A_772 : i32 to vector<16xi32>
        %parallel_loop3A_774 = arith.constant 1 : i32
        %parallel_loop3A_775 = vector.broadcast %parallel_loop3A_774 : i32 to vector<16xi32>
        %parallel_loop3A_776 = tpu.vector_load_idx %arg19[%parallel_loop3A_734, %parallel_loop3A_775] : memref<16x4xf32, #tpu.memory_space<vmem>>[vector<16xi32>, vector<16xi32>], vector<16xf32>,
        tpu.vector_store_idx %arg13[%broadcast_in_dim3A_381, %parallel_loop3A_568, %parallel_loop3A_773], %parallel_loop3A_776 masked %parallel_loop3A_560 : memref<2x400x63xf32, #tpu.memory_space<vmem>>[vector<16xi32>, vector<16xi32>, vector<16xi32>], vector<16xf32>, vector<16xi1>
        %parallel_loop3A_777 = arith.constant 53 : i32
        %parallel_loop3A_778 = vector.broadcast %parallel_loop3A_777 : i32 to vector<16xi32>
        %parallel_loop3A_779 = arith.constant 2 : i32
        %parallel_loop3A_780 = vector.broadcast %parallel_loop3A_779 : i32 to vector<16xi32>
        %parallel_loop3A_781 = tpu.vector_load_idx %arg19[%parallel_loop3A_734, %parallel_loop3A_780] : memref<16x4xf32, #tpu.memory_space<vmem>>[vector<16xi32>, vector<16xi32>], vector<16xf32>,
        tpu.vector_store_idx %arg13[%broadcast_in_dim3A_381, %parallel_loop3A_568, %parallel_loop3A_778], %parallel_loop3A_781 masked %parallel_loop3A_560 : memref<2x400x63xf32, #tpu.memory_space<vmem>>[vector<16xi32>, vector<16xi32>, vector<16xi32>], vector<16xf32>, vector<16xi1>
        %parallel_loop3A_782 = arith.constant 54 : i32
        %parallel_loop3A_783 = vector.broadcast %parallel_loop3A_782 : i32 to vector<16xi32>
        %parallel_loop3A_784 = arith.constant 3 : i32
        %parallel_loop3A_785 = vector.broadcast %parallel_loop3A_784 : i32 to vector<16xi32>
        %parallel_loop3A_786 = tpu.vector_load_idx %arg19[%parallel_loop3A_734, %parallel_loop3A_785] : memref<16x4xf32, #tpu.memory_space<vmem>>[vector<16xi32>, vector<16xi32>], vector<16xf32>,
        tpu.vector_store_idx %arg13[%broadcast_in_dim3A_381, %parallel_loop3A_568, %parallel_loop3A_783], %parallel_loop3A_786 masked %parallel_loop3A_560 : memref<2x400x63xf32, #tpu.memory_space<vmem>>[vector<16xi32>, vector<16xi32>, vector<16xi32>], vector<16xf32>, vector<16xi1>
        %parallel_loop3A_787 = arith.constant 55 : i32
        %parallel_loop3A_788 = vector.broadcast %parallel_loop3A_787 : i32 to vector<16xi32>
        %parallel_loop3A_789 = arith.constant 0 : i32
        %parallel_loop3A_790 = vector.broadcast %parallel_loop3A_789 : i32 to vector<16xi32>
        %parallel_loop3A_791 = tpu.vector_load_idx %arg20[%parallel_loop3A_740, %parallel_loop3A_790] : memref<8x4xf32, #tpu.memory_space<vmem>>[vector<16xi32>, vector<16xi32>], vector<16xf32>,
        tpu.vector_store_idx %arg13[%broadcast_in_dim3A_381, %parallel_loop3A_568, %parallel_loop3A_788], %parallel_loop3A_791 masked %parallel_loop3A_560 : memref<2x400x63xf32, #tpu.memory_space<vmem>>[vector<16xi32>, vector<16xi32>, vector<16xi32>], vector<16xf32>, vector<16xi1>
        %parallel_loop3A_792 = arith.constant 56 : i32
        %parallel_loop3A_793 = vector.broadcast %parallel_loop3A_792 : i32 to vector<16xi32>
        %parallel_loop3A_794 = arith.constant 1 : i32
        %parallel_loop3A_795 = vector.broadcast %parallel_loop3A_794 : i32 to vector<16xi32>
        %parallel_loop3A_796 = tpu.vector_load_idx %arg20[%parallel_loop3A_740, %parallel_loop3A_795] : memref<8x4xf32, #tpu.memory_space<vmem>>[vector<16xi32>, vector<16xi32>], vector<16xf32>,
        tpu.vector_store_idx %arg13[%broadcast_in_dim3A_381, %parallel_loop3A_568, %parallel_loop3A_793], %parallel_loop3A_796 masked %parallel_loop3A_560 : memref<2x400x63xf32, #tpu.memory_space<vmem>>[vector<16xi32>, vector<16xi32>, vector<16xi32>], vector<16xf32>, vector<16xi1>
        %parallel_loop3A_797 = arith.constant 57 : i32
        %parallel_loop3A_798 = vector.broadcast %parallel_loop3A_797 : i32 to vector<16xi32>
        %parallel_loop3A_799 = arith.constant 2 : i32
        %parallel_loop3A_800 = vector.broadcast %parallel_loop3A_799 : i32 to vector<16xi32>
        %parallel_loop3A_801 = tpu.vector_load_idx %arg20[%parallel_loop3A_740, %parallel_loop3A_800] : memref<8x4xf32, #tpu.memory_space<vmem>>[vector<16xi32>, vector<16xi32>], vector<16xf32>,
        tpu.vector_store_idx %arg13[%broadcast_in_dim3A_381, %parallel_loop3A_568, %parallel_loop3A_798], %parallel_loop3A_801 masked %parallel_loop3A_560 : memref<2x400x63xf32, #tpu.memory_space<vmem>>[vector<16xi32>, vector<16xi32>, vector<16xi32>], vector<16xf32>, vector<16xi1>
        %parallel_loop3A_802 = arith.constant 58 : i32
        %parallel_loop3A_803 = vector.broadcast %parallel_loop3A_802 : i32 to vector<16xi32>
        %parallel_loop3A_804 = arith.constant 3 : i32
        %parallel_loop3A_805 = vector.broadcast %parallel_loop3A_804 : i32 to vector<16xi32>
        %parallel_loop3A_806 = tpu.vector_load_idx %arg20[%parallel_loop3A_740, %parallel_loop3A_805] : memref<8x4xf32, #tpu.memory_space<vmem>>[vector<16xi32>, vector<16xi32>], vector<16xf32>,
        tpu.vector_store_idx %arg13[%broadcast_in_dim3A_381, %parallel_loop3A_568, %parallel_loop3A_803], %parallel_loop3A_806 masked %parallel_loop3A_560 : memref<2x400x63xf32, #tpu.memory_space<vmem>>[vector<16xi32>, vector<16xi32>, vector<16xi32>], vector<16xf32>, vector<16xi1>
        %parallel_loop3A_807 = arith.constant 59 : i32
        %parallel_loop3A_808 = vector.broadcast %parallel_loop3A_807 : i32 to vector<16xi32>
        %parallel_loop3A_809 = arith.constant 0 : i32
        %parallel_loop3A_810 = vector.broadcast %parallel_loop3A_809 : i32 to vector<16xi32>
        %parallel_loop3A_811 = tpu.vector_load_idx %arg21[%parallel_loop3A_746, %parallel_loop3A_810] : memref<8x4xf32, #tpu.memory_space<vmem>>[vector<16xi32>, vector<16xi32>], vector<16xf32>,
        tpu.vector_store_idx %arg13[%broadcast_in_dim3A_381, %parallel_loop3A_568, %parallel_loop3A_808], %parallel_loop3A_811 masked %parallel_loop3A_560 : memref<2x400x63xf32, #tpu.memory_space<vmem>>[vector<16xi32>, vector<16xi32>, vector<16xi32>], vector<16xf32>, vector<16xi1>
        %parallel_loop3A_812 = arith.constant 60 : i32
        %parallel_loop3A_813 = vector.broadcast %parallel_loop3A_812 : i32 to vector<16xi32>
        %parallel_loop3A_814 = arith.constant 1 : i32
        %parallel_loop3A_815 = vector.broadcast %parallel_loop3A_814 : i32 to vector<16xi32>
        %parallel_loop3A_816 = tpu.vector_load_idx %arg21[%parallel_loop3A_746, %parallel_loop3A_815] : memref<8x4xf32, #tpu.memory_space<vmem>>[vector<16xi32>, vector<16xi32>], vector<16xf32>,
        tpu.vector_store_idx %arg13[%broadcast_in_dim3A_381, %parallel_loop3A_568, %parallel_loop3A_813], %parallel_loop3A_816 masked %parallel_loop3A_560 : memref<2x400x63xf32, #tpu.memory_space<vmem>>[vector<16xi32>, vector<16xi32>, vector<16xi32>], vector<16xf32>, vector<16xi1>
        %parallel_loop3A_817 = arith.constant 61 : i32
        %parallel_loop3A_818 = vector.broadcast %parallel_loop3A_817 : i32 to vector<16xi32>
        %parallel_loop3A_819 = arith.constant 2 : i32
        %parallel_loop3A_820 = vector.broadcast %parallel_loop3A_819 : i32 to vector<16xi32>
        %parallel_loop3A_821 = tpu.vector_load_idx %arg21[%parallel_loop3A_746, %parallel_loop3A_820] : memref<8x4xf32, #tpu.memory_space<vmem>>[vector<16xi32>, vector<16xi32>], vector<16xf32>,
        tpu.vector_store_idx %arg13[%broadcast_in_dim3A_381, %parallel_loop3A_568, %parallel_loop3A_818], %parallel_loop3A_821 masked %parallel_loop3A_560 : memref<2x400x63xf32, #tpu.memory_space<vmem>>[vector<16xi32>, vector<16xi32>, vector<16xi32>], vector<16xf32>, vector<16xi1>
        %parallel_loop3A_822 = arith.constant 62 : i32
        %parallel_loop3A_823 = vector.broadcast %parallel_loop3A_822 : i32 to vector<16xi32>
        %parallel_loop3A_824 = arith.constant 3 : i32
        %parallel_loop3A_825 = vector.broadcast %parallel_loop3A_824 : i32 to vector<16xi32>
        %parallel_loop3A_826 = tpu.vector_load_idx %arg21[%parallel_loop3A_746, %parallel_loop3A_825] : memref<8x4xf32, #tpu.memory_space<vmem>>[vector<16xi32>, vector<16xi32>], vector<16xf32>,
        tpu.vector_store_idx %arg13[%broadcast_in_dim3A_381, %parallel_loop3A_568, %parallel_loop3A_823], %parallel_loop3A_826 masked %parallel_loop3A_560 : memref<2x400x63xf32, #tpu.memory_space<vmem>>[vector<16xi32>, vector<16xi32>, vector<16xi32>], vector<16xf32>, vector<16xi1>
        %parallel_loop3A_827 = arith.constant 4 : i32
        %parallel_loop3A_828 = vector.broadcast %parallel_loop3A_827 : i32 to vector<16xi32>
        %parallel_loop3A_829 = arith.muli %parallel_loop3A_566, %parallel_loop3A_828 : vector<16xi32>
        %parallel_loop3A_830 = arith.constant 0 : i32
        %parallel_loop3A_831 = vector.broadcast %parallel_loop3A_830 : i32 to vector<16xi32>
        %parallel_loop3A_832 = arith.addi %parallel_loop3A_829, %parallel_loop3A_831 : vector<16xi32>
        %parallel_loop3A_833 = tpu.vector_load_idx %arg18[%broadcast_in_dim3A_381, %parallel_loop3A_555, %parallel_loop3A_832] : memref<2x8x200xf32, #tpu.memory_space<vmem>>[vector<16xi32>, vector<16xi32>, vector<16xi32>], vector<16xf32>,
        %parallel_loop3A_834 = arith.constant 43 : i32
        %parallel_loop3A_835 = vector.broadcast %parallel_loop3A_834 : i32 to vector<16xi32>
        tpu.vector_store_idx %arg13[%broadcast_in_dim3A_381, %parallel_loop3A_568, %parallel_loop3A_835], %parallel_loop3A_833 masked %parallel_loop3A_560 : memref<2x400x63xf32, #tpu.memory_space<vmem>>[vector<16xi32>, vector<16xi32>, vector<16xi32>], vector<16xf32>, vector<16xi1>
        %parallel_loop3A_836 = arith.constant 4 : i32
        %parallel_loop3A_837 = vector.broadcast %parallel_loop3A_836 : i32 to vector<16xi32>
        %parallel_loop3A_838 = arith.muli %parallel_loop3A_566, %parallel_loop3A_837 : vector<16xi32>
        %parallel_loop3A_839 = arith.constant 1 : i32
        %parallel_loop3A_840 = vector.broadcast %parallel_loop3A_839 : i32 to vector<16xi32>
        %parallel_loop3A_841 = arith.addi %parallel_loop3A_838, %parallel_loop3A_840 : vector<16xi32>
        %parallel_loop3A_842 = tpu.vector_load_idx %arg18[%broadcast_in_dim3A_381, %parallel_loop3A_555, %parallel_loop3A_841] : memref<2x8x200xf32, #tpu.memory_space<vmem>>[vector<16xi32>, vector<16xi32>, vector<16xi32>], vector<16xf32>,
        %parallel_loop3A_843 = arith.constant 44 : i32
        %parallel_loop3A_844 = vector.broadcast %parallel_loop3A_843 : i32 to vector<16xi32>
        tpu.vector_store_idx %arg13[%broadcast_in_dim3A_381, %parallel_loop3A_568, %parallel_loop3A_844], %parallel_loop3A_842 masked %parallel_loop3A_560 : memref<2x400x63xf32, #tpu.memory_space<vmem>>[vector<16xi32>, vector<16xi32>, vector<16xi32>], vector<16xf32>, vector<16xi1>
        %parallel_loop3A_845 = arith.constant 4 : i32
        %parallel_loop3A_846 = vector.broadcast %parallel_loop3A_845 : i32 to vector<16xi32>
        %parallel_loop3A_847 = arith.muli %parallel_loop3A_566, %parallel_loop3A_846 : vector<16xi32>
        %parallel_loop3A_848 = arith.constant 2 : i32
        %parallel_loop3A_849 = vector.broadcast %parallel_loop3A_848 : i32 to vector<16xi32>
        %parallel_loop3A_850 = arith.addi %parallel_loop3A_847, %parallel_loop3A_849 : vector<16xi32>
        %parallel_loop3A_851 = tpu.vector_load_idx %arg18[%broadcast_in_dim3A_381, %parallel_loop3A_555, %parallel_loop3A_850] : memref<2x8x200xf32, #tpu.memory_space<vmem>>[vector<16xi32>, vector<16xi32>, vector<16xi32>], vector<16xf32>,
        %parallel_loop3A_852 = arith.constant 45 : i32
        %parallel_loop3A_853 = vector.broadcast %parallel_loop3A_852 : i32 to vector<16xi32>
        tpu.vector_store_idx %arg13[%broadcast_in_dim3A_381, %parallel_loop3A_568, %parallel_loop3A_853], %parallel_loop3A_851 masked %parallel_loop3A_560 : memref<2x400x63xf32, #tpu.memory_space<vmem>>[vector<16xi32>, vector<16xi32>, vector<16xi32>], vector<16xf32>, vector<16xi1>
        %parallel_loop3A_854 = arith.constant 4 : i32
        %parallel_loop3A_855 = vector.broadcast %parallel_loop3A_854 : i32 to vector<16xi32>
        %parallel_loop3A_856 = arith.muli %parallel_loop3A_566, %parallel_loop3A_855 : vector<16xi32>
        %parallel_loop3A_857 = arith.constant 3 : i32
        %parallel_loop3A_858 = vector.broadcast %parallel_loop3A_857 : i32 to vector<16xi32>
        %parallel_loop3A_859 = arith.addi %parallel_loop3A_856, %parallel_loop3A_858 : vector<16xi32>
        %parallel_loop3A_860 = tpu.vector_load_idx %arg18[%broadcast_in_dim3A_381, %parallel_loop3A_555, %parallel_loop3A_859] : memref<2x8x200xf32, #tpu.memory_space<vmem>>[vector<16xi32>, vector<16xi32>, vector<16xi32>], vector<16xf32>,
        %parallel_loop3A_861 = arith.constant 46 : i32
        %parallel_loop3A_862 = vector.broadcast %parallel_loop3A_861 : i32 to vector<16xi32>
        tpu.vector_store_idx %arg13[%broadcast_in_dim3A_381, %parallel_loop3A_568, %parallel_loop3A_862], %parallel_loop3A_860 masked %parallel_loop3A_560 : memref<2x400x63xf32, #tpu.memory_space<vmem>>[vector<16xi32>, vector<16xi32>, vector<16xi32>], vector<16xf32>, vector<16xi1>
        %parallel_loop3A_863 = tpu.vector_load_idx %arg25[%parallel_loop3A_555, %parallel_loop3A_608] : memref<8x16xf32, #tpu.memory_space<vmem>>[vector<16xi32>, vector<16xi32>], vector<16xf32>,
        %parallel_loop3A_864 = tpu.vector_load_idx %arg26[%parallel_loop3A_555, %parallel_loop3A_617] : memref<8x16xf32, #tpu.memory_space<vmem>>[vector<16xi32>, vector<16xi32>], vector<16xf32>,
        %parallel_loop3A_865 = arith.constant 1 : i32
        %parallel_loop3A_866 = vector.broadcast %parallel_loop3A_865 : i32 to vector<16xi32>
        %parallel_loop3A_867 = arith.subi %parallel_loop3A_608, %parallel_loop3A_866 : vector<16xi32>
        %parallel_loop3A_868 = arith.constant 0 : i32
        %parallel_loop3A_869 = vector.broadcast %parallel_loop3A_868 : i32 to vector<16xi32>
        %parallel_loop3A_870 = arith.maxsi %parallel_loop3A_867, %parallel_loop3A_869 : vector<16xi32>
        %parallel_loop3A_871 = tpu.vector_load_idx %arg25[%parallel_loop3A_555, %parallel_loop3A_870] : memref<8x16xf32, #tpu.memory_space<vmem>>[vector<16xi32>, vector<16xi32>], vector<16xf32>,
        %parallel_loop3A_872 = arith.constant 1 : i32
        %parallel_loop3A_873 = vector.broadcast %parallel_loop3A_872 : i32 to vector<16xi32>
        %parallel_loop3A_874 = arith.addi %parallel_loop3A_608, %parallel_loop3A_873 : vector<16xi32>
        %parallel_loop3A_875 = arith.constant 15 : i32
        %parallel_loop3A_876 = vector.broadcast %parallel_loop3A_875 : i32 to vector<16xi32>
        %parallel_loop3A_877 = arith.minsi %parallel_loop3A_874, %parallel_loop3A_876 : vector<16xi32>
        %parallel_loop3A_878 = tpu.vector_load_idx %arg25[%parallel_loop3A_555, %parallel_loop3A_877] : memref<8x16xf32, #tpu.memory_space<vmem>>[vector<16xi32>, vector<16xi32>], vector<16xf32>,
        %parallel_loop3A_879 = arith.constant 0 : i32
        %parallel_loop3A_880 = vector.broadcast %parallel_loop3A_879 : i32 to vector<16xi32>
        %parallel_loop3A_881 = arith.cmpi eq, %parallel_loop3A_608, %parallel_loop3A_880 : vector<16xi32>
        %parallel_loop3A_882 = arith.constant 0.000000e+00 : f32
        %parallel_loop3A_883 = vector.broadcast %parallel_loop3A_882 : f32 to vector<16xf32>
        %parallel_loop3A_884 = arith.constant 2.000000e-01 : f32
        %parallel_loop3A_885 = vector.broadcast %parallel_loop3A_884 : f32 to vector<16xf32>
        %parallel_loop3A_886 = arith.mulf %parallel_loop3A_863, %parallel_loop3A_885 : vector<16xf32>
        %parallel_loop3A_887 = arith.select %parallel_loop3A_881, %parallel_loop3A_883, %parallel_loop3A_886 : vector<16xi1>, vector<16xf32>
        %parallel_loop3A_888 = arith.constant 2.000000e-01 : f32
        %parallel_loop3A_889 = vector.broadcast %parallel_loop3A_888 : f32 to vector<16xf32>
        %parallel_loop3A_890 = arith.mulf %parallel_loop3A_864, %parallel_loop3A_889 : vector<16xf32>
        %parallel_loop3A_891 = arith.select %parallel_loop3A_881, %parallel_loop3A_883, %parallel_loop3A_890 : vector<16xi1>, vector<16xf32>
        %parallel_loop3A_892 = arith.select %parallel_loop3A_881, %parallel_loop3A_883, %parallel_loop3A_871 : vector<16xi1>, vector<16xf32>
        %parallel_loop3A_893 = arith.select %parallel_loop3A_881, %parallel_loop3A_883, %parallel_loop3A_878 : vector<16xi1>, vector<16xf32>
        %parallel_loop3A_894 = tpu.vector_load_idx %arg23[%parallel_loop3A_608] : memref<16xf32, #tpu.memory_space<vmem>>[vector<16xi32>], vector<16xf32>,
        %parallel_loop3A_895 = tpu.vector_load_idx %arg24[%parallel_loop3A_608] : memref<16xf32, #tpu.memory_space<vmem>>[vector<16xi32>], vector<16xf32>,
        %parallel_loop3A_896 = arith.constant 37 : i32
        %parallel_loop3A_897 = vector.broadcast %parallel_loop3A_896 : i32 to vector<16xi32>
        tpu.vector_store_idx %arg13[%broadcast_in_dim3A_381, %parallel_loop3A_598, %parallel_loop3A_897], %parallel_loop3A_895 masked %parallel_loop3A_590 {add = true} : memref<2x400x63xf32, #tpu.memory_space<vmem>>[vector<16xi32>, vector<16xi32>, vector<16xi32>], vector<16xf32>, vector<16xi1>
        %parallel_loop3A_898 = arith.constant 38 : i32
        %parallel_loop3A_899 = vector.broadcast %parallel_loop3A_898 : i32 to vector<16xi32>
        tpu.vector_store_idx %arg13[%broadcast_in_dim3A_381, %parallel_loop3A_598, %parallel_loop3A_899], %parallel_loop3A_894 masked %parallel_loop3A_590 {add = true} : memref<2x400x63xf32, #tpu.memory_space<vmem>>[vector<16xi32>, vector<16xi32>, vector<16xi32>], vector<16xf32>, vector<16xi1>
        %parallel_loop3A_900 = arith.constant 39 : i32
        %parallel_loop3A_901 = vector.broadcast %parallel_loop3A_900 : i32 to vector<16xi32>
        tpu.vector_store_idx %arg13[%broadcast_in_dim3A_381, %parallel_loop3A_598, %parallel_loop3A_901], %parallel_loop3A_893 masked %parallel_loop3A_590 {add = true} : memref<2x400x63xf32, #tpu.memory_space<vmem>>[vector<16xi32>, vector<16xi32>, vector<16xi32>], vector<16xf32>, vector<16xi1>
        %parallel_loop3A_902 = arith.constant 40 : i32
        %parallel_loop3A_903 = vector.broadcast %parallel_loop3A_902 : i32 to vector<16xi32>
        tpu.vector_store_idx %arg13[%broadcast_in_dim3A_381, %parallel_loop3A_598, %parallel_loop3A_903], %parallel_loop3A_892 masked %parallel_loop3A_590 {add = true} : memref<2x400x63xf32, #tpu.memory_space<vmem>>[vector<16xi32>, vector<16xi32>, vector<16xi32>], vector<16xf32>, vector<16xi1>
        %parallel_loop3A_904 = arith.constant 41 : i32
        %parallel_loop3A_905 = vector.broadcast %parallel_loop3A_904 : i32 to vector<16xi32>
        tpu.vector_store_idx %arg13[%broadcast_in_dim3A_381, %parallel_loop3A_598, %parallel_loop3A_905], %parallel_loop3A_891 masked %parallel_loop3A_590 {add = true} : memref<2x400x63xf32, #tpu.memory_space<vmem>>[vector<16xi32>, vector<16xi32>, vector<16xi32>], vector<16xf32>, vector<16xi1>
        %parallel_loop3A_906 = arith.constant 42 : i32
        %parallel_loop3A_907 = vector.broadcast %parallel_loop3A_906 : i32 to vector<16xi32>
        tpu.vector_store_idx %arg13[%broadcast_in_dim3A_381, %parallel_loop3A_598, %parallel_loop3A_907], %parallel_loop3A_887 masked %parallel_loop3A_590 {add = true} : memref<2x400x63xf32, #tpu.memory_space<vmem>>[vector<16xi32>, vector<16xi32>, vector<16xi32>], vector<16xf32>, vector<16xi1>
        tpu.vector_store_idx %arg13[%broadcast_in_dim3A_381, %parallel_loop3A_598, %parallel_loop3A_617], %broadcast_in_dim3A_1 masked %parallel_loop3A_590 {add = true} : memref<2x400x63xf32, #tpu.memory_space<vmem>>[vector<16xi32>, vector<16xi32>, vector<16xi32>], vector<16xf32>, vector<16xi1>
        %parallel_loop3A_908 = arith.constant 5 : i32
        %parallel_loop3A_909 = vector.broadcast %parallel_loop3A_908 : i32 to vector<16xi32>
        %parallel_loop3A_910 = arith.addi %parallel_loop3A_608, %parallel_loop3A_909 : vector<16xi32>
        tpu.vector_store_idx %arg13[%broadcast_in_dim3A_381, %parallel_loop3A_598, %parallel_loop3A_910], %broadcast_in_dim3A_1 masked %parallel_loop3A_590 {add = true} : memref<2x400x63xf32, #tpu.memory_space<vmem>>[vector<16xi32>, vector<16xi32>, vector<16xi32>], vector<16xf32>, vector<16xi1>
        %parallel_loop3A_911 = arith.constant 10 : i32
        %parallel_loop3A_912 = vector.broadcast %parallel_loop3A_911 : i32 to vector<16xi32>
        %parallel_loop3A_913 = arith.shrsi %parallel_loop3A_599, %parallel_loop3A_912 : vector<16xi32>
        %parallel_loop3A_914 = arith.constant 15 : i32
        %parallel_loop3A_915 = vector.broadcast %parallel_loop3A_914 : i32 to vector<16xi32>
        %parallel_loop3A_916 = arith.andi %parallel_loop3A_913, %parallel_loop3A_915 : vector<16xi32>
        %parallel_loop3A_917 = arith.constant 15 : i32
        %parallel_loop3A_918 = vector.broadcast %parallel_loop3A_917 : i32 to vector<16xi32>
        %parallel_loop3A_919 = arith.andi %parallel_loop3A_599, %parallel_loop3A_918 : vector<16xi32>
        %parallel_loop3A_920 = arith.constant 4 : i32
        %parallel_loop3A_921 = vector.broadcast %parallel_loop3A_920 : i32 to vector<16xi32>
        %parallel_loop3A_922 = arith.shrsi %parallel_loop3A_599, %parallel_loop3A_921 : vector<16xi32>
        %parallel_loop3A_923 = arith.constant 7 : i32
        %parallel_loop3A_924 = vector.broadcast %parallel_loop3A_923 : i32 to vector<16xi32>
        %parallel_loop3A_925 = arith.andi %parallel_loop3A_922, %parallel_loop3A_924 : vector<16xi32>
        %parallel_loop3A_926 = arith.constant 7 : i32
        %parallel_loop3A_927 = vector.broadcast %parallel_loop3A_926 : i32 to vector<16xi32>
        %parallel_loop3A_928 = arith.shrsi %parallel_loop3A_599, %parallel_loop3A_927 : vector<16xi32>
        %parallel_loop3A_929 = arith.constant 7 : i32
        %parallel_loop3A_930 = vector.broadcast %parallel_loop3A_929 : i32 to vector<16xi32>
        %parallel_loop3A_931 = arith.andi %parallel_loop3A_928, %parallel_loop3A_930 : vector<16xi32>
        %parallel_loop3A_932 = arith.constant 47 : i32
        %parallel_loop3A_933 = vector.broadcast %parallel_loop3A_932 : i32 to vector<16xi32>
        %parallel_loop3A_934 = arith.constant 0 : i32
        %parallel_loop3A_935 = vector.broadcast %parallel_loop3A_934 : i32 to vector<16xi32>
        %parallel_loop3A_936 = tpu.vector_load_idx %arg22[%parallel_loop3A_916, %parallel_loop3A_935] : memref<16x4xf32, #tpu.memory_space<vmem>>[vector<16xi32>, vector<16xi32>], vector<16xf32>,
        tpu.vector_store_idx %arg13[%broadcast_in_dim3A_381, %parallel_loop3A_598, %parallel_loop3A_933], %parallel_loop3A_936 masked %parallel_loop3A_590 : memref<2x400x63xf32, #tpu.memory_space<vmem>>[vector<16xi32>, vector<16xi32>, vector<16xi32>], vector<16xf32>, vector<16xi1>
        %parallel_loop3A_937 = arith.constant 48 : i32
        %parallel_loop3A_938 = vector.broadcast %parallel_loop3A_937 : i32 to vector<16xi32>
        %parallel_loop3A_939 = arith.constant 1 : i32
        %parallel_loop3A_940 = vector.broadcast %parallel_loop3A_939 : i32 to vector<16xi32>
        %parallel_loop3A_941 = tpu.vector_load_idx %arg22[%parallel_loop3A_916, %parallel_loop3A_940] : memref<16x4xf32, #tpu.memory_space<vmem>>[vector<16xi32>, vector<16xi32>], vector<16xf32>,
        tpu.vector_store_idx %arg13[%broadcast_in_dim3A_381, %parallel_loop3A_598, %parallel_loop3A_938], %parallel_loop3A_941 masked %parallel_loop3A_590 : memref<2x400x63xf32, #tpu.memory_space<vmem>>[vector<16xi32>, vector<16xi32>, vector<16xi32>], vector<16xf32>, vector<16xi1>
        %parallel_loop3A_942 = arith.constant 49 : i32
        %parallel_loop3A_943 = vector.broadcast %parallel_loop3A_942 : i32 to vector<16xi32>
        %parallel_loop3A_944 = arith.constant 2 : i32
        %parallel_loop3A_945 = vector.broadcast %parallel_loop3A_944 : i32 to vector<16xi32>
        %parallel_loop3A_946 = tpu.vector_load_idx %arg22[%parallel_loop3A_916, %parallel_loop3A_945] : memref<16x4xf32, #tpu.memory_space<vmem>>[vector<16xi32>, vector<16xi32>], vector<16xf32>,
        tpu.vector_store_idx %arg13[%broadcast_in_dim3A_381, %parallel_loop3A_598, %parallel_loop3A_943], %parallel_loop3A_946 masked %parallel_loop3A_590 : memref<2x400x63xf32, #tpu.memory_space<vmem>>[vector<16xi32>, vector<16xi32>, vector<16xi32>], vector<16xf32>, vector<16xi1>
        %parallel_loop3A_947 = arith.constant 50 : i32
        %parallel_loop3A_948 = vector.broadcast %parallel_loop3A_947 : i32 to vector<16xi32>
        %parallel_loop3A_949 = arith.constant 3 : i32
        %parallel_loop3A_950 = vector.broadcast %parallel_loop3A_949 : i32 to vector<16xi32>
        %parallel_loop3A_951 = tpu.vector_load_idx %arg22[%parallel_loop3A_916, %parallel_loop3A_950] : memref<16x4xf32, #tpu.memory_space<vmem>>[vector<16xi32>, vector<16xi32>], vector<16xf32>,
        tpu.vector_store_idx %arg13[%broadcast_in_dim3A_381, %parallel_loop3A_598, %parallel_loop3A_948], %parallel_loop3A_951 masked %parallel_loop3A_590 : memref<2x400x63xf32, #tpu.memory_space<vmem>>[vector<16xi32>, vector<16xi32>, vector<16xi32>], vector<16xf32>, vector<16xi1>
        %parallel_loop3A_952 = arith.constant 51 : i32
        %parallel_loop3A_953 = vector.broadcast %parallel_loop3A_952 : i32 to vector<16xi32>
        %parallel_loop3A_954 = arith.constant 0 : i32
        %parallel_loop3A_955 = vector.broadcast %parallel_loop3A_954 : i32 to vector<16xi32>
        %parallel_loop3A_956 = tpu.vector_load_idx %arg19[%parallel_loop3A_919, %parallel_loop3A_955] : memref<16x4xf32, #tpu.memory_space<vmem>>[vector<16xi32>, vector<16xi32>], vector<16xf32>,
        tpu.vector_store_idx %arg13[%broadcast_in_dim3A_381, %parallel_loop3A_598, %parallel_loop3A_953], %parallel_loop3A_956 masked %parallel_loop3A_590 : memref<2x400x63xf32, #tpu.memory_space<vmem>>[vector<16xi32>, vector<16xi32>, vector<16xi32>], vector<16xf32>, vector<16xi1>
        %parallel_loop3A_957 = arith.constant 52 : i32
        %parallel_loop3A_958 = vector.broadcast %parallel_loop3A_957 : i32 to vector<16xi32>
        %parallel_loop3A_959 = arith.constant 1 : i32
        %parallel_loop3A_960 = vector.broadcast %parallel_loop3A_959 : i32 to vector<16xi32>
        %parallel_loop3A_961 = tpu.vector_load_idx %arg19[%parallel_loop3A_919, %parallel_loop3A_960] : memref<16x4xf32, #tpu.memory_space<vmem>>[vector<16xi32>, vector<16xi32>], vector<16xf32>,
        tpu.vector_store_idx %arg13[%broadcast_in_dim3A_381, %parallel_loop3A_598, %parallel_loop3A_958], %parallel_loop3A_961 masked %parallel_loop3A_590 : memref<2x400x63xf32, #tpu.memory_space<vmem>>[vector<16xi32>, vector<16xi32>, vector<16xi32>], vector<16xf32>, vector<16xi1>
        %parallel_loop3A_962 = arith.constant 53 : i32
        %parallel_loop3A_963 = vector.broadcast %parallel_loop3A_962 : i32 to vector<16xi32>
        %parallel_loop3A_964 = arith.constant 2 : i32
        %parallel_loop3A_965 = vector.broadcast %parallel_loop3A_964 : i32 to vector<16xi32>
        %parallel_loop3A_966 = tpu.vector_load_idx %arg19[%parallel_loop3A_919, %parallel_loop3A_965] : memref<16x4xf32, #tpu.memory_space<vmem>>[vector<16xi32>, vector<16xi32>], vector<16xf32>,
        tpu.vector_store_idx %arg13[%broadcast_in_dim3A_381, %parallel_loop3A_598, %parallel_loop3A_963], %parallel_loop3A_966 masked %parallel_loop3A_590 : memref<2x400x63xf32, #tpu.memory_space<vmem>>[vector<16xi32>, vector<16xi32>, vector<16xi32>], vector<16xf32>, vector<16xi1>
        %parallel_loop3A_967 = arith.constant 54 : i32
        %parallel_loop3A_968 = vector.broadcast %parallel_loop3A_967 : i32 to vector<16xi32>
        %parallel_loop3A_969 = arith.constant 3 : i32
        %parallel_loop3A_970 = vector.broadcast %parallel_loop3A_969 : i32 to vector<16xi32>
        %parallel_loop3A_971 = tpu.vector_load_idx %arg19[%parallel_loop3A_919, %parallel_loop3A_970] : memref<16x4xf32, #tpu.memory_space<vmem>>[vector<16xi32>, vector<16xi32>], vector<16xf32>,
        tpu.vector_store_idx %arg13[%broadcast_in_dim3A_381, %parallel_loop3A_598, %parallel_loop3A_968], %parallel_loop3A_971 masked %parallel_loop3A_590 : memref<2x400x63xf32, #tpu.memory_space<vmem>>[vector<16xi32>, vector<16xi32>, vector<16xi32>], vector<16xf32>, vector<16xi1>
        %parallel_loop3A_972 = arith.constant 55 : i32
        %parallel_loop3A_973 = vector.broadcast %parallel_loop3A_972 : i32 to vector<16xi32>
        %parallel_loop3A_974 = arith.constant 0 : i32
        %parallel_loop3A_975 = vector.broadcast %parallel_loop3A_974 : i32 to vector<16xi32>
        %parallel_loop3A_976 = tpu.vector_load_idx %arg20[%parallel_loop3A_925, %parallel_loop3A_975] : memref<8x4xf32, #tpu.memory_space<vmem>>[vector<16xi32>, vector<16xi32>], vector<16xf32>,
        tpu.vector_store_idx %arg13[%broadcast_in_dim3A_381, %parallel_loop3A_598, %parallel_loop3A_973], %parallel_loop3A_976 masked %parallel_loop3A_590 : memref<2x400x63xf32, #tpu.memory_space<vmem>>[vector<16xi32>, vector<16xi32>, vector<16xi32>], vector<16xf32>, vector<16xi1>
        %parallel_loop3A_977 = arith.constant 56 : i32
        %parallel_loop3A_978 = vector.broadcast %parallel_loop3A_977 : i32 to vector<16xi32>
        %parallel_loop3A_979 = arith.constant 1 : i32
        %parallel_loop3A_980 = vector.broadcast %parallel_loop3A_979 : i32 to vector<16xi32>
        %parallel_loop3A_981 = tpu.vector_load_idx %arg20[%parallel_loop3A_925, %parallel_loop3A_980] : memref<8x4xf32, #tpu.memory_space<vmem>>[vector<16xi32>, vector<16xi32>], vector<16xf32>,
        tpu.vector_store_idx %arg13[%broadcast_in_dim3A_381, %parallel_loop3A_598, %parallel_loop3A_978], %parallel_loop3A_981 masked %parallel_loop3A_590 : memref<2x400x63xf32, #tpu.memory_space<vmem>>[vector<16xi32>, vector<16xi32>, vector<16xi32>], vector<16xf32>, vector<16xi1>
        %parallel_loop3A_982 = arith.constant 57 : i32
        %parallel_loop3A_983 = vector.broadcast %parallel_loop3A_982 : i32 to vector<16xi32>
        %parallel_loop3A_984 = arith.constant 2 : i32
        %parallel_loop3A_985 = vector.broadcast %parallel_loop3A_984 : i32 to vector<16xi32>
        %parallel_loop3A_986 = tpu.vector_load_idx %arg20[%parallel_loop3A_925, %parallel_loop3A_985] : memref<8x4xf32, #tpu.memory_space<vmem>>[vector<16xi32>, vector<16xi32>], vector<16xf32>,
        tpu.vector_store_idx %arg13[%broadcast_in_dim3A_381, %parallel_loop3A_598, %parallel_loop3A_983], %parallel_loop3A_986 masked %parallel_loop3A_590 : memref<2x400x63xf32, #tpu.memory_space<vmem>>[vector<16xi32>, vector<16xi32>, vector<16xi32>], vector<16xf32>, vector<16xi1>
        %parallel_loop3A_987 = arith.constant 58 : i32
        %parallel_loop3A_988 = vector.broadcast %parallel_loop3A_987 : i32 to vector<16xi32>
        %parallel_loop3A_989 = arith.constant 3 : i32
        %parallel_loop3A_990 = vector.broadcast %parallel_loop3A_989 : i32 to vector<16xi32>
        %parallel_loop3A_991 = tpu.vector_load_idx %arg20[%parallel_loop3A_925, %parallel_loop3A_990] : memref<8x4xf32, #tpu.memory_space<vmem>>[vector<16xi32>, vector<16xi32>], vector<16xf32>,
        tpu.vector_store_idx %arg13[%broadcast_in_dim3A_381, %parallel_loop3A_598, %parallel_loop3A_988], %parallel_loop3A_991 masked %parallel_loop3A_590 : memref<2x400x63xf32, #tpu.memory_space<vmem>>[vector<16xi32>, vector<16xi32>, vector<16xi32>], vector<16xf32>, vector<16xi1>
        %parallel_loop3A_992 = arith.constant 59 : i32
        %parallel_loop3A_993 = vector.broadcast %parallel_loop3A_992 : i32 to vector<16xi32>
        %parallel_loop3A_994 = arith.constant 0 : i32
        %parallel_loop3A_995 = vector.broadcast %parallel_loop3A_994 : i32 to vector<16xi32>
        %parallel_loop3A_996 = tpu.vector_load_idx %arg21[%parallel_loop3A_931, %parallel_loop3A_995] : memref<8x4xf32, #tpu.memory_space<vmem>>[vector<16xi32>, vector<16xi32>], vector<16xf32>,
        tpu.vector_store_idx %arg13[%broadcast_in_dim3A_381, %parallel_loop3A_598, %parallel_loop3A_993], %parallel_loop3A_996 masked %parallel_loop3A_590 : memref<2x400x63xf32, #tpu.memory_space<vmem>>[vector<16xi32>, vector<16xi32>, vector<16xi32>], vector<16xf32>, vector<16xi1>
        %parallel_loop3A_997 = arith.constant 60 : i32
        %parallel_loop3A_998 = vector.broadcast %parallel_loop3A_997 : i32 to vector<16xi32>
        %parallel_loop3A_999 = arith.constant 1 : i32
        %parallel_loop3A_1000 = vector.broadcast %parallel_loop3A_999 : i32 to vector<16xi32>
        %parallel_loop3A_1001 = tpu.vector_load_idx %arg21[%parallel_loop3A_931, %parallel_loop3A_1000] : memref<8x4xf32, #tpu.memory_space<vmem>>[vector<16xi32>, vector<16xi32>], vector<16xf32>,
        tpu.vector_store_idx %arg13[%broadcast_in_dim3A_381, %parallel_loop3A_598, %parallel_loop3A_998], %parallel_loop3A_1001 masked %parallel_loop3A_590 : memref<2x400x63xf32, #tpu.memory_space<vmem>>[vector<16xi32>, vector<16xi32>, vector<16xi32>], vector<16xf32>, vector<16xi1>
        %parallel_loop3A_1002 = arith.constant 61 : i32
        %parallel_loop3A_1003 = vector.broadcast %parallel_loop3A_1002 : i32 to vector<16xi32>
        %parallel_loop3A_1004 = arith.constant 2 : i32
        %parallel_loop3A_1005 = vector.broadcast %parallel_loop3A_1004 : i32 to vector<16xi32>
        %parallel_loop3A_1006 = tpu.vector_load_idx %arg21[%parallel_loop3A_931, %parallel_loop3A_1005] : memref<8x4xf32, #tpu.memory_space<vmem>>[vector<16xi32>, vector<16xi32>], vector<16xf32>,
        tpu.vector_store_idx %arg13[%broadcast_in_dim3A_381, %parallel_loop3A_598, %parallel_loop3A_1003], %parallel_loop3A_1006 masked %parallel_loop3A_590 : memref<2x400x63xf32, #tpu.memory_space<vmem>>[vector<16xi32>, vector<16xi32>, vector<16xi32>], vector<16xf32>, vector<16xi1>
        %parallel_loop3A_1007 = arith.constant 62 : i32
        %parallel_loop3A_1008 = vector.broadcast %parallel_loop3A_1007 : i32 to vector<16xi32>
        %parallel_loop3A_1009 = arith.constant 3 : i32
        %parallel_loop3A_1010 = vector.broadcast %parallel_loop3A_1009 : i32 to vector<16xi32>
        %parallel_loop3A_1011 = tpu.vector_load_idx %arg21[%parallel_loop3A_931, %parallel_loop3A_1010] : memref<8x4xf32, #tpu.memory_space<vmem>>[vector<16xi32>, vector<16xi32>], vector<16xf32>,
        tpu.vector_store_idx %arg13[%broadcast_in_dim3A_381, %parallel_loop3A_598, %parallel_loop3A_1008], %parallel_loop3A_1011 masked %parallel_loop3A_590 : memref<2x400x63xf32, #tpu.memory_space<vmem>>[vector<16xi32>, vector<16xi32>, vector<16xi32>], vector<16xf32>, vector<16xi1>
        %parallel_loop3A_1012 = arith.constant 4 : i32
        %parallel_loop3A_1013 = vector.broadcast %parallel_loop3A_1012 : i32 to vector<16xi32>
        %parallel_loop3A_1014 = arith.muli %parallel_loop3A_596, %parallel_loop3A_1013 : vector<16xi32>
        %parallel_loop3A_1015 = arith.constant 0 : i32
        %parallel_loop3A_1016 = vector.broadcast %parallel_loop3A_1015 : i32 to vector<16xi32>
        %parallel_loop3A_1017 = arith.addi %parallel_loop3A_1014, %parallel_loop3A_1016 : vector<16xi32>
        %parallel_loop3A_1018 = tpu.vector_load_idx %arg18[%broadcast_in_dim3A_381, %parallel_loop3A_555, %parallel_loop3A_1017] : memref<2x8x200xf32, #tpu.memory_space<vmem>>[vector<16xi32>, vector<16xi32>, vector<16xi32>], vector<16xf32>,
        %parallel_loop3A_1019 = arith.constant 43 : i32
        %parallel_loop3A_1020 = vector.broadcast %parallel_loop3A_1019 : i32 to vector<16xi32>
        tpu.vector_store_idx %arg13[%broadcast_in_dim3A_381, %parallel_loop3A_598, %parallel_loop3A_1020], %parallel_loop3A_1018 masked %parallel_loop3A_590 : memref<2x400x63xf32, #tpu.memory_space<vmem>>[vector<16xi32>, vector<16xi32>, vector<16xi32>], vector<16xf32>, vector<16xi1>
        %parallel_loop3A_1021 = arith.constant 4 : i32
        %parallel_loop3A_1022 = vector.broadcast %parallel_loop3A_1021 : i32 to vector<16xi32>
        %parallel_loop3A_1023 = arith.muli %parallel_loop3A_596, %parallel_loop3A_1022 : vector<16xi32>
        %parallel_loop3A_1024 = arith.constant 1 : i32
        %parallel_loop3A_1025 = vector.broadcast %parallel_loop3A_1024 : i32 to vector<16xi32>
        %parallel_loop3A_1026 = arith.addi %parallel_loop3A_1023, %parallel_loop3A_1025 : vector<16xi32>
        %parallel_loop3A_1027 = tpu.vector_load_idx %arg18[%broadcast_in_dim3A_381, %parallel_loop3A_555, %parallel_loop3A_1026] : memref<2x8x200xf32, #tpu.memory_space<vmem>>[vector<16xi32>, vector<16xi32>, vector<16xi32>], vector<16xf32>,
        %parallel_loop3A_1028 = arith.constant 44 : i32
        %parallel_loop3A_1029 = vector.broadcast %parallel_loop3A_1028 : i32 to vector<16xi32>
        tpu.vector_store_idx %arg13[%broadcast_in_dim3A_381, %parallel_loop3A_598, %parallel_loop3A_1029], %parallel_loop3A_1027 masked %parallel_loop3A_590 : memref<2x400x63xf32, #tpu.memory_space<vmem>>[vector<16xi32>, vector<16xi32>, vector<16xi32>], vector<16xf32>, vector<16xi1>
        %parallel_loop3A_1030 = arith.constant 4 : i32
        %parallel_loop3A_1031 = vector.broadcast %parallel_loop3A_1030 : i32 to vector<16xi32>
        %parallel_loop3A_1032 = arith.muli %parallel_loop3A_596, %parallel_loop3A_1031 : vector<16xi32>
        %parallel_loop3A_1033 = arith.constant 2 : i32
        %parallel_loop3A_1034 = vector.broadcast %parallel_loop3A_1033 : i32 to vector<16xi32>
        %parallel_loop3A_1035 = arith.addi %parallel_loop3A_1032, %parallel_loop3A_1034 : vector<16xi32>
        %parallel_loop3A_1036 = tpu.vector_load_idx %arg18[%broadcast_in_dim3A_381, %parallel_loop3A_555, %parallel_loop3A_1035] : memref<2x8x200xf32, #tpu.memory_space<vmem>>[vector<16xi32>, vector<16xi32>, vector<16xi32>], vector<16xf32>,
        %parallel_loop3A_1037 = arith.constant 45 : i32
        %parallel_loop3A_1038 = vector.broadcast %parallel_loop3A_1037 : i32 to vector<16xi32>
        tpu.vector_store_idx %arg13[%broadcast_in_dim3A_381, %parallel_loop3A_598, %parallel_loop3A_1038], %parallel_loop3A_1036 masked %parallel_loop3A_590 : memref<2x400x63xf32, #tpu.memory_space<vmem>>[vector<16xi32>, vector<16xi32>, vector<16xi32>], vector<16xf32>, vector<16xi1>
        %parallel_loop3A_1039 = arith.constant 4 : i32
        %parallel_loop3A_1040 = vector.broadcast %parallel_loop3A_1039 : i32 to vector<16xi32>
        %parallel_loop3A_1041 = arith.muli %parallel_loop3A_596, %parallel_loop3A_1040 : vector<16xi32>
        %parallel_loop3A_1042 = arith.constant 3 : i32
        %parallel_loop3A_1043 = vector.broadcast %parallel_loop3A_1042 : i32 to vector<16xi32>
        %parallel_loop3A_1044 = arith.addi %parallel_loop3A_1041, %parallel_loop3A_1043 : vector<16xi32>
        %parallel_loop3A_1045 = tpu.vector_load_idx %arg18[%broadcast_in_dim3A_381, %parallel_loop3A_555, %parallel_loop3A_1044] : memref<2x8x200xf32, #tpu.memory_space<vmem>>[vector<16xi32>, vector<16xi32>, vector<16xi32>], vector<16xf32>,
        %parallel_loop3A_1046 = arith.constant 46 : i32
        %parallel_loop3A_1047 = vector.broadcast %parallel_loop3A_1046 : i32 to vector<16xi32>
        tpu.vector_store_idx %arg13[%broadcast_in_dim3A_381, %parallel_loop3A_598, %parallel_loop3A_1047], %parallel_loop3A_1045 masked %parallel_loop3A_590 : memref<2x400x63xf32, #tpu.memory_space<vmem>>[vector<16xi32>, vector<16xi32>, vector<16xi32>], vector<16xf32>, vector<16xi1>
        %parallel_loop3A_1048 = tpu.vector_load_idx %arg25[%parallel_loop3A_555, %parallel_loop3A_638] : memref<8x16xf32, #tpu.memory_space<vmem>>[vector<16xi32>, vector<16xi32>], vector<16xf32>,
        %parallel_loop3A_1049 = tpu.vector_load_idx %arg26[%parallel_loop3A_555, %parallel_loop3A_647] : memref<8x16xf32, #tpu.memory_space<vmem>>[vector<16xi32>, vector<16xi32>], vector<16xf32>,
        %parallel_loop3A_1050 = arith.constant 1 : i32
        %parallel_loop3A_1051 = vector.broadcast %parallel_loop3A_1050 : i32 to vector<16xi32>
        %parallel_loop3A_1052 = arith.subi %parallel_loop3A_638, %parallel_loop3A_1051 : vector<16xi32>
        %parallel_loop3A_1053 = arith.constant 0 : i32
        %parallel_loop3A_1054 = vector.broadcast %parallel_loop3A_1053 : i32 to vector<16xi32>
        %parallel_loop3A_1055 = arith.maxsi %parallel_loop3A_1052, %parallel_loop3A_1054 : vector<16xi32>
        %parallel_loop3A_1056 = tpu.vector_load_idx %arg25[%parallel_loop3A_555, %parallel_loop3A_1055] : memref<8x16xf32, #tpu.memory_space<vmem>>[vector<16xi32>, vector<16xi32>], vector<16xf32>,
        %parallel_loop3A_1057 = arith.constant 1 : i32
        %parallel_loop3A_1058 = vector.broadcast %parallel_loop3A_1057 : i32 to vector<16xi32>
        %parallel_loop3A_1059 = arith.addi %parallel_loop3A_638, %parallel_loop3A_1058 : vector<16xi32>
        %parallel_loop3A_1060 = arith.constant 15 : i32
        %parallel_loop3A_1061 = vector.broadcast %parallel_loop3A_1060 : i32 to vector<16xi32>
        %parallel_loop3A_1062 = arith.minsi %parallel_loop3A_1059, %parallel_loop3A_1061 : vector<16xi32>
        %parallel_loop3A_1063 = tpu.vector_load_idx %arg25[%parallel_loop3A_555, %parallel_loop3A_1062] : memref<8x16xf32, #tpu.memory_space<vmem>>[vector<16xi32>, vector<16xi32>], vector<16xf32>,
        %parallel_loop3A_1064 = arith.constant 0 : i32
        %parallel_loop3A_1065 = vector.broadcast %parallel_loop3A_1064 : i32 to vector<16xi32>
        %parallel_loop3A_1066 = arith.cmpi eq, %parallel_loop3A_638, %parallel_loop3A_1065 : vector<16xi32>
        %parallel_loop3A_1067 = arith.constant 0.000000e+00 : f32
        %parallel_loop3A_1068 = vector.broadcast %parallel_loop3A_1067 : f32 to vector<16xf32>
        %parallel_loop3A_1069 = arith.constant 2.000000e-01 : f32
        %parallel_loop3A_1070 = vector.broadcast %parallel_loop3A_1069 : f32 to vector<16xf32>
        %parallel_loop3A_1071 = arith.mulf %parallel_loop3A_1048, %parallel_loop3A_1070 : vector<16xf32>
        %parallel_loop3A_1072 = arith.select %parallel_loop3A_1066, %parallel_loop3A_1068, %parallel_loop3A_1071 : vector<16xi1>, vector<16xf32>
        %parallel_loop3A_1073 = arith.constant 2.000000e-01 : f32
        %parallel_loop3A_1074 = vector.broadcast %parallel_loop3A_1073 : f32 to vector<16xf32>
        %parallel_loop3A_1075 = arith.mulf %parallel_loop3A_1049, %parallel_loop3A_1074 : vector<16xf32>
        %parallel_loop3A_1076 = arith.select %parallel_loop3A_1066, %parallel_loop3A_1068, %parallel_loop3A_1075 : vector<16xi1>, vector<16xf32>
        %parallel_loop3A_1077 = arith.select %parallel_loop3A_1066, %parallel_loop3A_1068, %parallel_loop3A_1056 : vector<16xi1>, vector<16xf32>
        %parallel_loop3A_1078 = arith.select %parallel_loop3A_1066, %parallel_loop3A_1068, %parallel_loop3A_1063 : vector<16xi1>, vector<16xf32>
        %parallel_loop3A_1079 = tpu.vector_load_idx %arg23[%parallel_loop3A_638] : memref<16xf32, #tpu.memory_space<vmem>>[vector<16xi32>], vector<16xf32>,
        %parallel_loop3A_1080 = tpu.vector_load_idx %arg24[%parallel_loop3A_638] : memref<16xf32, #tpu.memory_space<vmem>>[vector<16xi32>], vector<16xf32>,
        %parallel_loop3A_1081 = arith.constant 37 : i32
        %parallel_loop3A_1082 = vector.broadcast %parallel_loop3A_1081 : i32 to vector<16xi32>
        tpu.vector_store_idx %arg13[%broadcast_in_dim3A_381, %parallel_loop3A_628, %parallel_loop3A_1082], %parallel_loop3A_1080 masked %parallel_loop3A_620 {add = true} : memref<2x400x63xf32, #tpu.memory_space<vmem>>[vector<16xi32>, vector<16xi32>, vector<16xi32>], vector<16xf32>, vector<16xi1>
        %parallel_loop3A_1083 = arith.constant 38 : i32
        %parallel_loop3A_1084 = vector.broadcast %parallel_loop3A_1083 : i32 to vector<16xi32>
        tpu.vector_store_idx %arg13[%broadcast_in_dim3A_381, %parallel_loop3A_628, %parallel_loop3A_1084], %parallel_loop3A_1079 masked %parallel_loop3A_620 {add = true} : memref<2x400x63xf32, #tpu.memory_space<vmem>>[vector<16xi32>, vector<16xi32>, vector<16xi32>], vector<16xf32>, vector<16xi1>
        %parallel_loop3A_1085 = arith.constant 39 : i32
        %parallel_loop3A_1086 = vector.broadcast %parallel_loop3A_1085 : i32 to vector<16xi32>
        tpu.vector_store_idx %arg13[%broadcast_in_dim3A_381, %parallel_loop3A_628, %parallel_loop3A_1086], %parallel_loop3A_1078 masked %parallel_loop3A_620 {add = true} : memref<2x400x63xf32, #tpu.memory_space<vmem>>[vector<16xi32>, vector<16xi32>, vector<16xi32>], vector<16xf32>, vector<16xi1>
        %parallel_loop3A_1087 = arith.constant 40 : i32
        %parallel_loop3A_1088 = vector.broadcast %parallel_loop3A_1087 : i32 to vector<16xi32>
        tpu.vector_store_idx %arg13[%broadcast_in_dim3A_381, %parallel_loop3A_628, %parallel_loop3A_1088], %parallel_loop3A_1077 masked %parallel_loop3A_620 {add = true} : memref<2x400x63xf32, #tpu.memory_space<vmem>>[vector<16xi32>, vector<16xi32>, vector<16xi32>], vector<16xf32>, vector<16xi1>
        %parallel_loop3A_1089 = arith.constant 41 : i32
        %parallel_loop3A_1090 = vector.broadcast %parallel_loop3A_1089 : i32 to vector<16xi32>
        tpu.vector_store_idx %arg13[%broadcast_in_dim3A_381, %parallel_loop3A_628, %parallel_loop3A_1090], %parallel_loop3A_1076 masked %parallel_loop3A_620 {add = true} : memref<2x400x63xf32, #tpu.memory_space<vmem>>[vector<16xi32>, vector<16xi32>, vector<16xi32>], vector<16xf32>, vector<16xi1>
        %parallel_loop3A_1091 = arith.constant 42 : i32
        %parallel_loop3A_1092 = vector.broadcast %parallel_loop3A_1091 : i32 to vector<16xi32>
        tpu.vector_store_idx %arg13[%broadcast_in_dim3A_381, %parallel_loop3A_628, %parallel_loop3A_1092], %parallel_loop3A_1072 masked %parallel_loop3A_620 {add = true} : memref<2x400x63xf32, #tpu.memory_space<vmem>>[vector<16xi32>, vector<16xi32>, vector<16xi32>], vector<16xf32>, vector<16xi1>
        tpu.vector_store_idx %arg13[%broadcast_in_dim3A_381, %parallel_loop3A_628, %parallel_loop3A_647], %broadcast_in_dim3A_1 masked %parallel_loop3A_620 {add = true} : memref<2x400x63xf32, #tpu.memory_space<vmem>>[vector<16xi32>, vector<16xi32>, vector<16xi32>], vector<16xf32>, vector<16xi1>
        %parallel_loop3A_1093 = arith.constant 5 : i32
        %parallel_loop3A_1094 = vector.broadcast %parallel_loop3A_1093 : i32 to vector<16xi32>
        %parallel_loop3A_1095 = arith.addi %parallel_loop3A_638, %parallel_loop3A_1094 : vector<16xi32>
        tpu.vector_store_idx %arg13[%broadcast_in_dim3A_381, %parallel_loop3A_628, %parallel_loop3A_1095], %broadcast_in_dim3A_1 masked %parallel_loop3A_620 {add = true} : memref<2x400x63xf32, #tpu.memory_space<vmem>>[vector<16xi32>, vector<16xi32>, vector<16xi32>], vector<16xf32>, vector<16xi1>
        %parallel_loop3A_1096 = arith.constant 10 : i32
        %parallel_loop3A_1097 = vector.broadcast %parallel_loop3A_1096 : i32 to vector<16xi32>
        %parallel_loop3A_1098 = arith.shrsi %parallel_loop3A_629, %parallel_loop3A_1097 : vector<16xi32>
        %parallel_loop3A_1099 = arith.constant 15 : i32
        %parallel_loop3A_1100 = vector.broadcast %parallel_loop3A_1099 : i32 to vector<16xi32>
        %parallel_loop3A_1101 = arith.andi %parallel_loop3A_1098, %parallel_loop3A_1100 : vector<16xi32>
        %parallel_loop3A_1102 = arith.constant 15 : i32
        %parallel_loop3A_1103 = vector.broadcast %parallel_loop3A_1102 : i32 to vector<16xi32>
        %parallel_loop3A_1104 = arith.andi %parallel_loop3A_629, %parallel_loop3A_1103 : vector<16xi32>
        %parallel_loop3A_1105 = arith.constant 4 : i32
        %parallel_loop3A_1106 = vector.broadcast %parallel_loop3A_1105 : i32 to vector<16xi32>
        %parallel_loop3A_1107 = arith.shrsi %parallel_loop3A_629, %parallel_loop3A_1106 : vector<16xi32>
        %parallel_loop3A_1108 = arith.constant 7 : i32
        %parallel_loop3A_1109 = vector.broadcast %parallel_loop3A_1108 : i32 to vector<16xi32>
        %parallel_loop3A_1110 = arith.andi %parallel_loop3A_1107, %parallel_loop3A_1109 : vector<16xi32>
        %parallel_loop3A_1111 = arith.constant 7 : i32
        %parallel_loop3A_1112 = vector.broadcast %parallel_loop3A_1111 : i32 to vector<16xi32>
        %parallel_loop3A_1113 = arith.shrsi %parallel_loop3A_629, %parallel_loop3A_1112 : vector<16xi32>
        %parallel_loop3A_1114 = arith.constant 7 : i32
        %parallel_loop3A_1115 = vector.broadcast %parallel_loop3A_1114 : i32 to vector<16xi32>
        %parallel_loop3A_1116 = arith.andi %parallel_loop3A_1113, %parallel_loop3A_1115 : vector<16xi32>
        %parallel_loop3A_1117 = arith.constant 47 : i32
        %parallel_loop3A_1118 = vector.broadcast %parallel_loop3A_1117 : i32 to vector<16xi32>
        %parallel_loop3A_1119 = arith.constant 0 : i32
        %parallel_loop3A_1120 = vector.broadcast %parallel_loop3A_1119 : i32 to vector<16xi32>
        %parallel_loop3A_1121 = tpu.vector_load_idx %arg22[%parallel_loop3A_1101, %parallel_loop3A_1120] : memref<16x4xf32, #tpu.memory_space<vmem>>[vector<16xi32>, vector<16xi32>], vector<16xf32>,
        tpu.vector_store_idx %arg13[%broadcast_in_dim3A_381, %parallel_loop3A_628, %parallel_loop3A_1118], %parallel_loop3A_1121 masked %parallel_loop3A_620 : memref<2x400x63xf32, #tpu.memory_space<vmem>>[vector<16xi32>, vector<16xi32>, vector<16xi32>], vector<16xf32>, vector<16xi1>
        %parallel_loop3A_1122 = arith.constant 48 : i32
        %parallel_loop3A_1123 = vector.broadcast %parallel_loop3A_1122 : i32 to vector<16xi32>
        %parallel_loop3A_1124 = arith.constant 1 : i32
        %parallel_loop3A_1125 = vector.broadcast %parallel_loop3A_1124 : i32 to vector<16xi32>
        %parallel_loop3A_1126 = tpu.vector_load_idx %arg22[%parallel_loop3A_1101, %parallel_loop3A_1125] : memref<16x4xf32, #tpu.memory_space<vmem>>[vector<16xi32>, vector<16xi32>], vector<16xf32>,
        tpu.vector_store_idx %arg13[%broadcast_in_dim3A_381, %parallel_loop3A_628, %parallel_loop3A_1123], %parallel_loop3A_1126 masked %parallel_loop3A_620 : memref<2x400x63xf32, #tpu.memory_space<vmem>>[vector<16xi32>, vector<16xi32>, vector<16xi32>], vector<16xf32>, vector<16xi1>
        %parallel_loop3A_1127 = arith.constant 49 : i32
        %parallel_loop3A_1128 = vector.broadcast %parallel_loop3A_1127 : i32 to vector<16xi32>
        %parallel_loop3A_1129 = arith.constant 2 : i32
        %parallel_loop3A_1130 = vector.broadcast %parallel_loop3A_1129 : i32 to vector<16xi32>
        %parallel_loop3A_1131 = tpu.vector_load_idx %arg22[%parallel_loop3A_1101, %parallel_loop3A_1130] : memref<16x4xf32, #tpu.memory_space<vmem>>[vector<16xi32>, vector<16xi32>], vector<16xf32>,
        tpu.vector_store_idx %arg13[%broadcast_in_dim3A_381, %parallel_loop3A_628, %parallel_loop3A_1128], %parallel_loop3A_1131 masked %parallel_loop3A_620 : memref<2x400x63xf32, #tpu.memory_space<vmem>>[vector<16xi32>, vector<16xi32>, vector<16xi32>], vector<16xf32>, vector<16xi1>
        %parallel_loop3A_1132 = arith.constant 50 : i32
        %parallel_loop3A_1133 = vector.broadcast %parallel_loop3A_1132 : i32 to vector<16xi32>
        %parallel_loop3A_1134 = arith.constant 3 : i32
        %parallel_loop3A_1135 = vector.broadcast %parallel_loop3A_1134 : i32 to vector<16xi32>
        %parallel_loop3A_1136 = tpu.vector_load_idx %arg22[%parallel_loop3A_1101, %parallel_loop3A_1135] : memref<16x4xf32, #tpu.memory_space<vmem>>[vector<16xi32>, vector<16xi32>], vector<16xf32>,
        tpu.vector_store_idx %arg13[%broadcast_in_dim3A_381, %parallel_loop3A_628, %parallel_loop3A_1133], %parallel_loop3A_1136 masked %parallel_loop3A_620 : memref<2x400x63xf32, #tpu.memory_space<vmem>>[vector<16xi32>, vector<16xi32>, vector<16xi32>], vector<16xf32>, vector<16xi1>
        %parallel_loop3A_1137 = arith.constant 51 : i32
        %parallel_loop3A_1138 = vector.broadcast %parallel_loop3A_1137 : i32 to vector<16xi32>
        %parallel_loop3A_1139 = arith.constant 0 : i32
        %parallel_loop3A_1140 = vector.broadcast %parallel_loop3A_1139 : i32 to vector<16xi32>
        %parallel_loop3A_1141 = tpu.vector_load_idx %arg19[%parallel_loop3A_1104, %parallel_loop3A_1140] : memref<16x4xf32, #tpu.memory_space<vmem>>[vector<16xi32>, vector<16xi32>], vector<16xf32>,
        tpu.vector_store_idx %arg13[%broadcast_in_dim3A_381, %parallel_loop3A_628, %parallel_loop3A_1138], %parallel_loop3A_1141 masked %parallel_loop3A_620 : memref<2x400x63xf32, #tpu.memory_space<vmem>>[vector<16xi32>, vector<16xi32>, vector<16xi32>], vector<16xf32>, vector<16xi1>
        %parallel_loop3A_1142 = arith.constant 52 : i32
        %parallel_loop3A_1143 = vector.broadcast %parallel_loop3A_1142 : i32 to vector<16xi32>
        %parallel_loop3A_1144 = arith.constant 1 : i32
        %parallel_loop3A_1145 = vector.broadcast %parallel_loop3A_1144 : i32 to vector<16xi32>
        %parallel_loop3A_1146 = tpu.vector_load_idx %arg19[%parallel_loop3A_1104, %parallel_loop3A_1145] : memref<16x4xf32, #tpu.memory_space<vmem>>[vector<16xi32>, vector<16xi32>], vector<16xf32>,
        tpu.vector_store_idx %arg13[%broadcast_in_dim3A_381, %parallel_loop3A_628, %parallel_loop3A_1143], %parallel_loop3A_1146 masked %parallel_loop3A_620 : memref<2x400x63xf32, #tpu.memory_space<vmem>>[vector<16xi32>, vector<16xi32>, vector<16xi32>], vector<16xf32>, vector<16xi1>
        %parallel_loop3A_1147 = arith.constant 53 : i32
        %parallel_loop3A_1148 = vector.broadcast %parallel_loop3A_1147 : i32 to vector<16xi32>
        %parallel_loop3A_1149 = arith.constant 2 : i32
        %parallel_loop3A_1150 = vector.broadcast %parallel_loop3A_1149 : i32 to vector<16xi32>
        %parallel_loop3A_1151 = tpu.vector_load_idx %arg19[%parallel_loop3A_1104, %parallel_loop3A_1150] : memref<16x4xf32, #tpu.memory_space<vmem>>[vector<16xi32>, vector<16xi32>], vector<16xf32>,
        tpu.vector_store_idx %arg13[%broadcast_in_dim3A_381, %parallel_loop3A_628, %parallel_loop3A_1148], %parallel_loop3A_1151 masked %parallel_loop3A_620 : memref<2x400x63xf32, #tpu.memory_space<vmem>>[vector<16xi32>, vector<16xi32>, vector<16xi32>], vector<16xf32>, vector<16xi1>
        %parallel_loop3A_1152 = arith.constant 54 : i32
        %parallel_loop3A_1153 = vector.broadcast %parallel_loop3A_1152 : i32 to vector<16xi32>
        %parallel_loop3A_1154 = arith.constant 3 : i32
        %parallel_loop3A_1155 = vector.broadcast %parallel_loop3A_1154 : i32 to vector<16xi32>
        %parallel_loop3A_1156 = tpu.vector_load_idx %arg19[%parallel_loop3A_1104, %parallel_loop3A_1155] : memref<16x4xf32, #tpu.memory_space<vmem>>[vector<16xi32>, vector<16xi32>], vector<16xf32>,
        tpu.vector_store_idx %arg13[%broadcast_in_dim3A_381, %parallel_loop3A_628, %parallel_loop3A_1153], %parallel_loop3A_1156 masked %parallel_loop3A_620 : memref<2x400x63xf32, #tpu.memory_space<vmem>>[vector<16xi32>, vector<16xi32>, vector<16xi32>], vector<16xf32>, vector<16xi1>
        %parallel_loop3A_1157 = arith.constant 55 : i32
        %parallel_loop3A_1158 = vector.broadcast %parallel_loop3A_1157 : i32 to vector<16xi32>
        %parallel_loop3A_1159 = arith.constant 0 : i32
        %parallel_loop3A_1160 = vector.broadcast %parallel_loop3A_1159 : i32 to vector<16xi32>
        %parallel_loop3A_1161 = tpu.vector_load_idx %arg20[%parallel_loop3A_1110, %parallel_loop3A_1160] : memref<8x4xf32, #tpu.memory_space<vmem>>[vector<16xi32>, vector<16xi32>], vector<16xf32>,
        tpu.vector_store_idx %arg13[%broadcast_in_dim3A_381, %parallel_loop3A_628, %parallel_loop3A_1158], %parallel_loop3A_1161 masked %parallel_loop3A_620 : memref<2x400x63xf32, #tpu.memory_space<vmem>>[vector<16xi32>, vector<16xi32>, vector<16xi32>], vector<16xf32>, vector<16xi1>
        %parallel_loop3A_1162 = arith.constant 56 : i32
        %parallel_loop3A_1163 = vector.broadcast %parallel_loop3A_1162 : i32 to vector<16xi32>
        %parallel_loop3A_1164 = arith.constant 1 : i32
        %parallel_loop3A_1165 = vector.broadcast %parallel_loop3A_1164 : i32 to vector<16xi32>
        %parallel_loop3A_1166 = tpu.vector_load_idx %arg20[%parallel_loop3A_1110, %parallel_loop3A_1165] : memref<8x4xf32, #tpu.memory_space<vmem>>[vector<16xi32>, vector<16xi32>], vector<16xf32>,
        tpu.vector_store_idx %arg13[%broadcast_in_dim3A_381, %parallel_loop3A_628, %parallel_loop3A_1163], %parallel_loop3A_1166 masked %parallel_loop3A_620 : memref<2x400x63xf32, #tpu.memory_space<vmem>>[vector<16xi32>, vector<16xi32>, vector<16xi32>], vector<16xf32>, vector<16xi1>
        %parallel_loop3A_1167 = arith.constant 57 : i32
        %parallel_loop3A_1168 = vector.broadcast %parallel_loop3A_1167 : i32 to vector<16xi32>
        %parallel_loop3A_1169 = arith.constant 2 : i32
        %parallel_loop3A_1170 = vector.broadcast %parallel_loop3A_1169 : i32 to vector<16xi32>
        %parallel_loop3A_1171 = tpu.vector_load_idx %arg20[%parallel_loop3A_1110, %parallel_loop3A_1170] : memref<8x4xf32, #tpu.memory_space<vmem>>[vector<16xi32>, vector<16xi32>], vector<16xf32>,
        tpu.vector_store_idx %arg13[%broadcast_in_dim3A_381, %parallel_loop3A_628, %parallel_loop3A_1168], %parallel_loop3A_1171 masked %parallel_loop3A_620 : memref<2x400x63xf32, #tpu.memory_space<vmem>>[vector<16xi32>, vector<16xi32>, vector<16xi32>], vector<16xf32>, vector<16xi1>
        %parallel_loop3A_1172 = arith.constant 58 : i32
        %parallel_loop3A_1173 = vector.broadcast %parallel_loop3A_1172 : i32 to vector<16xi32>
        %parallel_loop3A_1174 = arith.constant 3 : i32
        %parallel_loop3A_1175 = vector.broadcast %parallel_loop3A_1174 : i32 to vector<16xi32>
        %parallel_loop3A_1176 = tpu.vector_load_idx %arg20[%parallel_loop3A_1110, %parallel_loop3A_1175] : memref<8x4xf32, #tpu.memory_space<vmem>>[vector<16xi32>, vector<16xi32>], vector<16xf32>,
        tpu.vector_store_idx %arg13[%broadcast_in_dim3A_381, %parallel_loop3A_628, %parallel_loop3A_1173], %parallel_loop3A_1176 masked %parallel_loop3A_620 : memref<2x400x63xf32, #tpu.memory_space<vmem>>[vector<16xi32>, vector<16xi32>, vector<16xi32>], vector<16xf32>, vector<16xi1>
        %parallel_loop3A_1177 = arith.constant 59 : i32
        %parallel_loop3A_1178 = vector.broadcast %parallel_loop3A_1177 : i32 to vector<16xi32>
        %parallel_loop3A_1179 = arith.constant 0 : i32
        %parallel_loop3A_1180 = vector.broadcast %parallel_loop3A_1179 : i32 to vector<16xi32>
        %parallel_loop3A_1181 = tpu.vector_load_idx %arg21[%parallel_loop3A_1116, %parallel_loop3A_1180] : memref<8x4xf32, #tpu.memory_space<vmem>>[vector<16xi32>, vector<16xi32>], vector<16xf32>,
        tpu.vector_store_idx %arg13[%broadcast_in_dim3A_381, %parallel_loop3A_628, %parallel_loop3A_1178], %parallel_loop3A_1181 masked %parallel_loop3A_620 : memref<2x400x63xf32, #tpu.memory_space<vmem>>[vector<16xi32>, vector<16xi32>, vector<16xi32>], vector<16xf32>, vector<16xi1>
        %parallel_loop3A_1182 = arith.constant 60 : i32
        %parallel_loop3A_1183 = vector.broadcast %parallel_loop3A_1182 : i32 to vector<16xi32>
        %parallel_loop3A_1184 = arith.constant 1 : i32
        %parallel_loop3A_1185 = vector.broadcast %parallel_loop3A_1184 : i32 to vector<16xi32>
        %parallel_loop3A_1186 = tpu.vector_load_idx %arg21[%parallel_loop3A_1116, %parallel_loop3A_1185] : memref<8x4xf32, #tpu.memory_space<vmem>>[vector<16xi32>, vector<16xi32>], vector<16xf32>,
        tpu.vector_store_idx %arg13[%broadcast_in_dim3A_381, %parallel_loop3A_628, %parallel_loop3A_1183], %parallel_loop3A_1186 masked %parallel_loop3A_620 : memref<2x400x63xf32, #tpu.memory_space<vmem>>[vector<16xi32>, vector<16xi32>, vector<16xi32>], vector<16xf32>, vector<16xi1>
        %parallel_loop3A_1187 = arith.constant 61 : i32
        %parallel_loop3A_1188 = vector.broadcast %parallel_loop3A_1187 : i32 to vector<16xi32>
        %parallel_loop3A_1189 = arith.constant 2 : i32
        %parallel_loop3A_1190 = vector.broadcast %parallel_loop3A_1189 : i32 to vector<16xi32>
        %parallel_loop3A_1191 = tpu.vector_load_idx %arg21[%parallel_loop3A_1116, %parallel_loop3A_1190] : memref<8x4xf32, #tpu.memory_space<vmem>>[vector<16xi32>, vector<16xi32>], vector<16xf32>,
        tpu.vector_store_idx %arg13[%broadcast_in_dim3A_381, %parallel_loop3A_628, %parallel_loop3A_1188], %parallel_loop3A_1191 masked %parallel_loop3A_620 : memref<2x400x63xf32, #tpu.memory_space<vmem>>[vector<16xi32>, vector<16xi32>, vector<16xi32>], vector<16xf32>, vector<16xi1>
        %parallel_loop3A_1192 = arith.constant 62 : i32
        %parallel_loop3A_1193 = vector.broadcast %parallel_loop3A_1192 : i32 to vector<16xi32>
        %parallel_loop3A_1194 = arith.constant 3 : i32
        %parallel_loop3A_1195 = vector.broadcast %parallel_loop3A_1194 : i32 to vector<16xi32>
        %parallel_loop3A_1196 = tpu.vector_load_idx %arg21[%parallel_loop3A_1116, %parallel_loop3A_1195] : memref<8x4xf32, #tpu.memory_space<vmem>>[vector<16xi32>, vector<16xi32>], vector<16xf32>,
        tpu.vector_store_idx %arg13[%broadcast_in_dim3A_381, %parallel_loop3A_628, %parallel_loop3A_1193], %parallel_loop3A_1196 masked %parallel_loop3A_620 : memref<2x400x63xf32, #tpu.memory_space<vmem>>[vector<16xi32>, vector<16xi32>, vector<16xi32>], vector<16xf32>, vector<16xi1>
        %parallel_loop3A_1197 = arith.constant 4 : i32
        %parallel_loop3A_1198 = vector.broadcast %parallel_loop3A_1197 : i32 to vector<16xi32>
        %parallel_loop3A_1199 = arith.muli %parallel_loop3A_626, %parallel_loop3A_1198 : vector<16xi32>
        %parallel_loop3A_1200 = arith.constant 0 : i32
        %parallel_loop3A_1201 = vector.broadcast %parallel_loop3A_1200 : i32 to vector<16xi32>
        %parallel_loop3A_1202 = arith.addi %parallel_loop3A_1199, %parallel_loop3A_1201 : vector<16xi32>
        %parallel_loop3A_1203 = tpu.vector_load_idx %arg18[%broadcast_in_dim3A_381, %parallel_loop3A_555, %parallel_loop3A_1202] : memref<2x8x200xf32, #tpu.memory_space<vmem>>[vector<16xi32>, vector<16xi32>, vector<16xi32>], vector<16xf32>,
        %parallel_loop3A_1204 = arith.constant 43 : i32
        %parallel_loop3A_1205 = vector.broadcast %parallel_loop3A_1204 : i32 to vector<16xi32>
        tpu.vector_store_idx %arg13[%broadcast_in_dim3A_381, %parallel_loop3A_628, %parallel_loop3A_1205], %parallel_loop3A_1203 masked %parallel_loop3A_620 : memref<2x400x63xf32, #tpu.memory_space<vmem>>[vector<16xi32>, vector<16xi32>, vector<16xi32>], vector<16xf32>, vector<16xi1>
        %parallel_loop3A_1206 = arith.constant 4 : i32
        %parallel_loop3A_1207 = vector.broadcast %parallel_loop3A_1206 : i32 to vector<16xi32>
        %parallel_loop3A_1208 = arith.muli %parallel_loop3A_626, %parallel_loop3A_1207 : vector<16xi32>
        %parallel_loop3A_1209 = arith.constant 1 : i32
        %parallel_loop3A_1210 = vector.broadcast %parallel_loop3A_1209 : i32 to vector<16xi32>
        %parallel_loop3A_1211 = arith.addi %parallel_loop3A_1208, %parallel_loop3A_1210 : vector<16xi32>
        %parallel_loop3A_1212 = tpu.vector_load_idx %arg18[%broadcast_in_dim3A_381, %parallel_loop3A_555, %parallel_loop3A_1211] : memref<2x8x200xf32, #tpu.memory_space<vmem>>[vector<16xi32>, vector<16xi32>, vector<16xi32>], vector<16xf32>,
        %parallel_loop3A_1213 = arith.constant 44 : i32
        %parallel_loop3A_1214 = vector.broadcast %parallel_loop3A_1213 : i32 to vector<16xi32>
        tpu.vector_store_idx %arg13[%broadcast_in_dim3A_381, %parallel_loop3A_628, %parallel_loop3A_1214], %parallel_loop3A_1212 masked %parallel_loop3A_620 : memref<2x400x63xf32, #tpu.memory_space<vmem>>[vector<16xi32>, vector<16xi32>, vector<16xi32>], vector<16xf32>, vector<16xi1>
        %parallel_loop3A_1215 = arith.constant 4 : i32
        %parallel_loop3A_1216 = vector.broadcast %parallel_loop3A_1215 : i32 to vector<16xi32>
        %parallel_loop3A_1217 = arith.muli %parallel_loop3A_626, %parallel_loop3A_1216 : vector<16xi32>
        %parallel_loop3A_1218 = arith.constant 2 : i32
        %parallel_loop3A_1219 = vector.broadcast %parallel_loop3A_1218 : i32 to vector<16xi32>
        %parallel_loop3A_1220 = arith.addi %parallel_loop3A_1217, %parallel_loop3A_1219 : vector<16xi32>
        %parallel_loop3A_1221 = tpu.vector_load_idx %arg18[%broadcast_in_dim3A_381, %parallel_loop3A_555, %parallel_loop3A_1220] : memref<2x8x200xf32, #tpu.memory_space<vmem>>[vector<16xi32>, vector<16xi32>, vector<16xi32>], vector<16xf32>,
        %parallel_loop3A_1222 = arith.constant 45 : i32
        %parallel_loop3A_1223 = vector.broadcast %parallel_loop3A_1222 : i32 to vector<16xi32>
        tpu.vector_store_idx %arg13[%broadcast_in_dim3A_381, %parallel_loop3A_628, %parallel_loop3A_1223], %parallel_loop3A_1221 masked %parallel_loop3A_620 : memref<2x400x63xf32, #tpu.memory_space<vmem>>[vector<16xi32>, vector<16xi32>, vector<16xi32>], vector<16xf32>, vector<16xi1>
        %parallel_loop3A_1224 = arith.constant 4 : i32
        %parallel_loop3A_1225 = vector.broadcast %parallel_loop3A_1224 : i32 to vector<16xi32>
        %parallel_loop3A_1226 = arith.muli %parallel_loop3A_626, %parallel_loop3A_1225 : vector<16xi32>
        %parallel_loop3A_1227 = arith.constant 3 : i32
        %parallel_loop3A_1228 = vector.broadcast %parallel_loop3A_1227 : i32 to vector<16xi32>
        %parallel_loop3A_1229 = arith.addi %parallel_loop3A_1226, %parallel_loop3A_1228 : vector<16xi32>
        %parallel_loop3A_1230 = tpu.vector_load_idx %arg18[%broadcast_in_dim3A_381, %parallel_loop3A_555, %parallel_loop3A_1229] : memref<2x8x200xf32, #tpu.memory_space<vmem>>[vector<16xi32>, vector<16xi32>, vector<16xi32>], vector<16xf32>,
        %parallel_loop3A_1231 = arith.constant 46 : i32
        %parallel_loop3A_1232 = vector.broadcast %parallel_loop3A_1231 : i32 to vector<16xi32>
        tpu.vector_store_idx %arg13[%broadcast_in_dim3A_381, %parallel_loop3A_628, %parallel_loop3A_1232], %parallel_loop3A_1230 masked %parallel_loop3A_620 : memref<2x400x63xf32, #tpu.memory_space<vmem>>[vector<16xi32>, vector<16xi32>, vector<16xi32>], vector<16xf32>, vector<16xi1>
        %parallel_loop3A_1233 = tpu.vector_load_idx %arg25[%parallel_loop3A_555, %parallel_loop3A_668] : memref<8x16xf32, #tpu.memory_space<vmem>>[vector<16xi32>, vector<16xi32>], vector<16xf32>,
        %parallel_loop3A_1234 = tpu.vector_load_idx %arg26[%parallel_loop3A_555, %parallel_loop3A_677] : memref<8x16xf32, #tpu.memory_space<vmem>>[vector<16xi32>, vector<16xi32>], vector<16xf32>,
        %parallel_loop3A_1235 = arith.constant 1 : i32
        %parallel_loop3A_1236 = vector.broadcast %parallel_loop3A_1235 : i32 to vector<16xi32>
        %parallel_loop3A_1237 = arith.subi %parallel_loop3A_668, %parallel_loop3A_1236 : vector<16xi32>
        %parallel_loop3A_1238 = arith.constant 0 : i32
        %parallel_loop3A_1239 = vector.broadcast %parallel_loop3A_1238 : i32 to vector<16xi32>
        %parallel_loop3A_1240 = arith.maxsi %parallel_loop3A_1237, %parallel_loop3A_1239 : vector<16xi32>
        %parallel_loop3A_1241 = tpu.vector_load_idx %arg25[%parallel_loop3A_555, %parallel_loop3A_1240] : memref<8x16xf32, #tpu.memory_space<vmem>>[vector<16xi32>, vector<16xi32>], vector<16xf32>,
        %parallel_loop3A_1242 = arith.constant 1 : i32
        %parallel_loop3A_1243 = vector.broadcast %parallel_loop3A_1242 : i32 to vector<16xi32>
        %parallel_loop3A_1244 = arith.addi %parallel_loop3A_668, %parallel_loop3A_1243 : vector<16xi32>
        %parallel_loop3A_1245 = arith.constant 15 : i32
        %parallel_loop3A_1246 = vector.broadcast %parallel_loop3A_1245 : i32 to vector<16xi32>
        %parallel_loop3A_1247 = arith.minsi %parallel_loop3A_1244, %parallel_loop3A_1246 : vector<16xi32>
        %parallel_loop3A_1248 = tpu.vector_load_idx %arg25[%parallel_loop3A_555, %parallel_loop3A_1247] : memref<8x16xf32, #tpu.memory_space<vmem>>[vector<16xi32>, vector<16xi32>], vector<16xf32>,
        %parallel_loop3A_1249 = arith.constant 0 : i32
        %parallel_loop3A_1250 = vector.broadcast %parallel_loop3A_1249 : i32 to vector<16xi32>
        %parallel_loop3A_1251 = arith.cmpi eq, %parallel_loop3A_668, %parallel_loop3A_1250 : vector<16xi32>
        %parallel_loop3A_1252 = arith.constant 0.000000e+00 : f32
        %parallel_loop3A_1253 = vector.broadcast %parallel_loop3A_1252 : f32 to vector<16xf32>
        %parallel_loop3A_1254 = arith.constant 2.000000e-01 : f32
        %parallel_loop3A_1255 = vector.broadcast %parallel_loop3A_1254 : f32 to vector<16xf32>
        %parallel_loop3A_1256 = arith.mulf %parallel_loop3A_1233, %parallel_loop3A_1255 : vector<16xf32>
        %parallel_loop3A_1257 = arith.select %parallel_loop3A_1251, %parallel_loop3A_1253, %parallel_loop3A_1256 : vector<16xi1>, vector<16xf32>
        %parallel_loop3A_1258 = arith.constant 2.000000e-01 : f32
        %parallel_loop3A_1259 = vector.broadcast %parallel_loop3A_1258 : f32 to vector<16xf32>
        %parallel_loop3A_1260 = arith.mulf %parallel_loop3A_1234, %parallel_loop3A_1259 : vector<16xf32>
        %parallel_loop3A_1261 = arith.select %parallel_loop3A_1251, %parallel_loop3A_1253, %parallel_loop3A_1260 : vector<16xi1>, vector<16xf32>
        %parallel_loop3A_1262 = arith.select %parallel_loop3A_1251, %parallel_loop3A_1253, %parallel_loop3A_1241 : vector<16xi1>, vector<16xf32>
        %parallel_loop3A_1263 = arith.select %parallel_loop3A_1251, %parallel_loop3A_1253, %parallel_loop3A_1248 : vector<16xi1>, vector<16xf32>
        %parallel_loop3A_1264 = tpu.vector_load_idx %arg23[%parallel_loop3A_668] : memref<16xf32, #tpu.memory_space<vmem>>[vector<16xi32>], vector<16xf32>,
        %parallel_loop3A_1265 = tpu.vector_load_idx %arg24[%parallel_loop3A_668] : memref<16xf32, #tpu.memory_space<vmem>>[vector<16xi32>], vector<16xf32>,
        %parallel_loop3A_1266 = arith.constant 37 : i32
        %parallel_loop3A_1267 = vector.broadcast %parallel_loop3A_1266 : i32 to vector<16xi32>
        tpu.vector_store_idx %arg13[%broadcast_in_dim3A_381, %parallel_loop3A_658, %parallel_loop3A_1267], %parallel_loop3A_1265 masked %parallel_loop3A_650 {add = true} : memref<2x400x63xf32, #tpu.memory_space<vmem>>[vector<16xi32>, vector<16xi32>, vector<16xi32>], vector<16xf32>, vector<16xi1>
        %parallel_loop3A_1268 = arith.constant 38 : i32
        %parallel_loop3A_1269 = vector.broadcast %parallel_loop3A_1268 : i32 to vector<16xi32>
        tpu.vector_store_idx %arg13[%broadcast_in_dim3A_381, %parallel_loop3A_658, %parallel_loop3A_1269], %parallel_loop3A_1264 masked %parallel_loop3A_650 {add = true} : memref<2x400x63xf32, #tpu.memory_space<vmem>>[vector<16xi32>, vector<16xi32>, vector<16xi32>], vector<16xf32>, vector<16xi1>
        %parallel_loop3A_1270 = arith.constant 39 : i32
        %parallel_loop3A_1271 = vector.broadcast %parallel_loop3A_1270 : i32 to vector<16xi32>
        tpu.vector_store_idx %arg13[%broadcast_in_dim3A_381, %parallel_loop3A_658, %parallel_loop3A_1271], %parallel_loop3A_1263 masked %parallel_loop3A_650 {add = true} : memref<2x400x63xf32, #tpu.memory_space<vmem>>[vector<16xi32>, vector<16xi32>, vector<16xi32>], vector<16xf32>, vector<16xi1>
        %parallel_loop3A_1272 = arith.constant 40 : i32
        %parallel_loop3A_1273 = vector.broadcast %parallel_loop3A_1272 : i32 to vector<16xi32>
        tpu.vector_store_idx %arg13[%broadcast_in_dim3A_381, %parallel_loop3A_658, %parallel_loop3A_1273], %parallel_loop3A_1262 masked %parallel_loop3A_650 {add = true} : memref<2x400x63xf32, #tpu.memory_space<vmem>>[vector<16xi32>, vector<16xi32>, vector<16xi32>], vector<16xf32>, vector<16xi1>
        %parallel_loop3A_1274 = arith.constant 41 : i32
        %parallel_loop3A_1275 = vector.broadcast %parallel_loop3A_1274 : i32 to vector<16xi32>
        tpu.vector_store_idx %arg13[%broadcast_in_dim3A_381, %parallel_loop3A_658, %parallel_loop3A_1275], %parallel_loop3A_1261 masked %parallel_loop3A_650 {add = true} : memref<2x400x63xf32, #tpu.memory_space<vmem>>[vector<16xi32>, vector<16xi32>, vector<16xi32>], vector<16xf32>, vector<16xi1>
        %parallel_loop3A_1276 = arith.constant 42 : i32
        %parallel_loop3A_1277 = vector.broadcast %parallel_loop3A_1276 : i32 to vector<16xi32>
        tpu.vector_store_idx %arg13[%broadcast_in_dim3A_381, %parallel_loop3A_658, %parallel_loop3A_1277], %parallel_loop3A_1257 masked %parallel_loop3A_650 {add = true} : memref<2x400x63xf32, #tpu.memory_space<vmem>>[vector<16xi32>, vector<16xi32>, vector<16xi32>], vector<16xf32>, vector<16xi1>
        tpu.vector_store_idx %arg13[%broadcast_in_dim3A_381, %parallel_loop3A_658, %parallel_loop3A_677], %broadcast_in_dim3A_1 masked %parallel_loop3A_650 {add = true} : memref<2x400x63xf32, #tpu.memory_space<vmem>>[vector<16xi32>, vector<16xi32>, vector<16xi32>], vector<16xf32>, vector<16xi1>
        %parallel_loop3A_1278 = arith.constant 5 : i32
        %parallel_loop3A_1279 = vector.broadcast %parallel_loop3A_1278 : i32 to vector<16xi32>
        %parallel_loop3A_1280 = arith.addi %parallel_loop3A_668, %parallel_loop3A_1279 : vector<16xi32>
        tpu.vector_store_idx %arg13[%broadcast_in_dim3A_381, %parallel_loop3A_658, %parallel_loop3A_1280], %broadcast_in_dim3A_1 masked %parallel_loop3A_650 {add = true} : memref<2x400x63xf32, #tpu.memory_space<vmem>>[vector<16xi32>, vector<16xi32>, vector<16xi32>], vector<16xf32>, vector<16xi1>
        %parallel_loop3A_1281 = arith.constant 10 : i32
        %parallel_loop3A_1282 = vector.broadcast %parallel_loop3A_1281 : i32 to vector<16xi32>
        %parallel_loop3A_1283 = arith.shrsi %parallel_loop3A_659, %parallel_loop3A_1282 : vector<16xi32>
        %parallel_loop3A_1284 = arith.constant 15 : i32
        %parallel_loop3A_1285 = vector.broadcast %parallel_loop3A_1284 : i32 to vector<16xi32>
        %parallel_loop3A_1286 = arith.andi %parallel_loop3A_1283, %parallel_loop3A_1285 : vector<16xi32>
        %parallel_loop3A_1287 = arith.constant 15 : i32
        %parallel_loop3A_1288 = vector.broadcast %parallel_loop3A_1287 : i32 to vector<16xi32>
        %parallel_loop3A_1289 = arith.andi %parallel_loop3A_659, %parallel_loop3A_1288 : vector<16xi32>
        %parallel_loop3A_1290 = arith.constant 4 : i32
        %parallel_loop3A_1291 = vector.broadcast %parallel_loop3A_1290 : i32 to vector<16xi32>
        %parallel_loop3A_1292 = arith.shrsi %parallel_loop3A_659, %parallel_loop3A_1291 : vector<16xi32>
        %parallel_loop3A_1293 = arith.constant 7 : i32
        %parallel_loop3A_1294 = vector.broadcast %parallel_loop3A_1293 : i32 to vector<16xi32>
        %parallel_loop3A_1295 = arith.andi %parallel_loop3A_1292, %parallel_loop3A_1294 : vector<16xi32>
        %parallel_loop3A_1296 = arith.constant 7 : i32
        %parallel_loop3A_1297 = vector.broadcast %parallel_loop3A_1296 : i32 to vector<16xi32>
        %parallel_loop3A_1298 = arith.shrsi %parallel_loop3A_659, %parallel_loop3A_1297 : vector<16xi32>
        %parallel_loop3A_1299 = arith.constant 7 : i32
        %parallel_loop3A_1300 = vector.broadcast %parallel_loop3A_1299 : i32 to vector<16xi32>
        %parallel_loop3A_1301 = arith.andi %parallel_loop3A_1298, %parallel_loop3A_1300 : vector<16xi32>
        %parallel_loop3A_1302 = arith.constant 47 : i32
        %parallel_loop3A_1303 = vector.broadcast %parallel_loop3A_1302 : i32 to vector<16xi32>
        %parallel_loop3A_1304 = arith.constant 0 : i32
        %parallel_loop3A_1305 = vector.broadcast %parallel_loop3A_1304 : i32 to vector<16xi32>
        %parallel_loop3A_1306 = tpu.vector_load_idx %arg22[%parallel_loop3A_1286, %parallel_loop3A_1305] : memref<16x4xf32, #tpu.memory_space<vmem>>[vector<16xi32>, vector<16xi32>], vector<16xf32>,
        tpu.vector_store_idx %arg13[%broadcast_in_dim3A_381, %parallel_loop3A_658, %parallel_loop3A_1303], %parallel_loop3A_1306 masked %parallel_loop3A_650 : memref<2x400x63xf32, #tpu.memory_space<vmem>>[vector<16xi32>, vector<16xi32>, vector<16xi32>], vector<16xf32>, vector<16xi1>
        %parallel_loop3A_1307 = arith.constant 48 : i32
        %parallel_loop3A_1308 = vector.broadcast %parallel_loop3A_1307 : i32 to vector<16xi32>
        %parallel_loop3A_1309 = arith.constant 1 : i32
        %parallel_loop3A_1310 = vector.broadcast %parallel_loop3A_1309 : i32 to vector<16xi32>
        %parallel_loop3A_1311 = tpu.vector_load_idx %arg22[%parallel_loop3A_1286, %parallel_loop3A_1310] : memref<16x4xf32, #tpu.memory_space<vmem>>[vector<16xi32>, vector<16xi32>], vector<16xf32>,
        tpu.vector_store_idx %arg13[%broadcast_in_dim3A_381, %parallel_loop3A_658, %parallel_loop3A_1308], %parallel_loop3A_1311 masked %parallel_loop3A_650 : memref<2x400x63xf32, #tpu.memory_space<vmem>>[vector<16xi32>, vector<16xi32>, vector<16xi32>], vector<16xf32>, vector<16xi1>
        %parallel_loop3A_1312 = arith.constant 49 : i32
        %parallel_loop3A_1313 = vector.broadcast %parallel_loop3A_1312 : i32 to vector<16xi32>
        %parallel_loop3A_1314 = arith.constant 2 : i32
        %parallel_loop3A_1315 = vector.broadcast %parallel_loop3A_1314 : i32 to vector<16xi32>
        %parallel_loop3A_1316 = tpu.vector_load_idx %arg22[%parallel_loop3A_1286, %parallel_loop3A_1315] : memref<16x4xf32, #tpu.memory_space<vmem>>[vector<16xi32>, vector<16xi32>], vector<16xf32>,
        tpu.vector_store_idx %arg13[%broadcast_in_dim3A_381, %parallel_loop3A_658, %parallel_loop3A_1313], %parallel_loop3A_1316 masked %parallel_loop3A_650 : memref<2x400x63xf32, #tpu.memory_space<vmem>>[vector<16xi32>, vector<16xi32>, vector<16xi32>], vector<16xf32>, vector<16xi1>
        %parallel_loop3A_1317 = arith.constant 50 : i32
        %parallel_loop3A_1318 = vector.broadcast %parallel_loop3A_1317 : i32 to vector<16xi32>
        %parallel_loop3A_1319 = arith.constant 3 : i32
        %parallel_loop3A_1320 = vector.broadcast %parallel_loop3A_1319 : i32 to vector<16xi32>
        %parallel_loop3A_1321 = tpu.vector_load_idx %arg22[%parallel_loop3A_1286, %parallel_loop3A_1320] : memref<16x4xf32, #tpu.memory_space<vmem>>[vector<16xi32>, vector<16xi32>], vector<16xf32>,
        tpu.vector_store_idx %arg13[%broadcast_in_dim3A_381, %parallel_loop3A_658, %parallel_loop3A_1318], %parallel_loop3A_1321 masked %parallel_loop3A_650 : memref<2x400x63xf32, #tpu.memory_space<vmem>>[vector<16xi32>, vector<16xi32>, vector<16xi32>], vector<16xf32>, vector<16xi1>
        %parallel_loop3A_1322 = arith.constant 51 : i32
        %parallel_loop3A_1323 = vector.broadcast %parallel_loop3A_1322 : i32 to vector<16xi32>
        %parallel_loop3A_1324 = arith.constant 0 : i32
        %parallel_loop3A_1325 = vector.broadcast %parallel_loop3A_1324 : i32 to vector<16xi32>
        %parallel_loop3A_1326 = tpu.vector_load_idx %arg19[%parallel_loop3A_1289, %parallel_loop3A_1325] : memref<16x4xf32, #tpu.memory_space<vmem>>[vector<16xi32>, vector<16xi32>], vector<16xf32>,
        tpu.vector_store_idx %arg13[%broadcast_in_dim3A_381, %parallel_loop3A_658, %parallel_loop3A_1323], %parallel_loop3A_1326 masked %parallel_loop3A_650 : memref<2x400x63xf32, #tpu.memory_space<vmem>>[vector<16xi32>, vector<16xi32>, vector<16xi32>], vector<16xf32>, vector<16xi1>
        %parallel_loop3A_1327 = arith.constant 52 : i32
        %parallel_loop3A_1328 = vector.broadcast %parallel_loop3A_1327 : i32 to vector<16xi32>
        %parallel_loop3A_1329 = arith.constant 1 : i32
        %parallel_loop3A_1330 = vector.broadcast %parallel_loop3A_1329 : i32 to vector<16xi32>
        %parallel_loop3A_1331 = tpu.vector_load_idx %arg19[%parallel_loop3A_1289, %parallel_loop3A_1330] : memref<16x4xf32, #tpu.memory_space<vmem>>[vector<16xi32>, vector<16xi32>], vector<16xf32>,
        tpu.vector_store_idx %arg13[%broadcast_in_dim3A_381, %parallel_loop3A_658, %parallel_loop3A_1328], %parallel_loop3A_1331 masked %parallel_loop3A_650 : memref<2x400x63xf32, #tpu.memory_space<vmem>>[vector<16xi32>, vector<16xi32>, vector<16xi32>], vector<16xf32>, vector<16xi1>
        %parallel_loop3A_1332 = arith.constant 53 : i32
        %parallel_loop3A_1333 = vector.broadcast %parallel_loop3A_1332 : i32 to vector<16xi32>
        %parallel_loop3A_1334 = arith.constant 2 : i32
        %parallel_loop3A_1335 = vector.broadcast %parallel_loop3A_1334 : i32 to vector<16xi32>
        %parallel_loop3A_1336 = tpu.vector_load_idx %arg19[%parallel_loop3A_1289, %parallel_loop3A_1335] : memref<16x4xf32, #tpu.memory_space<vmem>>[vector<16xi32>, vector<16xi32>], vector<16xf32>,
        tpu.vector_store_idx %arg13[%broadcast_in_dim3A_381, %parallel_loop3A_658, %parallel_loop3A_1333], %parallel_loop3A_1336 masked %parallel_loop3A_650 : memref<2x400x63xf32, #tpu.memory_space<vmem>>[vector<16xi32>, vector<16xi32>, vector<16xi32>], vector<16xf32>, vector<16xi1>
        %parallel_loop3A_1337 = arith.constant 54 : i32
        %parallel_loop3A_1338 = vector.broadcast %parallel_loop3A_1337 : i32 to vector<16xi32>
        %parallel_loop3A_1339 = arith.constant 3 : i32
        %parallel_loop3A_1340 = vector.broadcast %parallel_loop3A_1339 : i32 to vector<16xi32>
        %parallel_loop3A_1341 = tpu.vector_load_idx %arg19[%parallel_loop3A_1289, %parallel_loop3A_1340] : memref<16x4xf32, #tpu.memory_space<vmem>>[vector<16xi32>, vector<16xi32>], vector<16xf32>,
        tpu.vector_store_idx %arg13[%broadcast_in_dim3A_381, %parallel_loop3A_658, %parallel_loop3A_1338], %parallel_loop3A_1341 masked %parallel_loop3A_650 : memref<2x400x63xf32, #tpu.memory_space<vmem>>[vector<16xi32>, vector<16xi32>, vector<16xi32>], vector<16xf32>, vector<16xi1>
        %parallel_loop3A_1342 = arith.constant 55 : i32
        %parallel_loop3A_1343 = vector.broadcast %parallel_loop3A_1342 : i32 to vector<16xi32>
        %parallel_loop3A_1344 = arith.constant 0 : i32
        %parallel_loop3A_1345 = vector.broadcast %parallel_loop3A_1344 : i32 to vector<16xi32>
        %parallel_loop3A_1346 = tpu.vector_load_idx %arg20[%parallel_loop3A_1295, %parallel_loop3A_1345] : memref<8x4xf32, #tpu.memory_space<vmem>>[vector<16xi32>, vector<16xi32>], vector<16xf32>,
        tpu.vector_store_idx %arg13[%broadcast_in_dim3A_381, %parallel_loop3A_658, %parallel_loop3A_1343], %parallel_loop3A_1346 masked %parallel_loop3A_650 : memref<2x400x63xf32, #tpu.memory_space<vmem>>[vector<16xi32>, vector<16xi32>, vector<16xi32>], vector<16xf32>, vector<16xi1>
        %parallel_loop3A_1347 = arith.constant 56 : i32
        %parallel_loop3A_1348 = vector.broadcast %parallel_loop3A_1347 : i32 to vector<16xi32>
        %parallel_loop3A_1349 = arith.constant 1 : i32
        %parallel_loop3A_1350 = vector.broadcast %parallel_loop3A_1349 : i32 to vector<16xi32>
        %parallel_loop3A_1351 = tpu.vector_load_idx %arg20[%parallel_loop3A_1295, %parallel_loop3A_1350] : memref<8x4xf32, #tpu.memory_space<vmem>>[vector<16xi32>, vector<16xi32>], vector<16xf32>,
        tpu.vector_store_idx %arg13[%broadcast_in_dim3A_381, %parallel_loop3A_658, %parallel_loop3A_1348], %parallel_loop3A_1351 masked %parallel_loop3A_650 : memref<2x400x63xf32, #tpu.memory_space<vmem>>[vector<16xi32>, vector<16xi32>, vector<16xi32>], vector<16xf32>, vector<16xi1>
        %parallel_loop3A_1352 = arith.constant 57 : i32
        %parallel_loop3A_1353 = vector.broadcast %parallel_loop3A_1352 : i32 to vector<16xi32>
        %parallel_loop3A_1354 = arith.constant 2 : i32
        %parallel_loop3A_1355 = vector.broadcast %parallel_loop3A_1354 : i32 to vector<16xi32>
        %parallel_loop3A_1356 = tpu.vector_load_idx %arg20[%parallel_loop3A_1295, %parallel_loop3A_1355] : memref<8x4xf32, #tpu.memory_space<vmem>>[vector<16xi32>, vector<16xi32>], vector<16xf32>,
        tpu.vector_store_idx %arg13[%broadcast_in_dim3A_381, %parallel_loop3A_658, %parallel_loop3A_1353], %parallel_loop3A_1356 masked %parallel_loop3A_650 : memref<2x400x63xf32, #tpu.memory_space<vmem>>[vector<16xi32>, vector<16xi32>, vector<16xi32>], vector<16xf32>, vector<16xi1>
        %parallel_loop3A_1357 = arith.constant 58 : i32
        %parallel_loop3A_1358 = vector.broadcast %parallel_loop3A_1357 : i32 to vector<16xi32>
        %parallel_loop3A_1359 = arith.constant 3 : i32
        %parallel_loop3A_1360 = vector.broadcast %parallel_loop3A_1359 : i32 to vector<16xi32>
        %parallel_loop3A_1361 = tpu.vector_load_idx %arg20[%parallel_loop3A_1295, %parallel_loop3A_1360] : memref<8x4xf32, #tpu.memory_space<vmem>>[vector<16xi32>, vector<16xi32>], vector<16xf32>,
        tpu.vector_store_idx %arg13[%broadcast_in_dim3A_381, %parallel_loop3A_658, %parallel_loop3A_1358], %parallel_loop3A_1361 masked %parallel_loop3A_650 : memref<2x400x63xf32, #tpu.memory_space<vmem>>[vector<16xi32>, vector<16xi32>, vector<16xi32>], vector<16xf32>, vector<16xi1>
        %parallel_loop3A_1362 = arith.constant 59 : i32
        %parallel_loop3A_1363 = vector.broadcast %parallel_loop3A_1362 : i32 to vector<16xi32>
        %parallel_loop3A_1364 = arith.constant 0 : i32
        %parallel_loop3A_1365 = vector.broadcast %parallel_loop3A_1364 : i32 to vector<16xi32>
        %parallel_loop3A_1366 = tpu.vector_load_idx %arg21[%parallel_loop3A_1301, %parallel_loop3A_1365] : memref<8x4xf32, #tpu.memory_space<vmem>>[vector<16xi32>, vector<16xi32>], vector<16xf32>,
        tpu.vector_store_idx %arg13[%broadcast_in_dim3A_381, %parallel_loop3A_658, %parallel_loop3A_1363], %parallel_loop3A_1366 masked %parallel_loop3A_650 : memref<2x400x63xf32, #tpu.memory_space<vmem>>[vector<16xi32>, vector<16xi32>, vector<16xi32>], vector<16xf32>, vector<16xi1>
        %parallel_loop3A_1367 = arith.constant 60 : i32
        %parallel_loop3A_1368 = vector.broadcast %parallel_loop3A_1367 : i32 to vector<16xi32>
        %parallel_loop3A_1369 = arith.constant 1 : i32
        %parallel_loop3A_1370 = vector.broadcast %parallel_loop3A_1369 : i32 to vector<16xi32>
        %parallel_loop3A_1371 = tpu.vector_load_idx %arg21[%parallel_loop3A_1301, %parallel_loop3A_1370] : memref<8x4xf32, #tpu.memory_space<vmem>>[vector<16xi32>, vector<16xi32>], vector<16xf32>,
        tpu.vector_store_idx %arg13[%broadcast_in_dim3A_381, %parallel_loop3A_658, %parallel_loop3A_1368], %parallel_loop3A_1371 masked %parallel_loop3A_650 : memref<2x400x63xf32, #tpu.memory_space<vmem>>[vector<16xi32>, vector<16xi32>, vector<16xi32>], vector<16xf32>, vector<16xi1>
        %parallel_loop3A_1372 = arith.constant 61 : i32
        %parallel_loop3A_1373 = vector.broadcast %parallel_loop3A_1372 : i32 to vector<16xi32>
        %parallel_loop3A_1374 = arith.constant 2 : i32
        %parallel_loop3A_1375 = vector.broadcast %parallel_loop3A_1374 : i32 to vector<16xi32>
        %parallel_loop3A_1376 = tpu.vector_load_idx %arg21[%parallel_loop3A_1301, %parallel_loop3A_1375] : memref<8x4xf32, #tpu.memory_space<vmem>>[vector<16xi32>, vector<16xi32>], vector<16xf32>,
        tpu.vector_store_idx %arg13[%broadcast_in_dim3A_381, %parallel_loop3A_658, %parallel_loop3A_1373], %parallel_loop3A_1376 masked %parallel_loop3A_650 : memref<2x400x63xf32, #tpu.memory_space<vmem>>[vector<16xi32>, vector<16xi32>, vector<16xi32>], vector<16xf32>, vector<16xi1>
        %parallel_loop3A_1377 = arith.constant 62 : i32
        %parallel_loop3A_1378 = vector.broadcast %parallel_loop3A_1377 : i32 to vector<16xi32>
        %parallel_loop3A_1379 = arith.constant 3 : i32
        %parallel_loop3A_1380 = vector.broadcast %parallel_loop3A_1379 : i32 to vector<16xi32>
        %parallel_loop3A_1381 = tpu.vector_load_idx %arg21[%parallel_loop3A_1301, %parallel_loop3A_1380] : memref<8x4xf32, #tpu.memory_space<vmem>>[vector<16xi32>, vector<16xi32>], vector<16xf32>,
        tpu.vector_store_idx %arg13[%broadcast_in_dim3A_381, %parallel_loop3A_658, %parallel_loop3A_1378], %parallel_loop3A_1381 masked %parallel_loop3A_650 : memref<2x400x63xf32, #tpu.memory_space<vmem>>[vector<16xi32>, vector<16xi32>, vector<16xi32>], vector<16xf32>, vector<16xi1>
        %parallel_loop3A_1382 = arith.constant 4 : i32
        %parallel_loop3A_1383 = vector.broadcast %parallel_loop3A_1382 : i32 to vector<16xi32>
        %parallel_loop3A_1384 = arith.muli %parallel_loop3A_656, %parallel_loop3A_1383 : vector<16xi32>
        %parallel_loop3A_1385 = arith.constant 0 : i32
        %parallel_loop3A_1386 = vector.broadcast %parallel_loop3A_1385 : i32 to vector<16xi32>
        %parallel_loop3A_1387 = arith.addi %parallel_loop3A_1384, %parallel_loop3A_1386 : vector<16xi32>
        %parallel_loop3A_1388 = tpu.vector_load_idx %arg18[%broadcast_in_dim3A_381, %parallel_loop3A_555, %parallel_loop3A_1387] : memref<2x8x200xf32, #tpu.memory_space<vmem>>[vector<16xi32>, vector<16xi32>, vector<16xi32>], vector<16xf32>,
        %parallel_loop3A_1389 = arith.constant 43 : i32
        %parallel_loop3A_1390 = vector.broadcast %parallel_loop3A_1389 : i32 to vector<16xi32>
        tpu.vector_store_idx %arg13[%broadcast_in_dim3A_381, %parallel_loop3A_658, %parallel_loop3A_1390], %parallel_loop3A_1388 masked %parallel_loop3A_650 : memref<2x400x63xf32, #tpu.memory_space<vmem>>[vector<16xi32>, vector<16xi32>, vector<16xi32>], vector<16xf32>, vector<16xi1>
        %parallel_loop3A_1391 = arith.constant 4 : i32
        %parallel_loop3A_1392 = vector.broadcast %parallel_loop3A_1391 : i32 to vector<16xi32>
        %parallel_loop3A_1393 = arith.muli %parallel_loop3A_656, %parallel_loop3A_1392 : vector<16xi32>
        %parallel_loop3A_1394 = arith.constant 1 : i32
        %parallel_loop3A_1395 = vector.broadcast %parallel_loop3A_1394 : i32 to vector<16xi32>
        %parallel_loop3A_1396 = arith.addi %parallel_loop3A_1393, %parallel_loop3A_1395 : vector<16xi32>
        %parallel_loop3A_1397 = tpu.vector_load_idx %arg18[%broadcast_in_dim3A_381, %parallel_loop3A_555, %parallel_loop3A_1396] : memref<2x8x200xf32, #tpu.memory_space<vmem>>[vector<16xi32>, vector<16xi32>, vector<16xi32>], vector<16xf32>,
        %parallel_loop3A_1398 = arith.constant 44 : i32
        %parallel_loop3A_1399 = vector.broadcast %parallel_loop3A_1398 : i32 to vector<16xi32>
        tpu.vector_store_idx %arg13[%broadcast_in_dim3A_381, %parallel_loop3A_658, %parallel_loop3A_1399], %parallel_loop3A_1397 masked %parallel_loop3A_650 : memref<2x400x63xf32, #tpu.memory_space<vmem>>[vector<16xi32>, vector<16xi32>, vector<16xi32>], vector<16xf32>, vector<16xi1>
        %parallel_loop3A_1400 = arith.constant 4 : i32
        %parallel_loop3A_1401 = vector.broadcast %parallel_loop3A_1400 : i32 to vector<16xi32>
        %parallel_loop3A_1402 = arith.muli %parallel_loop3A_656, %parallel_loop3A_1401 : vector<16xi32>
        %parallel_loop3A_1403 = arith.constant 2 : i32
        %parallel_loop3A_1404 = vector.broadcast %parallel_loop3A_1403 : i32 to vector<16xi32>
        %parallel_loop3A_1405 = arith.addi %parallel_loop3A_1402, %parallel_loop3A_1404 : vector<16xi32>
        %parallel_loop3A_1406 = tpu.vector_load_idx %arg18[%broadcast_in_dim3A_381, %parallel_loop3A_555, %parallel_loop3A_1405] : memref<2x8x200xf32, #tpu.memory_space<vmem>>[vector<16xi32>, vector<16xi32>, vector<16xi32>], vector<16xf32>,
        %parallel_loop3A_1407 = arith.constant 45 : i32
        %parallel_loop3A_1408 = vector.broadcast %parallel_loop3A_1407 : i32 to vector<16xi32>
        tpu.vector_store_idx %arg13[%broadcast_in_dim3A_381, %parallel_loop3A_658, %parallel_loop3A_1408], %parallel_loop3A_1406 masked %parallel_loop3A_650 : memref<2x400x63xf32, #tpu.memory_space<vmem>>[vector<16xi32>, vector<16xi32>, vector<16xi32>], vector<16xf32>, vector<16xi1>
        %parallel_loop3A_1409 = arith.constant 4 : i32
        %parallel_loop3A_1410 = vector.broadcast %parallel_loop3A_1409 : i32 to vector<16xi32>
        %parallel_loop3A_1411 = arith.muli %parallel_loop3A_656, %parallel_loop3A_1410 : vector<16xi32>
        %parallel_loop3A_1412 = arith.constant 3 : i32
        %parallel_loop3A_1413 = vector.broadcast %parallel_loop3A_1412 : i32 to vector<16xi32>
        %parallel_loop3A_1414 = arith.addi %parallel_loop3A_1411, %parallel_loop3A_1413 : vector<16xi32>
        %parallel_loop3A_1415 = tpu.vector_load_idx %arg18[%broadcast_in_dim3A_381, %parallel_loop3A_555, %parallel_loop3A_1414] : memref<2x8x200xf32, #tpu.memory_space<vmem>>[vector<16xi32>, vector<16xi32>, vector<16xi32>], vector<16xf32>,
        %parallel_loop3A_1416 = arith.constant 46 : i32
        %parallel_loop3A_1417 = vector.broadcast %parallel_loop3A_1416 : i32 to vector<16xi32>
        tpu.vector_store_idx %arg13[%broadcast_in_dim3A_381, %parallel_loop3A_658, %parallel_loop3A_1417], %parallel_loop3A_1415 masked %parallel_loop3A_650 : memref<2x400x63xf32, #tpu.memory_space<vmem>>[vector<16xi32>, vector<16xi32>, vector<16xi32>], vector<16xf32>, vector<16xi1>
        scf.yield %parallel_loop3A_548 : i32
      } {sc.loop_unroll_factor = 1 : i64, sc.parallel_access}
      %gt3A = arith.constant 0 : i32
      %gt3A_386 = arith.cmpi sgt, %scan3A_308, %gt3A : i32
      %convert_element_type3A_387 = arith.extui %gt3A_386 : i1 to i32
      %cond3A_388 = arith.constant 0 : i32
      %cond3A_389 = arith.cmpi ne, %convert_element_type3A_387, %cond3A_388 : i32
      scf.if %cond3A_389 {
        %dma_wait3A_547 = arith.constant 0 : i32
        %dma_wait3A_548 = arith.constant 0 : i32
        %dma_wait3A_549 = arith.constant 0 : i32
        %dma_wait3A_550 = arith.constant 0 : i32
        %dma_wait3A_551 = tpu.memref_slice %arg13[%dma_wait3A_548, %dma_wait3A_549, %dma_wait3A_550] : memref<2x400x63xf32, #tpu.memory_space<vmem>> -> memref<1x50x63xf32, #tpu.memory_space<vmem>>
        %dma_wait3A_552 = tpu.memref_squeeze %dma_wait3A_551 : memref<1x50x63xf32, #tpu.memory_space<vmem>> -> memref<50x63xf32, #tpu.memory_space<vmem>>
        %dma_wait3A_553 = arith.constant 0 : i32
        %dma_wait3A_554 = arith.constant 0 : i32
        %dma_wait3A_555 = tpu.memref_slice %arg12[%dma_wait3A_547, %dma_wait3A_553, %dma_wait3A_554] : memref<4096x50x63xf32, #tpu.memory_space<hbm>> -> memref<1x50x63xf32, #tpu.memory_space<hbm>>
        %dma_wait3A_556 = tpu.memref_squeeze %dma_wait3A_555 : memref<1x50x63xf32, #tpu.memory_space<hbm>> -> memref<50x63xf32, #tpu.memory_space<hbm>>
        %dma_wait3A_557 = arith.constant 0 : i32
        %dma_wait3A_558 = arith.constant 0 : i32
        %dma_wait3A_559 = tpu.memref_slice %arg13[%dma_wait3A_548, %dma_wait3A_557, %dma_wait3A_558] : memref<2x400x63xf32, #tpu.memory_space<vmem>> -> memref<1x50x63xf32, #tpu.memory_space<vmem>>
        %dma_wait3A_560 = tpu.memref_squeeze %dma_wait3A_559 : memref<1x50x63xf32, #tpu.memory_space<vmem>> -> memref<50x63xf32, #tpu.memory_space<vmem>>
        %dma_wait3A_561 = arith.constant 0 : i32
        %dma_wait3A_562 = arith.constant 0 : i32
        %dma_wait3A_563 = tpu.memref_slice %arg12[%dma_wait3A_547, %dma_wait3A_561, %dma_wait3A_562] : memref<4096x50x63xf32, #tpu.memory_space<hbm>> -> memref<1x50x63xf32, #tpu.memory_space<hbm>>
        %dma_wait3A_564 = tpu.memref_squeeze %dma_wait3A_563 : memref<1x50x63xf32, #tpu.memory_space<hbm>> -> memref<50x63xf32, #tpu.memory_space<hbm>>
        tpu.wait_dma2 semaphore(%arg29 : memref<!tpu.dma_semaphore, #tpu.memory_space<semaphore_mem>>) src(%dma_wait3A_564 : memref<50x63xf32, #tpu.memory_space<hbm>>) dst(%dma_wait3A_560 : memref<50x63xf32, #tpu.memory_space<vmem>>)
        %dma_wait3A_565 = arith.constant 0 : i32
        %dma_wait3A_566 = arith.constant 0 : i32
        %dma_wait3A_567 = arith.constant 0 : i32
        %dma_wait3A_568 = arith.constant 0 : i32
        %dma_wait3A_569 = tpu.memref_slice %arg13[%dma_wait3A_566, %dma_wait3A_567, %dma_wait3A_568] : memref<2x400x63xf32, #tpu.memory_space<vmem>> -> memref<1x50x63xf32, #tpu.memory_space<vmem>>
        %dma_wait3A_570 = tpu.memref_squeeze %dma_wait3A_569 : memref<1x50x63xf32, #tpu.memory_space<vmem>> -> memref<50x63xf32, #tpu.memory_space<vmem>>
        %dma_wait3A_571 = arith.constant 0 : i32
        %dma_wait3A_572 = arith.constant 0 : i32
        %dma_wait3A_573 = tpu.memref_slice %arg12[%dma_wait3A_565, %dma_wait3A_571, %dma_wait3A_572] : memref<4096x50x63xf32, #tpu.memory_space<hbm>> -> memref<1x50x63xf32, #tpu.memory_space<hbm>>
        %dma_wait3A_574 = tpu.memref_squeeze %dma_wait3A_573 : memref<1x50x63xf32, #tpu.memory_space<hbm>> -> memref<50x63xf32, #tpu.memory_space<hbm>>
        %dma_wait3A_575 = arith.constant 0 : i32
        %dma_wait3A_576 = arith.constant 0 : i32
        %dma_wait3A_577 = tpu.memref_slice %arg13[%dma_wait3A_566, %dma_wait3A_575, %dma_wait3A_576] : memref<2x400x63xf32, #tpu.memory_space<vmem>> -> memref<1x50x63xf32, #tpu.memory_space<vmem>>
        %dma_wait3A_578 = tpu.memref_squeeze %dma_wait3A_577 : memref<1x50x63xf32, #tpu.memory_space<vmem>> -> memref<50x63xf32, #tpu.memory_space<vmem>>
        %dma_wait3A_579 = arith.constant 0 : i32
        %dma_wait3A_580 = arith.constant 0 : i32
        %dma_wait3A_581 = tpu.memref_slice %arg12[%dma_wait3A_565, %dma_wait3A_579, %dma_wait3A_580] : memref<4096x50x63xf32, #tpu.memory_space<hbm>> -> memref<1x50x63xf32, #tpu.memory_space<hbm>>
        %dma_wait3A_582 = tpu.memref_squeeze %dma_wait3A_581 : memref<1x50x63xf32, #tpu.memory_space<hbm>> -> memref<50x63xf32, #tpu.memory_space<hbm>>
        tpu.wait_dma2 semaphore(%arg29 : memref<!tpu.dma_semaphore, #tpu.memory_space<semaphore_mem>>) src(%dma_wait3A_582 : memref<50x63xf32, #tpu.memory_space<hbm>>) dst(%dma_wait3A_578 : memref<50x63xf32, #tpu.memory_space<vmem>>)
        %dma_wait3A_583 = arith.constant 0 : i32
        %dma_wait3A_584 = arith.constant 0 : i32
        %dma_wait3A_585 = arith.constant 0 : i32
        %dma_wait3A_586 = arith.constant 0 : i32
        %dma_wait3A_587 = tpu.memref_slice %arg13[%dma_wait3A_584, %dma_wait3A_585, %dma_wait3A_586] : memref<2x400x63xf32, #tpu.memory_space<vmem>> -> memref<1x50x63xf32, #tpu.memory_space<vmem>>
        %dma_wait3A_588 = tpu.memref_squeeze %dma_wait3A_587 : memref<1x50x63xf32, #tpu.memory_space<vmem>> -> memref<50x63xf32, #tpu.memory_space<vmem>>
        %dma_wait3A_589 = arith.constant 0 : i32
        %dma_wait3A_590 = arith.constant 0 : i32
        %dma_wait3A_591 = tpu.memref_slice %arg12[%dma_wait3A_583, %dma_wait3A_589, %dma_wait3A_590] : memref<4096x50x63xf32, #tpu.memory_space<hbm>> -> memref<1x50x63xf32, #tpu.memory_space<hbm>>
        %dma_wait3A_592 = tpu.memref_squeeze %dma_wait3A_591 : memref<1x50x63xf32, #tpu.memory_space<hbm>> -> memref<50x63xf32, #tpu.memory_space<hbm>>
        %dma_wait3A_593 = arith.constant 0 : i32
        %dma_wait3A_594 = arith.constant 0 : i32
        %dma_wait3A_595 = tpu.memref_slice %arg13[%dma_wait3A_584, %dma_wait3A_593, %dma_wait3A_594] : memref<2x400x63xf32, #tpu.memory_space<vmem>> -> memref<1x50x63xf32, #tpu.memory_space<vmem>>
        %dma_wait3A_596 = tpu.memref_squeeze %dma_wait3A_595 : memref<1x50x63xf32, #tpu.memory_space<vmem>> -> memref<50x63xf32, #tpu.memory_space<vmem>>
        %dma_wait3A_597 = arith.constant 0 : i32
        %dma_wait3A_598 = arith.constant 0 : i32
        %dma_wait3A_599 = tpu.memref_slice %arg12[%dma_wait3A_583, %dma_wait3A_597, %dma_wait3A_598] : memref<4096x50x63xf32, #tpu.memory_space<hbm>> -> memref<1x50x63xf32, #tpu.memory_space<hbm>>
        %dma_wait3A_600 = tpu.memref_squeeze %dma_wait3A_599 : memref<1x50x63xf32, #tpu.memory_space<hbm>> -> memref<50x63xf32, #tpu.memory_space<hbm>>
        tpu.wait_dma2 semaphore(%arg29 : memref<!tpu.dma_semaphore, #tpu.memory_space<semaphore_mem>>) src(%dma_wait3A_600 : memref<50x63xf32, #tpu.memory_space<hbm>>) dst(%dma_wait3A_596 : memref<50x63xf32, #tpu.memory_space<vmem>>)
        %dma_wait3A_601 = arith.constant 0 : i32
        %dma_wait3A_602 = arith.constant 0 : i32
        %dma_wait3A_603 = arith.constant 0 : i32
        %dma_wait3A_604 = arith.constant 0 : i32
        %dma_wait3A_605 = tpu.memref_slice %arg13[%dma_wait3A_602, %dma_wait3A_603, %dma_wait3A_604] : memref<2x400x63xf32, #tpu.memory_space<vmem>> -> memref<1x50x63xf32, #tpu.memory_space<vmem>>
        %dma_wait3A_606 = tpu.memref_squeeze %dma_wait3A_605 : memref<1x50x63xf32, #tpu.memory_space<vmem>> -> memref<50x63xf32, #tpu.memory_space<vmem>>
        %dma_wait3A_607 = arith.constant 0 : i32
        %dma_wait3A_608 = arith.constant 0 : i32
        %dma_wait3A_609 = tpu.memref_slice %arg12[%dma_wait3A_601, %dma_wait3A_607, %dma_wait3A_608] : memref<4096x50x63xf32, #tpu.memory_space<hbm>> -> memref<1x50x63xf32, #tpu.memory_space<hbm>>
        %dma_wait3A_610 = tpu.memref_squeeze %dma_wait3A_609 : memref<1x50x63xf32, #tpu.memory_space<hbm>> -> memref<50x63xf32, #tpu.memory_space<hbm>>
        %dma_wait3A_611 = arith.constant 0 : i32
        %dma_wait3A_612 = arith.constant 0 : i32
        %dma_wait3A_613 = tpu.memref_slice %arg13[%dma_wait3A_602, %dma_wait3A_611, %dma_wait3A_612] : memref<2x400x63xf32, #tpu.memory_space<vmem>> -> memref<1x50x63xf32, #tpu.memory_space<vmem>>
        %dma_wait3A_614 = tpu.memref_squeeze %dma_wait3A_613 : memref<1x50x63xf32, #tpu.memory_space<vmem>> -> memref<50x63xf32, #tpu.memory_space<vmem>>
        %dma_wait3A_615 = arith.constant 0 : i32
        %dma_wait3A_616 = arith.constant 0 : i32
        %dma_wait3A_617 = tpu.memref_slice %arg12[%dma_wait3A_601, %dma_wait3A_615, %dma_wait3A_616] : memref<4096x50x63xf32, #tpu.memory_space<hbm>> -> memref<1x50x63xf32, #tpu.memory_space<hbm>>
        %dma_wait3A_618 = tpu.memref_squeeze %dma_wait3A_617 : memref<1x50x63xf32, #tpu.memory_space<hbm>> -> memref<50x63xf32, #tpu.memory_space<hbm>>
        tpu.wait_dma2 semaphore(%arg29 : memref<!tpu.dma_semaphore, #tpu.memory_space<semaphore_mem>>) src(%dma_wait3A_618 : memref<50x63xf32, #tpu.memory_space<hbm>>) dst(%dma_wait3A_614 : memref<50x63xf32, #tpu.memory_space<vmem>>)
        %dma_wait3A_619 = arith.constant 0 : i32
        %dma_wait3A_620 = arith.constant 0 : i32
        %dma_wait3A_621 = arith.constant 0 : i32
        %dma_wait3A_622 = arith.constant 0 : i32
        %dma_wait3A_623 = tpu.memref_slice %arg13[%dma_wait3A_620, %dma_wait3A_621, %dma_wait3A_622] : memref<2x400x63xf32, #tpu.memory_space<vmem>> -> memref<1x50x63xf32, #tpu.memory_space<vmem>>
        %dma_wait3A_624 = tpu.memref_squeeze %dma_wait3A_623 : memref<1x50x63xf32, #tpu.memory_space<vmem>> -> memref<50x63xf32, #tpu.memory_space<vmem>>
        %dma_wait3A_625 = arith.constant 0 : i32
        %dma_wait3A_626 = arith.constant 0 : i32
        %dma_wait3A_627 = tpu.memref_slice %arg12[%dma_wait3A_619, %dma_wait3A_625, %dma_wait3A_626] : memref<4096x50x63xf32, #tpu.memory_space<hbm>> -> memref<1x50x63xf32, #tpu.memory_space<hbm>>
        %dma_wait3A_628 = tpu.memref_squeeze %dma_wait3A_627 : memref<1x50x63xf32, #tpu.memory_space<hbm>> -> memref<50x63xf32, #tpu.memory_space<hbm>>
        %dma_wait3A_629 = arith.constant 0 : i32
        %dma_wait3A_630 = arith.constant 0 : i32
        %dma_wait3A_631 = tpu.memref_slice %arg13[%dma_wait3A_620, %dma_wait3A_629, %dma_wait3A_630] : memref<2x400x63xf32, #tpu.memory_space<vmem>> -> memref<1x50x63xf32, #tpu.memory_space<vmem>>
        %dma_wait3A_632 = tpu.memref_squeeze %dma_wait3A_631 : memref<1x50x63xf32, #tpu.memory_space<vmem>> -> memref<50x63xf32, #tpu.memory_space<vmem>>
        %dma_wait3A_633 = arith.constant 0 : i32
        %dma_wait3A_634 = arith.constant 0 : i32
        %dma_wait3A_635 = tpu.memref_slice %arg12[%dma_wait3A_619, %dma_wait3A_633, %dma_wait3A_634] : memref<4096x50x63xf32, #tpu.memory_space<hbm>> -> memref<1x50x63xf32, #tpu.memory_space<hbm>>
        %dma_wait3A_636 = tpu.memref_squeeze %dma_wait3A_635 : memref<1x50x63xf32, #tpu.memory_space<hbm>> -> memref<50x63xf32, #tpu.memory_space<hbm>>
        tpu.wait_dma2 semaphore(%arg29 : memref<!tpu.dma_semaphore, #tpu.memory_space<semaphore_mem>>) src(%dma_wait3A_636 : memref<50x63xf32, #tpu.memory_space<hbm>>) dst(%dma_wait3A_632 : memref<50x63xf32, #tpu.memory_space<vmem>>)
        %dma_wait3A_637 = arith.constant 0 : i32
        %dma_wait3A_638 = arith.constant 0 : i32
        %dma_wait3A_639 = arith.constant 0 : i32
        %dma_wait3A_640 = arith.constant 0 : i32
        %dma_wait3A_641 = tpu.memref_slice %arg13[%dma_wait3A_638, %dma_wait3A_639, %dma_wait3A_640] : memref<2x400x63xf32, #tpu.memory_space<vmem>> -> memref<1x50x63xf32, #tpu.memory_space<vmem>>
        %dma_wait3A_642 = tpu.memref_squeeze %dma_wait3A_641 : memref<1x50x63xf32, #tpu.memory_space<vmem>> -> memref<50x63xf32, #tpu.memory_space<vmem>>
        %dma_wait3A_643 = arith.constant 0 : i32
        %dma_wait3A_644 = arith.constant 0 : i32
        %dma_wait3A_645 = tpu.memref_slice %arg12[%dma_wait3A_637, %dma_wait3A_643, %dma_wait3A_644] : memref<4096x50x63xf32, #tpu.memory_space<hbm>> -> memref<1x50x63xf32, #tpu.memory_space<hbm>>
        %dma_wait3A_646 = tpu.memref_squeeze %dma_wait3A_645 : memref<1x50x63xf32, #tpu.memory_space<hbm>> -> memref<50x63xf32, #tpu.memory_space<hbm>>
        %dma_wait3A_647 = arith.constant 0 : i32
        %dma_wait3A_648 = arith.constant 0 : i32
        %dma_wait3A_649 = tpu.memref_slice %arg13[%dma_wait3A_638, %dma_wait3A_647, %dma_wait3A_648] : memref<2x400x63xf32, #tpu.memory_space<vmem>> -> memref<1x50x63xf32, #tpu.memory_space<vmem>>
        %dma_wait3A_650 = tpu.memref_squeeze %dma_wait3A_649 : memref<1x50x63xf32, #tpu.memory_space<vmem>> -> memref<50x63xf32, #tpu.memory_space<vmem>>
        %dma_wait3A_651 = arith.constant 0 : i32
        %dma_wait3A_652 = arith.constant 0 : i32
        %dma_wait3A_653 = tpu.memref_slice %arg12[%dma_wait3A_637, %dma_wait3A_651, %dma_wait3A_652] : memref<4096x50x63xf32, #tpu.memory_space<hbm>> -> memref<1x50x63xf32, #tpu.memory_space<hbm>>
        %dma_wait3A_654 = tpu.memref_squeeze %dma_wait3A_653 : memref<1x50x63xf32, #tpu.memory_space<hbm>> -> memref<50x63xf32, #tpu.memory_space<hbm>>
        tpu.wait_dma2 semaphore(%arg29 : memref<!tpu.dma_semaphore, #tpu.memory_space<semaphore_mem>>) src(%dma_wait3A_654 : memref<50x63xf32, #tpu.memory_space<hbm>>) dst(%dma_wait3A_650 : memref<50x63xf32, #tpu.memory_space<vmem>>)
        %dma_wait3A_655 = arith.constant 0 : i32
        %dma_wait3A_656 = arith.constant 0 : i32
        %dma_wait3A_657 = arith.constant 0 : i32
        %dma_wait3A_658 = arith.constant 0 : i32
        %dma_wait3A_659 = tpu.memref_slice %arg13[%dma_wait3A_656, %dma_wait3A_657, %dma_wait3A_658] : memref<2x400x63xf32, #tpu.memory_space<vmem>> -> memref<1x50x63xf32, #tpu.memory_space<vmem>>
        %dma_wait3A_660 = tpu.memref_squeeze %dma_wait3A_659 : memref<1x50x63xf32, #tpu.memory_space<vmem>> -> memref<50x63xf32, #tpu.memory_space<vmem>>
        %dma_wait3A_661 = arith.constant 0 : i32
        %dma_wait3A_662 = arith.constant 0 : i32
        %dma_wait3A_663 = tpu.memref_slice %arg12[%dma_wait3A_655, %dma_wait3A_661, %dma_wait3A_662] : memref<4096x50x63xf32, #tpu.memory_space<hbm>> -> memref<1x50x63xf32, #tpu.memory_space<hbm>>
        %dma_wait3A_664 = tpu.memref_squeeze %dma_wait3A_663 : memref<1x50x63xf32, #tpu.memory_space<hbm>> -> memref<50x63xf32, #tpu.memory_space<hbm>>
        %dma_wait3A_665 = arith.constant 0 : i32
        %dma_wait3A_666 = arith.constant 0 : i32
        %dma_wait3A_667 = tpu.memref_slice %arg13[%dma_wait3A_656, %dma_wait3A_665, %dma_wait3A_666] : memref<2x400x63xf32, #tpu.memory_space<vmem>> -> memref<1x50x63xf32, #tpu.memory_space<vmem>>
        %dma_wait3A_668 = tpu.memref_squeeze %dma_wait3A_667 : memref<1x50x63xf32, #tpu.memory_space<vmem>> -> memref<50x63xf32, #tpu.memory_space<vmem>>
        %dma_wait3A_669 = arith.constant 0 : i32
        %dma_wait3A_670 = arith.constant 0 : i32
        %dma_wait3A_671 = tpu.memref_slice %arg12[%dma_wait3A_655, %dma_wait3A_669, %dma_wait3A_670] : memref<4096x50x63xf32, #tpu.memory_space<hbm>> -> memref<1x50x63xf32, #tpu.memory_space<hbm>>
        %dma_wait3A_672 = tpu.memref_squeeze %dma_wait3A_671 : memref<1x50x63xf32, #tpu.memory_space<hbm>> -> memref<50x63xf32, #tpu.memory_space<hbm>>
        tpu.wait_dma2 semaphore(%arg29 : memref<!tpu.dma_semaphore, #tpu.memory_space<semaphore_mem>>) src(%dma_wait3A_672 : memref<50x63xf32, #tpu.memory_space<hbm>>) dst(%dma_wait3A_668 : memref<50x63xf32, #tpu.memory_space<vmem>>)
        %dma_wait3A_673 = arith.constant 0 : i32
        %dma_wait3A_674 = arith.constant 0 : i32
        %dma_wait3A_675 = arith.constant 0 : i32
        %dma_wait3A_676 = arith.constant 0 : i32
        %dma_wait3A_677 = tpu.memref_slice %arg13[%dma_wait3A_674, %dma_wait3A_675, %dma_wait3A_676] : memref<2x400x63xf32, #tpu.memory_space<vmem>> -> memref<1x50x63xf32, #tpu.memory_space<vmem>>
        %dma_wait3A_678 = tpu.memref_squeeze %dma_wait3A_677 : memref<1x50x63xf32, #tpu.memory_space<vmem>> -> memref<50x63xf32, #tpu.memory_space<vmem>>
        %dma_wait3A_679 = arith.constant 0 : i32
        %dma_wait3A_680 = arith.constant 0 : i32
        %dma_wait3A_681 = tpu.memref_slice %arg12[%dma_wait3A_673, %dma_wait3A_679, %dma_wait3A_680] : memref<4096x50x63xf32, #tpu.memory_space<hbm>> -> memref<1x50x63xf32, #tpu.memory_space<hbm>>
        %dma_wait3A_682 = tpu.memref_squeeze %dma_wait3A_681 : memref<1x50x63xf32, #tpu.memory_space<hbm>> -> memref<50x63xf32, #tpu.memory_space<hbm>>
        %dma_wait3A_683 = arith.constant 0 : i32
        %dma_wait3A_684 = arith.constant 0 : i32
        %dma_wait3A_685 = tpu.memref_slice %arg13[%dma_wait3A_674, %dma_wait3A_683, %dma_wait3A_684] : memref<2x400x63xf32, #tpu.memory_space<vmem>> -> memref<1x50x63xf32, #tpu.memory_space<vmem>>
        %dma_wait3A_686 = tpu.memref_squeeze %dma_wait3A_685 : memref<1x50x63xf32, #tpu.memory_space<vmem>> -> memref<50x63xf32, #tpu.memory_space<vmem>>
        %dma_wait3A_687 = arith.constant 0 : i32
        %dma_wait3A_688 = arith.constant 0 : i32
        %dma_wait3A_689 = tpu.memref_slice %arg12[%dma_wait3A_673, %dma_wait3A_687, %dma_wait3A_688] : memref<4096x50x63xf32, #tpu.memory_space<hbm>> -> memref<1x50x63xf32, #tpu.memory_space<hbm>>
        %dma_wait3A_690 = tpu.memref_squeeze %dma_wait3A_689 : memref<1x50x63xf32, #tpu.memory_space<hbm>> -> memref<50x63xf32, #tpu.memory_space<hbm>>
        tpu.wait_dma2 semaphore(%arg29 : memref<!tpu.dma_semaphore, #tpu.memory_space<semaphore_mem>>) src(%dma_wait3A_690 : memref<50x63xf32, #tpu.memory_space<hbm>>) dst(%dma_wait3A_686 : memref<50x63xf32, #tpu.memory_space<vmem>>)
      } else {
      }
      %mul3A_390 = arith.constant 8 : i32
      %mul3A_391 = arith.muli %scan3A_308, %mul3A_390 : i32
      %add3A_392 = arith.addi %mul3A_5, %mul3A_391 : i32
      %add3A_393 = arith.constant 0 : i32
      %add3A_394 = arith.addi %add3A_392, %add3A_393 : i32
      %dma_start3A_395 = arith.constant 0 : i32
      %dma_start3A_396 = arith.constant 0 : i32
      %dma_start3A_397 = tpu.memref_slice %arg13[%select_n3A_317, %dma_start3A_395, %dma_start3A_396] : memref<2x400x63xf32, #tpu.memory_space<vmem>> -> memref<1x50x63xf32, #tpu.memory_space<vmem>>
      %dma_start3A_398 = tpu.memref_squeeze %dma_start3A_397 : memref<1x50x63xf32, #tpu.memory_space<vmem>> -> memref<50x63xf32, #tpu.memory_space<vmem>>
      %dma_start3A_399 = arith.constant 0 : i32
      %dma_start3A_400 = arith.constant 0 : i32
      %dma_start3A_401 = tpu.memref_slice %arg12[%add3A_394, %dma_start3A_399, %dma_start3A_400] : memref<4096x50x63xf32, #tpu.memory_space<hbm>> -> memref<1x50x63xf32, #tpu.memory_space<hbm>>
      %dma_start3A_402 = tpu.memref_squeeze %dma_start3A_401 : memref<1x50x63xf32, #tpu.memory_space<hbm>> -> memref<50x63xf32, #tpu.memory_space<hbm>>
      %dma_start3A_403 = arith.constant 0 : i32
      %dma_start3A_404 = arith.constant 0 : i32
      %dma_start3A_405 = tpu.memref_slice %arg12[%add3A_394, %dma_start3A_403, %dma_start3A_404] : memref<4096x50x63xf32, #tpu.memory_space<hbm>> -> memref<1x50x63xf32, #tpu.memory_space<hbm>>
      %dma_start3A_406 = tpu.memref_squeeze %dma_start3A_405 : memref<1x50x63xf32, #tpu.memory_space<hbm>> -> memref<50x63xf32, #tpu.memory_space<hbm>>
      %dma_start3A_407 = arith.constant 0 : i32
      %dma_start3A_408 = arith.constant 0 : i32
      %dma_start3A_409 = tpu.memref_slice %arg13[%select_n3A_317, %dma_start3A_407, %dma_start3A_408] : memref<2x400x63xf32, #tpu.memory_space<vmem>> -> memref<1x50x63xf32, #tpu.memory_space<vmem>>
      %dma_start3A_410 = tpu.memref_squeeze %dma_start3A_409 : memref<1x50x63xf32, #tpu.memory_space<vmem>> -> memref<50x63xf32, #tpu.memory_space<vmem>>
      tpu.enqueue_dma source(%dma_start3A_410 : memref<50x63xf32, #tpu.memory_space<vmem>>) target(%dma_start3A_406 : memref<50x63xf32, #tpu.memory_space<hbm>>) target_semaphore(%arg29 : memref<!tpu.dma_semaphore, #tpu.memory_space<semaphore_mem>>)
      %add3A_411 = arith.constant 1 : i32
      %add3A_412 = arith.addi %add3A_392, %add3A_411 : i32
      %dma_start3A_413 = arith.constant 50 : i32
      %dma_start3A_414 = arith.constant 0 : i32
      %dma_start3A_415 = tpu.memref_slice %arg13[%select_n3A_317, %dma_start3A_413, %dma_start3A_414] : memref<2x400x63xf32, #tpu.memory_space<vmem>> -> memref<1x50x63xf32, #tpu.memory_space<vmem>>
      %dma_start3A_416 = tpu.memref_squeeze %dma_start3A_415 : memref<1x50x63xf32, #tpu.memory_space<vmem>> -> memref<50x63xf32, #tpu.memory_space<vmem>>
      %dma_start3A_417 = arith.constant 0 : i32
      %dma_start3A_418 = arith.constant 0 : i32
      %dma_start3A_419 = tpu.memref_slice %arg12[%add3A_412, %dma_start3A_417, %dma_start3A_418] : memref<4096x50x63xf32, #tpu.memory_space<hbm>> -> memref<1x50x63xf32, #tpu.memory_space<hbm>>
      %dma_start3A_420 = tpu.memref_squeeze %dma_start3A_419 : memref<1x50x63xf32, #tpu.memory_space<hbm>> -> memref<50x63xf32, #tpu.memory_space<hbm>>
      %dma_start3A_421 = arith.constant 0 : i32
      %dma_start3A_422 = arith.constant 0 : i32
      %dma_start3A_423 = tpu.memref_slice %arg12[%add3A_412, %dma_start3A_421, %dma_start3A_422] : memref<4096x50x63xf32, #tpu.memory_space<hbm>> -> memref<1x50x63xf32, #tpu.memory_space<hbm>>
      %dma_start3A_424 = tpu.memref_squeeze %dma_start3A_423 : memref<1x50x63xf32, #tpu.memory_space<hbm>> -> memref<50x63xf32, #tpu.memory_space<hbm>>
      %dma_start3A_425 = arith.constant 50 : i32
      %dma_start3A_426 = arith.constant 0 : i32
      %dma_start3A_427 = tpu.memref_slice %arg13[%select_n3A_317, %dma_start3A_425, %dma_start3A_426] : memref<2x400x63xf32, #tpu.memory_space<vmem>> -> memref<1x50x63xf32, #tpu.memory_space<vmem>>
      %dma_start3A_428 = tpu.memref_squeeze %dma_start3A_427 : memref<1x50x63xf32, #tpu.memory_space<vmem>> -> memref<50x63xf32, #tpu.memory_space<vmem>>
      tpu.enqueue_dma source(%dma_start3A_428 : memref<50x63xf32, #tpu.memory_space<vmem>>) target(%dma_start3A_424 : memref<50x63xf32, #tpu.memory_space<hbm>>) target_semaphore(%arg29 : memref<!tpu.dma_semaphore, #tpu.memory_space<semaphore_mem>>)
      %add3A_429 = arith.constant 2 : i32
      %add3A_430 = arith.addi %add3A_392, %add3A_429 : i32
      %dma_start3A_431 = arith.constant 100 : i32
      %dma_start3A_432 = arith.constant 0 : i32
      %dma_start3A_433 = tpu.memref_slice %arg13[%select_n3A_317, %dma_start3A_431, %dma_start3A_432] : memref<2x400x63xf32, #tpu.memory_space<vmem>> -> memref<1x50x63xf32, #tpu.memory_space<vmem>>
      %dma_start3A_434 = tpu.memref_squeeze %dma_start3A_433 : memref<1x50x63xf32, #tpu.memory_space<vmem>> -> memref<50x63xf32, #tpu.memory_space<vmem>>
      %dma_start3A_435 = arith.constant 0 : i32
      %dma_start3A_436 = arith.constant 0 : i32
      %dma_start3A_437 = tpu.memref_slice %arg12[%add3A_430, %dma_start3A_435, %dma_start3A_436] : memref<4096x50x63xf32, #tpu.memory_space<hbm>> -> memref<1x50x63xf32, #tpu.memory_space<hbm>>
      %dma_start3A_438 = tpu.memref_squeeze %dma_start3A_437 : memref<1x50x63xf32, #tpu.memory_space<hbm>> -> memref<50x63xf32, #tpu.memory_space<hbm>>
      %dma_start3A_439 = arith.constant 0 : i32
      %dma_start3A_440 = arith.constant 0 : i32
      %dma_start3A_441 = tpu.memref_slice %arg12[%add3A_430, %dma_start3A_439, %dma_start3A_440] : memref<4096x50x63xf32, #tpu.memory_space<hbm>> -> memref<1x50x63xf32, #tpu.memory_space<hbm>>
      %dma_start3A_442 = tpu.memref_squeeze %dma_start3A_441 : memref<1x50x63xf32, #tpu.memory_space<hbm>> -> memref<50x63xf32, #tpu.memory_space<hbm>>
      %dma_start3A_443 = arith.constant 100 : i32
      %dma_start3A_444 = arith.constant 0 : i32
      %dma_start3A_445 = tpu.memref_slice %arg13[%select_n3A_317, %dma_start3A_443, %dma_start3A_444] : memref<2x400x63xf32, #tpu.memory_space<vmem>> -> memref<1x50x63xf32, #tpu.memory_space<vmem>>
      %dma_start3A_446 = tpu.memref_squeeze %dma_start3A_445 : memref<1x50x63xf32, #tpu.memory_space<vmem>> -> memref<50x63xf32, #tpu.memory_space<vmem>>
      tpu.enqueue_dma source(%dma_start3A_446 : memref<50x63xf32, #tpu.memory_space<vmem>>) target(%dma_start3A_442 : memref<50x63xf32, #tpu.memory_space<hbm>>) target_semaphore(%arg29 : memref<!tpu.dma_semaphore, #tpu.memory_space<semaphore_mem>>)
      %add3A_447 = arith.constant 3 : i32
      %add3A_448 = arith.addi %add3A_392, %add3A_447 : i32
      %dma_start3A_449 = arith.constant 150 : i32
      %dma_start3A_450 = arith.constant 0 : i32
      %dma_start3A_451 = tpu.memref_slice %arg13[%select_n3A_317, %dma_start3A_449, %dma_start3A_450] : memref<2x400x63xf32, #tpu.memory_space<vmem>> -> memref<1x50x63xf32, #tpu.memory_space<vmem>>
      %dma_start3A_452 = tpu.memref_squeeze %dma_start3A_451 : memref<1x50x63xf32, #tpu.memory_space<vmem>> -> memref<50x63xf32, #tpu.memory_space<vmem>>
      %dma_start3A_453 = arith.constant 0 : i32
      %dma_start3A_454 = arith.constant 0 : i32
      %dma_start3A_455 = tpu.memref_slice %arg12[%add3A_448, %dma_start3A_453, %dma_start3A_454] : memref<4096x50x63xf32, #tpu.memory_space<hbm>> -> memref<1x50x63xf32, #tpu.memory_space<hbm>>
      %dma_start3A_456 = tpu.memref_squeeze %dma_start3A_455 : memref<1x50x63xf32, #tpu.memory_space<hbm>> -> memref<50x63xf32, #tpu.memory_space<hbm>>
      %dma_start3A_457 = arith.constant 0 : i32
      %dma_start3A_458 = arith.constant 0 : i32
      %dma_start3A_459 = tpu.memref_slice %arg12[%add3A_448, %dma_start3A_457, %dma_start3A_458] : memref<4096x50x63xf32, #tpu.memory_space<hbm>> -> memref<1x50x63xf32, #tpu.memory_space<hbm>>
      %dma_start3A_460 = tpu.memref_squeeze %dma_start3A_459 : memref<1x50x63xf32, #tpu.memory_space<hbm>> -> memref<50x63xf32, #tpu.memory_space<hbm>>
      %dma_start3A_461 = arith.constant 150 : i32
      %dma_start3A_462 = arith.constant 0 : i32
      %dma_start3A_463 = tpu.memref_slice %arg13[%select_n3A_317, %dma_start3A_461, %dma_start3A_462] : memref<2x400x63xf32, #tpu.memory_space<vmem>> -> memref<1x50x63xf32, #tpu.memory_space<vmem>>
      %dma_start3A_464 = tpu.memref_squeeze %dma_start3A_463 : memref<1x50x63xf32, #tpu.memory_space<vmem>> -> memref<50x63xf32, #tpu.memory_space<vmem>>
      tpu.enqueue_dma source(%dma_start3A_464 : memref<50x63xf32, #tpu.memory_space<vmem>>) target(%dma_start3A_460 : memref<50x63xf32, #tpu.memory_space<hbm>>) target_semaphore(%arg29 : memref<!tpu.dma_semaphore, #tpu.memory_space<semaphore_mem>>)
      %add3A_465 = arith.constant 4 : i32
      %add3A_466 = arith.addi %add3A_392, %add3A_465 : i32
      %dma_start3A_467 = arith.constant 200 : i32
      %dma_start3A_468 = arith.constant 0 : i32
      %dma_start3A_469 = tpu.memref_slice %arg13[%select_n3A_317, %dma_start3A_467, %dma_start3A_468] : memref<2x400x63xf32, #tpu.memory_space<vmem>> -> memref<1x50x63xf32, #tpu.memory_space<vmem>>
      %dma_start3A_470 = tpu.memref_squeeze %dma_start3A_469 : memref<1x50x63xf32, #tpu.memory_space<vmem>> -> memref<50x63xf32, #tpu.memory_space<vmem>>
      %dma_start3A_471 = arith.constant 0 : i32
      %dma_start3A_472 = arith.constant 0 : i32
      %dma_start3A_473 = tpu.memref_slice %arg12[%add3A_466, %dma_start3A_471, %dma_start3A_472] : memref<4096x50x63xf32, #tpu.memory_space<hbm>> -> memref<1x50x63xf32, #tpu.memory_space<hbm>>
      %dma_start3A_474 = tpu.memref_squeeze %dma_start3A_473 : memref<1x50x63xf32, #tpu.memory_space<hbm>> -> memref<50x63xf32, #tpu.memory_space<hbm>>
      %dma_start3A_475 = arith.constant 0 : i32
      %dma_start3A_476 = arith.constant 0 : i32
      %dma_start3A_477 = tpu.memref_slice %arg12[%add3A_466, %dma_start3A_475, %dma_start3A_476] : memref<4096x50x63xf32, #tpu.memory_space<hbm>> -> memref<1x50x63xf32, #tpu.memory_space<hbm>>
      %dma_start3A_478 = tpu.memref_squeeze %dma_start3A_477 : memref<1x50x63xf32, #tpu.memory_space<hbm>> -> memref<50x63xf32, #tpu.memory_space<hbm>>
      %dma_start3A_479 = arith.constant 200 : i32
      %dma_start3A_480 = arith.constant 0 : i32
      %dma_start3A_481 = tpu.memref_slice %arg13[%select_n3A_317, %dma_start3A_479, %dma_start3A_480] : memref<2x400x63xf32, #tpu.memory_space<vmem>> -> memref<1x50x63xf32, #tpu.memory_space<vmem>>
      %dma_start3A_482 = tpu.memref_squeeze %dma_start3A_481 : memref<1x50x63xf32, #tpu.memory_space<vmem>> -> memref<50x63xf32, #tpu.memory_space<vmem>>
      tpu.enqueue_dma source(%dma_start3A_482 : memref<50x63xf32, #tpu.memory_space<vmem>>) target(%dma_start3A_478 : memref<50x63xf32, #tpu.memory_space<hbm>>) target_semaphore(%arg29 : memref<!tpu.dma_semaphore, #tpu.memory_space<semaphore_mem>>)
      %add3A_483 = arith.constant 5 : i32
      %add3A_484 = arith.addi %add3A_392, %add3A_483 : i32
      %dma_start3A_485 = arith.constant 250 : i32
      %dma_start3A_486 = arith.constant 0 : i32
      %dma_start3A_487 = tpu.memref_slice %arg13[%select_n3A_317, %dma_start3A_485, %dma_start3A_486] : memref<2x400x63xf32, #tpu.memory_space<vmem>> -> memref<1x50x63xf32, #tpu.memory_space<vmem>>
      %dma_start3A_488 = tpu.memref_squeeze %dma_start3A_487 : memref<1x50x63xf32, #tpu.memory_space<vmem>> -> memref<50x63xf32, #tpu.memory_space<vmem>>
      %dma_start3A_489 = arith.constant 0 : i32
      %dma_start3A_490 = arith.constant 0 : i32
      %dma_start3A_491 = tpu.memref_slice %arg12[%add3A_484, %dma_start3A_489, %dma_start3A_490] : memref<4096x50x63xf32, #tpu.memory_space<hbm>> -> memref<1x50x63xf32, #tpu.memory_space<hbm>>
      %dma_start3A_492 = tpu.memref_squeeze %dma_start3A_491 : memref<1x50x63xf32, #tpu.memory_space<hbm>> -> memref<50x63xf32, #tpu.memory_space<hbm>>
      %dma_start3A_493 = arith.constant 0 : i32
      %dma_start3A_494 = arith.constant 0 : i32
      %dma_start3A_495 = tpu.memref_slice %arg12[%add3A_484, %dma_start3A_493, %dma_start3A_494] : memref<4096x50x63xf32, #tpu.memory_space<hbm>> -> memref<1x50x63xf32, #tpu.memory_space<hbm>>
      %dma_start3A_496 = tpu.memref_squeeze %dma_start3A_495 : memref<1x50x63xf32, #tpu.memory_space<hbm>> -> memref<50x63xf32, #tpu.memory_space<hbm>>
      %dma_start3A_497 = arith.constant 250 : i32
      %dma_start3A_498 = arith.constant 0 : i32
      %dma_start3A_499 = tpu.memref_slice %arg13[%select_n3A_317, %dma_start3A_497, %dma_start3A_498] : memref<2x400x63xf32, #tpu.memory_space<vmem>> -> memref<1x50x63xf32, #tpu.memory_space<vmem>>
      %dma_start3A_500 = tpu.memref_squeeze %dma_start3A_499 : memref<1x50x63xf32, #tpu.memory_space<vmem>> -> memref<50x63xf32, #tpu.memory_space<vmem>>
      tpu.enqueue_dma source(%dma_start3A_500 : memref<50x63xf32, #tpu.memory_space<vmem>>) target(%dma_start3A_496 : memref<50x63xf32, #tpu.memory_space<hbm>>) target_semaphore(%arg29 : memref<!tpu.dma_semaphore, #tpu.memory_space<semaphore_mem>>)
      %add3A_501 = arith.constant 6 : i32
      %add3A_502 = arith.addi %add3A_392, %add3A_501 : i32
      %dma_start3A_503 = arith.constant 300 : i32
      %dma_start3A_504 = arith.constant 0 : i32
      %dma_start3A_505 = tpu.memref_slice %arg13[%select_n3A_317, %dma_start3A_503, %dma_start3A_504] : memref<2x400x63xf32, #tpu.memory_space<vmem>> -> memref<1x50x63xf32, #tpu.memory_space<vmem>>
      %dma_start3A_506 = tpu.memref_squeeze %dma_start3A_505 : memref<1x50x63xf32, #tpu.memory_space<vmem>> -> memref<50x63xf32, #tpu.memory_space<vmem>>
      %dma_start3A_507 = arith.constant 0 : i32
      %dma_start3A_508 = arith.constant 0 : i32
      %dma_start3A_509 = tpu.memref_slice %arg12[%add3A_502, %dma_start3A_507, %dma_start3A_508] : memref<4096x50x63xf32, #tpu.memory_space<hbm>> -> memref<1x50x63xf32, #tpu.memory_space<hbm>>
      %dma_start3A_510 = tpu.memref_squeeze %dma_start3A_509 : memref<1x50x63xf32, #tpu.memory_space<hbm>> -> memref<50x63xf32, #tpu.memory_space<hbm>>
      %dma_start3A_511 = arith.constant 0 : i32
      %dma_start3A_512 = arith.constant 0 : i32
      %dma_start3A_513 = tpu.memref_slice %arg12[%add3A_502, %dma_start3A_511, %dma_start3A_512] : memref<4096x50x63xf32, #tpu.memory_space<hbm>> -> memref<1x50x63xf32, #tpu.memory_space<hbm>>
      %dma_start3A_514 = tpu.memref_squeeze %dma_start3A_513 : memref<1x50x63xf32, #tpu.memory_space<hbm>> -> memref<50x63xf32, #tpu.memory_space<hbm>>
      %dma_start3A_515 = arith.constant 300 : i32
      %dma_start3A_516 = arith.constant 0 : i32
      %dma_start3A_517 = tpu.memref_slice %arg13[%select_n3A_317, %dma_start3A_515, %dma_start3A_516] : memref<2x400x63xf32, #tpu.memory_space<vmem>> -> memref<1x50x63xf32, #tpu.memory_space<vmem>>
      %dma_start3A_518 = tpu.memref_squeeze %dma_start3A_517 : memref<1x50x63xf32, #tpu.memory_space<vmem>> -> memref<50x63xf32, #tpu.memory_space<vmem>>
      tpu.enqueue_dma source(%dma_start3A_518 : memref<50x63xf32, #tpu.memory_space<vmem>>) target(%dma_start3A_514 : memref<50x63xf32, #tpu.memory_space<hbm>>) target_semaphore(%arg29 : memref<!tpu.dma_semaphore, #tpu.memory_space<semaphore_mem>>)
      %add3A_519 = arith.constant 7 : i32
      %add3A_520 = arith.addi %add3A_392, %add3A_519 : i32
      %dma_start3A_521 = arith.constant 350 : i32
      %dma_start3A_522 = arith.constant 0 : i32
      %dma_start3A_523 = tpu.memref_slice %arg13[%select_n3A_317, %dma_start3A_521, %dma_start3A_522] : memref<2x400x63xf32, #tpu.memory_space<vmem>> -> memref<1x50x63xf32, #tpu.memory_space<vmem>>
      %dma_start3A_524 = tpu.memref_squeeze %dma_start3A_523 : memref<1x50x63xf32, #tpu.memory_space<vmem>> -> memref<50x63xf32, #tpu.memory_space<vmem>>
      %dma_start3A_525 = arith.constant 0 : i32
      %dma_start3A_526 = arith.constant 0 : i32
      %dma_start3A_527 = tpu.memref_slice %arg12[%add3A_520, %dma_start3A_525, %dma_start3A_526] : memref<4096x50x63xf32, #tpu.memory_space<hbm>> -> memref<1x50x63xf32, #tpu.memory_space<hbm>>
      %dma_start3A_528 = tpu.memref_squeeze %dma_start3A_527 : memref<1x50x63xf32, #tpu.memory_space<hbm>> -> memref<50x63xf32, #tpu.memory_space<hbm>>
      %dma_start3A_529 = arith.constant 0 : i32
      %dma_start3A_530 = arith.constant 0 : i32
      %dma_start3A_531 = tpu.memref_slice %arg12[%add3A_520, %dma_start3A_529, %dma_start3A_530] : memref<4096x50x63xf32, #tpu.memory_space<hbm>> -> memref<1x50x63xf32, #tpu.memory_space<hbm>>
      %dma_start3A_532 = tpu.memref_squeeze %dma_start3A_531 : memref<1x50x63xf32, #tpu.memory_space<hbm>> -> memref<50x63xf32, #tpu.memory_space<hbm>>
      %dma_start3A_533 = arith.constant 350 : i32
      %dma_start3A_534 = arith.constant 0 : i32
      %dma_start3A_535 = tpu.memref_slice %arg13[%select_n3A_317, %dma_start3A_533, %dma_start3A_534] : memref<2x400x63xf32, #tpu.memory_space<vmem>> -> memref<1x50x63xf32, #tpu.memory_space<vmem>>
      %dma_start3A_536 = tpu.memref_squeeze %dma_start3A_535 : memref<1x50x63xf32, #tpu.memory_space<vmem>> -> memref<50x63xf32, #tpu.memory_space<vmem>>
      tpu.enqueue_dma source(%dma_start3A_536 : memref<50x63xf32, #tpu.memory_space<vmem>>) target(%dma_start3A_532 : memref<50x63xf32, #tpu.memory_space<hbm>>) target_semaphore(%arg29 : memref<!tpu.dma_semaphore, #tpu.memory_space<semaphore_mem>>)
      %lt3A_537 = arith.constant 15 : i32
      %lt3A_538 = arith.cmpi slt, %scan3A_308, %lt3A_537 : i32
      %convert_element_type3A_539 = arith.extui %lt3A_538 : i1 to i32
      %cond3A_540 = arith.constant 0 : i32
      %cond3A_541 = arith.cmpi ne, %convert_element_type3A_539, %cond3A_540 : i32
      scf.if %cond3A_541 {
        %sub3A = arith.constant 1 : i32
        %sub3A_547 = arith.subi %sub3A, %select_n3A_317 : i32
        %dma_start3A_548 = arith.constant 0 : i32
        %dma_start3A_549 = arith.constant 0 : i32
        %dma_start3A_550 = tpu.memref_slice %arg14[%sub3A_547, %dma_start3A_548, %dma_start3A_549] : memref<2x400x48xf32, #tpu.memory_space<vmem>> -> memref<1x128x48xf32, #tpu.memory_space<vmem>>
        %dma_start3A_551 = tpu.memref_squeeze %dma_start3A_550 : memref<1x128x48xf32, #tpu.memory_space<vmem>> -> memref<128x48xf32, #tpu.memory_space<vmem>>
        %dma_start3A_552 = arith.constant 0 : i32
        %dma_start3A_553 = tpu.memref_slice %arg16[%sub3A_547, %dma_start3A_552] : memref<2x400xi32, #tpu.memory_space<vmem>> -> memref<1x128xi32, #tpu.memory_space<vmem>>
        %dma_start3A_554 = tpu.memref_squeeze %dma_start3A_553 : memref<1x128xi32, #tpu.memory_space<vmem>> -> memref<128xi32, #tpu.memory_space<vmem>>
        %dma_start3A_555 = arith.constant 0 : i32
        %dma_start3A_556 = arith.constant 0 : i32
        %dma_start3A_557 = tpu.memref_slice %arg2[%dma_start3A_555, %dma_start3A_556] : memref<1000x48xf32, #tpu.memory_space<hbm>> -> memref<1000x48xf32, #tpu.memory_space<hbm>>
        tpu.enqueue_indirect_dma source(%dma_start3A_557 : memref<1000x48xf32, #tpu.memory_space<hbm>>) target(%dma_start3A_551 : memref<128x48xf32, #tpu.memory_space<vmem>>) offsets(%dma_start3A_554 : memref<128xi32, #tpu.memory_space<vmem>>) semaphore(%arg28 : memref<!tpu.dma_semaphore, #tpu.memory_space<semaphore_mem>>)
        %dma_start3A_558 = arith.constant 128 : i32
        %dma_start3A_559 = arith.constant 0 : i32
        %dma_start3A_560 = tpu.memref_slice %arg14[%sub3A_547, %dma_start3A_558, %dma_start3A_559] : memref<2x400x48xf32, #tpu.memory_space<vmem>> -> memref<1x128x48xf32, #tpu.memory_space<vmem>>
        %dma_start3A_561 = tpu.memref_squeeze %dma_start3A_560 : memref<1x128x48xf32, #tpu.memory_space<vmem>> -> memref<128x48xf32, #tpu.memory_space<vmem>>
        %dma_start3A_562 = arith.constant 128 : i32
        %dma_start3A_563 = tpu.memref_slice %arg16[%sub3A_547, %dma_start3A_562] : memref<2x400xi32, #tpu.memory_space<vmem>> -> memref<1x128xi32, #tpu.memory_space<vmem>>
        %dma_start3A_564 = tpu.memref_squeeze %dma_start3A_563 : memref<1x128xi32, #tpu.memory_space<vmem>> -> memref<128xi32, #tpu.memory_space<vmem>>
        %dma_start3A_565 = arith.constant 0 : i32
        %dma_start3A_566 = arith.constant 0 : i32
        %dma_start3A_567 = tpu.memref_slice %arg2[%dma_start3A_565, %dma_start3A_566] : memref<1000x48xf32, #tpu.memory_space<hbm>> -> memref<1000x48xf32, #tpu.memory_space<hbm>>
        tpu.enqueue_indirect_dma source(%dma_start3A_567 : memref<1000x48xf32, #tpu.memory_space<hbm>>) target(%dma_start3A_561 : memref<128x48xf32, #tpu.memory_space<vmem>>) offsets(%dma_start3A_564 : memref<128xi32, #tpu.memory_space<vmem>>) semaphore(%arg28 : memref<!tpu.dma_semaphore, #tpu.memory_space<semaphore_mem>>)
        %dma_start3A_568 = arith.constant 256 : i32
        %dma_start3A_569 = arith.constant 0 : i32
        %dma_start3A_570 = tpu.memref_slice %arg14[%sub3A_547, %dma_start3A_568, %dma_start3A_569] : memref<2x400x48xf32, #tpu.memory_space<vmem>> -> memref<1x128x48xf32, #tpu.memory_space<vmem>>
        %dma_start3A_571 = tpu.memref_squeeze %dma_start3A_570 : memref<1x128x48xf32, #tpu.memory_space<vmem>> -> memref<128x48xf32, #tpu.memory_space<vmem>>
        %dma_start3A_572 = arith.constant 256 : i32
        %dma_start3A_573 = tpu.memref_slice %arg16[%sub3A_547, %dma_start3A_572] : memref<2x400xi32, #tpu.memory_space<vmem>> -> memref<1x128xi32, #tpu.memory_space<vmem>>
        %dma_start3A_574 = tpu.memref_squeeze %dma_start3A_573 : memref<1x128xi32, #tpu.memory_space<vmem>> -> memref<128xi32, #tpu.memory_space<vmem>>
        %dma_start3A_575 = arith.constant 0 : i32
        %dma_start3A_576 = arith.constant 0 : i32
        %dma_start3A_577 = tpu.memref_slice %arg2[%dma_start3A_575, %dma_start3A_576] : memref<1000x48xf32, #tpu.memory_space<hbm>> -> memref<1000x48xf32, #tpu.memory_space<hbm>>
        tpu.enqueue_indirect_dma source(%dma_start3A_577 : memref<1000x48xf32, #tpu.memory_space<hbm>>) target(%dma_start3A_571 : memref<128x48xf32, #tpu.memory_space<vmem>>) offsets(%dma_start3A_574 : memref<128xi32, #tpu.memory_space<vmem>>) semaphore(%arg28 : memref<!tpu.dma_semaphore, #tpu.memory_space<semaphore_mem>>)
        %dma_start3A_578 = arith.constant 384 : i32
        %dma_start3A_579 = arith.constant 0 : i32
        %dma_start3A_580 = tpu.memref_slice %arg14[%sub3A_547, %dma_start3A_578, %dma_start3A_579] : memref<2x400x48xf32, #tpu.memory_space<vmem>> -> memref<1x16x48xf32, #tpu.memory_space<vmem>>
        %dma_start3A_581 = tpu.memref_squeeze %dma_start3A_580 : memref<1x16x48xf32, #tpu.memory_space<vmem>> -> memref<16x48xf32, #tpu.memory_space<vmem>>
        %dma_start3A_582 = arith.constant 384 : i32
        %dma_start3A_583 = tpu.memref_slice %arg16[%sub3A_547, %dma_start3A_582] : memref<2x400xi32, #tpu.memory_space<vmem>> -> memref<1x16xi32, #tpu.memory_space<vmem>>
        %dma_start3A_584 = tpu.memref_squeeze %dma_start3A_583 : memref<1x16xi32, #tpu.memory_space<vmem>> -> memref<16xi32, #tpu.memory_space<vmem>>
        %dma_start3A_585 = arith.constant 0 : i32
        %dma_start3A_586 = arith.constant 0 : i32
        %dma_start3A_587 = tpu.memref_slice %arg2[%dma_start3A_585, %dma_start3A_586] : memref<1000x48xf32, #tpu.memory_space<hbm>> -> memref<1000x48xf32, #tpu.memory_space<hbm>>
        tpu.enqueue_indirect_dma source(%dma_start3A_587 : memref<1000x48xf32, #tpu.memory_space<hbm>>) target(%dma_start3A_581 : memref<16x48xf32, #tpu.memory_space<vmem>>) offsets(%dma_start3A_584 : memref<16xi32, #tpu.memory_space<vmem>>) semaphore(%arg28 : memref<!tpu.dma_semaphore, #tpu.memory_space<semaphore_mem>>)
      } else {
      }
      %lt3A_542 = arith.constant 14 : i32
      %lt3A_543 = arith.cmpi slt, %scan3A_308, %lt3A_542 : i32
      %convert_element_type3A_544 = arith.extui %lt3A_543 : i1 to i32
      %cond3A_545 = arith.constant 0 : i32
      %cond3A_546 = arith.cmpi ne, %convert_element_type3A_544, %cond3A_545 : i32
      scf.if %cond3A_546 {
        %add3A_547 = arith.constant 2 : i32
        %add3A_548 = arith.addi %scan3A_308, %add3A_547 : i32
        %min3A = arith.constant 15 : i32
        %min3A_549 = arith.minsi %add3A_548, %min3A : i32
        %mul3A_550 = arith.constant 400 : i32
        %mul3A_551 = arith.muli %min3A_549, %mul3A_550 : i32
        %add3A_552 = arith.addi %mul3A_3, %mul3A_551 : i32
        %mul3A_553 = arith.constant 8 : i32
        %mul3A_554 = arith.muli %min3A_549, %mul3A_553 : i32
        %add3A_555 = arith.addi %mul3A_5, %mul3A_554 : i32
        %dma_start3A_556 = arith.constant 0 : i32
        %dma_start3A_557 = tpu.memref_slice %arg16[%select_n3A_317, %dma_start3A_556] : memref<2x400xi32, #tpu.memory_space<vmem>> -> memref<1x400xi32, #tpu.memory_space<vmem>>
        %dma_start3A_558 = tpu.memref_squeeze %dma_start3A_557 : memref<1x400xi32, #tpu.memory_space<vmem>> -> memref<400xi32, #tpu.memory_space<vmem>>
        %dma_start3A_559 = tpu.memref_slice %arg3[%add3A_552] : memref<204800xi32, #tpu.memory_space<hbm>> -> memref<400xi32, #tpu.memory_space<hbm>>
        %dma_start3A_560 = arith.constant 0 : i32
        %dma_start3A_561 = tpu.memref_slice %arg16[%select_n3A_317, %dma_start3A_560] : memref<2x400xi32, #tpu.memory_space<vmem>> -> memref<1x400xi32, #tpu.memory_space<vmem>>
        %dma_start3A_562 = tpu.memref_squeeze %dma_start3A_561 : memref<1x400xi32, #tpu.memory_space<vmem>> -> memref<400xi32, #tpu.memory_space<vmem>>
        %dma_start3A_563 = tpu.memref_slice %arg3[%add3A_552] : memref<204800xi32, #tpu.memory_space<hbm>> -> memref<400xi32, #tpu.memory_space<hbm>>
        tpu.enqueue_dma source(%dma_start3A_563 : memref<400xi32, #tpu.memory_space<hbm>>) target(%dma_start3A_562 : memref<400xi32, #tpu.memory_space<vmem>>) target_semaphore(%arg27 : memref<!tpu.dma_semaphore, #tpu.memory_space<semaphore_mem>>)
        %dma_start3A_564 = arith.constant 0 : i32
        %dma_start3A_565 = tpu.memref_slice %arg17[%select_n3A_317, %dma_start3A_564] : memref<2x400xi32, #tpu.memory_space<vmem>> -> memref<1x400xi32, #tpu.memory_space<vmem>>
        %dma_start3A_566 = tpu.memref_squeeze %dma_start3A_565 : memref<1x400xi32, #tpu.memory_space<vmem>> -> memref<400xi32, #tpu.memory_space<vmem>>
        %dma_start3A_567 = tpu.memref_slice %arg4[%add3A_552] : memref<204800xi32, #tpu.memory_space<hbm>> -> memref<400xi32, #tpu.memory_space<hbm>>
        %dma_start3A_568 = arith.constant 0 : i32
        %dma_start3A_569 = tpu.memref_slice %arg17[%select_n3A_317, %dma_start3A_568] : memref<2x400xi32, #tpu.memory_space<vmem>> -> memref<1x400xi32, #tpu.memory_space<vmem>>
        %dma_start3A_570 = tpu.memref_squeeze %dma_start3A_569 : memref<1x400xi32, #tpu.memory_space<vmem>> -> memref<400xi32, #tpu.memory_space<vmem>>
        %dma_start3A_571 = tpu.memref_slice %arg4[%add3A_552] : memref<204800xi32, #tpu.memory_space<hbm>> -> memref<400xi32, #tpu.memory_space<hbm>>
        tpu.enqueue_dma source(%dma_start3A_571 : memref<400xi32, #tpu.memory_space<hbm>>) target(%dma_start3A_570 : memref<400xi32, #tpu.memory_space<vmem>>) target_semaphore(%arg27 : memref<!tpu.dma_semaphore, #tpu.memory_space<semaphore_mem>>)
        %dma_start3A_572 = arith.constant 0 : i32
        %dma_start3A_573 = arith.constant 0 : i32
        %dma_start3A_574 = tpu.memref_slice %arg18[%select_n3A_317, %dma_start3A_572, %dma_start3A_573] : memref<2x8x200xf32, #tpu.memory_space<vmem>> -> memref<1x8x200xf32, #tpu.memory_space<vmem>>
        %dma_start3A_575 = tpu.memref_squeeze %dma_start3A_574 : memref<1x8x200xf32, #tpu.memory_space<vmem>> -> memref<8x200xf32, #tpu.memory_space<vmem>>
        %dma_start3A_576 = arith.constant 0 : i32
        %dma_start3A_577 = tpu.memref_slice %arg5[%add3A_555, %dma_start3A_576] : memref<4096x200xf32, #tpu.memory_space<hbm>> -> memref<8x200xf32, #tpu.memory_space<hbm>>
        %dma_start3A_578 = arith.constant 0 : i32
        %dma_start3A_579 = arith.constant 0 : i32
        %dma_start3A_580 = tpu.memref_slice %arg18[%select_n3A_317, %dma_start3A_578, %dma_start3A_579] : memref<2x8x200xf32, #tpu.memory_space<vmem>> -> memref<1x8x200xf32, #tpu.memory_space<vmem>>
        %dma_start3A_581 = tpu.memref_squeeze %dma_start3A_580 : memref<1x8x200xf32, #tpu.memory_space<vmem>> -> memref<8x200xf32, #tpu.memory_space<vmem>>
        %dma_start3A_582 = arith.constant 0 : i32
        %dma_start3A_583 = tpu.memref_slice %arg5[%add3A_555, %dma_start3A_582] : memref<4096x200xf32, #tpu.memory_space<hbm>> -> memref<8x200xf32, #tpu.memory_space<hbm>>
        tpu.enqueue_dma source(%dma_start3A_583 : memref<8x200xf32, #tpu.memory_space<hbm>>) target(%dma_start3A_581 : memref<8x200xf32, #tpu.memory_space<vmem>>) target_semaphore(%arg27 : memref<!tpu.dma_semaphore, #tpu.memory_space<semaphore_mem>>)
      } else {
      }
    }
    %scan3A_163 = arith.constant 16 : i32
    %dma_wait3A_164 = arith.constant 0 : i32
    %dma_wait3A_165 = arith.constant 0 : i32
    %dma_wait3A_166 = arith.constant 0 : i32
    %dma_wait3A_167 = arith.constant 0 : i32
    %dma_wait3A_168 = tpu.memref_slice %arg13[%dma_wait3A_165, %dma_wait3A_166, %dma_wait3A_167] : memref<2x400x63xf32, #tpu.memory_space<vmem>> -> memref<1x50x63xf32, #tpu.memory_space<vmem>>
    %dma_wait3A_169 = tpu.memref_squeeze %dma_wait3A_168 : memref<1x50x63xf32, #tpu.memory_space<vmem>> -> memref<50x63xf32, #tpu.memory_space<vmem>>
    %dma_wait3A_170 = arith.constant 0 : i32
    %dma_wait3A_171 = arith.constant 0 : i32
    %dma_wait3A_172 = tpu.memref_slice %arg12[%dma_wait3A_164, %dma_wait3A_170, %dma_wait3A_171] : memref<4096x50x63xf32, #tpu.memory_space<hbm>> -> memref<1x50x63xf32, #tpu.memory_space<hbm>>
    %dma_wait3A_173 = tpu.memref_squeeze %dma_wait3A_172 : memref<1x50x63xf32, #tpu.memory_space<hbm>> -> memref<50x63xf32, #tpu.memory_space<hbm>>
    %dma_wait3A_174 = arith.constant 0 : i32
    %dma_wait3A_175 = arith.constant 0 : i32
    %dma_wait3A_176 = tpu.memref_slice %arg13[%dma_wait3A_165, %dma_wait3A_174, %dma_wait3A_175] : memref<2x400x63xf32, #tpu.memory_space<vmem>> -> memref<1x50x63xf32, #tpu.memory_space<vmem>>
    %dma_wait3A_177 = tpu.memref_squeeze %dma_wait3A_176 : memref<1x50x63xf32, #tpu.memory_space<vmem>> -> memref<50x63xf32, #tpu.memory_space<vmem>>
    %dma_wait3A_178 = arith.constant 0 : i32
    %dma_wait3A_179 = arith.constant 0 : i32
    %dma_wait3A_180 = tpu.memref_slice %arg12[%dma_wait3A_164, %dma_wait3A_178, %dma_wait3A_179] : memref<4096x50x63xf32, #tpu.memory_space<hbm>> -> memref<1x50x63xf32, #tpu.memory_space<hbm>>
    %dma_wait3A_181 = tpu.memref_squeeze %dma_wait3A_180 : memref<1x50x63xf32, #tpu.memory_space<hbm>> -> memref<50x63xf32, #tpu.memory_space<hbm>>
    tpu.wait_dma2 semaphore(%arg29 : memref<!tpu.dma_semaphore, #tpu.memory_space<semaphore_mem>>) src(%dma_wait3A_181 : memref<50x63xf32, #tpu.memory_space<hbm>>) dst(%dma_wait3A_177 : memref<50x63xf32, #tpu.memory_space<vmem>>)
    %dma_wait3A_182 = arith.constant 0 : i32
    %dma_wait3A_183 = arith.constant 0 : i32
    %dma_wait3A_184 = arith.constant 0 : i32
    %dma_wait3A_185 = arith.constant 0 : i32
    %dma_wait3A_186 = tpu.memref_slice %arg13[%dma_wait3A_183, %dma_wait3A_184, %dma_wait3A_185] : memref<2x400x63xf32, #tpu.memory_space<vmem>> -> memref<1x50x63xf32, #tpu.memory_space<vmem>>
    %dma_wait3A_187 = tpu.memref_squeeze %dma_wait3A_186 : memref<1x50x63xf32, #tpu.memory_space<vmem>> -> memref<50x63xf32, #tpu.memory_space<vmem>>
    %dma_wait3A_188 = arith.constant 0 : i32
    %dma_wait3A_189 = arith.constant 0 : i32
    %dma_wait3A_190 = tpu.memref_slice %arg12[%dma_wait3A_182, %dma_wait3A_188, %dma_wait3A_189] : memref<4096x50x63xf32, #tpu.memory_space<hbm>> -> memref<1x50x63xf32, #tpu.memory_space<hbm>>
    %dma_wait3A_191 = tpu.memref_squeeze %dma_wait3A_190 : memref<1x50x63xf32, #tpu.memory_space<hbm>> -> memref<50x63xf32, #tpu.memory_space<hbm>>
    %dma_wait3A_192 = arith.constant 0 : i32
    %dma_wait3A_193 = arith.constant 0 : i32
    %dma_wait3A_194 = tpu.memref_slice %arg13[%dma_wait3A_183, %dma_wait3A_192, %dma_wait3A_193] : memref<2x400x63xf32, #tpu.memory_space<vmem>> -> memref<1x50x63xf32, #tpu.memory_space<vmem>>
    %dma_wait3A_195 = tpu.memref_squeeze %dma_wait3A_194 : memref<1x50x63xf32, #tpu.memory_space<vmem>> -> memref<50x63xf32, #tpu.memory_space<vmem>>
    %dma_wait3A_196 = arith.constant 0 : i32
    %dma_wait3A_197 = arith.constant 0 : i32
    %dma_wait3A_198 = tpu.memref_slice %arg12[%dma_wait3A_182, %dma_wait3A_196, %dma_wait3A_197] : memref<4096x50x63xf32, #tpu.memory_space<hbm>> -> memref<1x50x63xf32, #tpu.memory_space<hbm>>
    %dma_wait3A_199 = tpu.memref_squeeze %dma_wait3A_198 : memref<1x50x63xf32, #tpu.memory_space<hbm>> -> memref<50x63xf32, #tpu.memory_space<hbm>>
    tpu.wait_dma2 semaphore(%arg29 : memref<!tpu.dma_semaphore, #tpu.memory_space<semaphore_mem>>) src(%dma_wait3A_199 : memref<50x63xf32, #tpu.memory_space<hbm>>) dst(%dma_wait3A_195 : memref<50x63xf32, #tpu.memory_space<vmem>>)
    %dma_wait3A_200 = arith.constant 0 : i32
    %dma_wait3A_201 = arith.constant 0 : i32
    %dma_wait3A_202 = arith.constant 0 : i32
    %dma_wait3A_203 = arith.constant 0 : i32
    %dma_wait3A_204 = tpu.memref_slice %arg13[%dma_wait3A_201, %dma_wait3A_202, %dma_wait3A_203] : memref<2x400x63xf32, #tpu.memory_space<vmem>> -> memref<1x50x63xf32, #tpu.memory_space<vmem>>
    %dma_wait3A_205 = tpu.memref_squeeze %dma_wait3A_204 : memref<1x50x63xf32, #tpu.memory_space<vmem>> -> memref<50x63xf32, #tpu.memory_space<vmem>>
    %dma_wait3A_206 = arith.constant 0 : i32
    %dma_wait3A_207 = arith.constant 0 : i32
    %dma_wait3A_208 = tpu.memref_slice %arg12[%dma_wait3A_200, %dma_wait3A_206, %dma_wait3A_207] : memref<4096x50x63xf32, #tpu.memory_space<hbm>> -> memref<1x50x63xf32, #tpu.memory_space<hbm>>
    %dma_wait3A_209 = tpu.memref_squeeze %dma_wait3A_208 : memref<1x50x63xf32, #tpu.memory_space<hbm>> -> memref<50x63xf32, #tpu.memory_space<hbm>>
    %dma_wait3A_210 = arith.constant 0 : i32
    %dma_wait3A_211 = arith.constant 0 : i32
    %dma_wait3A_212 = tpu.memref_slice %arg13[%dma_wait3A_201, %dma_wait3A_210, %dma_wait3A_211] : memref<2x400x63xf32, #tpu.memory_space<vmem>> -> memref<1x50x63xf32, #tpu.memory_space<vmem>>
    %dma_wait3A_213 = tpu.memref_squeeze %dma_wait3A_212 : memref<1x50x63xf32, #tpu.memory_space<vmem>> -> memref<50x63xf32, #tpu.memory_space<vmem>>
    %dma_wait3A_214 = arith.constant 0 : i32
    %dma_wait3A_215 = arith.constant 0 : i32
    %dma_wait3A_216 = tpu.memref_slice %arg12[%dma_wait3A_200, %dma_wait3A_214, %dma_wait3A_215] : memref<4096x50x63xf32, #tpu.memory_space<hbm>> -> memref<1x50x63xf32, #tpu.memory_space<hbm>>
    %dma_wait3A_217 = tpu.memref_squeeze %dma_wait3A_216 : memref<1x50x63xf32, #tpu.memory_space<hbm>> -> memref<50x63xf32, #tpu.memory_space<hbm>>
    tpu.wait_dma2 semaphore(%arg29 : memref<!tpu.dma_semaphore, #tpu.memory_space<semaphore_mem>>) src(%dma_wait3A_217 : memref<50x63xf32, #tpu.memory_space<hbm>>) dst(%dma_wait3A_213 : memref<50x63xf32, #tpu.memory_space<vmem>>)
    %dma_wait3A_218 = arith.constant 0 : i32
    %dma_wait3A_219 = arith.constant 0 : i32
    %dma_wait3A_220 = arith.constant 0 : i32
    %dma_wait3A_221 = arith.constant 0 : i32
    %dma_wait3A_222 = tpu.memref_slice %arg13[%dma_wait3A_219, %dma_wait3A_220, %dma_wait3A_221] : memref<2x400x63xf32, #tpu.memory_space<vmem>> -> memref<1x50x63xf32, #tpu.memory_space<vmem>>
    %dma_wait3A_223 = tpu.memref_squeeze %dma_wait3A_222 : memref<1x50x63xf32, #tpu.memory_space<vmem>> -> memref<50x63xf32, #tpu.memory_space<vmem>>
    %dma_wait3A_224 = arith.constant 0 : i32
    %dma_wait3A_225 = arith.constant 0 : i32
    %dma_wait3A_226 = tpu.memref_slice %arg12[%dma_wait3A_218, %dma_wait3A_224, %dma_wait3A_225] : memref<4096x50x63xf32, #tpu.memory_space<hbm>> -> memref<1x50x63xf32, #tpu.memory_space<hbm>>
    %dma_wait3A_227 = tpu.memref_squeeze %dma_wait3A_226 : memref<1x50x63xf32, #tpu.memory_space<hbm>> -> memref<50x63xf32, #tpu.memory_space<hbm>>
    %dma_wait3A_228 = arith.constant 0 : i32
    %dma_wait3A_229 = arith.constant 0 : i32
    %dma_wait3A_230 = tpu.memref_slice %arg13[%dma_wait3A_219, %dma_wait3A_228, %dma_wait3A_229] : memref<2x400x63xf32, #tpu.memory_space<vmem>> -> memref<1x50x63xf32, #tpu.memory_space<vmem>>
    %dma_wait3A_231 = tpu.memref_squeeze %dma_wait3A_230 : memref<1x50x63xf32, #tpu.memory_space<vmem>> -> memref<50x63xf32, #tpu.memory_space<vmem>>
    %dma_wait3A_232 = arith.constant 0 : i32
    %dma_wait3A_233 = arith.constant 0 : i32
    %dma_wait3A_234 = tpu.memref_slice %arg12[%dma_wait3A_218, %dma_wait3A_232, %dma_wait3A_233] : memref<4096x50x63xf32, #tpu.memory_space<hbm>> -> memref<1x50x63xf32, #tpu.memory_space<hbm>>
    %dma_wait3A_235 = tpu.memref_squeeze %dma_wait3A_234 : memref<1x50x63xf32, #tpu.memory_space<hbm>> -> memref<50x63xf32, #tpu.memory_space<hbm>>
    tpu.wait_dma2 semaphore(%arg29 : memref<!tpu.dma_semaphore, #tpu.memory_space<semaphore_mem>>) src(%dma_wait3A_235 : memref<50x63xf32, #tpu.memory_space<hbm>>) dst(%dma_wait3A_231 : memref<50x63xf32, #tpu.memory_space<vmem>>)
    %dma_wait3A_236 = arith.constant 0 : i32
    %dma_wait3A_237 = arith.constant 0 : i32
    %dma_wait3A_238 = arith.constant 0 : i32
    %dma_wait3A_239 = arith.constant 0 : i32
    %dma_wait3A_240 = tpu.memref_slice %arg13[%dma_wait3A_237, %dma_wait3A_238, %dma_wait3A_239] : memref<2x400x63xf32, #tpu.memory_space<vmem>> -> memref<1x50x63xf32, #tpu.memory_space<vmem>>
    %dma_wait3A_241 = tpu.memref_squeeze %dma_wait3A_240 : memref<1x50x63xf32, #tpu.memory_space<vmem>> -> memref<50x63xf32, #tpu.memory_space<vmem>>
    %dma_wait3A_242 = arith.constant 0 : i32
    %dma_wait3A_243 = arith.constant 0 : i32
    %dma_wait3A_244 = tpu.memref_slice %arg12[%dma_wait3A_236, %dma_wait3A_242, %dma_wait3A_243] : memref<4096x50x63xf32, #tpu.memory_space<hbm>> -> memref<1x50x63xf32, #tpu.memory_space<hbm>>
    %dma_wait3A_245 = tpu.memref_squeeze %dma_wait3A_244 : memref<1x50x63xf32, #tpu.memory_space<hbm>> -> memref<50x63xf32, #tpu.memory_space<hbm>>
    %dma_wait3A_246 = arith.constant 0 : i32
    %dma_wait3A_247 = arith.constant 0 : i32
    %dma_wait3A_248 = tpu.memref_slice %arg13[%dma_wait3A_237, %dma_wait3A_246, %dma_wait3A_247] : memref<2x400x63xf32, #tpu.memory_space<vmem>> -> memref<1x50x63xf32, #tpu.memory_space<vmem>>
    %dma_wait3A_249 = tpu.memref_squeeze %dma_wait3A_248 : memref<1x50x63xf32, #tpu.memory_space<vmem>> -> memref<50x63xf32, #tpu.memory_space<vmem>>
    %dma_wait3A_250 = arith.constant 0 : i32
    %dma_wait3A_251 = arith.constant 0 : i32
    %dma_wait3A_252 = tpu.memref_slice %arg12[%dma_wait3A_236, %dma_wait3A_250, %dma_wait3A_251] : memref<4096x50x63xf32, #tpu.memory_space<hbm>> -> memref<1x50x63xf32, #tpu.memory_space<hbm>>
    %dma_wait3A_253 = tpu.memref_squeeze %dma_wait3A_252 : memref<1x50x63xf32, #tpu.memory_space<hbm>> -> memref<50x63xf32, #tpu.memory_space<hbm>>
    tpu.wait_dma2 semaphore(%arg29 : memref<!tpu.dma_semaphore, #tpu.memory_space<semaphore_mem>>) src(%dma_wait3A_253 : memref<50x63xf32, #tpu.memory_space<hbm>>) dst(%dma_wait3A_249 : memref<50x63xf32, #tpu.memory_space<vmem>>)
    %dma_wait3A_254 = arith.constant 0 : i32
    %dma_wait3A_255 = arith.constant 0 : i32
    %dma_wait3A_256 = arith.constant 0 : i32
    %dma_wait3A_257 = arith.constant 0 : i32
    %dma_wait3A_258 = tpu.memref_slice %arg13[%dma_wait3A_255, %dma_wait3A_256, %dma_wait3A_257] : memref<2x400x63xf32, #tpu.memory_space<vmem>> -> memref<1x50x63xf32, #tpu.memory_space<vmem>>
    %dma_wait3A_259 = tpu.memref_squeeze %dma_wait3A_258 : memref<1x50x63xf32, #tpu.memory_space<vmem>> -> memref<50x63xf32, #tpu.memory_space<vmem>>
    %dma_wait3A_260 = arith.constant 0 : i32
    %dma_wait3A_261 = arith.constant 0 : i32
    %dma_wait3A_262 = tpu.memref_slice %arg12[%dma_wait3A_254, %dma_wait3A_260, %dma_wait3A_261] : memref<4096x50x63xf32, #tpu.memory_space<hbm>> -> memref<1x50x63xf32, #tpu.memory_space<hbm>>
    %dma_wait3A_263 = tpu.memref_squeeze %dma_wait3A_262 : memref<1x50x63xf32, #tpu.memory_space<hbm>> -> memref<50x63xf32, #tpu.memory_space<hbm>>
    %dma_wait3A_264 = arith.constant 0 : i32
    %dma_wait3A_265 = arith.constant 0 : i32
    %dma_wait3A_266 = tpu.memref_slice %arg13[%dma_wait3A_255, %dma_wait3A_264, %dma_wait3A_265] : memref<2x400x63xf32, #tpu.memory_space<vmem>> -> memref<1x50x63xf32, #tpu.memory_space<vmem>>
    %dma_wait3A_267 = tpu.memref_squeeze %dma_wait3A_266 : memref<1x50x63xf32, #tpu.memory_space<vmem>> -> memref<50x63xf32, #tpu.memory_space<vmem>>
    %dma_wait3A_268 = arith.constant 0 : i32
    %dma_wait3A_269 = arith.constant 0 : i32
    %dma_wait3A_270 = tpu.memref_slice %arg12[%dma_wait3A_254, %dma_wait3A_268, %dma_wait3A_269] : memref<4096x50x63xf32, #tpu.memory_space<hbm>> -> memref<1x50x63xf32, #tpu.memory_space<hbm>>
    %dma_wait3A_271 = tpu.memref_squeeze %dma_wait3A_270 : memref<1x50x63xf32, #tpu.memory_space<hbm>> -> memref<50x63xf32, #tpu.memory_space<hbm>>
    tpu.wait_dma2 semaphore(%arg29 : memref<!tpu.dma_semaphore, #tpu.memory_space<semaphore_mem>>) src(%dma_wait3A_271 : memref<50x63xf32, #tpu.memory_space<hbm>>) dst(%dma_wait3A_267 : memref<50x63xf32, #tpu.memory_space<vmem>>)
    %dma_wait3A_272 = arith.constant 0 : i32
    %dma_wait3A_273 = arith.constant 0 : i32
    %dma_wait3A_274 = arith.constant 0 : i32
    %dma_wait3A_275 = arith.constant 0 : i32
    %dma_wait3A_276 = tpu.memref_slice %arg13[%dma_wait3A_273, %dma_wait3A_274, %dma_wait3A_275] : memref<2x400x63xf32, #tpu.memory_space<vmem>> -> memref<1x50x63xf32, #tpu.memory_space<vmem>>
    %dma_wait3A_277 = tpu.memref_squeeze %dma_wait3A_276 : memref<1x50x63xf32, #tpu.memory_space<vmem>> -> memref<50x63xf32, #tpu.memory_space<vmem>>
    %dma_wait3A_278 = arith.constant 0 : i32
    %dma_wait3A_279 = arith.constant 0 : i32
    %dma_wait3A_280 = tpu.memref_slice %arg12[%dma_wait3A_272, %dma_wait3A_278, %dma_wait3A_279] : memref<4096x50x63xf32, #tpu.memory_space<hbm>> -> memref<1x50x63xf32, #tpu.memory_space<hbm>>
    %dma_wait3A_281 = tpu.memref_squeeze %dma_wait3A_280 : memref<1x50x63xf32, #tpu.memory_space<hbm>> -> memref<50x63xf32, #tpu.memory_space<hbm>>
    %dma_wait3A_282 = arith.constant 0 : i32
    %dma_wait3A_283 = arith.constant 0 : i32
    %dma_wait3A_284 = tpu.memref_slice %arg13[%dma_wait3A_273, %dma_wait3A_282, %dma_wait3A_283] : memref<2x400x63xf32, #tpu.memory_space<vmem>> -> memref<1x50x63xf32, #tpu.memory_space<vmem>>
    %dma_wait3A_285 = tpu.memref_squeeze %dma_wait3A_284 : memref<1x50x63xf32, #tpu.memory_space<vmem>> -> memref<50x63xf32, #tpu.memory_space<vmem>>
    %dma_wait3A_286 = arith.constant 0 : i32
    %dma_wait3A_287 = arith.constant 0 : i32
    %dma_wait3A_288 = tpu.memref_slice %arg12[%dma_wait3A_272, %dma_wait3A_286, %dma_wait3A_287] : memref<4096x50x63xf32, #tpu.memory_space<hbm>> -> memref<1x50x63xf32, #tpu.memory_space<hbm>>
    %dma_wait3A_289 = tpu.memref_squeeze %dma_wait3A_288 : memref<1x50x63xf32, #tpu.memory_space<hbm>> -> memref<50x63xf32, #tpu.memory_space<hbm>>
    tpu.wait_dma2 semaphore(%arg29 : memref<!tpu.dma_semaphore, #tpu.memory_space<semaphore_mem>>) src(%dma_wait3A_289 : memref<50x63xf32, #tpu.memory_space<hbm>>) dst(%dma_wait3A_285 : memref<50x63xf32, #tpu.memory_space<vmem>>)
    %dma_wait3A_290 = arith.constant 0 : i32
    %dma_wait3A_291 = arith.constant 0 : i32
    %dma_wait3A_292 = arith.constant 0 : i32
    %dma_wait3A_293 = arith.constant 0 : i32
    %dma_wait3A_294 = tpu.memref_slice %arg13[%dma_wait3A_291, %dma_wait3A_292, %dma_wait3A_293] : memref<2x400x63xf32, #tpu.memory_space<vmem>> -> memref<1x50x63xf32, #tpu.memory_space<vmem>>
    %dma_wait3A_295 = tpu.memref_squeeze %dma_wait3A_294 : memref<1x50x63xf32, #tpu.memory_space<vmem>> -> memref<50x63xf32, #tpu.memory_space<vmem>>
    %dma_wait3A_296 = arith.constant 0 : i32
    %dma_wait3A_297 = arith.constant 0 : i32
    %dma_wait3A_298 = tpu.memref_slice %arg12[%dma_wait3A_290, %dma_wait3A_296, %dma_wait3A_297] : memref<4096x50x63xf32, #tpu.memory_space<hbm>> -> memref<1x50x63xf32, #tpu.memory_space<hbm>>
    %dma_wait3A_299 = tpu.memref_squeeze %dma_wait3A_298 : memref<1x50x63xf32, #tpu.memory_space<hbm>> -> memref<50x63xf32, #tpu.memory_space<hbm>>
    %dma_wait3A_300 = arith.constant 0 : i32
    %dma_wait3A_301 = arith.constant 0 : i32
    %dma_wait3A_302 = tpu.memref_slice %arg13[%dma_wait3A_291, %dma_wait3A_300, %dma_wait3A_301] : memref<2x400x63xf32, #tpu.memory_space<vmem>> -> memref<1x50x63xf32, #tpu.memory_space<vmem>>
    %dma_wait3A_303 = tpu.memref_squeeze %dma_wait3A_302 : memref<1x50x63xf32, #tpu.memory_space<vmem>> -> memref<50x63xf32, #tpu.memory_space<vmem>>
    %dma_wait3A_304 = arith.constant 0 : i32
    %dma_wait3A_305 = arith.constant 0 : i32
    %dma_wait3A_306 = tpu.memref_slice %arg12[%dma_wait3A_290, %dma_wait3A_304, %dma_wait3A_305] : memref<4096x50x63xf32, #tpu.memory_space<hbm>> -> memref<1x50x63xf32, #tpu.memory_space<hbm>>
    %dma_wait3A_307 = tpu.memref_squeeze %dma_wait3A_306 : memref<1x50x63xf32, #tpu.memory_space<hbm>> -> memref<50x63xf32, #tpu.memory_space<hbm>>
    tpu.wait_dma2 semaphore(%arg29 : memref<!tpu.dma_semaphore, #tpu.memory_space<semaphore_mem>>) src(%dma_wait3A_307 : memref<50x63xf32, #tpu.memory_space<hbm>>) dst(%dma_wait3A_303 : memref<50x63xf32, #tpu.memory_space<vmem>>)
    return
  }
}

</mosaic_0001>

<sc_bundles>
// kernel: _run.3.cloned.1.call-start
scs
__scs_entry_jumppad:
0x0: {  	(pc) =	sbr.rel $0x88, $3  }
0x1: {  	(tag) =	ssettag $0x0;
	lr =	simm.s32 $0x1  }
0x2: {  	[smem:$0x3F97] =	sst lr;
	_ =	strace $0xD0000000  }
0x3: {  	_ = 	snop  }
0x4: {  	_ = 	snop  }
0x5: {  	_ = 	snop  }
0x6: {  	_ = 	snop  }
0x7: {  	_ = 	snop  }
__scs_overlays_trampoline_lowered:
0x8: {  	[smem:$0x3FA6] =	sst s0  }
0x9: {  	[smem:$0x3FA7] =	sst s1  }
0xa: {  	[smem:$0x3FA8] =	sst s2  }
0xb: {  	[smem:$0x3FA9] =	sst s3  }
0xc: {  	[smem:$0x3FAA] =	sst s4  }
0xd: {  	[smem:$0x3FAB] =	sst s5  }
0xe: {  	[smem:$0x3FAC] =	sst s6  }
0xf: {  	[smem:$0x3FAD] =	sst s7  }
0x10: {  	[smem:$0x3FAE] =	sst s8  }
0x11: {  	[smem:$0x3FAF] =	sst s9;
	s0 =	simm.s32 @!p0 $0x0  }
0x12: {  	s1 =	sld [smem:$0x3F95];
	s0 =	simm.s32 @p0 $0x1  }
0x13: {  	[smem:$0x3FB0] =	sst s0;
	s0 =	simm.s32 @!p1 $0x0  }
0x14: {  	s2 =	sld [smem:$0x3F94];
	s0 =	simm.s32 @p1 $0x1  }
0x15: {  	[smem:$0x3FB1] =	sst s0;
	s0 =	simm.s32 @!p2 $0x0  }
0x16: {  	s3 =	sld [smem:$0x3FDB];
	s0 =	simm.s32 @p2 $0x1  }
0x17: {  	s4 =	simm.s32 $0x1BF5;
	[smem:$0x3FB3] =	sst s0  }
0x18: {  	s0 =	sld [smem:$0x3F96];
	_ =	swait.ge [sflag:s4], $0x0  }
0x19: {  	s7 =	sld [smem:$0x3F97]  }
0x1a: {  	s8 =	sadd.s32 $0xFFFFE003, lr  }
0x1b: {  	s9 =	sadd.s32 $0xFFFFFEF7, lr;
	s5 =	simm.s32 $0xFFFFFFFF;
	p2 =	slt.u32 s8, $0xFFFFF086  }
0x1c: {  	p1 =	slt.u32 s9, $0xF7A;
	s5 =	simm.s32 @!p2 $0x0  }
0x1d: {  	s5 =	simm.s32 @p1 $0x1;
	p0 =	seq.s32 s7, s2  }
0x1e: {  	s7 =	smul.u32 @!p0 $0xF7A, s2;
	p2 =	seq.s32 @!p0 s5, $0x0  }
0x1f: {  	s9 =	smul.u32 $0xF7A, s1;
	s8 =	simm.s32 @!p0 $0x1BF5;
	p2 =	por !p2, p0  }
0x20: {  	[sflag:s8] =	ssyncset.s32 @!p0 $0xFFFFF086;
	s6 =	sadd.s32 @!p0 s3, s7;
	s7 =	simm.s32 @!p0 $0x108  }
0x21: {  	s3 =	sadd.s32 s3, s9;
	s6 =	sadd.s32 @!p0 $0x88, s6;
	s7 =	simm.s32 @p2 $0x1082  }
0x22: {  	[simem:s7], [sflag:s8] =	dma.local @!p0 [hbm:s6], $0xF7A  }
0x23: {  	s9 =	sor.u32 $0xD0000000, s2;
	s6 =	simm.s32 $0x108;
	_ =	swait.ge @!p0 [sflag:s8], $0x0  }
0x24: {  	s3 =	sadd.s32 $0x88, s3;
	s6 =	simm.s32 @!p1 $0x1082;
	[sflag:s4] =	ssyncset.s32 $0xFFFFF086  }
0x25: {  	[simem:s6], [sflag:s4] =	dma.local [hbm:s3], $0xF7A  }
0x26: {  	[smem:$0x3F97] =	sst s1;
	(tag) =	ssettag s2;
	_ =	strace s9  }
0x27: {  	s1 =	sld [smem:$0x3FA7]  }
0x28: {  	s2 =	sld [smem:$0x3FA8]  }
0x29: {  	s4 =	sld [smem:$0x3FAA]  }
0x2a: {  	p0 =	seq.s32 s5, $0x0;
	s5 =	sld [smem:$0x3FAB]  }
0x2b: {  	s6 =	sld [smem:$0x3FAC]  }
0x2c: {  	s7 =	sld [smem:$0x3FAD]  }
0x2d: {  	s3 =	simm.s32 $0x108;
	s8 =	sld [smem:$0x3FAE]  }
0x2e: {  	s3 =	simm.s32 @!p0 $0x1082;
	s9 =	sld [smem:$0x3FAF]  }
0x2f: {  	lr =	sadd.s32 s0, s3;
	s0 =	sld [smem:$0x3FA6]  }
0x30: {  	s3 =	sld [smem:$0x3FA9]  }
0x31: {  	[smem:$0x3FB2] =	sst s10  }
0x32: {  	s10 =	sld [smem:$0x3FB0];
	_ =	sdelay $0x3  }
0x33: {  	p0 =	seq.s32 s10, $0x1;
	s10 =	sld [smem:$0x3FB2];
	_ =	sdelay $0x3  }
0x34: {  	[smem:$0x3FB2] =	sst s10  }
0x35: {  	s10 =	sld [smem:$0x3FB1];
	_ =	sdelay $0x3  }
0x36: {  	p1 =	seq.s32 s10, $0x1;
	s10 =	sld [smem:$0x3FB2];
	_ =	sdelay $0x3  }
0x37: {  	[smem:$0x3FB2] =	sst s10  }
0x38: {  	s10 =	sld [smem:$0x3FB3]  }
0x39: {  	_ = 	snop;
	(pc) =	sbr.ind lr, $3  }
0x3a: {  	_ = 	snop  }
0x3b: {  	_ = 	snop  }
0x3c: {  	p2 =	seq.s32 s10, $0x1;
	s10 =	sld [smem:$0x3FB2]  }
0x3d: {  	_ =	shalt  }
0x3e: {  	_ =	shalt  }
0x3f: {  	_ =	shalt  }
0x40: {  	_ =	shalt  }
0x41: {  	_ =	shalt  }
0x42: {  	_ =	shalt  }
0x43: {  	_ =	shalt  }
0x44: {  	_ =	shalt  }
0x45: {  	_ =	shalt  }
0x46: {  	_ =	shalt  }
0x47: {  	_ =	shalt  }
0x48: {  	_ =	shalt  }
0x49: {  	_ =	shalt  }
0x4a: {  	_ =	shalt  }
0x4b: {  	_ =	shalt  }
0x4c: {  	_ =	shalt  }
0x4d: {  	_ =	shalt  }
0x4e: {  	_ =	shalt  }
0x4f: {  	_ =	shalt  }
0x50: {  	_ =	shalt  }
0x51: {  	_ =	shalt  }
0x52: {  	_ =	shalt  }
0x53: {  	_ =	shalt  }
0x54: {  	_ =	shalt  }
0x55: {  	_ =	shalt  }
0x56: {  	_ =	shalt  }
0x57: {  	_ =	shalt  }
0x58: {  	_ =	shalt  }
0x59: {  	_ =	shalt  }
0x5a: {  	_ =	shalt  }
0x5b: {  	_ =	shalt  }
0x5c: {  	_ =	shalt  }
0x5d: {  	_ =	shalt  }
0x5e: {  	_ =	shalt  }
0x5f: {  	_ =	shalt  }
0x60: {  	_ =	shalt  }
0x61: {  	_ =	shalt  }
0x62: {  	_ =	shalt  }
0x63: {  	_ =	shalt  }
0x64: {  	_ =	shalt  }
0x65: {  	_ =	shalt  }
0x66: {  	_ =	shalt  }
0x67: {  	_ =	shalt  }
0x68: {  	_ =	shalt  }
0x69: {  	_ =	shalt  }
0x6a: {  	_ =	shalt  }
0x6b: {  	_ =	shalt  }
0x6c: {  	_ =	shalt  }
0x6d: {  	_ =	shalt  }
0x6e: {  	_ =	shalt  }
0x6f: {  	_ =	shalt  }
0x70: {  	_ =	shalt  }
0x71: {  	_ =	shalt  }
0x72: {  	_ =	shalt  }
0x73: {  	_ =	shalt  }
0x74: {  	_ =	shalt  }
0x75: {  	_ =	shalt  }
0x76: {  	_ =	shalt  }
0x77: {  	_ =	shalt  }
0x78: {  	_ =	shalt  }
0x79: {  	_ =	shalt  }
0x7a: {  	_ =	shalt  }
0x7b: {  	_ =	shalt  }
0x7c: {  	_ =	shalt  }
0x7d: {  	_ =	shalt  }
0x7e: {  	_ =	shalt  }
0x7f: {  	_ =	shalt  }
0x80: {  	_ =	shalt  }
0x81: {  	_ =	shalt  }
0x82: {  	_ =	shalt  }
0x83: {  	_ =	shalt  }
0x84: {  	_ =	shalt  }
0x85: {  	_ =	shalt  }
0x86: {  	_ =	shalt  }
0x87: {  	_ =	shalt  }
.Lfunc_end0:
.L_simem_size_0:
called_computation.1_lowered:
.L_overlay_start_0:
0x88: {  	s2 =	sld [smem:$0x3FD9]  }
0x89: {  	s3 =	sld [smem:$0x3FFE];
	_ =	sdelay $0x1  }
0x8a: {  	s1 =	srdreg.scid  }
0x8b: {  	s0 =	sand.u32 $0x1, s1  }
0x8c: {  	s17 =	sshll.u32 s0, $0xA;
	s2 =	sadd.s32 s3, s2  }
0x8d: {  	s2 =	sadd.s32 s2, s17  }
0x8e: {  	[smem:$0x3FBE] =	sst s2  }
0x8f: {  	_ = 	snop  }
0x90: {  	s2 =	sld [smem:$0x3FC8]  }
0x91: {  	s18 =	sld [smem:$0x3FC7]  }
0x92: {  	s4 =	sld [smem:$0x3FC1]  }
0x93: {  	s5 =	sld [smem:$0x3FC0]  }
0x94: {  	s6 =	sld [smem:$0x3FD0];
	(tm) =	ssettm $0x1  }
0x95: {  	s7 =	sld [smem:$0x3FFB];
	_ =	sdelay $0x3  }
0x96: {  	_ =	strace s7  }
0x97: {  	s7 =	sld [smem:$0x3FFC];
	_ =	sdelay $0x3  }
0x98: {  	_ =	strace s7  }
0x99: {  	s7 =	sld [smem:$0x3FFD];
	_ =	sdelay $0x3  }
0x9a: {  	_ =	strace s7  }
0x9b: {  	_ =	strace $0x8FFFFFFF  }
0x9c: {  	s19 =	sld [smem:$0x3FDB];
	_ =	sdelay $0x1  }
0x9d: {  	s8 =	simm.s32 $_scs_section_size  }
0x9e: {  	s9 =	simm.s32 $_size__tile_overlayer_lowered;
	s10 =	simm.s32 $_tile_overlayer_lowered  }
0x9f: {  	s22 =	simm.s32 $0x1BFF;
	s21 =	sshll.u32 s10, $0x1;
	s7 =	sadd.s32 s8, s19  }
0xa0: {  	s11 =	simm.s32 $0x0;
	s20 =	sshll.u32 s9, $0x1;
	s9 =	sadd.s32 s21, s7  }
0xa1: {  	[timem:s11], [sflag:s22] =	dma.local [hbm:s9], s20  }
0xa2: {  	_ =	swait.ge [sflag:s22], s20  }
0xa3: {  	s8 =	ssub.s32 $0x0, s20;
	[sflag:s22] =	ssyncset.done $0x0  }
0xa4: {  	[sflag:s22] =	ssyncadd.s32 s8;
	_ =	sdelay $0x1  }
0xa5: {  	s23 =	simm.s32 $0x1B8B  }
0xa6: {  	_ =	swait.ge [sflag:s23], $0x1  }
0xa7: {  	[sflag:s23] =	ssyncset.done $0x0  }
0xa8: {  	s25 =	simm.s32 $0x1B8E;
	s24 =	sld [smem:$0x3FFE];
	[sflag:s23] =	ssyncadd.s32 $0xFFFFFFFF  }
0xa9: {  	s26 =	simm.s32 $execute0_lowered;
	[smem:$0x3FD2] =	sst s25  }
0xaa: {  	s9 =	sshll.u32 s26, $0x1;
	_ =	strace $0x80000046;
	[dreg:$0x1] =	wrdreg $0xFFFFFFFF  }
0xab: {  	s28 =	simm.s32 $_size_execute0_lowered;
	s7 =	sadd.s32 s7, s9;
	[dreg:$0x0] =	wrdreg $0x0  }
0xac: {  	s9 =	sshll.u32 s28, $0x1;
	[dreg:$0x2] =	wrdreg s7  }
0xad: {  	[dreg:$0x3] =	wrdreg s9  }
0xae: {  	[dreg:$0x4] =	wrdreg $0xC0  }
0xaf: {  	_ =	task [dreg:s11], $0x5FFFF  }
0xb0: {  	[dreg:$0x1] =	wrdreg $0xFFFFFFFF  }
0xb1: {  	[dreg:$0x0] =	wrdreg $0x60  }
0xb2: {  	[dreg:$0x2] =	wrdreg s24  }
0xb3: {  	[dreg:$0x3] =	wrdreg s2  }
0xb4: {  	[dreg:$0x4] =	wrdreg s18  }
0xb5: {  	[dreg:$0x5] =	wrdreg s4  }
0xb6: {  	[dreg:$0x6] =	wrdreg s5  }
0xb7: {  	[dreg:$0x7] =	wrdreg s6  }
0xb8: {  	[dreg:$0x8] =	wrdreg $0x15E000  }
0xb9: {  	[dreg:$0x9] =	wrdreg $0x9  }
0xba: {  	_ =	task.clear_ibuf [dreg:s11], $0xAFFFF;
	_ =	strace $0x90000046  }
0xbb: {  	s29 =	simm.s32 $0x9;
	_ =	strace $0x80000048  }
0xbc: {  	_ =	swait.ge [sflag:s29], $0x1  }
0xbd: {  	[sflag:s29] =	ssyncadd.s32 $0xFFFFFFFF  }
0xbe: {  	_ =	strace $0x90000048  }
0xbf: {  	_ =	sfence  }
0xc0: {  	s30 =	sld [smem:$0x0];
	_ =	sdelay $0x2  }
0xc1: {  	s31 =	sshll.u32 s1, $0xD;
	s1 =	sshrl.u32 s1, $0x2  }
0xc2: {  	s3 =	sand.u32 $0x4000, s31;
	s1 =	sadd.s32 s1, s30  }
0xc3: {  	s0 =	sor.u32 s3, s0;
	s1 =	sshll.u32 s1, $0x11  }
0xc4: {  	s0 =	sor.u32 s1, s0  }
0xc5: {  	s0 =	sadd.s32 $0x8F2B, s0  }
0xc6: {  	[sflag:s0] =	ssyncadd.remote.s32 $0x1  }
0xc7: {  	_ =	sfence.sel $0xFFFF  }
0xc8: {  	[dreg:$0x0] =	wrdreg $0xFFFFFFFF;
	(pc) =	sbr.abs _section_cstart, $3  }
0xc9: {  	[dreg:$0x1] =	wrdreg $0xFFFFFFFF  }
0xca: {  	_ =	task.clear_ibuf [dreg:s11], $0x2FFFF;
	_ =	strace $0x9FFFFFFF  }
0xcb: {  	(tm) =	ssettm $0x7FFFFFFF  }
tec
execute0_lowered:
.L_overlay_start_1:
0x0: {  	(tag) =	ssettag $0x1  }
0x1: {  	s0 =	rddreg [dreg:$0x0]  }
0x2: {  	s1 =	rddreg [dreg:$0x1]  }
0x3: {  	s2 =	rddreg [dreg:$0x2]  }
0x4: {  	s5 =	rddreg [dreg:$0x5]  }
0x5: {  	s3 =	rddreg [dreg:$0x6]  }
0x6: {  	s6 =	simm.s32 $0x0;
	s4 =	srdreg.scid;
	s11 =	stileid.u32  }
0x7: {  	s28 =	simm.s32 $0x1BC80;
	s29 =	simm.s32 $0x1BCC0;
	s30 =	simm.s32 $0x1BD40  }
0x8: {  	s31 =	simm.s32 $0x1BD50;
	[smem:$0x7FF] =	sst s6;
	s8 =	sadd.s32 $0x1000, s0  }
0x9: {  	s9 =	sadd.s32 $0x2800, s0;
	s4 =	sand.u32 $0x1, s4;
	s7 =	sshll.u32 s11, $0x1  }
0xa: {  	vm1 =	vcmask $0x300;
	v0 =	vimm.s32 $0x31;
	v63 =	vimm.s32 $0xC5;
	s10 =	sadd.s32 $0xC00, s0;
	s17 =	sadd.s32 $0x800, s0;
	s13 =	sadd.s32 $0xA00, s0  }
0xb: {  	v1 =	vimm.s32 $0xC6;
	s11 =	smul.u32 $0x12C00, s11;
	v59 =	vsel vm1, $0x30, v0;
	v0 =	vsel vm1, $0xC1, v63;
	_ =	strace $0x80000047;
	[dreg:$0x8] =	wrdreg s10  }
0xc: {  	v3 =	vimm.s32 $0xC7;
	v1 =	vsel vm1, $0xC2, v1;
	s16 =	ssub.s32 $0x2, s4;
	s4 =	sor.u32 s4, s7;
	[dreg:$0x9] =	wrdreg s17;
	[tilespmem:$0x1FFB0] =	vst v0  }
0xd: {  	v47 =	vlaneseq.u32;
	v61 =	vimm.s32 $0xC4;
	s0 =	sadd.s32 $0xE00, s0;
	v3 =	vsel vm1, $0xC3, v3;
	[dreg:$0xa] =	wrdreg s13;
	[tilespmem:$0x1FFC0] =	vst v1;
	s12 =	smul.u32 $0x1900, s4  }
0xe: {  	s14 =	simm.s32 $0x3;
	v38 =	vmul.u32 $0x4, v47;
	v4 =	vsel vm1, $0xC0, v61;
	[dreg:$0xb] =	wrdreg s0;
	[tilespmem:$0x1FFD0] =	vst v3;
	s21 =	smul.u32 $0x6400, s4  }
0xf: {  	s13 =	simm.s32 $0x1BDE0;
	[tilespmem:$0x1FFE0] =	vst v4;
	s15 =	sshll.u32 s4, $0x7;
	s4 =	smul.u32 $0xC80, s4  }
0x10: {  	s18 =	sshrl.u32 s16, $0x1;
	s26 =	sshrl.u32 s11, $0x2;
	v57 =	vor.u32 $0x1, v38;
	s11 =	simm.s32 $0x1BD60;
	[tilespmem:$0x1FFF0] =	vst v38  }
0x11: {  	v58 =	vor.u32 $0x40, v38;
	s19 =	ssub.s32 s16, s18;
	[tilespmem:$0x1FF20] =	vst v57;
	s16 =	simm.s32 $0x0;
	s4 =	sadd.s32 s9, s4  }
0x12: {  	v60 =	vor.u32 $0x41, v38;
	[tilespmem:$0x1FF30] =	vst v58;
	s20 =	sshrl.u32 s12, $0x3;
	s0 =	smax.u32 s19, $0x1;
	[dreg:$0xe] =	wrdreg s4  }
0x13: {  	v27 =	vor.u32 $0x42, v38;
	[tilespmem:$0x1FF40] =	vst v60;
	s10 =	sshrl.u32 s21, $0x3;
	s22 =	sadd.s32 s1, s20;
	[dreg:$0x12] =	wrdreg s0  }
0x14: {  	v29 =	vor.u32 $0x43, v38;
	[tilespmem:$0x1FF50] =	vst v27;
	s23 =	sadd.s32 s2, s20;
	s7 =	sadd.s32 $0x32, s20;
	[dreg:$0xc] =	wrdreg s22  }
0x15: {  	v42 =	vor.u32 $0x80, v38;
	[tilespmem:$0x1FF60] =	vst v29;
	s25 =	sadd.s32 s9, s10;
	s10 =	simm.s32 $0x2;
	[dreg:$0xd] =	wrdreg s23  }
0x16: {  	v48 =	vimm.f32 $0.0e+00;
	v55 =	vor.u32 $0x81, v38;
	[tilespmem:$0x1FF70] =	vst v42;
	s24 =	sadd.s32 s1, s7;
	s7 =	sadd.s32 s2, s7;
	s4 =	sadd.s32 $0xC8, s25  }
0x17: {  	v50 =	vimm.f32 $1.000000000e+00;
	vm0 =	vmmov $0x3;
	v43 =	vor.u32 $0x82, v38;
	[tilespmem:$0x1FF80] =	vst v55;
	s22 =	sadd.s32 s26, s3;
	s25 =	simm.s32 $0x4;
	[dreg:$0xf] =	wrdreg s24  }
0x18: {  	v17 =	vimm.s32 $0x1;
	v51 =	vor.u32 $0x10, v47;
	v52 =	vor.u32 $0x83, v38;
	[tilespmem:$0x1FF90] =	vst v43;
	s26 =	simm.s32 $0x1BC40;
	s3 =	simm.s32 $0x1AF40;
	[dreg:$0x10] =	wrdreg s7  }
0x19: {  	v54 =	vor.u32 $0x20, v47;
	v56 =	vor.u32 $0x2, v38;
	v62 =	vor.u32 $0x3, v38;
	[tilespmem:$0x1FFA0] =	vst v52;
	[dreg:$0x11] =	wrdreg s4;
	s24 =	simm.s32 $0x1BBC0;
	s7 =	simm.s32 $0x1AC20  }
.LBB2_1:
0x1a: {  	s0 =	rddreg [dreg:$0x8]  }
0x1b: {  	[tilespmem:s24], [sflag:$0x4] =	stream.linear.gather [hbm4b:s0+s6], $0x80, $0x38;
	[tilespmem:$0x1BE60] =	vst v63  }
0x1c: {  	_ =	swait.ge [sflag:s25], $0x80  }
0x1d: {  	[sflag:s25] =	ssyncset.done $0x0  }
0x1e: {  	s17 =	rddreg [dreg:$0x9];
	[sflag:s25] =	ssyncadd.s32 $0xFFFFFF80  }
0x1f: {  	[tilespmem:s26], [sflag:$0x4] =	stream.linear.gather [hbm4b:s17+s6], $0x40, $0x38;
	[tilespmem:$0x1BE60] =	vst v63  }
0x20: {  	_ =	swait.ge [sflag:s25], $0x40  }
0x21: {  	[sflag:s25] =	ssyncset.done $0x0  }
0x22: {  	s18 =	rddreg [dreg:$0xa];
	[sflag:s25] =	ssyncadd.s32 $0xFFFFFFC0  }
0x23: {  	[tilespmem:s28], [sflag:$0x4] =	stream.linear.gather [hbm4b:s18+s6], $0x40, $0x38;
	[tilespmem:$0x1BE60] =	vst v63  }
0x24: {  	_ =	swait.ge [sflag:s25], $0x40  }
0x25: {  	[sflag:s25] =	ssyncset.done $0x0  }
0x26: {  	s19 =	rddreg [dreg:$0xb];
	[sflag:s25] =	ssyncadd.s32 $0xFFFFFFC0  }
0x27: {  	[tilespmem:s29], [sflag:$0x4] =	stream.linear.gather [hbm4b:s19+s6], $0x80, $0x38;
	[tilespmem:$0x1BE60] =	vst v63  }
0x28: {  	_ =	swait.ge [sflag:s25], $0x80  }
0x29: {  	[sflag:s25] =	ssyncset.done $0x0  }
0x2a: {  	[sflag:s25] =	ssyncadd.s32 $0xFFFFFF80  }
0x2b: {  	s20 =	rddreg [dreg:$0x3]  }
0x2c: {  	[tilespmem:s30], [sflag:$0x4] =	stream.linear.gather [hbm4b:s20+s6], $0x10, $0x38;
	[tilespmem:$0x1BE60] =	vst v63  }
0x2d: {  	_ =	swait.ge [sflag:s25], $0x10  }
0x2e: {  	[sflag:s25] =	ssyncset.done $0x0  }
0x2f: {  	[sflag:s25] =	ssyncadd.s32 $0xFFFFFFF0  }
0x30: {  	s21 =	rddreg [dreg:$0x4]  }
0x31: {  	[tilespmem:s31], [sflag:$0x4] =	stream.linear.gather [hbm4b:s21+s6], $0x10, $0x38;
	[tilespmem:$0x1BE60] =	vst v63  }
0x32: {  	_ =	swait.ge [sflag:s25], $0x10  }
0x33: {  	[sflag:s25] =	ssyncset.done $0x0  }
0x34: {  	s4 =	simm.s32 $0x1A900;
	s23 =	rddreg [dreg:$0xc];
	[sflag:s25] =	ssyncadd.s32 $0xFFFFFFF0  }
0x35: {  	[tilespmem:s4], [sflag:$0x1] =	stream.linear.gather [hbm4b:s23+s6], $0x190, $0x38;
	[tilespmem:$0x1BE60] =	vst v63  }
0x36: {  	s17 =	rddreg [dreg:$0xd]  }
0x37: {  	[tilespmem:s7], [sflag:$0x1] =	stream.linear.gather [hbm4b:s17+s6], $0x190, $0x38;
	[tilespmem:$0x1BE60] =	vst v63  }
0x38: {  	s19 =	simm.s32 $0x1;
	s18 =	rddreg [dreg:$0xe]  }
0x39: {  	[tilespmem:s3], [sflag:$0x1] =	stream.linear.gather [hbm4b:s18+s6], $0x640, $0x38;
	[tilespmem:$0x1BE60] =	vst v63  }
0x3a: {  	_ =	swait.ge [sflag:s19], $0x190  }
0x3b: {  	[sflag:s19] =	ssyncset.done $0x0  }
0x3c: {  	[sflag:s19] =	ssyncadd.s32 $0xFFFFFE70  }
0x3d: {  	_ =	swait.ge [sflag:s19], $0x190  }
0x3e: {  	[sflag:s19] =	ssyncset.done $0x0  }
0x3f: {  	[sflag:s19] =	ssyncadd.s32 $0xFFFFFE70  }
0x40: {  	_ =	swait.ge [sflag:s19], $0x640  }
0x41: {  	[sflag:s19] =	ssyncset.done $0x0  }
0x42: {  	s20 =	simm.s32 $0x80;
	s17 =	simm.s32 $0xC800;
	[sflag:s19] =	ssyncadd.s32 $0xFFFFF9C0  }
0x43: {  	[tilespmem:s17], [sflag:$0x2] =	stream.indirect.gather [hbm4b:s8+s20], $0x30, s4, s20, $0xb8;
	[tilespmem:$0x1BE60] =	vst v63  }
0x44: {  	s21 =	simm.s32 $0x1A980;
	s23 =	simm.s32 $0xE000  }
0x45: {  	[tilespmem:s23], [sflag:$0x2] =	stream.indirect.gather [hbm4b:s8+s20], $0x30, s21, s20, $0xb8;
	[tilespmem:$0x1BE60] =	vst v63  }
0x46: {  	s18 =	simm.s32 $0x1AA00;
	s19 =	simm.s32 $0xF800  }
0x47: {  	[tilespmem:s19], [sflag:$0x2] =	stream.indirect.gather [hbm4b:s8+s20], $0x30, s18, s20, $0xb8;
	[tilespmem:$0x1BE60] =	vst v63  }
0x48: {  	s21 =	simm.s32 $0x1AA80;
	s23 =	simm.s32 $0x11000;
	s20 =	simm.s32 $0x10  }
0x49: {  	[tilespmem:s23], [sflag:$0x2] =	stream.indirect.gather [hbm4b:s8+s20], $0x30, s21, s20, $0xb8;
	[tilespmem:$0x1BE60] =	vst v63  }
0x4a: {  	s17 =	rddreg [dreg:$0xf];
	s18 =	simm.s32 $0x1AA90  }
0x4b: {  	[tilespmem:s18], [sflag:$0x1] =	stream.linear.gather [hbm4b:s17+s6], $0x190, $0x38;
	[tilespmem:$0x1BE60] =	vst v63  }
0x4c: {  	p0 =	por $0x0, $0x0;
	s19 =	rddreg [dreg:$0x10];
	s20 =	simm.s32 $0x1ADB0  }
0x4d: {  	[tilespmem:s20], [sflag:$0x1] =	stream.linear.gather [hbm4b:s19+s6], $0x190, $0x38;
	[tilespmem:$0x1BE60] =	vst v63  }
0x4e: {  	s21 =	rddreg [dreg:$0x11];
	s23 =	simm.s32 $0x1B580;
	s17 =	simm.s32 $0x0  }
0x4f: {  	[tilespmem:s23], [sflag:$0x1] =	stream.linear.gather [hbm4b:s21+s6], $0x640, $0x38;
	[tilespmem:$0x1BE60] =	vst v63  }
.LBB2_2:
0x50: {  	_ =	swait.ge [sflag:s10], $0x1800  }
0x51: {  	[sflag:s10] =	ssyncset.done $0x0  }
0x52: {  	[sflag:s10] =	ssyncadd.s32 $0xFFFFE800  }
0x53: {  	_ =	swait.ge [sflag:s10], $0x1800  }
0x54: {  	[sflag:s10] =	ssyncset.done $0x0  }
0x55: {  	[sflag:s10] =	ssyncadd.s32 $0xFFFFE800  }
0x56: {  	_ =	swait.ge [sflag:s10], $0x1800  }
0x57: {  	s18 =	sand.u32 $0x1, s17;
	[sflag:s10] =	ssyncset.done $0x0  }
0x58: {  	s19 =	smul.u32 $0x12C00, s18;
	[sflag:s10] =	ssyncadd.s32 $0xFFFFE800  }
0x59: {  	_ =	swait.ge [sflag:s10], $0x300  }
0x5a: {  	s20 =	simm.s32 $0x1;
	s19 =	sshrl.u32 s19, $0x2;
	[sflag:s10] =	ssyncset.done $0x0  }
0x5b: {  	s20 =	simm.s32 @!p0 $0x0;
	s19 =	sadd.s32 $0xC800, s19;
	[sflag:s10] =	ssyncadd.s32 $0xFFFFFD00  }
0x5c: {  	[spmem:s22] =	stream.linear.scatter [tilespmem:s19], [sflag:$0x4], $0x4B00, $0x38;
	[tilespmem:$0x1BE60] =	vst v63  }
0x5d: {  	s20 =	smul.u32 $0x19000, s20;
	_ =	swait.ge [sflag:s25], $0x4B00  }
0x5e: {  	s21 =	sadd.s32 $0x0, s22;
	[sflag:s25] =	ssyncset.done $0x0  }
0x5f: {  	s23 =	smul.u32 $0x19000, s18;
	s20 =	sshrl.u32 s20, $0x2;
	[sflag:s25] =	ssyncadd.s32 $0xFFFFB500  }
0x60: {  	[tilespmem:s20], [sflag:$0x4] =	stream.linear.gather [spmem:s21], $0x30, $0x38;
	[tilespmem:$0x1BE60] =	vst v63  }
0x61: {  	s19 =	sshrl.u32 s23, $0x2;
	s21 =	simm.s32 $0xC0  }
.LBB2_3:
0x62: {  	p1 =	sne.s32 s21, $0x12B40  }
.Ltmp0:
0x63: {  	_ = 	snop;
	(pc) =	sbr.rel @p1 .LBB2_3-.Ltmp0, $4  }
0x64: {  	_ = 	snop  }
0x65: {  	s23 =	sshra.s32 s21, $0x2;
	s21 =	sadd.s32 $0xC0, s21  }
0x66: {  	s20 =	sadd.s32 $0x40, s20;
	s23 =	sadd.s32 s23, s22  }
0x67: {  	[tilespmem:s20], [sflag:$0x4] =	stream.linear.gather [spmem:s23], $0x30, $0x38;
	[tilespmem:$0x1BE60] =	vst v63  }
0x68: {  	_ =	swait.ge [sflag:s25], $0x4B00  }
0x69: {  	p1 =	seq.s32 s17, $0xF;
	[sflag:s25] =	ssyncset.done $0x0  }
0x6a: {  	s20 =	simm.s32 @!p1 $0x1;
	[sflag:s25] =	ssyncadd.s32 $0xFFFFB500  }
0x6b: {  	_ =	swait.ge @!p1 [sflag:s20], $0x190  }
0x6c: {  	s21 =	simm.s32 $0x0;
	[sflag:s20] =	ssyncset.done @!p1 $0x0  }
0x6d: {  	v14 =	vmov s18;
	v22 =	vmov s21;
	[sflag:s20] =	ssyncadd.s32 @!p1 $0xFFFFFE70  }
0x6e: {  	v57 =	vmul.u32 $0x190, v14;
	v8 =	vadd.s32 s21, v47;
	v46 =	vshll.u32 v22, $0x4;
	_ =	swait.ge @!p1 [sflag:s20], $0x190  }
0x6f: {  	v1 =	vand.u32 $0x3F8, v8;
	v0 =	vor.u32 v47, v46;
	[sflag:s20] =	ssyncset.done @!p1 $0x0  }
0x70: {  	v3 =	vand.u32 $0x7, v8;
	v1 =	vadd.s32 v57, v1;
	[sflag:s20] =	ssyncadd.s32 @!p1 $0xFFFFFE70  }
0x71: {  	v1 =	vor.u32 v3, v1;
	_ =	swait.ge @!p1 [sflag:s20], $0x640  }
0x72: {  	[sflag:s20] =	ssyncset.done @!p1 $0x0  }
0x73: {  	[sflag:s20] =	ssyncadd.s32 @!p1 $0xFFFFF9C0  }
0x74: {  	[tilespmem:v0+s11+$0x0] =	vst.idx.msk $0xffff, v48  }
0x75: {  	[tilespmem:v0+s13+$0x0] =	vst.idx.msk $0xffff, v48  }
0x76: {  	v24 =	vld.idx.msk [tilespmem:v1+s7+$0x0], $0xffff;
	_ =	sdelay $0x4  }
0x77: {  	v0 =	vshrl.u32 v24, $0x11  }
0x78: {  	v15 =	vadd.s32 s21, v51;
	v9 =	vand.u32 $0xF, v0;
	v0 =	vshrl.u32 v24, $0xE  }
0x79: {  	v10 =	vand.u32 $0x7, v0;
	v11 =	vor.u32 v46, v9;
	v0 =	vand.u32 $0x3F8, v15  }
0x7a: {  	v1 =	vand.u32 $0x7, v15;
	v12 =	vor.u32 v46, v10;
	v0 =	vadd.s32 v57, v0  }
0x7b: {  	v0 =	vor.u32 v1, v0;
	_ =	sdelay $0x2  }
0x7c: {  	[tilespmem:v11+s11+$0x0] =	vst.idx.add.f32.msk $0xffff, v50  }
0x7d: {  	[tilespmem:v12+s13+$0x0] =	vst.idx.add.f32.msk $0xffff, v50  }
0x7e: {  	v7 =	vld.idx.msk [tilespmem:v0+s7+$0x0], $0xffff;
	_ =	sdelay $0x4  }
0x7f: {  	v0 =	vshrl.u32 v7, $0x11  }
0x80: {  	v4 =	vadd.s32 s21, v54;
	v1 =	vand.u32 $0xF, v0;
	v0 =	vshrl.u32 v7, $0xE  }
0x81: {  	v20 =	vor.u32 v46, v1;
	v16 =	vand.u32 $0x7, v0;
	v0 =	vand.u32 $0x3F8, v4  }
0x82: {  	v3 =	vand.u32 $0x7, v4;
	v21 =	vor.u32 v46, v16;
	v0 =	vadd.s32 v57, v0  }
0x83: {  	v0 =	vor.u32 v3, v0;
	_ =	sdelay $0x2  }
0x84: {  	[tilespmem:v20+s11+$0x0] =	vst.idx.add.f32.msk $0xffff, v50  }
0x85: {  	[tilespmem:v21+s13+$0x0] =	vst.idx.add.f32.msk $0xffff, v50  }
0x86: {  	v45 =	vld.idx.msk [tilespmem:v0+s7+$0x0], $0xffff;
	_ =	sdelay $0x4  }
0x87: {  	v0 =	vshrl.u32 v45, $0x11  }
0x88: {  	v5 =	vadd.s32 s21, v59;
	v3 =	vshrl.u32 v45, $0xE;
	v0 =	vand.u32 $0xF, v0  }
0x89: {  	v13 =	vand.u32 $0x3F8, v5;
	v3 =	vand.u32 $0x7, v3;
	v44 =	vor.u32 v46, v0  }
0x8a: {  	v18 =	vand.u32 $0x7, v5;
	v13 =	vadd.s32 v57, v13;
	v6 =	vor.u32 v46, v3  }
0x8b: {  	v13 =	vor.u32 v18, v13;
	_ =	sdelay $0x1  }
0x8c: {  	[tilespmem:$0x1FEC0] =	vst v5  }
0x8d: {  	[tilespmem:v44+s11+$0x0] =	vst.idx.add.f32.msk $0xffff, v50  }
0x8e: {  	[tilespmem:v6+s13+$0x0] =	vst.idx.add.f32.msk $0xffff, v50  }
0x8f: {  	v43 =	vld.idx.msk [tilespmem:v13+s7+$0x0], $0xffff;
	_ =	sdelay $0x4  }
0x90: {  	v13 =	vshrl.u32 v43, $0x11  }
0x91: {  	v18 =	vshrl.u32 v43, $0xE;
	v13 =	vand.u32 $0xF, v13  }
0x92: {  	v19 =	vnsel vm0, $0xF, v13;
	v13 =	vand.u32 $0x7, v18  }
0x93: {  	v5 =	vnsel vm0, $0xF, v13;
	v23 =	vor.u32 v46, v19  }
0x94: {  	v13 =	vmin.u32 v9, $0xE;
	[tilespmem:$0x1FF10] =	vst v5;
	v5 =	vor.u32 v46, v5  }
0x95: {  	v18 =	vmax.u32 v9, $0x1;
	[tilespmem:$0x1FEB0] =	vst v19;
	v13 =	vadd.s32 $0x1, v13  }
0x96: {  	v18 =	vsub.s32 v18, v17;
	[tilespmem:$0x1FF00] =	vst v23;
	v19 =	vand.u32 $0x18, v13  }
0x97: {  	v18 =	vor.u32 v46, v18;
	[tilespmem:$0x1FEF0] =	vst v5;
	v13 =	vand.u32 $0x7, v13;
	v19 =	vadd.s32 v46, v19  }
0x98: {  	v13 =	vor.u32 v13, v19;
	[tilespmem:v23+s11+$0x0] =	vst.idx.add.f32.msk $0x3, v50  }
0x99: {  	[tilespmem:v5+s13+$0x0] =	vst.idx.add.f32.msk $0x3, v50  }
0x9a: {  	v5 =	vmul.u32 $0x6400, v14;
	v19 =	vld.idx.msk [tilespmem:v9+s30+$0x0], $0xffff  }
0x9b: {  	v8 =	vshll.u32 v8, $0x6;
	v26 =	vld.idx.msk [tilespmem:v9+s31+$0x0], $0xffff  }
0x9c: {  	v18 =	vld.idx.msk [tilespmem:v18+s11+$0x0], $0xffff;
	v25 =	vadd.s32 v5, v8  }
0x9d: {  	v8 =	vld.idx.msk [tilespmem:v13+s11+$0x0], $0xffff;
	v13 =	vor.u32 $0x25, v25  }
0x9e: {  	v12 =	vld.idx.msk [tilespmem:v12+s13+$0x0], $0xffff;
	v27 =	vor.u32 $0x26, v25  }
0x9f: {  	v11 =	vld.idx.msk [tilespmem:v11+s11+$0x0], $0xffff;
	v28 =	vor.u32 $0x27, v25  }
0xa0: {  	v29 =	vor.u32 $0x28, v25  }
0xa1: {  	vm1 =	veq.s32 v9, $0x0;
	v30 =	vor.u32 $0x29, v25  }
0xa2: {  	v10 =	vor.u32 v25, v10;
	[tilespmem:v13+s6+$0x0] =	vst.idx.add.f32.msk $0xffff, v26;
	v13 =	vsel vm1, $0x0, v18;
	v18 =	vor.u32 $0x2A, v25  }
0xa3: {  	v9 =	vadd.s32 v25, v9;
	v12 =	vmul.f32 $2.000000030e-01, v12;
	v8 =	vsel vm1, $0x0, v8;
	[tilespmem:v27+s6+$0x0] =	vst.idx.add.f32.msk $0xffff, v19  }
0xa4: {  	v9 =	vadd.s32 $0x5, v9;
	[tilespmem:v28+s6+$0x0] =	vst.idx.add.f32.msk $0xffff, v8;
	v8 =	vmul.f32 $2.000000030e-01, v11;
	v11 =	vshrl.u32 v24, $0x7  }
0xa5: {  	v12 =	vsel vm1, $0x0, v12;
	[tilespmem:v29+s6+$0x0] =	vst.idx.add.f32.msk $0xffff, v13;
	v11 =	vand.u32 $0x78, v11  }
0xa6: {  	v8 =	vsel vm1, $0x0, v8;
	[tilespmem:v30+s6+$0x0] =	vst.idx.add.f32.msk $0xffff, v12  }
0xa7: {  	[tilespmem:v18+s6+$0x0] =	vst.idx.add.f32.msk $0xffff, v8  }
0xa8: {  	[tilespmem:v10+s6+$0x0] =	vst.idx.add.f32.msk $0xffff, v50  }
0xa9: {  	[tilespmem:v9+s6+$0x0] =	vst.idx.add.f32.msk $0xffff, v50  }
0xaa: {  	v9 =	vor.u32 $0x2F, v25;
	v8 =	vld.idx.msk [tilespmem:v11+s29+$0x0], $0xffff  }
0xab: {  	v10 =	vor.u32 $0x1, v11;
	_ =	sdelay $0x3  }
0xac: {  	[tilespmem:v9+s6+$0x0] =	vst.idx.msk $0xffff, v8  }
0xad: {  	v9 =	vor.u32 $0x30, v25;
	v8 =	vld.idx.msk [tilespmem:v10+s29+$0x0], $0xffff  }
0xae: {  	v10 =	vor.u32 $0x2, v11;
	_ =	sdelay $0x3  }
0xaf: {  	[tilespmem:v9+s6+$0x0] =	vst.idx.msk $0xffff, v8  }
0xb0: {  	v9 =	vor.u32 $0x31, v25;
	v8 =	vld.idx.msk [tilespmem:v10+s29+$0x0], $0xffff  }
0xb1: {  	v10 =	vor.u32 $0x3, v11;
	_ =	sdelay $0x3  }
0xb2: {  	[tilespmem:v9+s6+$0x0] =	vst.idx.msk $0xffff, v8  }
0xb3: {  	v9 =	vor.u32 $0x32, v25;
	v8 =	vld.idx.msk [tilespmem:v10+s29+$0x0], $0xffff;
	v10 =	vshll.u32 v24, $0x3  }
0xb4: {  	v10 =	vand.u32 $0x78, v10;
	_ =	sdelay $0x3  }
0xb5: {  	[tilespmem:v9+s6+$0x0] =	vst.idx.msk $0xffff, v8  }
0xb6: {  	v9 =	vor.u32 $0x33, v25;
	v8 =	vld.idx.msk [tilespmem:v10+s24+$0x0], $0xffff  }
0xb7: {  	v11 =	vor.u32 $0x1, v10;
	_ =	sdelay $0x3  }
0xb8: {  	[tilespmem:v9+s6+$0x0] =	vst.idx.msk $0xffff, v8  }
0xb9: {  	v9 =	vor.u32 $0x34, v25;
	v8 =	vld.idx.msk [tilespmem:v11+s24+$0x0], $0xffff  }
0xba: {  	s23 =	simm.s32 $0x1;
	v11 =	vor.u32 $0x2, v10  }
0xbb: {  	s0 =	simm.s32 $0x32;
	v13 =	vmov s23  }
0xbc: {  	v27 =	vadd.s32 s0, v47;
	v17 =	vshll.u32 v13, $0x4  }
0xbd: {  	v12 =	vor.u32 v47, v17;
	v18 =	vand.u32 $0x3F8, v27  }
0xbe: {  	v19 =	vand.u32 $0x7, v27;
	v18 =	vadd.s32 v57, v18;
	[tilespmem:v9+s6+$0x0] =	vst.idx.msk $0xffff, v8  }
0xbf: {  	v18 =	vor.u32 v19, v18;
	v9 =	vor.u32 $0x35, v25;
	v8 =	vld.idx.msk [tilespmem:v11+s24+$0x0], $0xffff  }
0xc0: {  	v10 =	vor.u32 $0x3, v10;
	_ =	sdelay $0x1  }
0xc1: {  	[tilespmem:v12+s11+$0x0] =	vst.idx.msk $0xffff, v48  }
0xc2: {  	[tilespmem:v12+s13+$0x0] =	vst.idx.msk $0xffff, v48  }
0xc3: {  	v18 =	vld.idx.msk [tilespmem:v18+s7+$0x0], $0xffff;
	[tilespmem:v9+s6+$0x0] =	vst.idx.msk $0xffff, v8  }
0xc4: {  	v9 =	vor.u32 $0x36, v25;
	v8 =	vld.idx.msk [tilespmem:v10+s24+$0x0], $0xffff;
	v10 =	vshrl.u32 v24, $0x1  }
0xc5: {  	v11 =	vand.u32 $0x38, v10;
	_ =	sdelay $0x3  }
0xc6: {  	v10 =	vshrl.u32 v18, $0x11;
	[tilespmem:v9+s6+$0x0] =	vst.idx.msk $0xffff, v8  }
0xc7: {  	v12 =	vor.u32 $0x37, v25;
	v26 =	vand.u32 $0xF, v10;
	v9 =	vld.idx.msk [tilespmem:v11+s26+$0x0], $0xffff  }
0xc8: {  	v10 =	vadd.s32 s0, v51;
	v19 =	vor.u32 $0x1, v11;
	v8 =	vshrl.u32 v18, $0xE  }
0xc9: {  	v30 =	vor.u32 v17, v26;
	v31 =	vand.u32 $0x7, v8;
	v8 =	vand.u32 $0x3F8, v10  }
0xca: {  	v28 =	vand.u32 $0x7, v10;
	v32 =	vor.u32 v17, v31;
	v8 =	vadd.s32 v57, v8  }
0xcb: {  	v8 =	vor.u32 v28, v8  }
0xcc: {  	[tilespmem:v12+s6+$0x0] =	vst.idx.msk $0xffff, v9  }
0xcd: {  	v12 =	vor.u32 $0x38, v25;
	v9 =	vld.idx.msk [tilespmem:v19+s26+$0x0], $0xffff  }
0xce: {  	[tilespmem:v30+s11+$0x0] =	vst.idx.add.f32.msk $0xffff, v50;
	v28 =	vor.u32 $0x2, v11  }
0xcf: {  	[tilespmem:v32+s13+$0x0] =	vst.idx.add.f32.msk $0xffff, v50  }
0xd0: {  	v19 =	vld.idx.msk [tilespmem:v8+s7+$0x0], $0xffff;
	_ =	sdelay $0x1  }
0xd1: {  	[tilespmem:v12+s6+$0x0] =	vst.idx.msk $0xffff, v9  }
0xd2: {  	v33 =	vor.u32 $0x39, v25;
	v28 =	vld.idx.msk [tilespmem:v28+s26+$0x0], $0xffff  }
0xd3: {  	v34 =	vor.u32 $0x3, v11  }
0xd4: {  	v8 =	vshrl.u32 v19, $0x11  }
0xd5: {  	v2 =	vadd.s32 s0, v54;
	v9 =	vshrl.u32 v19, $0xE;
	v8 =	vand.u32 $0xF, v8  }
0xd6: {  	v35 =	vand.u32 $0x3F8, v2;
	[tilespmem:$0x1FC00] =	vst v2;
	v9 =	vand.u32 $0x7, v9;
	v11 =	vor.u32 v17, v8  }
0xd7: {  	v36 =	vand.u32 $0x7, v2;
	v35 =	vadd.s32 v57, v35;
	v12 =	vor.u32 v17, v9;
	[tilespmem:v33+s6+$0x0] =	vst.idx.msk $0xffff, v28  }
0xd8: {  	v35 =	vor.u32 v36, v35;
	v52 =	vor.u32 $0x3A, v25;
	v24 =	vshrl.u32 v24, $0x4;
	v28 =	vld.idx.msk [tilespmem:v34+s26+$0x0], $0xffff  }
0xd9: {  	v24 =	vand.u32 $0x38, v24;
	_ =	sdelay $0x1  }
0xda: {  	[tilespmem:v11+s11+$0x0] =	vst.idx.add.f32.msk $0xffff, v50  }
0xdb: {  	[tilespmem:v12+s13+$0x0] =	vst.idx.add.f32.msk $0xffff, v50  }
0xdc: {  	v36 =	vmov v17;
	v17 =	vld.idx.msk [tilespmem:v35+s7+$0x0], $0xffff;
	[tilespmem:v52+s6+$0x0] =	vst.idx.msk $0xffff, v28  }
0xdd: {  	v53 =	vor.u32 $0x3B, v25;
	v28 =	vld.idx.msk [tilespmem:v24+s28+$0x0], $0xffff;
	_ =	sdelay $0x1  }
0xde: {  	v55 =	vor.u32 $0x1, v24;
	_ =	sdelay $0x1  }
0xdf: {  	v35 =	vshrl.u32 v17, $0x11  }
0xe0: {  	v61 =	vand.u32 $0xF, v35;
	[tilespmem:v53+s6+$0x0] =	vst.idx.msk $0xffff, v28  }
0xe1: {  	v23 =	vor.u32 v36, v61;
	v28 =	vshrl.u32 v17, $0xE;
	[tilespmem:$0x1FC10] =	vst v17  }
0xe2: {  	v58 =	vor.u32 $0x3C, v25;
	v17 =	vadd.s32 s0, v59;
	v2 =	vand.u32 $0x7, v28;
	v33 =	vld.idx.msk [tilespmem:v55+s28+$0x0], $0xffff  }
0xe3: {  	v60 =	vor.u32 $0x2, v24;
	v28 =	vand.u32 $0x3F8, v17;
	[tilespmem:$0x1FC20] =	vst v2  }
0xe4: {  	v2 =	vor.u32 v36, v2;
	[tilespmem:$0x1FC30] =	vst v17;
	v37 =	vand.u32 $0x7, v17;
	v28 =	vadd.s32 v57, v28  }
0xe5: {  	[tilespmem:$0x1FC40] =	vst v23;
	v28 =	vor.u32 v37, v28  }
0xe6: {  	[tilespmem:v23+s11+$0x0] =	vst.idx.add.f32.msk $0xffff, v50  }
0xe7: {  	[tilespmem:v58+s6+$0x0] =	vst.idx.msk $0xffff, v33  }
0xe8: {  	v33 =	vld.idx.msk [tilespmem:v60+s28+$0x0], $0xffff;
	[tilespmem:$0x1FC50] =	vst v2  }
0xe9: {  	v63 =	vor.u32 $0x3D, v25;
	[tilespmem:v2+s13+$0x0] =	vst.idx.add.f32.msk $0xffff, v50  }
0xea: {  	v24 =	vor.u32 $0x3, v24;
	v17 =	vld.idx.msk [tilespmem:v28+s7+$0x0], $0xffff;
	_ =	sdelay $0x2  }
0xeb: {  	v2 =	vmul.u32 $0x640, v14;
	v14 =	vmul.u32 $0xC8, v22  }
0xec: {  	[tilespmem:v63+s6+$0x0] =	vst.idx.msk $0xffff, v33  }
0xed: {  	v37 =	vor.u32 $0x3E, v25;
	v22 =	vld.idx.msk [tilespmem:v24+s28+$0x0], $0xffff;
	v24 =	vadd.s32 v2, v14;
	v14 =	vshrl.u32 v17, $0x11  }
0xee: {  	v40 =	vshrl.u32 v17, $0xE;
	v14 =	vand.u32 $0xF, v14  }
0xef: {  	v28 =	vnsel vm0, $0xF, v14;
	v14 =	vand.u32 $0x7, v40  }
0xf0: {  	[tilespmem:$0x1FC60] =	vst v17;
	v14 =	vnsel vm0, $0xF, v14  }
0xf1: {  	[tilespmem:$0x1FC70] =	vst v14  }
0xf2: {  	v39 =	vadd.s32 v38, v24;
	[tilespmem:v37+s6+$0x0] =	vst.idx.msk $0xffff, v22  }
0xf3: {  	v52 =	vld [tilespmem:$0x1FF20]  }
0xf4: {  	v17 =	vor.u32 v36, v28;
	_ =	sdelay $0x1  }
0xf5: {  	v23 =	vor.u32 v36, v14  }
0xf6: {  	v49 =	vimm.s32 $0x1;
	v41 =	vor.u32 $0x2B, v25;
	v14 =	vmin.u32 v26, $0xE;
	v22 =	vld.idx.msk [tilespmem:v39+s3+$0x0], $0xffff  }
0xf7: {  	v42 =	vmax.u32 v26, $0x1;
	v14 =	vadd.s32 $0x1, v14;
	[tilespmem:$0x1FC80] =	vst v17;
	v55 =	vadd.s32 v52, v24  }
0xf8: {  	v34 =	vsub.s32 v42, v49;
	v58 =	vand.u32 $0x18, v14;
	[tilespmem:v17+s11+$0x0] =	vst.idx.add.f32.msk $0x3, v50  }
0xf9: {  	v34 =	vor.u32 v36, v34;
	v14 =	vand.u32 $0x7, v14;
	v37 =	vadd.s32 v36, v58;
	[tilespmem:$0x1FC90] =	vst v23  }
0xfa: {  	v37 =	vor.u32 v14, v37;
	[tilespmem:v23+s13+$0x0] =	vst.idx.add.f32.msk $0x3, v50  }
0xfb: {  	v60 =	vld.idx.msk [tilespmem:v26+s30+$0x0], $0xffff;
	[tilespmem:v41+s6+$0x0] =	vst.idx.msk $0xffff, v22  }
0xfc: {  	v14 =	vshll.u32 v27, $0x6;
	v27 =	vor.u32 $0x2C, v25;
	v22 =	vld.idx.msk [tilespmem:v55+s3+$0x0], $0xffff  }
0xfd: {  	v53 =	vadd.s32 v56, v24;
	v14 =	vadd.s32 v5, v14;
	v63 =	vld.idx.msk [tilespmem:v26+s31+$0x0], $0xffff  }
0xfe: {  	v39 =	vor.u32 $0x25, v14;
	v34 =	vld.idx.msk [tilespmem:v34+s11+$0x0], $0xffff  }
0xff: {  	v40 =	vor.u32 $0x26, v14;
	v37 =	vld.idx.msk [tilespmem:v37+s11+$0x0], $0xffff  }
0x100: {  	v32 =	vld.idx.msk [tilespmem:v32+s13+$0x0], $0xffff;
	v41 =	vor.u32 $0x27, v14  }
0x101: {  	v42 =	vor.u32 $0x28, v14;
	v30 =	vld.idx.msk [tilespmem:v30+s11+$0x0], $0xffff;
	[tilespmem:v27+s6+$0x0] =	vst.idx.msk $0xffff, v22  }
0x102: {  	v27 =	vor.u32 $0x2D, v25;
	v22 =	vld.idx.msk [tilespmem:v53+s3+$0x0], $0xffff  }
0x103: {  	vm1 =	veq.s32 v26, $0x0;
	[tilespmem:v39+s6+$0x0] =	vst.idx.add.f32.msk $0xffff, v63;
	v55 =	vadd.s32 v62, v24  }
0x104: {  	[tilespmem:v40+s6+$0x0] =	vst.idx.add.f32.msk $0xffff, v60;
	v60 =	vor.u32 $0x29, v14;
	v58 =	vsel vm1, $0x0, v37  }
0x105: {  	v31 =	vor.u32 v14, v31;
	v34 =	vsel vm1, $0x0, v34;
	v63 =	vor.u32 $0x2A, v14;
	[tilespmem:v41+s6+$0x0] =	vst.idx.add.f32.msk $0xffff, v58  }
0x106: {  	v23 =	vmovc v38;
	v38 =	vshrl.u32 v18, $0x7;
	v26 =	vadd.s32 v14, v26;
	v32 =	vmul.f32 $2.000000030e-01, v32;
	[tilespmem:v42+s6+$0x0] =	vst.idx.add.f32.msk $0xffff, v34  }
0x107: {  	v26 =	vadd.s32 $0x5, v26;
	v30 =	vmul.f32 $2.000000030e-01, v30;
	v39 =	vmin.u32 v1, $0xE;
	[tilespmem:v27+s6+$0x0] =	vst.idx.msk $0xffff, v22  }
0x108: {  	v32 =	vsel vm1, $0x0, v32;
	v25 =	vor.u32 $0x2E, v25;
	v22 =	vand.u32 $0x78, v38;
	v27 =	vld.idx.msk [tilespmem:v55+s3+$0x0], $0xffff  }
0x109: {  	v40 =	vmax.u32 v1, $0x1;
	v33 =	vadd.s32 $0x1, v39;
	v30 =	vsel vm1, $0x0, v30;
	[tilespmem:v60+s6+$0x0] =	vst.idx.add.f32.msk $0xffff, v32  }
0x10a: {  	v41 =	vand.u32 $0x18, v33;
	[tilespmem:v63+s6+$0x0] =	vst.idx.add.f32.msk $0xffff, v30;
	v30 =	vsub.s32 v40, v49  }
0x10b: {  	v32 =	vadd.s32 v46, v41;
	[tilespmem:v31+s6+$0x0] =	vst.idx.add.f32.msk $0xffff, v50;
	v30 =	vor.u32 v46, v30;
	v31 =	vand.u32 $0x7, v33  }
0x10c: {  	[tilespmem:v26+s6+$0x0] =	vst.idx.add.f32.msk $0xffff, v50;
	v26 =	vor.u32 v31, v32  }
0x10d: {  	v31 =	vld.idx.msk [tilespmem:v22+s29+$0x0], $0xffff;
	[tilespmem:v25+s6+$0x0] =	vst.idx.msk $0xffff, v27  }
0x10e: {  	v15 =	vshll.u32 v15, $0x6;
	v27 =	vor.u32 $0x2F, v14;
	v25 =	vld.idx.msk [tilespmem:v1+s30+$0x0], $0xffff  }
0x10f: {  	v15 =	vadd.s32 v5, v15;
	v53 =	vor.u32 $0x1, v22;
	v42 =	vld.idx.msk [tilespmem:v1+s31+$0x0], $0xffff  }
0x110: {  	v55 =	vor.u32 $0x25, v15;
	v30 =	vld.idx.msk [tilespmem:v30+s11+$0x0], $0xffff  }
0x111: {  	v58 =	vor.u32 $0x26, v15;
	v26 =	vld.idx.msk [tilespmem:v26+s11+$0x0], $0xffff  }
0x112: {  	v60 =	vor.u32 $0x27, v15;
	v21 =	vld.idx.msk [tilespmem:v21+s13+$0x0], $0xffff  }
0x113: {  	v63 =	vor.u32 $0x28, v15;
	v20 =	vld.idx.msk [tilespmem:v20+s11+$0x0], $0xffff;
	[tilespmem:v27+s6+$0x0] =	vst.idx.msk $0xffff, v31  }
0x114: {  	v31 =	vor.u32 $0x30, v14;
	v27 =	vld.idx.msk [tilespmem:v53+s29+$0x0], $0xffff  }
0x115: {  	vm1 =	veq.s32 v1, $0x0;
	v40 =	vor.u32 $0x2, v22;
	[tilespmem:v55+s6+$0x0] =	vst.idx.add.f32.msk $0xffff, v42  }
0x116: {  	v26 =	vsel vm1, $0x0, v26;
	[tilespmem:v58+s6+$0x0] =	vst.idx.add.f32.msk $0xffff, v25;
	v25 =	vor.u32 $0x29, v15  }
0x117: {  	v30 =	vsel vm1, $0x0, v30;
	[tilespmem:v60+s6+$0x0] =	vst.idx.add.f32.msk $0xffff, v26;
	v26 =	vor.u32 $0x2A, v15  }
0x118: {  	v16 =	vor.u32 v15, v16;
	v1 =	vadd.s32 v15, v1;
	v21 =	vmul.f32 $2.000000030e-01, v21;
	[tilespmem:v63+s6+$0x0] =	vst.idx.add.f32.msk $0xffff, v30  }
0x119: {  	v1 =	vadd.s32 $0x5, v1;
	v20 =	vmul.f32 $2.000000030e-01, v20;
	[tilespmem:v31+s6+$0x0] =	vst.idx.msk $0xffff, v27;
	v27 =	vshrl.u32 v7, $0x7  }
0x11a: {  	v21 =	vsel vm1, $0x0, v21;
	v31 =	vor.u32 $0x31, v14;
	v30 =	vld.idx.msk [tilespmem:v40+s29+$0x0], $0xffff;
	v27 =	vand.u32 $0x78, v27  }
0x11b: {  	v20 =	vsel vm1, $0x0, v20;
	[tilespmem:v25+s6+$0x0] =	vst.idx.add.f32.msk $0xffff, v21;
	v21 =	vor.u32 $0x3, v22  }
0x11c: {  	[tilespmem:v26+s6+$0x0] =	vst.idx.add.f32.msk $0xffff, v20  }
0x11d: {  	[tilespmem:v16+s6+$0x0] =	vst.idx.add.f32.msk $0xffff, v50  }
0x11e: {  	[tilespmem:v1+s6+$0x0] =	vst.idx.add.f32.msk $0xffff, v50  }
0x11f: {  	v16 =	vor.u32 $0x2F, v15;
	v1 =	vld.idx.msk [tilespmem:v27+s29+$0x0], $0xffff;
	[tilespmem:v31+s6+$0x0] =	vst.idx.msk $0xffff, v30  }
0x120: {  	v22 =	vor.u32 $0x32, v14;
	v25 =	vshll.u32 v18, $0x3;
	v20 =	vld.idx.msk [tilespmem:v21+s29+$0x0], $0xffff;
	v21 =	vor.u32 $0x1, v27  }
0x121: {  	v25 =	vand.u32 $0x78, v25;
	_ =	sdelay $0x2  }
0x122: {  	[tilespmem:v16+s6+$0x0] =	vst.idx.msk $0xffff, v1  }
0x123: {  	v16 =	vor.u32 $0x30, v15;
	v1 =	vld.idx.msk [tilespmem:v21+s29+$0x0], $0xffff;
	[tilespmem:v22+s6+$0x0] =	vst.idx.msk $0xffff, v20  }
0x124: {  	s4 =	simm.s32 $0x2;
	v21 =	vor.u32 $0x2, v27;
	v22 =	vor.u32 $0x33, v14;
	v20 =	vld.idx.msk [tilespmem:v25+s24+$0x0], $0xffff  }
0x125: {  	s21 =	simm.s32 $0x64;
	v17 =	vmov s4;
	v26 =	vor.u32 $0x1, v25  }
0x126: {  	v29 =	vshll.u32 v17, $0x4;
	v30 =	vadd.s32 s21, v47  }
0x127: {  	v31 =	vor.u32 v47, v29;
	v41 =	vand.u32 $0x3F8, v30;
	[tilespmem:$0x1FE40] =	vst v17  }
0x128: {  	v42 =	vand.u32 $0x7, v30;
	v32 =	vadd.s32 v57, v41;
	[tilespmem:v16+s6+$0x0] =	vst.idx.msk $0xffff, v1  }
0x129: {  	v1 =	vor.u32 v42, v32;
	v21 =	vld.idx.msk [tilespmem:v21+s29+$0x0], $0xffff;
	[tilespmem:v22+s6+$0x0] =	vst.idx.msk $0xffff, v20;
	v20 =	vor.u32 $0x31, v15  }
0x12a: {  	v22 =	vld.idx.msk [tilespmem:v26+s24+$0x0], $0xffff;
	v26 =	vor.u32 $0x3, v27  }
0x12b: {  	v27 =	vor.u32 $0x34, v14  }
0x12c: {  	v53 =	vor.u32 $0x2, v25;
	[tilespmem:v31+s11+$0x0] =	vst.idx.msk $0xffff, v48  }
0x12d: {  	[tilespmem:v31+s13+$0x0] =	vst.idx.msk $0xffff, v48  }
0x12e: {  	v16 =	vld.idx.msk [tilespmem:v1+s7+$0x0], $0xffff;
	[tilespmem:v20+s6+$0x0] =	vst.idx.msk $0xffff, v21  }
0x12f: {  	v20 =	vor.u32 $0x32, v15;
	v1 =	vld.idx.msk [tilespmem:v26+s29+$0x0], $0xffff  }
0x130: {  	v21 =	vshll.u32 v7, $0x3;
	[tilespmem:v27+s6+$0x0] =	vst.idx.msk $0xffff, v22  }
0x131: {  	v27 =	vand.u32 $0x78, v21;
	v26 =	vor.u32 $0x35, v14;
	v22 =	vld.idx.msk [tilespmem:v53+s24+$0x0], $0xffff  }
0x132: {  	v25 =	vor.u32 $0x3, v25;
	_ =	sdelay $0x1  }
0x133: {  	v17 =	vadd.s32 s21, v51;
	[tilespmem:v20+s6+$0x0] =	vst.idx.msk $0xffff, v1  }
0x134: {  	[tilespmem:$0x1FE70] =	vst v17  }
0x135: {  	v58 =	vor.u32 $0x36, v14;
	v20 =	vld.idx.msk [tilespmem:v27+s24+$0x0], $0xffff;
	[tilespmem:v26+s6+$0x0] =	vst.idx.msk $0xffff, v22;
	v22 =	vor.u32 $0x33, v15  }
0x136: {  	v60 =	vor.u32 $0x1, v27;
	v1 =	vshrl.u32 v16, $0x11;
	v26 =	vshrl.u32 v18, $0x1;
	v55 =	vld.idx.msk [tilespmem:v25+s24+$0x0], $0xffff  }
0x137: {  	v25 =	vand.u32 $0xF, v1;
	v1 =	vshrl.u32 v16, $0xE;
	v37 =	vand.u32 $0x38, v26  }
0x138: {  	v26 =	vand.u32 $0x7, v1;
	v32 =	vor.u32 v29, v25;
	v1 =	vand.u32 $0x3F8, v17  }
0x139: {  	v63 =	vand.u32 $0x7, v17;
	v31 =	vor.u32 v29, v26;
	v1 =	vadd.s32 v57, v1  }
0x13a: {  	v1 =	vor.u32 v63, v1;
	[tilespmem:v22+s6+$0x0] =	vst.idx.msk $0xffff, v20  }
0x13b: {  	v20 =	vld.idx.msk [tilespmem:v60+s24+$0x0], $0xffff;
	[tilespmem:v58+s6+$0x0] =	vst.idx.msk $0xffff, v55  }
0x13c: {  	v33 =	vld.idx.msk [tilespmem:v37+s26+$0x0], $0xffff  }
0x13d: {  	v22 =	vor.u32 $0x34, v15;
	[tilespmem:v32+s11+$0x0] =	vst.idx.add.f32.msk $0xffff, v50  }
0x13e: {  	v41 =	vor.u32 $0x37, v14;
	v40 =	vor.u32 $0x2, v27;
	[tilespmem:v31+s13+$0x0] =	vst.idx.add.f32.msk $0xffff, v50  }
0x13f: {  	v42 =	vor.u32 $0x1, v37;
	v21 =	vld.idx.msk [tilespmem:v1+s7+$0x0], $0xffff;
	_ =	sdelay $0x2  }
0x140: {  	[tilespmem:v22+s6+$0x0] =	vst.idx.msk $0xffff, v20  }
0x141: {  	v53 =	vor.u32 $0x35, v15;
	v20 =	vld.idx.msk [tilespmem:v40+s24+$0x0], $0xffff;
	[tilespmem:v41+s6+$0x0] =	vst.idx.msk $0xffff, v33  }
0x142: {  	v58 =	vor.u32 $0x38, v14;
	v55 =	vld.idx.msk [tilespmem:v42+s26+$0x0], $0xffff;
	v1 =	vshrl.u32 v21, $0x11  }
0x143: {  	v27 =	vor.u32 $0x3, v27;
	v1 =	vand.u32 $0xF, v1  }
0x144: {  	v60 =	vor.u32 $0x2, v37;
	v22 =	vor.u32 v29, v1  }
0x145: {  	[tilespmem:$0x1FE90] =	vst v22  }
0x146: {  	[tilespmem:v53+s6+$0x0] =	vst.idx.msk $0xffff, v20  }
0x147: {  	v42 =	vshrl.u32 v21, $0xE;
	[tilespmem:v58+s6+$0x0] =	vst.idx.msk $0xffff, v55;
	v20 =	vshrl.u32 v7, $0x1  }
0x148: {  	v63 =	vor.u32 $0x36, v15;
	v27 =	vld.idx.msk [tilespmem:v27+s24+$0x0], $0xffff;
	[tilespmem:$0x1FCA0] =	vst v21;
	v38 =	vand.u32 $0x38, v20;
	v20 =	vand.u32 $0x7, v42  }
0x149: {  	v17 =	vadd.s32 s21, v54;
	v53 =	vor.u32 $0x39, v14;
	v35 =	vld.idx.msk [tilespmem:v60+s26+$0x0], $0xffff;
	[tilespmem:$0x1FEE0] =	vst v20  }
0x14a: {  	v55 =	vand.u32 $0x3F8, v17;
	v20 =	vor.u32 v29, v20;
	[tilespmem:$0x1FCB0] =	vst v17  }
0x14b: {  	v37 =	vor.u32 $0x3, v37;
	v58 =	vand.u32 $0x7, v17;
	v34 =	vadd.s32 v57, v55;
	[tilespmem:$0x1FE80] =	vst v20  }
0x14c: {  	v34 =	vor.u32 v58, v34;
	[tilespmem:v22+s11+$0x0] =	vst.idx.add.f32.msk $0xffff, v50  }
0x14d: {  	[tilespmem:v63+s6+$0x0] =	vst.idx.msk $0xffff, v27  }
0x14e: {  	v60 =	vor.u32 $0x37, v15;
	v27 =	vld.idx.msk [tilespmem:v38+s26+$0x0], $0xffff;
	[tilespmem:v53+s6+$0x0] =	vst.idx.msk $0xffff, v35  }
0x14f: {  	v63 =	vor.u32 $0x1, v38;
	[tilespmem:v20+s13+$0x0] =	vst.idx.add.f32.msk $0xffff, v50  }
0x150: {  	v35 =	vld.idx.msk [tilespmem:v37+s26+$0x0], $0xffff  }
0x151: {  	v18 =	vshrl.u32 v18, $0x4;
	v42 =	vor.u32 $0x3A, v14;
	v17 =	vld.idx.msk [tilespmem:v34+s7+$0x0], $0xffff  }
0x152: {  	v18 =	vand.u32 $0x38, v18  }
0x153: {  	[tilespmem:v60+s6+$0x0] =	vst.idx.msk $0xffff, v27  }
0x154: {  	v33 =	vor.u32 $0x38, v15;
	v27 =	vld.idx.msk [tilespmem:v63+s26+$0x0], $0xffff;
	_ =	sdelay $0x1  }
0x155: {  	[tilespmem:v42+s6+$0x0] =	vst.idx.msk $0xffff, v35;
	v55 =	vshrl.u32 v17, $0x11  }
0x156: {  	v53 =	vor.u32 $0x2, v38;
	v35 =	vor.u32 $0x3B, v14;
	v34 =	vld.idx.msk [tilespmem:v18+s28+$0x0], $0xffff;
	v21 =	vand.u32 $0xF, v55;
	[tilespmem:$0x1FCC0] =	vst v17  }
0x157: {  	v58 =	vor.u32 $0x1, v18;
	v60 =	vshrl.u32 v17, $0xE;
	[tilespmem:$0x1FCD0] =	vst v21  }
0x158: {  	v17 =	vadd.s32 s21, v59;
	v20 =	vand.u32 $0x7, v60;
	v21 =	vor.u32 v29, v21;
	[tilespmem:v33+s6+$0x0] =	vst.idx.msk $0xffff, v27  }
0x159: {  	v63 =	vand.u32 $0x3F8, v17;
	[tilespmem:$0x1FCE0] =	vst v20  }
0x15a: {  	v42 =	vand.u32 $0x7, v17;
	v27 =	vadd.s32 v57, v63;
	v20 =	vor.u32 v29, v20;
	[tilespmem:$0x1FCF0] =	vst v17  }
0x15b: {  	v55 =	vor.u32 $0x39, v15;
	v27 =	vor.u32 v42, v27;
	[tilespmem:v35+s6+$0x0] =	vst.idx.msk $0xffff, v34;
	v53 =	vld.idx.msk [tilespmem:v53+s26+$0x0], $0xffff  }
0x15c: {  	v35 =	vld.idx.msk [tilespmem:v58+s28+$0x0], $0xffff;
	v58 =	vor.u32 $0x3, v38;
	[tilespmem:$0x1FD00] =	vst v21  }
0x15d: {  	v60 =	vor.u32 $0x3C, v14;
	[tilespmem:v21+s11+$0x0] =	vst.idx.add.f32.msk $0xffff, v50  }
0x15e: {  	v63 =	vor.u32 $0x2, v18;
	[tilespmem:$0x1FD10] =	vst v20  }
0x15f: {  	[tilespmem:v20+s13+$0x0] =	vst.idx.add.f32.msk $0xffff, v50  }
0x160: {  	[tilespmem:v55+s6+$0x0] =	vst.idx.msk $0xffff, v53;
	v17 =	vld.idx.msk [tilespmem:v27+s7+$0x0], $0xffff  }
0x161: {  	v42 =	vor.u32 $0x3A, v15;
	v27 =	vld.idx.msk [tilespmem:v58+s26+$0x0], $0xffff  }
0x162: {  	v7 =	vshrl.u32 v7, $0x4;
	[tilespmem:v60+s6+$0x0] =	vst.idx.msk $0xffff, v35  }
0x163: {  	v7 =	vand.u32 $0x38, v7;
	v55 =	vor.u32 $0x3D, v14;
	v53 =	vld.idx.msk [tilespmem:v63+s28+$0x0], $0xffff  }
0x164: {  	v18 =	vor.u32 $0x3, v18  }
0x165: {  	v13 =	vmul.u32 $0xC8, v13  }
0x166: {  	[tilespmem:v42+s6+$0x0] =	vst.idx.msk $0xffff, v27  }
0x167: {  	v37 =	vor.u32 $0x3E, v14;
	v20 =	vadd.s32 v2, v13;
	[tilespmem:$0x1FD20] =	vst v17  }
0x168: {  	v63 =	vor.u32 $0x3B, v15;
	v58 =	vshrl.u32 v17, $0x11;
	v60 =	vshrl.u32 v17, $0xE;
	[tilespmem:v55+s6+$0x0] =	vst.idx.msk $0xffff, v53;
	v34 =	vld.idx.msk [tilespmem:v7+s28+$0x0], $0xffff  }
0x169: {  	v13 =	vor.u32 $0x1, v7;
	v27 =	vand.u32 $0xF, v58;
	v33 =	vand.u32 $0x7, v60;
	v18 =	vld.idx.msk [tilespmem:v18+s28+$0x0], $0xffff  }
0x16a: {  	v58 =	vmax.u32 v25, $0x1;
	v17 =	vnsel vm0, $0xF, v27;
	v55 =	vadd.s32 v23, v20  }
0x16b: {  	v21 =	vnsel vm0, $0xF, v33;
	v53 =	vmin.u32 v25, $0xE;
	[tilespmem:$0x1FD30] =	vst v17;
	v17 =	vor.u32 v29, v17  }
0x16c: {  	v39 =	vsub.s32 v58, v49;
	v33 =	vadd.s32 $0x1, v53;
	[tilespmem:$0x1FD40] =	vst v21  }
0x16d: {  	v21 =	vor.u32 v29, v21;
	v60 =	vand.u32 $0x18, v33;
	v33 =	vand.u32 $0x7, v33;
	[tilespmem:v63+s6+$0x0] =	vst.idx.msk $0xffff, v34  }
0x16e: {  	v42 =	vadd.s32 v29, v60;
	v63 =	vor.u32 v29, v39;
	[tilespmem:v37+s6+$0x0] =	vst.idx.msk $0xffff, v18;
	v13 =	vld.idx.msk [tilespmem:v13+s28+$0x0], $0xffff  }
0x16f: {  	v49 =	vor.u32 $0x3C, v15;
	v18 =	vor.u32 v33, v42;
	v53 =	vld.idx.msk [tilespmem:v55+s3+$0x0], $0xffff;
	[tilespmem:$0x1FD50] =	vst v17  }
0x170: {  	v58 =	vor.u32 $0x2B, v14;
	v55 =	vor.u32 $0x2, v7;
	[tilespmem:v17+s11+$0x0] =	vst.idx.add.f32.msk $0x3, v50  }
0x171: {  	v60 =	vadd.s32 v52, v20;
	[tilespmem:$0x1FD60] =	vst v21  }
0x172: {  	[tilespmem:v21+s13+$0x0] =	vst.idx.add.f32.msk $0x3, v50  }
0x173: {  	v34 =	vld.idx.msk [tilespmem:v63+s11+$0x0], $0xffff  }
0x174: {  	[tilespmem:v49+s6+$0x0] =	vst.idx.msk $0xffff, v13;
	v13 =	vld.idx.msk [tilespmem:v18+s11+$0x0], $0xffff  }
0x175: {  	v63 =	vor.u32 $0x3D, v15;
	[tilespmem:v58+s6+$0x0] =	vst.idx.msk $0xffff, v53;
	v18 =	vld.idx.msk [tilespmem:v55+s28+$0x0], $0xffff  }
0x176: {  	v30 =	vshll.u32 v30, $0x6;
	v22 =	vmovc v52;
	v52 =	vor.u32 $0x2C, v14;
	v7 =	vor.u32 $0x3, v7;
	v35 =	vld.idx.msk [tilespmem:v60+s3+$0x0], $0xffff  }
0x177: {  	v32 =	vld.idx.msk [tilespmem:v32+s11+$0x0], $0xffff;
	v49 =	vadd.s32 v5, v30;
	v30 =	vadd.s32 v56, v20  }
0x178: {  	v38 =	vld.idx.msk [tilespmem:v25+s31+$0x0], $0xffff  }
0x179: {  	v40 =	vld.idx.msk [tilespmem:v25+s30+$0x0], $0xffff;
	v53 =	vor.u32 $0x25, v49  }
0x17a: {  	v55 =	vor.u32 $0x26, v49;
	[tilespmem:v63+s6+$0x0] =	vst.idx.msk $0xffff, v18;
	v18 =	vld.idx.msk [tilespmem:v31+s13+$0x0], $0xffff  }
0x17b: {  	v31 =	vor.u32 $0x27, v49;
	[tilespmem:v52+s6+$0x0] =	vst.idx.msk $0xffff, v35;
	v7 =	vld.idx.msk [tilespmem:v7+s28+$0x0], $0xffff  }
0x17c: {  	v58 =	vor.u32 $0x3E, v15;
	v30 =	vld.idx.msk [tilespmem:v30+s3+$0x0], $0xffff  }
0x17d: {  	v52 =	vor.u32 $0x2D, v14;
	v63 =	vld [tilespmem:$0x1FF30]  }
0x17e: {  	vm1 =	veq.s32 v25, $0x0;
	[tilespmem:v53+s6+$0x0] =	vst.idx.add.f32.msk $0xffff, v38;
	v53 =	vadd.s32 v62, v20  }
0x17f: {  	v13 =	vsel vm1, $0x0, v13;
	[tilespmem:v55+s6+$0x0] =	vst.idx.add.f32.msk $0xffff, v40  }
0x180: {  	v55 =	vor.u32 $0x28, v49;
	[tilespmem:v31+s6+$0x0] =	vst.idx.add.f32.msk $0xffff, v13  }
0x181: {  	v31 =	vor.u32 $0x29, v49;
	[tilespmem:v58+s6+$0x0] =	vst.idx.msk $0xffff, v7  }
0x182: {  	v41 =	vmax.u32 v8, $0x1;
	v17 =	vimm.s32 $0x1;
	v58 =	vor.u32 $0x2A, v49;
	[tilespmem:v52+s6+$0x0] =	vst.idx.msk $0xffff, v30  }
0x183: {  	v14 =	vor.u32 $0x2E, v14;
	v18 =	vmul.f32 $2.000000030e-01, v18;
	v42 =	vadd.s32 v63, v24;
	v37 =	vld.idx.msk [tilespmem:v53+s3+$0x0], $0xffff  }
0x184: {  	v13 =	vsel vm1, $0x0, v34;
	v34 =	vsub.s32 v41, v17;
	v7 =	vmul.f32 $2.000000030e-01, v32;
	v60 =	vld [tilespmem:$0x1FF40]  }
0x185: {  	[tilespmem:v55+s6+$0x0] =	vst.idx.add.f32.msk $0xffff, v13;
	v13 =	vsel vm1, $0x0, v18;
	v18 =	vor.u32 v36, v34  }
0x186: {  	v7 =	vsel vm1, $0x0, v7;
	[tilespmem:v31+s6+$0x0] =	vst.idx.add.f32.msk $0xffff, v13  }
0x187: {  	[tilespmem:v58+s6+$0x0] =	vst.idx.add.f32.msk $0xffff, v7  }
0x188: {  	v40 =	vor.u32 $0x2B, v15;
	v30 =	vld.idx.msk [tilespmem:v42+s3+$0x0], $0xffff  }
0x189: {  	v42 =	vmin.u32 v8, $0xE;
	v52 =	vadd.s32 v60, v24;
	[tilespmem:v14+s6+$0x0] =	vst.idx.msk $0xffff, v37  }
0x18a: {  	v7 =	vshll.u32 v10, $0x6;
	v35 =	vadd.s32 $0x1, v42;
	v10 =	vld.idx.msk [tilespmem:v18+s11+$0x0], $0xffff  }
0x18b: {  	v26 =	vor.u32 v49, v26;
	v25 =	vadd.s32 v49, v25;
	v53 =	vand.u32 $0x18, v35;
	v12 =	vld.idx.msk [tilespmem:v12+s13+$0x0], $0xffff  }
0x18c: {  	v25 =	vadd.s32 $0x5, v25;
	v13 =	vand.u32 $0x7, v35;
	v11 =	vld.idx.msk [tilespmem:v11+s11+$0x0], $0xffff;
	v31 =	vadd.s32 v36, v53  }
0x18d: {  	v13 =	vor.u32 v13, v31;
	[tilespmem:v40+s6+$0x0] =	vst.idx.msk $0xffff, v30;
	v30 =	vld.idx.msk [tilespmem:v8+s31+$0x0], $0xffff  }
0x18e: {  	v21 =	vadd.s32 v5, v7;
	v18 =	vor.u32 $0x2C, v15;
	v14 =	vld.idx.msk [tilespmem:v52+s3+$0x0], $0xffff  }
0x18f: {  	v31 =	vor.u32 $0x25, v21;
	v23 =	vld [tilespmem:$0x1FF50]  }
0x190: {  	[tilespmem:v26+s6+$0x0] =	vst.idx.add.f32.msk $0xffff, v50  }
0x191: {  	[tilespmem:v25+s6+$0x0] =	vst.idx.add.f32.msk $0xffff, v50  }
0x192: {  	v13 =	vld.idx.msk [tilespmem:v13+s11+$0x0], $0xffff  }
0x193: {  	[tilespmem:v18+s6+$0x0] =	vst.idx.msk $0xffff, v14;
	v18 =	vld.idx.msk [tilespmem:v8+s30+$0x0], $0xffff  }
0x194: {  	v55 =	vadd.s32 v23, v24;
	[tilespmem:v31+s6+$0x0] =	vst.idx.add.f32.msk $0xffff, v30  }
0x195: {  	v58 =	vshrl.u32 v16, $0x7;
	v42 =	vld [tilespmem:$0x1FF60]  }
0x196: {  	v14 =	vand.u32 $0x78, v58  }
0x197: {  	v30 =	vor.u32 $0x26, v21  }
0x198: {  	v26 =	vor.u32 $0x27, v21  }
0x199: {  	v37 =	vor.u32 $0x2D, v15;
	v31 =	vld.idx.msk [tilespmem:v55+s3+$0x0], $0xffff  }
0x19a: {  	v25 =	vadd.s32 v42, v24  }
0x19b: {  	v38 =	vor.u32 $0x2F, v49;
	vm1 =	veq.s32 v8, $0x0;
	v33 =	vld.idx.msk [tilespmem:v14+s29+$0x0], $0xffff  }
0x19c: {  	v39 =	vmax.u32 v0, $0x1;
	v13 =	vsel vm1, $0x0, v13;
	[tilespmem:v30+s6+$0x0] =	vst.idx.add.f32.msk $0xffff, v18;
	v18 =	vor.u32 $0x28, v21  }
0x19d: {  	v32 =	vsub.s32 v39, v17;
	v15 =	vor.u32 $0x2E, v15;
	[tilespmem:v26+s6+$0x0] =	vst.idx.add.f32.msk $0xffff, v13;
	v13 =	vor.u32 $0x29, v21  }
0x19e: {  	v12 =	vmul.f32 $2.000000030e-01, v12;
	v30 =	vmin.u32 v0, $0xE;
	v26 =	vor.u32 $0x2A, v21;
	[tilespmem:v37+s6+$0x0] =	vst.idx.msk $0xffff, v31  }
0x19f: {  	v11 =	vmul.f32 $2.000000030e-01, v11;
	v30 =	vadd.s32 $0x1, v30;
	v31 =	vor.u32 $0x1, v14;
	v25 =	vld.idx.msk [tilespmem:v25+s3+$0x0], $0xffff  }
0x1a0: {  	v10 =	vsel vm1, $0x0, v10;
	v12 =	vsel vm1, $0x0, v12;
	v40 =	vand.u32 $0x18, v30;
	[tilespmem:v38+s6+$0x0] =	vst.idx.msk $0xffff, v33  }
0x1a1: {  	[tilespmem:v18+s6+$0x0] =	vst.idx.add.f32.msk $0xffff, v10;
	v10 =	vor.u32 v46, v32;
	v18 =	vand.u32 $0x7, v30;
	v30 =	vadd.s32 v46, v40  }
0x1a2: {  	v11 =	vsel vm1, $0x0, v11;
	[tilespmem:v13+s6+$0x0] =	vst.idx.add.f32.msk $0xffff, v12;
	v12 =	vor.u32 v18, v30  }
0x1a3: {  	[tilespmem:v26+s6+$0x0] =	vst.idx.add.f32.msk $0xffff, v11  }
0x1a4: {  	v11 =	vld.idx.msk [tilespmem:v31+s29+$0x0], $0xffff;
	[tilespmem:v15+s6+$0x0] =	vst.idx.msk $0xffff, v25  }
0x1a5: {  	v4 =	vshll.u32 v4, $0x6;
	v9 =	vor.u32 v21, v9;
	v13 =	vld.idx.msk [tilespmem:v0+s31+$0x0], $0xffff  }
0x1a6: {  	v15 =	vor.u32 $0x30, v49;
	v25 =	vadd.s32 v5, v4;
	v4 =	vld.idx.msk [tilespmem:v10+s11+$0x0], $0xffff  }
0x1a7: {  	v8 =	vadd.s32 v21, v8;
	v10 =	vor.u32 $0x25, v25;
	v12 =	vld.idx.msk [tilespmem:v12+s11+$0x0], $0xffff  }
0x1a8: {  	v8 =	vadd.s32 $0x5, v8;
	v18 =	vld.idx.msk [tilespmem:v0+s30+$0x0], $0xffff  }
0x1a9: {  	v26 =	vor.u32 $0x26, v25;
	v6 =	vld.idx.msk [tilespmem:v6+s13+$0x0], $0xffff  }
0x1aa: {  	[tilespmem:v9+s6+$0x0] =	vst.idx.add.f32.msk $0xffff, v50;
	v30 =	vor.u32 $0x27, v25  }
0x1ab: {  	v9 =	vor.u32 $0x28, v25;
	[tilespmem:v15+s6+$0x0] =	vst.idx.msk $0xffff, v11;
	v11 =	vld.idx.msk [tilespmem:v44+s11+$0x0], $0xffff  }
0x1ac: {  	[tilespmem:v10+s6+$0x0] =	vst.idx.add.f32.msk $0xffff, v13;
	v13 =	vor.u32 $0x29, v25  }
0x1ad: {  	vm1 =	veq.s32 v0, $0x0;
	[tilespmem:v8+s6+$0x0] =	vst.idx.add.f32.msk $0xffff, v50;
	v3 =	vor.u32 v25, v3;
	v10 =	vor.u32 $0x2, v14  }
0x1ae: {  	v15 =	vor.u32 $0x2A, v25;
	v12 =	vsel vm1, $0x0, v12;
	v6 =	vmul.f32 $2.000000030e-01, v6;
	[tilespmem:v26+s6+$0x0] =	vst.idx.add.f32.msk $0xffff, v18  }
0x1af: {  	v0 =	vadd.s32 v25, v0;
	v4 =	vsel vm1, $0x0, v4;
	[tilespmem:v30+s6+$0x0] =	vst.idx.add.f32.msk $0xffff, v12;
	v12 =	vshrl.u32 v19, $0x7  }
0x1b0: {  	s23 =	simm.s32 $0x3;
	v6 =	vsel vm1, $0x0, v6;
	v8 =	vand.u32 $0x78, v12;
	[tilespmem:v9+s6+$0x0] =	vst.idx.add.f32.msk $0xffff, v4;
	v11 =	vmul.f32 $2.000000030e-01, v11  }
0x1b1: {  	v7 =	vmov s23;
	v0 =	vadd.s32 $0x5, v0;
	v4 =	vshrl.u32 v45, $0x7;
	[tilespmem:v13+s6+$0x0] =	vst.idx.add.f32.msk $0xffff, v6  }
0x1b2: {  	s20 =	simm.s32 $0x96;
	v4 =	vand.u32 $0x78, v4;
	v10 =	vld.idx.msk [tilespmem:v10+s29+$0x0], $0xffff;
	v6 =	vor.u32 $0x31, v49;
	v9 =	vsel vm1, $0x0, v11;
	[tilespmem:$0x1FD70] =	vst v7  }
0x1b3: {  	v31 =	vadd.s32 s20, v47;
	v7 =	vshll.u32 v7, $0x4;
	[tilespmem:v15+s6+$0x0] =	vst.idx.add.f32.msk $0xffff, v9;
	v9 =	vor.u32 $0x3, v14  }
0x1b4: {  	v12 =	vand.u32 $0x3F8, v31;
	v11 =	vor.u32 v47, v7;
	[tilespmem:v3+s6+$0x0] =	vst.idx.add.f32.msk $0xffff, v50  }
0x1b5: {  	v12 =	vadd.s32 v57, v12;
	v3 =	vand.u32 $0x7, v31;
	v13 =	vld.idx.msk [tilespmem:v8+s29+$0x0], $0xffff  }
0x1b6: {  	v3 =	vor.u32 v3, v12;
	[tilespmem:v0+s6+$0x0] =	vst.idx.add.f32.msk $0xffff, v50;
	v0 =	vor.u32 $0x2F, v21  }
0x1b7: {  	v14 =	vor.u32 $0x2F, v25;
	v12 =	vor.u32 $0x1, v8;
	[tilespmem:v6+s6+$0x0] =	vst.idx.msk $0xffff, v10;
	v6 =	vld.idx.msk [tilespmem:v4+s29+$0x0], $0xffff  }
0x1b8: {  	v15 =	vor.u32 $0x32, v49;
	v9 =	vld.idx.msk [tilespmem:v9+s29+$0x0], $0xffff  }
0x1b9: {  	v18 =	vor.u32 $0x1, v4;
	v10 =	vshll.u32 v16, $0x3;
	[tilespmem:v11+s11+$0x0] =	vst.idx.msk $0xffff, v48  }
0x1ba: {  	v41 =	vand.u32 $0x78, v10;
	[tilespmem:v11+s13+$0x0] =	vst.idx.msk $0xffff, v48  }
0x1bb: {  	[tilespmem:v0+s6+$0x0] =	vst.idx.msk $0xffff, v13;
	v10 =	vld.idx.msk [tilespmem:v3+s7+$0x0], $0xffff  }
0x1bc: {  	v3 =	vor.u32 $0x30, v21;
	v0 =	vld.idx.msk [tilespmem:v12+s29+$0x0], $0xffff;
	[tilespmem:v14+s6+$0x0] =	vst.idx.msk $0xffff, v6  }
0x1bd: {  	[tilespmem:v15+s6+$0x0] =	vst.idx.msk $0xffff, v9;
	v9 =	vor.u32 $0x2, v8  }
0x1be: {  	v11 =	vor.u32 $0x30, v25;
	v6 =	vld.idx.msk [tilespmem:v18+s29+$0x0], $0xffff  }
0x1bf: {  	v13 =	vor.u32 $0x33, v49;
	v14 =	vor.u32 $0x2, v4;
	v12 =	vld.idx.msk [tilespmem:v41+s24+$0x0], $0xffff  }
0x1c0: {  	v15 =	vor.u32 $0x1, v41  }
0x1c1: {  	[tilespmem:v3+s6+$0x0] =	vst.idx.msk $0xffff, v0  }
0x1c2: {  	v3 =	vor.u32 $0x31, v21;
	v0 =	vld.idx.msk [tilespmem:v9+s29+$0x0], $0xffff  }
0x1c3: {  	[tilespmem:v11+s6+$0x0] =	vst.idx.msk $0xffff, v6  }
0x1c4: {  	v6 =	vshrl.u32 v10, $0x11;
	v11 =	vor.u32 $0x3, v8;
	v9 =	vld.idx.msk [tilespmem:v14+s29+$0x0], $0xffff;
	[tilespmem:v13+s6+$0x0] =	vst.idx.msk $0xffff, v12;
	v12 =	vor.u32 $0x31, v25  }
0x1c5: {  	v4 =	vor.u32 $0x3, v4;
	v53 =	vand.u32 $0xF, v6;
	v13 =	vor.u32 $0x34, v49;
	v6 =	vld.idx.msk [tilespmem:v15+s24+$0x0], $0xffff  }
0x1c6: {  	v17 =	vadd.s32 s20, v51;
	v14 =	vshrl.u32 v10, $0xE;
	v15 =	vor.u32 $0x2, v41  }
0x1c7: {  	v27 =	vand.u32 $0x7, v14;
	v33 =	vor.u32 v7, v53;
	v14 =	vand.u32 $0x3F8, v17;
	[tilespmem:v3+s6+$0x0] =	vst.idx.msk $0xffff, v0  }
0x1c8: {  	v32 =	vor.u32 v7, v27;
	v0 =	vadd.s32 v57, v14;
	v3 =	vand.u32 $0x7, v17;
	[tilespmem:$0x1FD80] =	vst v17  }
0x1c9: {  	v0 =	vor.u32 v3, v0;
	[tilespmem:v12+s6+$0x0] =	vst.idx.msk $0xffff, v9;
	v3 =	vld.idx.msk [tilespmem:v11+s29+$0x0], $0xffff;
	v9 =	vor.u32 $0x32, v21;
	v11 =	vshll.u32 v19, $0x3  }
0x1ca: {  	[tilespmem:v13+s6+$0x0] =	vst.idx.msk $0xffff, v6;
	v6 =	vor.u32 $0x32, v25;
	v4 =	vld.idx.msk [tilespmem:v4+s29+$0x0], $0xffff;
	v12 =	vand.u32 $0x78, v11;
	v11 =	vshll.u32 v45, $0x3  }
0x1cb: {  	v13 =	vld.idx.msk [tilespmem:v15+s24+$0x0], $0xffff;
	v15 =	vand.u32 $0x78, v11;
	v11 =	vor.u32 $0x35, v49  }
0x1cc: {  	[tilespmem:v33+s11+$0x0] =	vst.idx.add.f32.msk $0xffff, v50  }
0x1cd: {  	v14 =	vor.u32 $0x3, v41;
	[tilespmem:v32+s13+$0x0] =	vst.idx.add.f32.msk $0xffff, v50  }
0x1ce: {  	[tilespmem:v9+s6+$0x0] =	vst.idx.msk $0xffff, v3;
	v3 =	vld.idx.msk [tilespmem:v0+s7+$0x0], $0xffff  }
0x1cf: {  	[tilespmem:v6+s6+$0x0] =	vst.idx.msk $0xffff, v4;
	v0 =	vld.idx.msk [tilespmem:v12+s24+$0x0], $0xffff;
	v4 =	vor.u32 $0x33, v21  }
0x1d0: {  	v9 =	vor.u32 $0x1, v12;
	[tilespmem:v11+s6+$0x0] =	vst.idx.msk $0xffff, v13;
	v6 =	vld.idx.msk [tilespmem:v15+s24+$0x0], $0xffff;
	v11 =	vor.u32 $0x33, v25  }
0x1d1: {  	v8 =	vmov v43;
	v43 =	vor.u32 $0x1, v15  }
0x1d2: {  	v13 =	vld.idx.msk [tilespmem:v14+s24+$0x0], $0xffff;
	v14 =	vor.u32 $0x36, v49;
	_ =	sdelay $0x1  }
0x1d3: {  	v18 =	vshrl.u32 v16, $0x1;
	[tilespmem:v4+s6+$0x0] =	vst.idx.msk $0xffff, v0  }
0x1d4: {  	v35 =	vand.u32 $0x38, v18;
	v4 =	vshrl.u32 v3, $0x11;
	[tilespmem:v11+s6+$0x0] =	vst.idx.msk $0xffff, v6;
	v0 =	vld.idx.msk [tilespmem:v9+s24+$0x0], $0xffff;
	v9 =	vor.u32 $0x34, v21  }
0x1d5: {  	v37 =	vor.u32 $0x34, v25;
	v34 =	vor.u32 $0x2, v12;
	v18 =	vand.u32 $0xF, v4;
	v4 =	vld.idx.msk [tilespmem:v43+s24+$0x0], $0xffff  }
0x1d6: {  	v6 =	vshrl.u32 v3, $0xE;
	[tilespmem:v14+s6+$0x0] =	vst.idx.msk $0xffff, v13;
	v13 =	vor.u32 v7, v18  }
0x1d7: {  	v44 =	vor.u32 $0x2, v15;
	v11 =	vand.u32 $0x7, v6;
	v6 =	vadd.s32 s20, v54  }
0x1d8: {  	[tilespmem:$0x1FD90] =	vst v3;
	v52 =	vand.u32 $0x3F8, v6;
	v58 =	vor.u32 v7, v11  }
0x1d9: {  	v39 =	vor.u32 $0x37, v49;
	v38 =	vld.idx.msk [tilespmem:v35+s26+$0x0], $0xffff;
	[tilespmem:v9+s6+$0x0] =	vst.idx.msk $0xffff, v0;
	v0 =	vadd.s32 v57, v52;
	v9 =	vand.u32 $0x7, v6  }
0x1da: {  	v55 =	vor.u32 $0x1, v35;
	[tilespmem:v37+s6+$0x0] =	vst.idx.msk $0xffff, v4;
	v0 =	vor.u32 v9, v0;
	v4 =	vld.idx.msk [tilespmem:v34+s24+$0x0], $0xffff;
	v9 =	vor.u32 $0x35, v21  }
0x1db: {  	v12 =	vor.u32 $0x3, v12;
	[tilespmem:v13+s11+$0x0] =	vst.idx.add.f32.msk $0xffff, v50  }
0x1dc: {  	v52 =	vor.u32 $0x35, v25;
	v44 =	vld.idx.msk [tilespmem:v44+s24+$0x0], $0xffff  }
0x1dd: {  	v15 =	vor.u32 $0x3, v15;
	[tilespmem:v58+s13+$0x0] =	vst.idx.add.f32.msk $0xffff, v50  }
0x1de: {  	[tilespmem:v39+s6+$0x0] =	vst.idx.msk $0xffff, v38  }
0x1df: {  	v38 =	vld.idx.msk [tilespmem:v55+s26+$0x0], $0xffff;
	v55 =	vor.u32 $0x38, v49;
	[tilespmem:v9+s6+$0x0] =	vst.idx.msk $0xffff, v4  }
0x1e0: {  	v43 =	vshrl.u32 v19, $0x1;
	v4 =	vor.u32 $0x2, v35;
	v9 =	vld.idx.msk [tilespmem:v12+s24+$0x0], $0xffff;
	v12 =	vor.u32 $0x36, v21  }
0x1e1: {  	v34 =	vand.u32 $0x38, v43;
	v0 =	vld.idx.msk [tilespmem:v0+s7+$0x0], $0xffff;
	[tilespmem:v52+s6+$0x0] =	vst.idx.msk $0xffff, v44  }
0x1e2: {  	v44 =	vor.u32 $0x36, v25;
	v15 =	vld.idx.msk [tilespmem:v15+s24+$0x0], $0xffff  }
0x1e3: {  	v52 =	vshrl.u32 v45, $0x1  }
0x1e4: {  	v40 =	vand.u32 $0x38, v52;
	[tilespmem:v55+s6+$0x0] =	vst.idx.msk $0xffff, v38  }
0x1e5: {  	v55 =	vor.u32 $0x39, v49;
	v4 =	vld.idx.msk [tilespmem:v4+s26+$0x0], $0xffff;
	[tilespmem:v12+s6+$0x0] =	vst.idx.msk $0xffff, v9  }
0x1e6: {  	v39 =	vor.u32 $0x37, v21;
	v37 =	vld.idx.msk [tilespmem:v34+s26+$0x0], $0xffff  }
0x1e7: {  	v35 =	vor.u32 $0x3, v35;
	v9 =	vshrl.u32 v0, $0x11;
	[tilespmem:v44+s6+$0x0] =	vst.idx.msk $0xffff, v15  }
0x1e8: {  	v3 =	vand.u32 $0xF, v9;
	[tilespmem:$0x1FDA0] =	vst v0  }
0x1e9: {  	v43 =	vor.u32 $0x1, v34;
	v12 =	vshrl.u32 v0, $0xE;
	v44 =	vor.u32 $0x37, v25;
	v41 =	vld.idx.msk [tilespmem:v40+s26+$0x0], $0xffff;
	[tilespmem:$0x1FDB0] =	vst v3  }
0x1ea: {  	v12 =	vand.u32 $0x7, v12;
	v15 =	vor.u32 v7, v3;
	[tilespmem:v55+s6+$0x0] =	vst.idx.msk $0xffff, v4  }
0x1eb: {  	v0 =	vadd.s32 s20, v59;
	v4 =	vshrl.u32 v16, $0x4;
	v16 =	vor.u32 v7, v12;
	[tilespmem:v39+s6+$0x0] =	vst.idx.msk $0xffff, v37  }
0x1ec: {  	v52 =	vor.u32 $0x3A, v49;
	v38 =	vand.u32 $0x3F8, v0;
	v55 =	vor.u32 $0x1, v40;
	v35 =	vld.idx.msk [tilespmem:v35+s26+$0x0], $0xffff;
	[tilespmem:$0x1FDC0] =	vst v57  }
0x1ed: {  	v57 =	vadd.s32 v57, v38;
	v38 =	vand.u32 $0x38, v4;
	[tilespmem:$0x1FDD0] =	vst v0;
	v4 =	vand.u32 $0x7, v0  }
0x1ee: {  	v39 =	vor.u32 $0x38, v21;
	[tilespmem:v44+s6+$0x0] =	vst.idx.msk $0xffff, v41;
	v4 =	vor.u32 v4, v57;
	v37 =	vld.idx.msk [tilespmem:v43+s26+$0x0], $0xffff  }
0x1ef: {  	[tilespmem:v15+s11+$0x0] =	vst.idx.add.f32.msk $0xffff, v50;
	v41 =	vor.u32 $0x2, v34  }
0x1f0: {  	[tilespmem:v16+s13+$0x0] =	vst.idx.add.f32.msk $0xffff, v50  }
0x1f1: {  	[tilespmem:v52+s6+$0x0] =	vst.idx.msk $0xffff, v35;
	v35 =	vld.idx.msk [tilespmem:v55+s26+$0x0], $0xffff  }
0x1f2: {  	v44 =	vor.u32 $0x38, v25;
	v52 =	vld.idx.msk [tilespmem:v38+s28+$0x0], $0xffff  }
0x1f3: {  	v43 =	vor.u32 $0x2, v40;
	v55 =	vor.u32 $0x3B, v49;
	[tilespmem:v39+s6+$0x0] =	vst.idx.msk $0xffff, v37;
	v0 =	vld.idx.msk [tilespmem:v4+s7+$0x0], $0xffff  }
0x1f4: {  	v4 =	vor.u32 $0x1, v38;
	v39 =	vor.u32 $0x39, v21;
	v37 =	vld.idx.msk [tilespmem:v41+s26+$0x0], $0xffff;
	_ =	sdelay $0x1  }
0x1f5: {  	v34 =	vor.u32 $0x3, v34  }
0x1f6: {  	[tilespmem:v44+s6+$0x0] =	vst.idx.msk $0xffff, v35  }
0x1f7: {  	v35 =	vld.idx.msk [tilespmem:v43+s26+$0x0], $0xffff;
	[tilespmem:v55+s6+$0x0] =	vst.idx.msk $0xffff, v52;
	v52 =	vor.u32 $0x39, v25  }
0x1f8: {  	v55 =	vld.idx.msk [tilespmem:v4+s28+$0x0], $0xffff;
	v4 =	vshrl.u32 v0, $0x11;
	[tilespmem:v39+s6+$0x0] =	vst.idx.msk $0xffff, v37  }
0x1f9: {  	v17 =	vor.u32 $0x3C, v49;
	v40 =	vor.u32 $0x3, v40;
	v4 =	vand.u32 $0xF, v4;
	[tilespmem:$0x1FDE0] =	vst v0  }
0x1fa: {  	v57 =	vshrl.u32 v0, $0xE;
	v37 =	vor.u32 $0x3A, v21;
	v0 =	vnsel vm0, $0xF, v4;
	v34 =	vld.idx.msk [tilespmem:v34+s26+$0x0], $0xffff  }
0x1fb: {  	v39 =	vor.u32 $0x2, v38;
	v4 =	vand.u32 $0x7, v57;
	[tilespmem:$0x1FDF0] =	vst v0  }
0x1fc: {  	v3 =	vnsel vm0, $0xF, v4;
	v0 =	vor.u32 v7, v0;
	[tilespmem:v52+s6+$0x0] =	vst.idx.msk $0xffff, v35  }
0x1fd: {  	[tilespmem:$0x1FE00] =	vst v3  }
0x1fe: {  	[tilespmem:v17+s6+$0x0] =	vst.idx.msk $0xffff, v55  }
0x1ff: {  	v57 =	vmov v20;
	v3 =	vor.u32 v7, v3;
	v20 =	vld.idx.msk [tilespmem:v40+s26+$0x0], $0xffff;
	[tilespmem:v37+s6+$0x0] =	vst.idx.msk $0xffff, v34  }
0x200: {  	v55 =	vor.u32 $0x3A, v25;
	v39 =	vld.idx.msk [tilespmem:v39+s28+$0x0], $0xffff;
	[tilespmem:$0x1FE10] =	vst v0  }
0x201: {  	[tilespmem:v0+s11+$0x0] =	vst.idx.add.f32.msk $0x3, v50  }
0x202: {  	[tilespmem:$0x1FE20] =	vst v7  }
0x203: {  	v17 =	vor.u32 $0x3D, v49;
	[tilespmem:$0x1FE30] =	vst v3  }
0x204: {  	v19 =	vshrl.u32 v19, $0x4;
	[tilespmem:v3+s13+$0x0] =	vst.idx.add.f32.msk $0x3, v50  }
0x205: {  	v40 =	vand.u32 $0x38, v19;
	v19 =	vshrl.u32 v45, $0x4;
	[tilespmem:v55+s6+$0x0] =	vst.idx.msk $0xffff, v20  }
0x206: {  	v43 =	vmin.u32 v53, $0xE;
	v44 =	vand.u32 $0x38, v19;
	v0 =	vld [tilespmem:$0x1FE40]  }
0x207: {  	v9 =	vimm.s32 $0x1;
	v52 =	vadd.s32 $0x1, v43;
	v19 =	vmax.u32 v53, $0x1  }
0x208: {  	v43 =	vand.u32 $0x18, v52;
	v19 =	vsub.s32 v19, v9;
	v34 =	vor.u32 $0x3, v38;
	[tilespmem:v17+s6+$0x0] =	vst.idx.msk $0xffff, v39  }
0x209: {  	v35 =	vand.u32 $0x7, v52;
	v37 =	vadd.s32 v7, v43;
	v19 =	vor.u32 v7, v19;
	v4 =	vld [tilespmem:$0x1FFF0]  }
0x20a: {  	v45 =	vor.u32 $0x3B, v21;
	v35 =	vor.u32 v35, v37;
	v37 =	vld.idx.msk [tilespmem:v40+s28+$0x0], $0xffff  }
0x20b: {  	v52 =	vor.u32 $0x1, v40;
	v55 =	vor.u32 $0x3B, v25;
	v17 =	vld.idx.msk [tilespmem:v44+s28+$0x0], $0xffff;
	v20 =	vmul.u32 $0xC8, v0;
	_ =	sdelay $0x1  }
0x20c: {  	v7 =	vor.u32 $0x1, v44;
	v34 =	vld.idx.msk [tilespmem:v34+s28+$0x0], $0xffff;
	[tilespmem:$0x1FE50] =	vst v2;
	v3 =	vadd.s32 v2, v20;
	v20 =	vor.u32 $0x3E, v49  }
0x20d: {  	v30 =	vld.idx.msk [tilespmem:v19+s11+$0x0], $0xffff;
	v19 =	vadd.s32 v4, v3  }
0x20e: {  	v35 =	vld.idx.msk [tilespmem:v35+s11+$0x0], $0xffff;
	[tilespmem:v45+s6+$0x0] =	vst.idx.msk $0xffff, v37  }
0x20f: {  	v37 =	vor.u32 $0x3C, v21;
	[tilespmem:v55+s6+$0x0] =	vst.idx.msk $0xffff, v17;
	v17 =	vld.idx.msk [tilespmem:v52+s28+$0x0], $0xffff  }
0x210: {  	v33 =	vld.idx.msk [tilespmem:v33+s11+$0x0], $0xffff  }
0x211: {  	v26 =	vld.idx.msk [tilespmem:v7+s28+$0x0], $0xffff;
	[tilespmem:v20+s6+$0x0] =	vst.idx.msk $0xffff, v34;
	v20 =	vor.u32 $0x2, v40;
	v34 =	vor.u32 $0x3C, v25  }
0x212: {  	v31 =	vshll.u32 v31, $0x6;
	v52 =	vor.u32 $0x2B, v49;
	v55 =	vor.u32 $0x2, v44;
	v45 =	vld.idx.msk [tilespmem:v19+s3+$0x0], $0xffff  }
0x213: {  	v43 =	vadd.s32 v22, v3;
	v22 =	vld.idx.msk [tilespmem:v53+s31+$0x0], $0xffff;
	v19 =	vadd.s32 v5, v31  }
0x214: {  	[tilespmem:v37+s6+$0x0] =	vst.idx.msk $0xffff, v17;
	v17 =	vld.idx.msk [tilespmem:v53+s30+$0x0], $0xffff;
	v7 =	vor.u32 $0x25, v19  }
0x215: {  	v31 =	vld.idx.msk [tilespmem:v32+s13+$0x0], $0xffff;
	v37 =	vor.u32 $0x26, v19  }
0x216: {  	[tilespmem:v34+s6+$0x0] =	vst.idx.msk $0xffff, v26;
	v20 =	vld.idx.msk [tilespmem:v20+s28+$0x0], $0xffff;
	v26 =	vor.u32 $0x3D, v21  }
0x217: {  	[tilespmem:v52+s6+$0x0] =	vst.idx.msk $0xffff, v45;
	v34 =	vld.idx.msk [tilespmem:v55+s28+$0x0], $0xffff;
	v45 =	vor.u32 $0x3D, v25  }
0x218: {  	v38 =	vor.u32 $0x3, v40;
	v55 =	vor.u32 $0x2C, v49;
	v32 =	vld.idx.msk [tilespmem:v43+s3+$0x0], $0xffff  }
0x219: {  	[tilespmem:v7+s6+$0x0] =	vst.idx.add.f32.msk $0xffff, v22  }
0x21a: {  	v52 =	vor.u32 $0x3, v44;
	[tilespmem:v37+s6+$0x0] =	vst.idx.add.f32.msk $0xffff, v17  }
0x21b: {  	v7 =	vadd.s32 v56, v3;
	[tilespmem:v26+s6+$0x0] =	vst.idx.msk $0xffff, v20  }
0x21c: {  	v17 =	vor.u32 $0x27, v19;
	[tilespmem:v45+s6+$0x0] =	vst.idx.msk $0xffff, v34  }
0x21d: {  	v22 =	vld.idx.msk [tilespmem:v38+s28+$0x0], $0xffff;
	[tilespmem:v55+s6+$0x0] =	vst.idx.msk $0xffff, v32  }
0x21e: {  	v20 =	vor.u32 $0x28, v19;
	v0 =	vld [tilespmem:$0x1FF70]  }
0x21f: {  	vm1 =	veq.s32 v53, $0x0;
	v26 =	vor.u32 $0x3E, v21;
	v34 =	vld.idx.msk [tilespmem:v52+s28+$0x0], $0xffff  }
0x220: {  	v44 =	vsel vm1, $0x0, v35;
	v45 =	vadd.s32 v63, v57;
	v55 =	vor.u32 $0x2D, v49;
	v7 =	vld.idx.msk [tilespmem:v7+s3+$0x0], $0xffff  }
0x221: {  	v43 =	vadd.s32 v62, v3;
	v52 =	vor.u32 $0x3E, v25;
	[tilespmem:v17+s6+$0x0] =	vst.idx.add.f32.msk $0xffff, v44  }
0x222: {  	v17 =	vsel vm1, $0x0, v30;
	[tilespmem:$0x1FE60] =	vst v3  }
0x223: {  	v31 =	vmul.f32 $2.000000030e-01, v31;
	[tilespmem:v20+s6+$0x0] =	vst.idx.add.f32.msk $0xffff, v17;
	v63 =	vadd.s32 v0, v24  }
0x224: {  	v20 =	vor.u32 $0x29, v19;
	[tilespmem:v26+s6+$0x0] =	vst.idx.msk $0xffff, v22  }
0x225: {  	v17 =	vsel vm1, $0x0, v31;
	v26 =	vor.u32 $0x2A, v19;
	v31 =	vld.idx.msk [tilespmem:v45+s3+$0x0], $0xffff;
	[tilespmem:v55+s6+$0x0] =	vst.idx.msk $0xffff, v7  }
0x226: {  	v44 =	vor.u32 $0x2B, v21;
	[tilespmem:v52+s6+$0x0] =	vst.idx.msk $0xffff, v34;
	v32 =	vld.idx.msk [tilespmem:v43+s3+$0x0], $0xffff  }
0x227: {  	v30 =	vmul.f32 $2.000000030e-01, v33;
	v33 =	vor.u32 $0x2E, v49;
	v0 =	vld [tilespmem:$0x1FF80]  }
0x228: {  	v52 =	vor.u32 $0x2B, v25;
	v7 =	vld.idx.msk [tilespmem:v63+s3+$0x0], $0xffff  }
0x229: {  	v22 =	vsel vm1, $0x0, v30;
	[tilespmem:v20+s6+$0x0] =	vst.idx.add.f32.msk $0xffff, v17  }
0x22a: {  	[tilespmem:v26+s6+$0x0] =	vst.idx.add.f32.msk $0xffff, v22  }
0x22b: {  	[tilespmem:v44+s6+$0x0] =	vst.idx.msk $0xffff, v31  }
0x22c: {  	[tilespmem:v33+s6+$0x0] =	vst.idx.msk $0xffff, v32  }
0x22d: {  	[tilespmem:v52+s6+$0x0] =	vst.idx.msk $0xffff, v7  }
0x22e: {  	v45 =	vadd.s32 v60, v57;
	v60 =	vadd.s32 v0, v24;
	v0 =	vld [tilespmem:$0x1FE70]  }
0x22f: {  	v30 =	vmin.u32 v1, $0xE  }
0x230: {  	v30 =	vadd.s32 $0x1, v30  }
0x231: {  	v63 =	vand.u32 $0x18, v30  }
0x232: {  	v55 =	vmax.u32 v1, $0x1;
	v20 =	vand.u32 $0x7, v30;
	v30 =	vadd.s32 v29, v63  }
0x233: {  	v38 =	vsub.s32 v55, v9;
	v20 =	vor.u32 v20, v30;
	v30 =	vshll.u32 v0, $0x6;
	v0 =	vld [tilespmem:$0x1FF90]  }
0x234: {  	v17 =	vor.u32 v29, v38;
	_ =	sdelay $0x3  }
0x235: {  	v43 =	vadd.s32 v0, v24;
	v0 =	vld [tilespmem:$0x1FE80]  }
0x236: {  	v31 =	vld.idx.msk [tilespmem:v17+s11+$0x0], $0xffff  }
0x237: {  	v26 =	vor.u32 $0x2C, v25;
	v22 =	vld.idx.msk [tilespmem:v60+s3+$0x0], $0xffff  }
0x238: {  	v7 =	vld.idx.msk [tilespmem:v45+s3+$0x0], $0xffff;
	v17 =	vadd.s32 v5, v30;
	v30 =	vor.u32 $0x2C, v21;
	_ =	sdelay $0x3  }
0x239: {  	[tilespmem:v26+s6+$0x0] =	vst.idx.msk $0xffff, v22  }
0x23a: {  	[tilespmem:v30+s6+$0x0] =	vst.idx.msk $0xffff, v7;
	v35 =	vld.idx.msk [tilespmem:v0+s13+$0x0], $0xffff  }
0x23b: {  	v0 =	vld [tilespmem:$0x1FE90];
	_ =	sdelay $0x3  }
0x23c: {  	v33 =	vld.idx.msk [tilespmem:v1+s31+$0x0], $0xffff;
	v44 =	vor.u32 $0x25, v17;
	_ =	sdelay $0x1  }
0x23d: {  	v20 =	vld.idx.msk [tilespmem:v20+s11+$0x0], $0xffff  }
0x23e: {  	v22 =	vld.idx.msk [tilespmem:v1+s30+$0x0], $0xffff  }
0x23f: {  	v30 =	vld.idx.msk [tilespmem:v0+s11+$0x0], $0xffff  }
0x240: {  	v45 =	vadd.s32 v23, v57;
	[tilespmem:v44+s6+$0x0] =	vst.idx.add.f32.msk $0xffff, v33  }
0x241: {  	v0 =	vld [tilespmem:$0x1FFA0]  }
0x242: {  	v26 =	vor.u32 $0x26, v17  }
0x243: {  	v39 =	vor.u32 $0x2D, v25;
	v32 =	vld.idx.msk [tilespmem:v43+s3+$0x0], $0xffff  }
0x244: {  	v38 =	vor.u32 $0x27, v17  }
0x245: {  	v52 =	vadd.s32 v19, v53;
	v53 =	vor.u32 $0x28, v17;
	v37 =	vld.idx.msk [tilespmem:v45+s3+$0x0], $0xffff  }
0x246: {  	v55 =	vor.u32 $0x2D, v21;
	[tilespmem:$0x1FEA0] =	vst v24;
	v60 =	vadd.s32 v0, v24;
	v0 =	vld [tilespmem:$0x1FEB0]  }
0x247: {  	vm1 =	veq.s32 v1, $0x0;
	v7 =	vor.u32 v19, v27;
	[tilespmem:v26+s6+$0x0] =	vst.idx.add.f32.msk $0xffff, v22  }
0x248: {  	v20 =	vsel vm1, $0x0, v20;
	v26 =	vor.u32 $0x29, v17;
	[tilespmem:v39+s6+$0x0] =	vst.idx.msk $0xffff, v32  }
0x249: {  	v31 =	vsel vm1, $0x0, v31;
	v43 =	vor.u32 $0x2A, v17;
	[tilespmem:v38+s6+$0x0] =	vst.idx.add.f32.msk $0xffff, v20  }
0x24a: {  	v20 =	vmul.f32 $2.000000030e-01, v35;
	[tilespmem:v53+s6+$0x0] =	vst.idx.add.f32.msk $0xffff, v31;
	v31 =	vadd.s32 $0x5, v52  }
0x24b: {  	v25 =	vor.u32 $0x2E, v25;
	v30 =	vmul.f32 $2.000000030e-01, v30;
	[tilespmem:v55+s6+$0x0] =	vst.idx.msk $0xffff, v37;
	v52 =	vld.idx.msk [tilespmem:v60+s3+$0x0], $0xffff  }
0x24c: {  	[tilespmem:v7+s6+$0x0] =	vst.idx.add.f32.msk $0xffff, v50;
	v20 =	vsel vm1, $0x0, v20  }
0x24d: {  	[tilespmem:v26+s6+$0x0] =	vst.idx.add.f32.msk $0xffff, v20;
	v20 =	vsel vm1, $0x0, v30  }
0x24e: {  	[tilespmem:v43+s6+$0x0] =	vst.idx.add.f32.msk $0xffff, v20  }
0x24f: {  	[tilespmem:v31+s6+$0x0] =	vst.idx.add.f32.msk $0xffff, v50  }
0x250: {  	[tilespmem:v25+s6+$0x0] =	vst.idx.msk $0xffff, v52  }
0x251: {  	v2 =	vld [tilespmem:$0x1FEC0];
	_ =	sdelay $0x2  }
0x252: {  	v63 =	vmin.u32 v0, $0xE  }
0x253: {  	v22 =	vadd.s32 $0x1, v63  }
0x254: {  	v44 =	vand.u32 $0x18, v22;
	v25 =	vshll.u32 v2, $0x6;
	v2 =	vld [tilespmem:$0x1FEE0]  }
0x255: {  	v53 =	vadd.s32 v42, v57;
	v22 =	vand.u32 $0x7, v22;
	v45 =	vadd.s32 v46, v44  }
0x256: {  	v26 =	vshrl.u32 v10, $0x7;
	v55 =	vmax.u32 v0, $0x1;
	v22 =	vor.u32 v22, v45  }
0x257: {  	v30 =	vand.u32 $0x78, v26;
	v20 =	vadd.s32 $0xFFFFFFFF, v55  }
0x258: {  	v7 =	vand.u32 $0xFFFFFFF8, v20  }
0x259: {  	v20 =	vand.u32 $0x7, v20;
	v7 =	vadd.s32 v46, v7;
	v45 =	vor.u32 v17, v2;
	v2 =	vld [tilespmem:$0x1FEF0]  }
0x25a: {  	v7 =	vor.u32 v20, v7;
	v20 =	vld.idx.msk [tilespmem:v53+s3+$0x0], $0xffff  }
0x25b: {  	v22 =	vld.idx.msk [tilespmem:v22+s11+$0x0], $0xffff;
	[tilespmem:$0x1FED0] =	vst v5  }
0x25c: {  	v26 =	vor.u32 $0x2F, v19;
	v53 =	vadd.s32 v5, v25;
	v25 =	vld.idx.msk [tilespmem:v30+s29+$0x0], $0xffff;
	_ =	sdelay $0x4  }
0x25d: {  	[tilespmem:v26+s6+$0x0] =	vst.idx.msk $0xffff, v25;
	v46 =	vld.idx.msk [tilespmem:v2+s13+$0x0], $0xffff  }
0x25e: {  	v2 =	vld [tilespmem:$0x1FF00];
	_ =	sdelay $0x2  }
0x25f: {  	v21 =	vor.u32 $0x2E, v21  }
0x260: {  	v31 =	vld.idx.msk [tilespmem:v0+s31+$0x0], $0xffff;
	v32 =	vor.u32 $0x25, v53  }
0x261: {  	v33 =	vld.idx.msk [tilespmem:v0+s30+$0x0], $0xffff;
	v60 =	vor.u32 $0x26, v53  }
0x262: {  	v35 =	vld.idx.msk [tilespmem:v7+s11+$0x0], $0xffff;
	v7 =	vmin.u32 v61, $0xE;
	v44 =	vor.u32 $0x27, v53  }
0x263: {  	v3 =	vimm.s32 $0x1;
	v43 =	vmax.u32 v61, $0x1;
	v7 =	vadd.s32 $0x1, v7;
	[tilespmem:v45+s6+$0x0] =	vst.idx.add.f32.msk $0xffff, v50  }
0x264: {  	vm1 =	veq.s32 v0, $0x0;
	v37 =	vsub.s32 v43, v3;
	v55 =	vand.u32 $0x18, v7;
	[tilespmem:v21+s6+$0x0] =	vst.idx.msk $0xffff, v20;
	v52 =	vld.idx.msk [tilespmem:v2+s11+$0x0], $0xffff  }
0x265: {  	v7 =	vand.u32 $0x7, v7;
	v26 =	vor.u32 $0x1, v30;
	[tilespmem:v32+s6+$0x0] =	vst.idx.add.f32.msk $0x3, v31;
	v31 =	vadd.s32 v36, v55  }
0x266: {  	v25 =	vor.u32 v36, v37;
	[tilespmem:v60+s6+$0x0] =	vst.idx.add.f32.msk $0x3, v33;
	v60 =	vor.u32 v7, v31;
	v7 =	vsel vm1, $0x0, v22  }
0x267: {  	[tilespmem:v44+s6+$0x0] =	vst.idx.add.f32.msk $0x3, v7  }
0x268: {  	v21 =	vadd.s32 v53, v0;
	v2 =	vld [tilespmem:$0x1FF10]  }
0x269: {  	v33 =	vadd.s32 $0x5, v21;
	v21 =	vld.idx.msk [tilespmem:v61+s31+$0x0], $0xffff  }
0x26a: {  	v7 =	vld.idx.msk [tilespmem:v26+s29+$0x0], $0xffff  }
0x26b: {  	v39 =	vshrl.u32 v8, $0x7;
	v40 =	vsel vm1, $0x0, v35;
	v26 =	vld.idx.msk [tilespmem:v25+s11+$0x0], $0xffff  }
0x26c: {  	v35 =	vor.u32 $0x29, v53;
	v37 =	vor.u32 $0x28, v53;
	v20 =	vmul.f32 $2.000000030e-01, v46;
	v25 =	vld.idx.msk [tilespmem:v61+s30+$0x0], $0xffff  }
0x26d: {  	s21 =	simm.s32 $0x4;
	v49 =	vmovc v29;
	v63 =	vmovc v10;
	v22 =	vor.u32 $0x2A, v53;
	v38 =	vmul.f32 $2.000000030e-01, v52;
	v32 =	vld.idx.msk [tilespmem:v60+s11+$0x0], $0xffff;
	v31 =	vor.u32 v53, v2  }
.LBB2_5:
0x26e: {  	v0 =	vld [tilespmem:$0x1FD40];
	_ =	sdelay $0x4  }
0x26f: {  	v2 =	vmov v0  }
0x270: {  	[tilespmem:$0x1FBF0] =	vst v2;
	v2 =	vld [tilespmem:$0x1FE00];
	_ =	sdelay $0x4  }
0x271: {  	v0 =	vmov v2  }
0x272: {  	[tilespmem:$0x1FD40] =	vst v0;
	v0 =	vld [tilespmem:$0x1FC00];
	_ =	sdelay $0x4  }
0x273: {  	v44 =	vshll.u32 v0, $0x6;
	v0 =	vld [tilespmem:$0x1FCB0];
	_ =	sdelay $0x4  }
0x274: {  	v2 =	vmov v0;
	v0 =	vmov v6  }
0x275: {  	[tilespmem:$0x1FCB0] =	vst v0;
	v0 =	vld [tilespmem:$0x1FC50];
	_ =	sdelay $0x2  }
0x276: {  	v34 =	vsel vm1, $0x0, v20;
	[tilespmem:v37+s6+$0x0] =	vst.idx.add.f32.msk $0x3, v40  }
0x277: {  	v4 =	vsel vm1, $0x0, v38;
	[tilespmem:v35+s6+$0x0] =	vst.idx.add.f32.msk $0x3, v34  }
0x278: {  	[tilespmem:v22+s6+$0x0] =	vst.idx.add.f32.msk $0x3, v4  }
0x279: {  	[tilespmem:v31+s6+$0x0] =	vst.idx.add.f32.msk $0x3, v50  }
0x27a: {  	[tilespmem:v33+s6+$0x0] =	vst.idx.add.f32.msk $0x3, v50  }
0x27b: {  	v46 =	vld.idx.msk [tilespmem:v0+s13+$0x0], $0xffff  }
0x27c: {  	v0 =	vld [tilespmem:$0x1FD10];
	_ =	sdelay $0x4  }
0x27d: {  	[tilespmem:$0x1FC00] =	vst v2;
	v2 =	vmov v0;
	v0 =	vmov v16  }
0x27e: {  	[tilespmem:$0x1FD10] =	vst v0;
	v0 =	vld [tilespmem:$0x1FC40];
	_ =	sdelay $0x1  }
0x27f: {  	v37 =	vand.u32 $0x78, v39;
	v42 =	vor.u32 $0x30, v19;
	_ =	sdelay $0x4  }
0x280: {  	v33 =	vld.idx.msk [tilespmem:v37+s29+$0x0], $0xffff;
	[tilespmem:v42+s6+$0x0] =	vst.idx.msk $0xffff, v7  }
0x281: {  	v7 =	vld.idx.msk [tilespmem:v0+s11+$0x0], $0xffff  }
0x282: {  	v0 =	vld [tilespmem:$0x1FD00];
	_ =	sdelay $0x4  }
0x283: {  	v14 =	vld [tilespmem:$0x1FED0];
	[tilespmem:$0x1FC50] =	vst v2;
	v2 =	vmov v0;
	v0 =	vmov v15  }
0x284: {  	[tilespmem:$0x1FD00] =	vst v0;
	v0 =	vld [tilespmem:$0x1FC20];
	_ =	sdelay $0x3  }
0x285: {  	v43 =	vadd.s32 v17, v1;
	v22 =	vadd.s32 v14, v44  }
0x286: {  	v4 =	vadd.s32 $0x5, v43;
	v43 =	vor.u32 v22, v0;
	v0 =	vld [tilespmem:$0x1FCE0];
	_ =	sdelay $0x4  }
0x287: {  	v6 =	vor.u32 $0x25, v22;
	v3 =	vmov v0;
	v0 =	vmov v12  }
0x288: {  	[tilespmem:$0x1FCE0] =	vst v0;
	v0 =	vld [tilespmem:$0x1FCD0];
	_ =	sdelay $0x1  }
0x289: {  	[tilespmem:$0x1FBD0] =	vst v58;
	v1 =	vmov v18;
	v58 =	vld [tilespmem:$0x1FCA0];
	v18 =	vor.u32 $0x26, v22  }
0x28a: {  	v45 =	vor.u32 $0x2, v30;
	v52 =	vor.u32 $0x2F, v53;
	[tilespmem:v4+s6+$0x0] =	vst.idx.add.f32.msk $0xffff, v50  }
0x28b: {  	v16 =	vor.u32 $0x1, v37;
	[tilespmem:v6+s6+$0x0] =	vst.idx.add.f32.msk $0xffff, v21  }
0x28c: {  	v23 =	vld [tilespmem:$0x1FC10];
	v4 =	vor.u32 $0x27, v22;
	[tilespmem:$0x1FC40] =	vst v2;
	v2 =	vmov v0  }
0x28d: {  	v6 =	vor.u32 $0x28, v22;
	[tilespmem:$0x1FBE0] =	vst v2;
	v2 =	vld [tilespmem:$0x1FDB0]  }
0x28e: {  	[tilespmem:v18+s6+$0x0] =	vst.idx.add.f32.msk $0xffff, v25  }
0x28f: {  	vm1 =	veq.s32 v61, $0x0;
	v25 =	vld.idx.msk [tilespmem:v45+s29+$0x0], $0xffff;
	[tilespmem:v52+s6+$0x0] =	vst.idx.msk $0x3, v33;
	v15 =	vor.u32 $0x29, v22  }
0x290: {  	v32 =	vsel vm1, $0x0, v32;
	v60 =	vor.u32 $0x2A, v22;
	v16 =	vld.idx.msk [tilespmem:v16+s29+$0x0], $0xffff  }
0x291: {  	v26 =	vsel vm1, $0x0, v26;
	v55 =	vshrl.u32 v58, $0x7;
	v42 =	vmul.f32 $2.000000030e-01, v46;
	[tilespmem:v4+s6+$0x0] =	vst.idx.add.f32.msk $0xffff, v32  }
0x292: {  	v18 =	vor.u32 $0x30, v53;
	v7 =	vmul.f32 $2.000000030e-01, v7;
	[tilespmem:v6+s6+$0x0] =	vst.idx.add.f32.msk $0xffff, v26;
	v12 =	vand.u32 $0x78, v55;
	v0 =	vmovc v2  }
0x293: {  	v4 =	vsel vm1, $0x0, v42;
	v6 =	vadd.s32 v22, v61;
	v26 =	vor.u32 $0x2, v37;
	[tilespmem:$0x1FCD0] =	vst v0;
	v0 =	vld [tilespmem:$0x1FDC0]  }
0x294: {  	v7 =	vsel vm1, $0x0, v7;
	[tilespmem:v15+s6+$0x0] =	vst.idx.add.f32.msk $0xffff, v4;
	v4 =	vadd.s32 $0x5, v6  }
0x295: {  	s20 =	sadd.s32 $0x32, s20;
	v9 =	vor.u32 $0x31, v19;
	v31 =	vmov s21;
	[tilespmem:v60+s6+$0x0] =	vst.idx.add.f32.msk $0xffff, v7  }
0x296: {  	v35 =	vadd.s32 s20, v47;
	v21 =	vshll.u32 v31, $0x4;
	v6 =	vshrl.u32 v23, $0x7;
	[tilespmem:v43+s6+$0x0] =	vst.idx.add.f32.msk $0xffff, v50  }
0x297: {  	v15 =	vand.u32 $0x3F8, v35;
	v6 =	vand.u32 $0x78, v6;
	v7 =	vor.u32 v47, v21;
	v45 =	vld.idx.msk [tilespmem:v12+s29+$0x0], $0xffff;
	[tilespmem:v18+s6+$0x0] =	vst.idx.msk $0x3, v16  }
0x298: {  	v30 =	vor.u32 $0x3, v30;
	v44 =	vand.u32 $0x7, v35;
	v16 =	vld.idx.msk [tilespmem:v26+s29+$0x0], $0xffff;
	v15 =	vadd.s32 v0, v15  }
0x299: {  	v18 =	vor.u32 $0x31, v53;
	[tilespmem:v4+s6+$0x0] =	vst.idx.add.f32.msk $0xffff, v50;
	v15 =	vor.u32 v44, v15  }
0x29a: {  	[tilespmem:v9+s6+$0x0] =	vst.idx.msk $0xffff, v25;
	v9 =	vor.u32 $0x2F, v17  }
0x29b: {  	v26 =	vor.u32 $0x3, v37  }
0x29c: {  	v47 =	vor.u32 $0x2F, v22;
	v46 =	vor.u32 $0x1, v12;
	v25 =	vld.idx.msk [tilespmem:v6+s29+$0x0], $0xffff;
	[tilespmem:v7+s11+$0x0] =	vst.idx.msk $0xffff, v48  }
0x29d: {  	v52 =	vor.u32 $0x32, v19;
	v30 =	vld.idx.msk [tilespmem:v30+s29+$0x0], $0xffff;
	[tilespmem:v7+s13+$0x0] =	vst.idx.msk $0xffff, v48  }
0x29e: {  	v55 =	vor.u32 $0x1, v6;
	v7 =	vshll.u32 v63, $0x3;
	v4 =	vld.idx.msk [tilespmem:v15+s7+$0x0], $0xffff;
	[tilespmem:v18+s6+$0x0] =	vst.idx.msk $0x3, v16  }
0x29f: {  	v15 =	vand.u32 $0x78, v7;
	[tilespmem:v9+s6+$0x0] =	vst.idx.msk $0xffff, v45  }
0x2a0: {  	v18 =	vor.u32 $0x32, v53;
	v9 =	vld.idx.msk [tilespmem:v26+s29+$0x0], $0xffff  }
0x2a1: {  	v16 =	vld.idx.msk [tilespmem:v46+s29+$0x0], $0xffff;
	[tilespmem:v47+s6+$0x0] =	vst.idx.msk $0xffff, v25;
	v25 =	vshll.u32 v8, $0x3;
	v26 =	vor.u32 $0x30, v17  }
0x2a2: {  	[tilespmem:v52+s6+$0x0] =	vst.idx.msk $0xffff, v30;
	v34 =	vand.u32 $0x78, v25  }
0x2a3: {  	v41 =	vor.u32 $0x30, v22;
	v60 =	vor.u32 $0x2, v12;
	v33 =	vld.idx.msk [tilespmem:v55+s29+$0x0], $0xffff  }
0x2a4: {  	v44 =	vor.u32 $0x33, v19;
	v7 =	vadd.s32 s20, v51;
	v37 =	vld.idx.msk [tilespmem:v15+s24+$0x0], $0xffff  }
0x2a5: {  	v61 =	vor.u32 $0x2, v6;
	v48 =	vand.u32 $0x3F8, v7;
	v30 =	vshrl.u32 v4, $0x11;
	[tilespmem:v18+s6+$0x0] =	vst.idx.msk $0x3, v9  }
0x2a6: {  	v46 =	vor.u32 $0x1, v15;
	v43 =	vshrl.u32 v4, $0xE;
	v30 =	vand.u32 $0xF, v30;
	[tilespmem:v26+s6+$0x0] =	vst.idx.msk $0xffff, v16  }
0x2a7: {  	v25 =	vand.u32 $0x7, v7;
	v32 =	vand.u32 $0x7, v43;
	v39 =	vor.u32 v21, v30;
	v16 =	vld.idx.msk [tilespmem:v34+s24+$0x0], $0xffff  }
0x2a8: {  	v40 =	vor.u32 v21, v32;
	v9 =	vadd.s32 v0, v48;
	v18 =	vld.idx.msk [tilespmem:v60+s29+$0x0], $0xffff;
	[tilespmem:v41+s6+$0x0] =	vst.idx.msk $0xffff, v33  }
0x2a9: {  	v9 =	vor.u32 v25, v9;
	v25 =	vor.u32 $0x33, v53;
	[tilespmem:v44+s6+$0x0] =	vst.idx.msk $0xffff, v37  }
0x2aa: {  	v26 =	vor.u32 $0x31, v17;
	v33 =	vld.idx.msk [tilespmem:v61+s29+$0x0], $0xffff  }
0x2ab: {  	v52 =	vor.u32 $0x1, v34;
	v55 =	vld.idx.msk [tilespmem:v46+s24+$0x0], $0xffff  }
0x2ac: {  	v12 =	vor.u32 $0x3, v12;
	v60 =	vor.u32 $0x31, v22;
	[tilespmem:v39+s11+$0x0] =	vst.idx.add.f32.msk $0xffff, v50  }
0x2ad: {  	v61 =	vor.u32 $0x34, v19;
	[tilespmem:v40+s13+$0x0] =	vst.idx.add.f32.msk $0xffff, v50  }
0x2ae: {  	v6 =	vor.u32 $0x3, v6;
	v41 =	vld.idx.msk [tilespmem:v9+s7+$0x0], $0xffff;
	[tilespmem:v25+s6+$0x0] =	vst.idx.msk $0x3, v16  }
0x2af: {  	v48 =	vor.u32 $0x2, v15;
	[tilespmem:v26+s6+$0x0] =	vst.idx.msk $0xffff, v18  }
0x2b0: {  	v16 =	vor.u32 $0x34, v53;
	v9 =	vld.idx.msk [tilespmem:v52+s24+$0x0], $0xffff  }
0x2b1: {  	v26 =	vor.u32 $0x32, v17;
	v12 =	vld.idx.msk [tilespmem:v12+s29+$0x0], $0xffff;
	[tilespmem:v60+s6+$0x0] =	vst.idx.msk $0xffff, v33  }
0x2b2: {  	v20 =	vmov v49;
	v49 =	vor.u32 $0x2, v34;
	v18 =	vshll.u32 v58, $0x3;
	[tilespmem:v61+s6+$0x0] =	vst.idx.msk $0xffff, v55  }
0x2b3: {  	v38 =	vand.u32 $0x78, v18;
	v52 =	vor.u32 $0x32, v22;
	v6 =	vld.idx.msk [tilespmem:v6+s29+$0x0], $0xffff  }
0x2b4: {  	v18 =	vshll.u32 v23, $0x3;
	v55 =	vor.u32 $0x35, v19;
	v50 =	vld.idx.msk [tilespmem:v48+s24+$0x0], $0xffff  }
0x2b5: {  	v47 =	vand.u32 $0x78, v18;
	v18 =	vshrl.u32 v41, $0x11;
	[tilespmem:v16+s6+$0x0] =	vst.idx.msk $0x3, v9  }
0x2b6: {  	v15 =	vor.u32 $0x3, v15;
	v10 =	vand.u32 $0xF, v18;
	[tilespmem:v26+s6+$0x0] =	vst.idx.msk $0xffff, v12  }
0x2b7: {  	v25 =	vor.u32 v21, v10;
	v9 =	vld.idx.msk [tilespmem:v49+s24+$0x0], $0xffff  }
0x2b8: {  	v16 =	vor.u32 $0x35, v53;
	v12 =	vld.idx.msk [tilespmem:v38+s24+$0x0], $0xffff;
	[tilespmem:v52+s6+$0x0] =	vst.idx.msk $0xffff, v6  }
0x2b9: {  	v26 =	vor.u32 $0x33, v17;
	[tilespmem:v55+s6+$0x0] =	vst.idx.msk $0xffff, v50  }
0x2ba: {  	v34 =	vor.u32 $0x3, v34;
	v37 =	vld.idx.msk [tilespmem:v47+s24+$0x0], $0xffff  }
0x2bb: {  	v43 =	vimm.f32 $1.000000000e+00;
	v46 =	vor.u32 $0x1, v38;
	v48 =	vor.u32 $0x33, v22;
	v15 =	vld.idx.msk [tilespmem:v15+s24+$0x0], $0xffff  }
0x2bc: {  	v44 =	vor.u32 $0x36, v19;
	v61 =	vshrl.u32 v63, $0x1;
	[tilespmem:v25+s11+$0x0] =	vst.idx.add.f32.msk $0xffff, v43  }
0x2bd: {  	v42 =	vor.u32 $0x1, v47;
	v60 =	vshrl.u32 v41, $0xE;
	v6 =	vadd.s32 s20, v54;
	[tilespmem:v16+s6+$0x0] =	vst.idx.msk $0x3, v9  }
0x2be: {  	v49 =	vand.u32 $0x7, v60;
	v52 =	vand.u32 $0x3F8, v6;
	v50 =	vand.u32 $0x38, v61;
	[tilespmem:v26+s6+$0x0] =	vst.idx.msk $0xffff, v12  }
0x2bf: {  	v33 =	vor.u32 v21, v49;
	v45 =	vand.u32 $0x7, v6;
	v52 =	vadd.s32 v0, v52;
	v12 =	vld.idx.msk [tilespmem:v34+s24+$0x0], $0xffff  }
0x2c0: {  	v9 =	vor.u32 v45, v52;
	v26 =	vor.u32 $0x36, v53;
	v16 =	vld.idx.msk [tilespmem:v46+s24+$0x0], $0xffff;
	[tilespmem:v48+s6+$0x0] =	vst.idx.msk $0xffff, v37  }
0x2c1: {  	v55 =	vshrl.u32 v8, $0x1;
	[tilespmem:v44+s6+$0x0] =	vst.idx.msk $0xffff, v15;
	v15 =	vor.u32 $0x34, v17  }
0x2c2: {  	v34 =	vand.u32 $0x38, v55;
	v37 =	vld.idx.msk [tilespmem:v42+s24+$0x0], $0xffff  }
0x2c3: {  	[tilespmem:$0x1FC20] =	vst v3;
	v3 =	vmov v51;
	v51 =	vor.u32 $0x34, v22;
	v48 =	vor.u32 $0x2, v38;
	v46 =	vld.idx.msk [tilespmem:v50+s26+$0x0], $0xffff  }
0x2c4: {  	v60 =	vor.u32 $0x37, v19;
	[tilespmem:v33+s13+$0x0] =	vst.idx.add.f32.msk $0xffff, v43  }
0x2c5: {  	v44 =	vld.idx.msk [tilespmem:v9+s7+$0x0], $0xffff;
	[tilespmem:v26+s6+$0x0] =	vst.idx.msk $0x3, v12  }
0x2c6: {  	v61 =	vor.u32 $0x2, v47;
	[tilespmem:v15+s6+$0x0] =	vst.idx.msk $0xffff, v16  }
0x2c7: {  	v9 =	vor.u32 $0x1, v50;
	v16 =	vld.idx.msk [tilespmem:v34+s26+$0x0], $0xffff  }
0x2c8: {  	v26 =	vld.idx.msk [tilespmem:v48+s24+$0x0], $0xffff;
	[tilespmem:v51+s6+$0x0] =	vst.idx.msk $0xffff, v37;
	v37 =	vor.u32 $0x37, v53  }
0x2c9: {  	[tilespmem:v60+s6+$0x0] =	vst.idx.msk $0xffff, v46;
	v46 =	vor.u32 $0x35, v17  }
0x2ca: {  	v60 =	vor.u32 $0x1, v34  }
0x2cb: {  	v38 =	vor.u32 $0x3, v38;
	v48 =	vld.idx.msk [tilespmem:v61+s24+$0x0], $0xffff;
	v61 =	vor.u32 $0x35, v22  }
0x2cc: {  	v55 =	vor.u32 $0x38, v19;
	v52 =	vld.idx.msk [tilespmem:v9+s26+$0x0], $0xffff  }
0x2cd: {  	v47 =	vor.u32 $0x3, v47;
	v9 =	vshrl.u32 v44, $0x11;
	[tilespmem:v37+s6+$0x0] =	vst.idx.msk $0x3, v16  }
0x2ce: {  	v42 =	vor.u32 $0x2, v50;
	v12 =	vshrl.u32 v44, $0xE;
	v2 =	vand.u32 $0xF, v9;
	[tilespmem:v46+s6+$0x0] =	vst.idx.msk $0xffff, v26  }
0x2cf: {  	v12 =	vand.u32 $0x7, v12;
	v15 =	vor.u32 v21, v2;
	v37 =	vld.idx.msk [tilespmem:v60+s26+$0x0], $0xffff  }
0x2d0: {  	v16 =	vor.u32 v21, v12;
	v38 =	vld.idx.msk [tilespmem:v38+s24+$0x0], $0xffff;
	[tilespmem:v61+s6+$0x0] =	vst.idx.msk $0xffff, v48  }
0x2d1: {  	v46 =	vor.u32 $0x38, v53;
	[tilespmem:v55+s6+$0x0] =	vst.idx.msk $0xffff, v52  }
0x2d2: {  	v48 =	vor.u32 $0x36, v17;
	v47 =	vld.idx.msk [tilespmem:v47+s24+$0x0], $0xffff  }
0x2d3: {  	v27 =	vmov v54;
	[tilespmem:$0x1FDB0] =	vst v2;
	v60 =	vshrl.u32 v58, $0x1;
	v52 =	vor.u32 $0x2, v34;
	v54 =	vld.idx.msk [tilespmem:v42+s26+$0x0], $0xffff  }
0x2d4: {  	v51 =	vand.u32 $0x38, v60;
	v55 =	vor.u32 $0x36, v22;
	[tilespmem:v15+s11+$0x0] =	vst.idx.add.f32.msk $0xffff, v43  }
0x2d5: {  	v26 =	vadd.s32 s20, v59;
	v61 =	vshrl.u32 v23, $0x1;
	v42 =	vmovc v59;
	v59 =	vor.u32 $0x39, v19;
	[tilespmem:v16+s13+$0x0] =	vst.idx.add.f32.msk $0xffff, v43  }
0x2d6: {  	v5 =	vmovc v56;
	v24 =	vmov v36;
	v45 =	vand.u32 $0x3F8, v26;
	v56 =	vand.u32 $0x38, v61;
	[tilespmem:v46+s6+$0x0] =	vst.idx.msk $0x3, v37  }
0x2d7: {  	v36 =	vmovc v57;
	v50 =	vor.u32 $0x3, v50;
	v2 =	vld [tilespmem:$0x1FD20];
	v60 =	vand.u32 $0x7, v26;
	v57 =	vadd.s32 v0, v45;
	[tilespmem:v48+s6+$0x0] =	vst.idx.msk $0xffff, v38  }
0x2d8: {  	v57 =	vor.u32 v60, v57;
	v37 =	vld.idx.msk [tilespmem:v52+s26+$0x0], $0xffff  }
0x2d9: {  	v46 =	vor.u32 $0x39, v53;
	v38 =	vld.idx.msk [tilespmem:v51+s26+$0x0], $0xffff;
	[tilespmem:v55+s6+$0x0] =	vst.idx.msk $0xffff, v47  }
0x2da: {  	v47 =	vor.u32 $0x37, v17;
	[tilespmem:v59+s6+$0x0] =	vst.idx.msk $0xffff, v54  }
0x2db: {  	v34 =	vor.u32 $0x3, v34;
	v48 =	vld.idx.msk [tilespmem:v56+s26+$0x0], $0xffff  }
0x2dc: {  	v52 =	vor.u32 $0x1, v51;
	v54 =	vor.u32 $0x37, v22;
	v50 =	vld.idx.msk [tilespmem:v50+s26+$0x0], $0xffff  }
0x2dd: {  	v55 =	vld.idx.msk [tilespmem:v57+s7+$0x0], $0xffff;
	v57 =	vor.u32 $0x3A, v19  }
0x2de: {  	v60 =	vor.u32 $0x1, v56;
	v9 =	vmov v2;
	v2 =	vld [tilespmem:$0x1FDE0];
	v59 =	vshrl.u32 v63, $0x4;
	[tilespmem:v46+s6+$0x0] =	vst.idx.msk $0x3, v37  }
0x2df: {  	v0 =	vld [tilespmem:$0x1FC60];
	v59 =	vand.u32 $0x38, v59;
	[tilespmem:v47+s6+$0x0] =	vst.idx.msk $0xffff, v38  }
0x2e0: {  	v47 =	vor.u32 $0x3A, v53;
	v38 =	vld.idx.msk [tilespmem:v34+s26+$0x0], $0xffff  }
0x2e1: {  	v45 =	vmov v4;
	v4 =	vshrl.u32 v8, $0x4;
	v46 =	vld.idx.msk [tilespmem:v52+s26+$0x0], $0xffff;
	[tilespmem:v54+s6+$0x0] =	vst.idx.msk $0xffff, v48;
	v48 =	vor.u32 $0x38, v17  }
0x2e2: {  	v54 =	vand.u32 $0x38, v4;
	[tilespmem:v57+s6+$0x0] =	vst.idx.msk $0xffff, v50  }
0x2e3: {  	v8 =	vmovc v62;
	v62 =	vor.u32 $0x2, v51;
	v2 =	vmov v2;
	v52 =	vor.u32 $0x38, v22;
	v50 =	vld.idx.msk [tilespmem:v60+s26+$0x0], $0xffff  }
0x2e4: {  	v61 =	vmovc v13;
	v13 =	vmovc v0;
	[tilespmem:$0x1FD20] =	vst v2;
	v4 =	vshrl.u32 v55, $0x11;
	v0 =	vmov v55;
	v57 =	vld.idx.msk [tilespmem:v59+s28+$0x0], $0xffff;
	v60 =	vor.u32 $0x3B, v19  }
0x2e5: {  	v2 =	vld [tilespmem:$0x1FD90];
	v55 =	vor.u32 $0x2, v56;
	v4 =	vand.u32 $0xF, v4;
	v63 =	vshrl.u32 v0, $0xE;
	[tilespmem:v47+s6+$0x0] =	vst.idx.msk $0x3, v38  }
0x2e6: {  	v34 =	vnsel vm0, $0xF, v4;
	v4 =	vand.u32 $0x7, v63;
	v63 =	vor.u32 $0x1, v59;
	[tilespmem:v48+s6+$0x0] =	vst.idx.msk $0xffff, v46  }
0x2e7: {  	[tilespmem:$0x1FDE0] =	vst v0;
	v0 =	vnsel vm0, $0xF, v4;
	v37 =	vor.u32 v21, v34;
	v46 =	vld.idx.msk [tilespmem:v54+s28+$0x0], $0xffff  }
0x2e8: {  	v38 =	vor.u32 v21, v0;
	v47 =	vld.idx.msk [tilespmem:v62+s26+$0x0], $0xffff;
	[tilespmem:v52+s6+$0x0] =	vst.idx.msk $0xffff, v50  }
0x2e9: {  	v48 =	vor.u32 $0x3B, v53;
	[tilespmem:v60+s6+$0x0] =	vst.idx.msk $0xffff, v57  }
0x2ea: {  	[tilespmem:$0x1FC60] =	vst v9;
	v4 =	vmov v2;
	v50 =	vor.u32 $0x39, v17;
	v52 =	vld.idx.msk [tilespmem:v55+s26+$0x0], $0xffff  }
0x2eb: {  	[tilespmem:$0x1FCA0] =	vst v4;
	v55 =	vor.u32 $0x1, v54;
	v57 =	vld.idx.msk [tilespmem:v63+s28+$0x0], $0xffff  }
0x2ec: {  	v51 =	vor.u32 $0x3, v51;
	v60 =	vor.u32 $0x39, v22;
	[tilespmem:v37+s11+$0x0] =	vst.idx.add.f32.msk $0x3, v43  }
0x2ed: {  	v62 =	vor.u32 $0x3C, v19;
	[tilespmem:v38+s13+$0x0] =	vst.idx.add.f32.msk $0x3, v43  }
0x2ee: {  	[tilespmem:v48+s6+$0x0] =	vst.idx.msk $0x3, v46  }
0x2ef: {  	v4 =	vld [tilespmem:$0x1FCC0];
	[tilespmem:v50+s6+$0x0] =	vst.idx.msk $0xffff, v47  }
0x2f0: {  	[tilespmem:$0x1FE00] =	vst v0;
	v46 =	vld.idx.msk [tilespmem:v55+s28+$0x0], $0xffff  }
0x2f1: {  	v9 =	vimm.s32 $0x1;
	v56 =	vor.u32 $0x3, v56;
	v48 =	vld.idx.msk [tilespmem:v51+s26+$0x0], $0xffff;
	[tilespmem:v60+s6+$0x0] =	vst.idx.msk $0xffff, v52  }
0x2f2: {  	v0 =	vmax.u32 v30, $0x1;
	v63 =	vor.u32 $0x2, v59;
	[tilespmem:v62+s6+$0x0] =	vst.idx.msk $0xffff, v57;
	v62 =	vshrl.u32 v23, $0x4;
	v23 =	vld [tilespmem:$0x1FDA0]  }
0x2f3: {  	v0 =	vsub.s32 v0, v9  }
0x2f4: {  	v0 =	vor.u32 v21, v0  }
0x2f5: {  	v47 =	vor.u32 $0x3C, v53  }
0x2f6: {  	v50 =	vor.u32 $0x3A, v17;
	v60 =	vmin.u32 v30, $0xE;
	v56 =	vld.idx.msk [tilespmem:v56+s26+$0x0], $0xffff  }
0x2f7: {  	v2 =	vmovc v4;
	v55 =	vshrl.u32 v58, $0x4;
	v57 =	vor.u32 $0x2, v54;
	v52 =	vadd.s32 $0x1, v60;
	v60 =	vld.idx.msk [tilespmem:v63+s28+$0x0], $0xffff;
	v4 =	vmovc v23  }
0x2f8: {  	[tilespmem:$0x1FC10] =	vst v2;
	v51 =	vor.u32 $0x3A, v22;
	v55 =	vand.u32 $0x38, v55;
	v63 =	vld.idx.msk [tilespmem:v30+s30+$0x0], $0xffff  }
0x2f9: {  	v2 =	vor.u32 $0x3D, v19;
	v0 =	vld.idx.msk [tilespmem:v0+s11+$0x0], $0xffff;
	[tilespmem:$0x1FCC0] =	vst v4  }
0x2fa: {  	v58 =	vand.u32 $0x18, v52;
	v62 =	vand.u32 $0x38, v62;
	v4 =	vmovc v44;
	v44 =	vand.u32 $0x7, v52;
	v52 =	vld.idx.msk [tilespmem:v30+s31+$0x0], $0xffff;
	[tilespmem:v47+s6+$0x0] =	vst.idx.msk $0x3, v46  }
0x2fb: {  	v18 =	vmov v11;
	v11 =	vmov v41;
	v41 =	vadd.s32 v21, v58;
	[tilespmem:v50+s6+$0x0] =	vst.idx.msk $0xffff, v48  }
0x2fc: {  	v59 =	vor.u32 $0x3, v59;
	v41 =	vor.u32 v44, v41;
	v44 =	vld.idx.msk [tilespmem:v57+s28+$0x0], $0xffff  }
0x2fd: {  	v46 =	vld.idx.msk [tilespmem:v55+s28+$0x0], $0xffff;
	[tilespmem:v51+s6+$0x0] =	vst.idx.msk $0xffff, v56  }
0x2fe: {  	[tilespmem:v2+s6+$0x0] =	vst.idx.msk $0xffff, v60;
	v2 =	vld [tilespmem:$0x1FD70]  }
0x2ff: {  	v47 =	vor.u32 $0x3D, v53;
	[tilespmem:$0x1FDA0] =	vst v4;
	v4 =	vmov v31;
	v50 =	vld.idx.msk [tilespmem:v62+s28+$0x0], $0xffff  }
0x300: {  	v48 =	vor.u32 $0x3B, v17;
	[tilespmem:$0x1FD70] =	vst v4;
	v4 =	vld [tilespmem:$0x1FE50]  }
0x301: {  	v51 =	vor.u32 $0x3, v54;
	v31 =	vshll.u32 v35, $0x6;
	v35 =	vld.idx.msk [tilespmem:v59+s28+$0x0], $0xffff  }
0x302: {  	v54 =	vor.u32 $0x1, v55;
	v56 =	vor.u32 $0x3B, v22;
	v39 =	vld.idx.msk [tilespmem:v39+s11+$0x0], $0xffff  }
0x303: {  	v57 =	vor.u32 $0x3E, v19;
	v40 =	vld.idx.msk [tilespmem:v40+s13+$0x0], $0xffff;
	v2 =	vmul.u32 $0xC8, v2  }
0x304: {  	v59 =	vor.u32 $0x1, v62;
	v41 =	vld.idx.msk [tilespmem:v41+s11+$0x0], $0xffff;
	[tilespmem:v47+s6+$0x0] =	vst.idx.msk $0x3, v44  }
0x305: {  	[tilespmem:v48+s6+$0x0] =	vst.idx.msk $0xffff, v46;
	v2 =	vadd.s32 v4, v2;
	v4 =	vld [tilespmem:$0x1FFF0]  }
0x306: {  	v46 =	vld.idx.msk [tilespmem:v51+s28+$0x0], $0xffff  }
0x307: {  	v47 =	vld.idx.msk [tilespmem:v54+s28+$0x0], $0xffff;
	[tilespmem:v56+s6+$0x0] =	vst.idx.msk $0xffff, v50  }
0x308: {  	[tilespmem:v57+s6+$0x0] =	vst.idx.msk $0xffff, v35  }
0x309: {  	v50 =	vld.idx.msk [tilespmem:v59+s28+$0x0], $0xffff  }
0x30a: {  	v59 =	vld [tilespmem:$0x1FFE0];
	v58 =	vadd.s32 v4, v2  }
0x30b: {  	v31 =	vadd.s32 v14, v31;
	v4 =	vld [tilespmem:$0x1FEA0]  }
0x30c: {  	v23 =	vor.u32 $0x25, v31  }
0x30d: {  	v44 =	vor.u32 $0x26, v31  }
0x30e: {  	v48 =	vor.u32 $0x3E, v53  }
0x30f: {  	v35 =	vor.u32 $0x3C, v17;
	v54 =	vld.idx.msk [tilespmem:v58+s3+$0x0], $0xffff  }
0x310: {  	v56 =	vor.u32 $0x2, v55;
	v51 =	vadd.s32 v59, v4;
	v59 =	vld [tilespmem:$0x1FF20]  }
0x311: {  	[tilespmem:v23+s6+$0x0] =	vst.idx.add.f32.msk $0xffff, v52  }
0x312: {  	[tilespmem:v44+s6+$0x0] =	vst.idx.add.f32.msk $0xffff, v63  }
0x313: {  	v57 =	vor.u32 $0x3C, v22;
	[tilespmem:v48+s6+$0x0] =	vst.idx.msk $0x3, v46  }
0x314: {  	v23 =	vor.u32 $0x2B, v19;
	[tilespmem:v35+s6+$0x0] =	vst.idx.msk $0xffff, v47  }
0x315: {  	v52 =	vor.u32 $0x2, v62;
	v47 =	vld.idx.msk [tilespmem:v56+s28+$0x0], $0xffff  }
0x316: {  	v56 =	vmov v5;
	v5 =	vld [tilespmem:$0x1FFB0]  }
0x317: {  	v44 =	vadd.s32 v59, v2  }
0x318: {  	v63 =	vor.u32 $0x27, v31;
	v35 =	vld.idx.msk [tilespmem:v51+s3+$0x0], $0xffff;
	[tilespmem:v57+s6+$0x0] =	vst.idx.msk $0xffff, v50  }
0x319: {  	v46 =	vor.u32 $0x28, v31;
	[tilespmem:v23+s6+$0x0] =	vst.idx.msk $0xffff, v54  }
0x31a: {  	v48 =	vor.u32 $0x2B, v53;
	v50 =	vld.idx.msk [tilespmem:v52+s28+$0x0], $0xffff  }
0x31b: {  	vm1 =	veq.s32 v30, $0x0;
	v23 =	vor.u32 $0x3D, v17;
	v51 =	vadd.s32 v5, v4;
	v5 =	vld [tilespmem:$0x1FFC0]  }
0x31c: {  	v41 =	vsel vm1, $0x0, v41;
	v44 =	vld.idx.msk [tilespmem:v44+s3+$0x0], $0xffff  }
0x31d: {  	v0 =	vsel vm1, $0x0, v0;
	v52 =	vor.u32 $0x3, v55;
	[tilespmem:v63+s6+$0x0] =	vst.idx.add.f32.msk $0xffff, v41  }
0x31e: {  	v54 =	vor.u32 $0x3D, v22;
	[tilespmem:v46+s6+$0x0] =	vst.idx.add.f32.msk $0xffff, v0  }
0x31f: {  	[tilespmem:v48+s6+$0x0] =	vst.idx.msk $0x3, v35  }
0x320: {  	v58 =	vld [tilespmem:$0x1FF30];
	v41 =	vor.u32 $0x2C, v19;
	[tilespmem:v23+s6+$0x0] =	vst.idx.msk $0xffff, v47  }
0x321: {  	v55 =	vor.u32 $0x3, v62;
	v23 =	vld.idx.msk [tilespmem:v51+s3+$0x0], $0xffff  }
0x322: {  	v0 =	vadd.s32 v56, v2;
	v47 =	vld.idx.msk [tilespmem:v52+s28+$0x0], $0xffff  }
0x323: {  	v46 =	vor.u32 $0x29, v31;
	[tilespmem:v54+s6+$0x0] =	vst.idx.msk $0xffff, v50;
	v50 =	vadd.s32 v5, v4;
	v5 =	vld [tilespmem:$0x1FE60]  }
0x324: {  	[tilespmem:$0x1FD90] =	vst v11;
	v11 =	vld [tilespmem:$0x1FFD0];
	v57 =	vor.u32 $0x2A, v31  }
0x325: {  	v40 =	vmul.f32 $2.000000030e-01, v40;
	v59 =	vmov v42;
	v42 =	vld [tilespmem:$0x1FF70];
	v63 =	vor.u32 $0x2C, v53;
	[tilespmem:v41+s6+$0x0] =	vst.idx.msk $0xffff, v44  }
0x326: {  	v39 =	vmul.f32 $2.000000030e-01, v39;
	v41 =	vor.u32 $0x3E, v17;
	v44 =	vld.idx.msk [tilespmem:v55+s28+$0x0], $0xffff  }
0x327: {  	v40 =	vsel vm1, $0x0, v40;
	v0 =	vld.idx.msk [tilespmem:v0+s3+$0x0], $0xffff  }
0x328: {  	v39 =	vsel vm1, $0x0, v39;
	v52 =	vor.u32 $0x3E, v22;
	[tilespmem:v46+s6+$0x0] =	vst.idx.add.f32.msk $0xffff, v40;
	v51 =	vadd.s32 v58, v5  }
0x329: {  	v40 =	vor.u32 $0x2D, v19;
	[tilespmem:v57+s6+$0x0] =	vst.idx.add.f32.msk $0xffff, v39  }
0x32a: {  	v60 =	vld [tilespmem:$0x1FF40];
	v62 =	vmov v8;
	v58 =	vadd.s32 v42, v36;
	[tilespmem:v63+s6+$0x0] =	vst.idx.msk $0x3, v23  }
0x32b: {  	v54 =	vmov v27;
	v27 =	vld [tilespmem:$0x1FF50];
	v57 =	vadd.s32 v62, v2;
	[tilespmem:v41+s6+$0x0] =	vst.idx.msk $0xffff, v47  }
0x32c: {  	v32 =	vor.u32 v31, v32;
	v39 =	vld.idx.msk [tilespmem:v50+s3+$0x0], $0xffff  }
0x32d: {  	v30 =	vadd.s32 v31, v30;
	v41 =	vld.idx.msk [tilespmem:v51+s3+$0x0], $0xffff;
	[tilespmem:v52+s6+$0x0] =	vst.idx.msk $0xffff, v44  }
0x32e: {  	v55 =	vld [tilespmem:$0x1FF80];
	v23 =	vadd.s32 $0x5, v30;
	v30 =	vshrl.u32 v45, $0x7;
	[tilespmem:v40+s6+$0x0] =	vst.idx.msk $0xffff, v0  }
0x32f: {  	v30 =	vand.u32 $0x78, v30;
	v44 =	vor.u32 $0x2D, v53;
	v40 =	vld.idx.msk [tilespmem:v58+s3+$0x0], $0xffff  }
0x330: {  	v46 =	vadd.s32 v11, v4;
	v0 =	vor.u32 $0x2B, v17;
	v35 =	vld.idx.msk [tilespmem:v57+s3+$0x0], $0xffff  }
0x331: {  	v47 =	vadd.s32 v60, v5;
	v57 =	vmov v5;
	[tilespmem:v32+s6+$0x0] =	vst.idx.add.f32.msk $0xffff, v43;
	v5 =	vmov v2  }
0x332: {  	v48 =	vor.u32 $0x2B, v22;
	[tilespmem:$0x1FE60] =	vst v5;
	v5 =	vld [tilespmem:$0x1FE20]  }
0x333: {  	v4 =	vmov v36;
	v58 =	vor.u32 $0x2E, v19;
	[tilespmem:v23+s6+$0x0] =	vst.idx.add.f32.msk $0xffff, v43  }
0x334: {  	v36 =	vmin.u32 v1, $0xE;
	v50 =	vadd.s32 v55, v4;
	v19 =	vmov v31;
	v31 =	vld.idx.msk [tilespmem:v30+s29+$0x0], $0xffff;
	[tilespmem:v44+s6+$0x0] =	vst.idx.msk $0x3, v39  }
0x335: {  	v60 =	vmax.u32 v1, $0x1;
	v51 =	vmov v3;
	v3 =	vld [tilespmem:$0x1FD80];
	v23 =	vadd.s32 $0x1, v36;
	[tilespmem:v0+s6+$0x0] =	vst.idx.msk $0xffff, v41  }
0x336: {  	v63 =	vmovc v45;
	v2 =	vsub.s32 v60, v9;
	v11 =	vand.u32 $0x18, v23;
	v23 =	vand.u32 $0x7, v23;
	v0 =	vld.idx.msk [tilespmem:v46+s3+$0x0], $0xffff  }
0x337: {  	v39 =	vld.idx.msk [tilespmem:v47+s3+$0x0], $0xffff;
	[tilespmem:v48+s6+$0x0] =	vst.idx.msk $0xffff, v40;
	v2 =	vor.u32 v5, v2;
	v45 =	vadd.s32 v5, v11  }
0x338: {  	v43 =	vld [tilespmem:$0x1FF90];
	[tilespmem:v58+s6+$0x0] =	vst.idx.msk $0xffff, v35;
	v23 =	vor.u32 v23, v45  }
0x339: {  	v40 =	vor.u32 $0x2E, v53;
	v35 =	vld.idx.msk [tilespmem:v50+s3+$0x0], $0xffff  }
0x33a: {  	v41 =	vld.idx.msk [tilespmem:v1+s30+$0x0], $0xffff  }
0x33b: {  	v47 =	vld.idx.msk [tilespmem:v1+s31+$0x0], $0xffff  }
0x33c: {  	v2 =	vld.idx.msk [tilespmem:v2+s11+$0x0], $0xffff  }
0x33d: {  	v23 =	vld.idx.msk [tilespmem:v23+s11+$0x0], $0xffff  }
0x33e: {  	[tilespmem:v40+s6+$0x0] =	vst.idx.msk $0x3, v0;
	v0 =	vld [tilespmem:$0x1FBD0];
	_ =	sdelay $0x2  }
0x33f: {  	v58 =	vor.u32 $0x2C, v17  }
0x340: {  	v60 =	vor.u32 $0x2C, v22;
	v53 =	vadd.s32 v27, v57  }
0x341: {  	v36 =	vshll.u32 v3, $0x6;
	v45 =	vadd.s32 v43, v4  }
0x342: {  	v29 =	vld [tilespmem:$0x1FF60];
	v3 =	vmov v7;
	v7 =	vadd.s32 v14, v36  }
0x343: {  	v52 =	vld [tilespmem:$0x1FFA0];
	v48 =	vor.u32 $0x25, v7  }
0x344: {  	v40 =	vor.u32 $0x26, v7;
	v0 =	vld.idx.msk [tilespmem:v0+s13+$0x0], $0xffff;
	[tilespmem:v58+s6+$0x0] =	vst.idx.msk $0xffff, v39  }
0x345: {  	v32 =	vor.u32 $0x27, v7;
	v58 =	vmov v33;
	v33 =	vld.idx.msk [tilespmem:v53+s3+$0x0], $0xffff;
	[tilespmem:v60+s6+$0x0] =	vst.idx.msk $0xffff, v35  }
0x346: {  	v53 =	vor.u32 $0x2D, v17;
	v39 =	vld.idx.msk [tilespmem:v45+s3+$0x0], $0xffff  }
0x347: {  	[tilespmem:$0x1FEA0] =	vst v4;
	v46 =	vadd.s32 v29, v57;
	v50 =	vor.u32 $0x2D, v22;
	v44 =	vld.idx.msk [tilespmem:v61+s11+$0x0], $0xffff  }
0x348: {  	vm1 =	veq.s32 v1, $0x0;
	v8 =	vmovc v13;
	v13 =	vmov v25;
	v25 =	vor.u32 $0x2F, v19;
	[tilespmem:v48+s6+$0x0] =	vst.idx.add.f32.msk $0xffff, v47  }
0x349: {  	v36 =	vadd.s32 v52, v4;
	v23 =	vsel vm1, $0x0, v23;
	[tilespmem:v40+s6+$0x0] =	vst.idx.add.f32.msk $0xffff, v41  }
0x34a: {  	v40 =	vor.u32 $0x28, v7;
	[tilespmem:v32+s6+$0x0] =	vst.idx.add.f32.msk $0xffff, v23  }
0x34b: {  	v4 =	vld [tilespmem:$0x1FCF0];
	v23 =	vor.u32 $0x29, v7;
	[tilespmem:v53+s6+$0x0] =	vst.idx.msk $0xffff, v33  }
0x34c: {  	v41 =	vld.idx.msk [tilespmem:v46+s3+$0x0], $0xffff;
	[tilespmem:v50+s6+$0x0] =	vst.idx.msk $0xffff, v39  }
0x34d: {  	v0 =	vmul.f32 $2.000000030e-01, v0;
	[tilespmem:v25+s6+$0x0] =	vst.idx.msk $0xffff, v31  }
0x34e: {  	v11 =	vmov v49;
	v49 =	vmin.u32 v28, $0xE;
	v2 =	vsel vm1, $0x0, v2;
	v31 =	vld.idx.msk [tilespmem:v36+s3+$0x0], $0xffff  }
0x34f: {  	v0 =	vsel vm1, $0x0, v0;
	[tilespmem:v40+s6+$0x0] =	vst.idx.add.f32.msk $0xffff, v2  }
0x350: {  	v32 =	vor.u32 $0x2A, v7;
	v53 =	vor.u32 $0x2E, v17;
	v17 =	vmov v7;
	[tilespmem:v23+s6+$0x0] =	vst.idx.add.f32.msk $0xffff, v0  }
0x351: {  	v60 =	vor.u32 v17, v18;
	v23 =	vadd.s32 $0x1, v49;
	v49 =	vmovc v5;
	v5 =	vmov v4;
	v4 =	vld [tilespmem:$0x1FDD0]  }
0x352: {  	[tilespmem:$0x1FD80] =	vst v3;
	v3 =	vmov v21;
	v25 =	vmul.f32 $2.000000030e-01, v44  }
0x353: {  	[tilespmem:$0x1FE20] =	vst v3;
	v3 =	vld [tilespmem:$0x1FC30];
	v7 =	vor.u32 $0x1, v30  }
0x354: {  	v61 =	vld [tilespmem:$0x1FBE0];
	v25 =	vsel vm1, $0x0, v25  }
0x355: {  	v50 =	vimm.f32 $1.000000000e+00;
	[tilespmem:v32+s6+$0x0] =	vst.idx.add.f32.msk $0xffff, v25  }
0x356: {  	[tilespmem:v60+s6+$0x0] =	vst.idx.add.f32.msk $0xffff, v50;
	v4 =	vmov v4  }
0x357: {  	[tilespmem:$0x1FCF0] =	vst v4;
	v4 =	vld [tilespmem:$0x1FD60]  }
0x358: {  	v7 =	vld.idx.msk [tilespmem:v7+s29+$0x0], $0xffff;
	[tilespmem:v53+s6+$0x0] =	vst.idx.msk $0xffff, v41;
	v53 =	vshll.u32 v3, $0x6;
	v3 =	vmov v26  }
0x359: {  	[tilespmem:$0x1FDD0] =	vst v3;
	v3 =	vld [tilespmem:$0x1FC90];
	_ =	sdelay $0x1  }
0x35a: {  	v22 =	vor.u32 $0x2E, v22;
	v46 =	vmax.u32 v28, $0x1;
	v21 =	vmax.u32 v61, $0x1  }
0x35b: {  	v21 =	vsub.s32 v21, v9;
	v2 =	vadd.s32 $0xFFFFFFFF, v46;
	v9 =	vmov v4;
	v4 =	vld [tilespmem:$0x1FE30]  }
0x35c: {  	v0 =	vand.u32 $0xFFFFFFF8, v2  }
0x35d: {  	v2 =	vand.u32 $0x7, v2;
	v0 =	vadd.s32 v24, v0  }
0x35e: {  	v25 =	vand.u32 $0x18, v23;
	v0 =	vor.u32 v2, v0  }
0x35f: {  	v36 =	vmov v20;
	v2 =	vand.u32 $0x7, v23;
	v23 =	vadd.s32 v24, v25;
	v25 =	vld.idx.msk [tilespmem:v61+s30+$0x0], $0xffff;
	[tilespmem:v22+s6+$0x0] =	vst.idx.msk $0xffff, v31  }
0x360: {  	v35 =	vor.u32 v36, v21;
	v40 =	vld.idx.msk [tilespmem:v3+s13+$0x0], $0xffff;
	v4 =	vmov v4  }
0x361: {  	v3 =	vmov v38;
	[tilespmem:$0x1FD60] =	vst v4;
	v4 =	vld [tilespmem:$0x1FD50]  }
0x362: {  	v2 =	vor.u32 v2, v23;
	v23 =	vmin.u32 v61, $0xE;
	[tilespmem:$0x1FE30] =	vst v3;
	v3 =	vld [tilespmem:$0x1FC80]  }
0x363: {  	v22 =	vadd.s32 $0x1, v23;
	v23 =	vld.idx.msk [tilespmem:v28+s30+$0x0], $0xffff  }
0x364: {  	v33 =	vld.idx.msk [tilespmem:v28+s31+$0x0], $0xffff  }
0x365: {  	v26 =	vld.idx.msk [tilespmem:v35+s11+$0x0], $0xffff  }
0x366: {  	[tilespmem:$0x1FC30] =	vst v5;
	v31 =	vand.u32 $0x18, v22;
	v5 =	vmov v4;
	v4 =	vld [tilespmem:$0x1FE10]  }
0x367: {  	v21 =	vand.u32 $0x7, v22;
	v22 =	vadd.s32 v36, v31;
	v0 =	vld.idx.msk [tilespmem:v0+s11+$0x0], $0xffff  }
0x368: {  	v53 =	vadd.s32 v14, v53;
	v22 =	vor.u32 v21, v22;
	v21 =	vld.idx.msk [tilespmem:v61+s31+$0x0], $0xffff  }
0x369: {  	v31 =	vor.u32 $0x25, v53;
	v2 =	vld.idx.msk [tilespmem:v2+s11+$0x0], $0xffff  }
0x36a: {  	v41 =	vor.u32 $0x26, v53;
	v38 =	vld.idx.msk [tilespmem:v3+s11+$0x0], $0xffff;
	v3 =	vmov v37  }
0x36b: {  	v60 =	vor.u32 $0x27, v53;
	[tilespmem:$0x1FE10] =	vst v3;
	v3 =	vld [tilespmem:$0x1FC70];
	v4 =	vmov v4  }
0x36c: {  	[tilespmem:$0x1FD50] =	vst v4;
	v4 =	vld [tilespmem:$0x1FBF0]  }
0x36d: {  	v32 =	vld.idx.msk [tilespmem:v22+s11+$0x0], $0xffff  }
0x36e: {  	vm1 =	veq.s32 v28, $0x0;
	[tilespmem:v31+s6+$0x0] =	vst.idx.add.f32.msk $0x3, v33  }
0x36f: {  	v2 =	vsel vm1, $0x0, v2;
	[tilespmem:v41+s6+$0x0] =	vst.idx.add.f32.msk $0x3, v23  }
0x370: {  	[tilespmem:v60+s6+$0x0] =	vst.idx.add.f32.msk $0x3, v2  }
0x371: {  	v2 =	vld [tilespmem:$0x1FDF0];
	v31 =	vor.u32 v53, v3;
	v3 =	vmov v4  }
0x372: {  	p2 =	sne.s32 s21, $0x7;
	[tilespmem:$0x1FC70] =	vst v3;
	v3 =	vld [tilespmem:$0x1FD30]  }
.Ltmp1:
0x373: {  	_ = 	snop;
	(pc) =	sbr.rel @p2 .LBB2_5-.Ltmp1, $4  }
0x374: {  	v48 =	vimm.f32 $0.0e+00;
	v47 =	vlaneseq.u32;
	[tilespmem:$0x1FC90] =	vst v9  }
0x375: {  	v39 =	vshrl.u32 v8, $0x7;
	v20 =	vmul.f32 $2.000000030e-01, v40;
	v40 =	vsel vm1, $0x0, v0;
	v0 =	vmovc v34;
	[tilespmem:$0x1FC80] =	vst v5  }
0x376: {  	v35 =	vor.u32 $0x29, v53;
	v22 =	vor.u32 $0x2A, v53;
	v23 =	vadd.s32 v53, v28;
	[tilespmem:$0x1FDF0] =	vst v0;
	v2 =	vmovc v2  }
0x377: {  	s21 =	sadd.s32 $0x1, s21;
	v18 =	vmovc v10;
	v37 =	vor.u32 $0x28, v53;
	v33 =	vadd.s32 $0x5, v23;
	v38 =	vmul.f32 $2.000000030e-01, v38;
	[tilespmem:$0x1FD30] =	vst v2;
	v28 =	vmovc v3  }
0x378: {  	_ =	sdelay $0x3  }
0x379: {  	[tilespmem:v37+s6+$0x0] =	vst.idx.add.f32.msk $0x3, v40;
	v0 =	vsel vm1, $0x0, v20  }
0x37a: {  	[tilespmem:v35+s6+$0x0] =	vst.idx.add.f32.msk $0x3, v0  }
0x37b: {  	v41 =	vsel vm1, $0x0, v38;
	v2 =	vld [tilespmem:$0x1FC00]  }
0x37c: {  	[tilespmem:v22+s6+$0x0] =	vst.idx.add.f32.msk $0x3, v41  }
0x37d: {  	v37 =	vld [tilespmem:$0x1FED0]  }
0x37e: {  	[tilespmem:v31+s6+$0x0] =	vst.idx.add.f32.msk $0x3, v50  }
0x37f: {  	v46 =	vand.u32 $0x78, v39;
	[tilespmem:v33+s6+$0x0] =	vst.idx.add.f32.msk $0x3, v50  }
0x380: {  	v3 =	vld [tilespmem:$0x1FC50];
	_ =	sdelay $0x1  }
0x381: {  	v9 =	vld [tilespmem:$0x1FC40]  }
0x382: {  	v14 =	vor.u32 $0x30, v19  }
0x383: {  	v23 =	vor.u32 $0x2F, v53;
	v41 =	vor.u32 $0x2, v30;
	v22 =	vld.idx.msk [tilespmem:v46+s29+$0x0], $0xffff;
	v2 =	vshll.u32 v2, $0x6  }
0x384: {  	v20 =	vadd.s32 v37, v2  }
0x385: {  	v44 =	vor.u32 $0x25, v20  }
0x386: {  	v2 =	vor.u32 $0x26, v20  }
0x387: {  	[tilespmem:v14+s6+$0x0] =	vst.idx.msk $0xffff, v7;
	v60 =	vor.u32 $0x27, v20;
	v45 =	vld.idx.msk [tilespmem:v3+s13+$0x0], $0xffff  }
0x388: {  	v38 =	vor.u32 $0x1, v46;
	[tilespmem:v23+s6+$0x0] =	vst.idx.msk $0x3, v22;
	v23 =	vld.idx.msk [tilespmem:v41+s29+$0x0], $0xffff  }
0x389: {  	v10 =	vor.u32 $0x28, v20;
	v34 =	vld.idx.msk [tilespmem:v9+s11+$0x0], $0xffff  }
0x38a: {  	vm1 =	veq.s32 v61, $0x0;
	v39 =	vor.u32 $0x29, v20;
	[tilespmem:v44+s6+$0x0] =	vst.idx.add.f32.msk $0xffff, v21  }
0x38b: {  	v40 =	vsel vm1, $0x0, v32;
	[tilespmem:v2+s6+$0x0] =	vst.idx.add.f32.msk $0xffff, v25  }
0x38c: {  	v1 =	vadd.s32 v17, v1;
	[tilespmem:v60+s6+$0x0] =	vst.idx.add.f32.msk $0xffff, v40;
	v60 =	vor.u32 $0x2A, v20;
	v44 =	vmul.f32 $2.000000030e-01, v45  }
0x38d: {  	v1 =	vadd.s32 $0x5, v1;
	v14 =	vld.idx.msk [tilespmem:v38+s29+$0x0], $0xffff;
	v45 =	vsel vm1, $0x0, v26  }
0x38e: {  	v32 =	vmul.f32 $2.000000030e-01, v34;
	[tilespmem:v10+s6+$0x0] =	vst.idx.add.f32.msk $0xffff, v45;
	v33 =	vsel vm1, $0x0, v44  }
0x38f: {  	[tilespmem:v39+s6+$0x0] =	vst.idx.add.f32.msk $0xffff, v33;
	v39 =	vor.u32 $0x31, v19  }
0x390: {  	v40 =	vor.u32 $0x3, v30;
	v34 =	vor.u32 $0x30, v53;
	v7 =	vsel vm1, $0x0, v32;
	v9 =	vld [tilespmem:$0x1FCA0]  }
0x391: {  	[tilespmem:v60+s6+$0x0] =	vst.idx.add.f32.msk $0xffff, v7  }
0x392: {  	[tilespmem:v1+s6+$0x0] =	vst.idx.add.f32.msk $0xffff, v50  }
0x393: {  	v1 =	vld [tilespmem:$0x1FC20]  }
0x394: {  	v4 =	vld [tilespmem:$0x1FC10];
	[tilespmem:v39+s6+$0x0] =	vst.idx.msk $0xffff, v23  }
0x395: {  	v10 =	vor.u32 $0x32, v19;
	[tilespmem:v34+s6+$0x0] =	vst.idx.msk $0x3, v14;
	v14 =	vshll.u32 v63, $0x3;
	v25 =	vld.idx.msk [tilespmem:v40+s29+$0x0], $0xffff  }
0x396: {  	v24 =	vand.u32 $0x78, v14  }
0x397: {  	v38 =	vor.u32 $0x2, v46;
	_ =	sdelay $0x2  }
0x398: {  	[tilespmem:v10+s6+$0x0] =	vst.idx.msk $0xffff, v25  }
0x399: {  	v31 =	vor.u32 $0x33, v19;
	v30 =	vld.idx.msk [tilespmem:v24+s24+$0x0], $0xffff  }
0x39a: {  	v60 =	vor.u32 $0x31, v53;
	v0 =	vld.idx.msk [tilespmem:v38+s29+$0x0], $0xffff;
	v32 =	vor.u32 $0x1, v24;
	_ =	sdelay $0x3  }
0x39b: {  	[tilespmem:v31+s6+$0x0] =	vst.idx.msk $0xffff, v30  }
0x39c: {  	v33 =	vor.u32 $0x34, v19;
	[tilespmem:v60+s6+$0x0] =	vst.idx.msk $0x3, v0;
	v0 =	vld.idx.msk [tilespmem:v32+s24+$0x0], $0xffff  }
0x39d: {  	v34 =	vor.u32 $0x2, v24  }
0x39e: {  	v1 =	vor.u32 v20, v1;
	_ =	sdelay $0x2  }
0x39f: {  	v35 =	vshrl.u32 v9, $0x7;
	[tilespmem:v33+s6+$0x0] =	vst.idx.msk $0xffff, v0  }
0x3a0: {  	v2 =	vand.u32 $0x78, v35;
	v35 =	vor.u32 $0x35, v19;
	v0 =	vld.idx.msk [tilespmem:v34+s24+$0x0], $0xffff  }
0x3a1: {  	[tilespmem:v1+s6+$0x0] =	vst.idx.add.f32.msk $0xffff, v50;
	v1 =	vor.u32 $0x3, v24;
	_ =	sdelay $0x3  }
0x3a2: {  	[tilespmem:v35+s6+$0x0] =	vst.idx.msk $0xffff, v0  }
0x3a3: {  	v38 =	vor.u32 $0x36, v19;
	v39 =	vshrl.u32 v63, $0x1;
	v0 =	vld.idx.msk [tilespmem:v1+s24+$0x0], $0xffff  }
0x3a4: {  	v22 =	vand.u32 $0x38, v39;
	_ =	sdelay $0x2  }
0x3a5: {  	v41 =	vadd.s32 v20, v61  }
0x3a6: {  	v44 =	vadd.s32 $0x5, v41;
	[tilespmem:v38+s6+$0x0] =	vst.idx.msk $0xffff, v0  }
0x3a7: {  	v40 =	vor.u32 $0x37, v19;
	v0 =	vld.idx.msk [tilespmem:v22+s26+$0x0], $0xffff  }
0x3a8: {  	v41 =	vor.u32 $0x1, v22;
	_ =	sdelay $0x2  }
0x3a9: {  	[tilespmem:v44+s6+$0x0] =	vst.idx.add.f32.msk $0xffff, v50  }
0x3aa: {  	[tilespmem:v40+s6+$0x0] =	vst.idx.msk $0xffff, v0  }
0x3ab: {  	v45 =	vshrl.u32 v4, $0x7;
	v44 =	vor.u32 $0x38, v19;
	v0 =	vld.idx.msk [tilespmem:v41+s26+$0x0], $0xffff  }
0x3ac: {  	v7 =	vand.u32 $0x78, v45;
	v45 =	vor.u32 $0x2, v22;
	_ =	sdelay $0x3  }
0x3ad: {  	[tilespmem:v44+s6+$0x0] =	vst.idx.msk $0xffff, v0  }
0x3ae: {  	v60 =	vor.u32 $0x39, v19;
	v0 =	vld.idx.msk [tilespmem:v45+s26+$0x0], $0xffff  }
0x3af: {  	v5 =	vor.u32 $0x2F, v17;
	v61 =	vld.idx.msk [tilespmem:v2+s29+$0x0], $0xffff;
	v22 =	vor.u32 $0x3, v22;
	_ =	sdelay $0x3  }
0x3b0: {  	[tilespmem:v60+s6+$0x0] =	vst.idx.msk $0xffff, v0  }
0x3b1: {  	v10 =	vshrl.u32 v63, $0x4;
	[tilespmem:v5+s6+$0x0] =	vst.idx.msk $0xffff, v61;
	v61 =	vor.u32 $0x3A, v19;
	v0 =	vld.idx.msk [tilespmem:v22+s26+$0x0], $0xffff  }
0x3b2: {  	v10 =	vand.u32 $0x38, v10;
	_ =	sdelay $0x3  }
0x3b3: {  	[tilespmem:v61+s6+$0x0] =	vst.idx.msk $0xffff, v0  }
0x3b4: {  	v63 =	vor.u32 $0x3B, v19;
	v0 =	vld.idx.msk [tilespmem:v10+s28+$0x0], $0xffff  }
0x3b5: {  	v3 =	vor.u32 $0x1, v10;
	_ =	sdelay $0x3  }
0x3b6: {  	[tilespmem:v63+s6+$0x0] =	vst.idx.msk $0xffff, v0  }
0x3b7: {  	v5 =	vor.u32 $0x3C, v19;
	v0 =	vld.idx.msk [tilespmem:v3+s28+$0x0], $0xffff  }
0x3b8: {  	v14 =	vor.u32 $0x2, v10;
	_ =	sdelay $0x3  }
0x3b9: {  	[tilespmem:v5+s6+$0x0] =	vst.idx.msk $0xffff, v0  }
0x3ba: {  	v23 =	vor.u32 $0x3D, v19;
	v0 =	vld.idx.msk [tilespmem:v14+s28+$0x0], $0xffff  }
0x3bb: {  	v10 =	vor.u32 $0x3, v10;
	_ =	sdelay $0x3  }
0x3bc: {  	v24 =	vld [tilespmem:$0x1FD70];
	[tilespmem:v23+s6+$0x0] =	vst.idx.msk $0xffff, v0  }
0x3bd: {  	v0 =	vld.idx.msk [tilespmem:v10+s28+$0x0], $0xffff  }
0x3be: {  	v1 =	vld [tilespmem:$0x1FE50]  }
0x3bf: {  	v25 =	vor.u32 $0x3E, v19;
	v38 =	vld [tilespmem:$0x1FFF0];
	_ =	sdelay $0x1  }
0x3c0: {  	v5 =	vmul.u32 $0xC8, v24;
	_ =	sdelay $0x1  }
0x3c1: {  	v1 =	vadd.s32 v1, v5  }
0x3c2: {  	[tilespmem:v25+s6+$0x0] =	vst.idx.msk $0xffff, v0;
	v5 =	vadd.s32 v38, v1  }
0x3c3: {  	v31 =	vld [tilespmem:$0x1FF20];
	_ =	sdelay $0x3  }
0x3c4: {  	v26 =	vor.u32 $0x1, v2;
	v30 =	vor.u32 $0x2B, v19;
	v5 =	vld.idx.msk [tilespmem:v5+s3+$0x0], $0xffff  }
0x3c5: {  	v32 =	vadd.s32 v31, v1;
	_ =	sdelay $0x3  }
0x3c6: {  	v33 =	vor.u32 $0x30, v17;
	v0 =	vld.idx.msk [tilespmem:v26+s29+$0x0], $0xffff;
	[tilespmem:v30+s6+$0x0] =	vst.idx.msk $0xffff, v5  }
0x3c7: {  	v34 =	vor.u32 $0x2, v2;
	v35 =	vor.u32 $0x2C, v19;
	v10 =	vld.idx.msk [tilespmem:v32+s3+$0x0], $0xffff  }
0x3c8: {  	v39 =	vadd.s32 v56, v1;
	_ =	sdelay $0x2  }
0x3c9: {  	[tilespmem:v33+s6+$0x0] =	vst.idx.msk $0xffff, v0  }
0x3ca: {  	v40 =	vor.u32 $0x31, v17;
	v0 =	vld.idx.msk [tilespmem:v34+s29+$0x0], $0xffff;
	[tilespmem:v35+s6+$0x0] =	vst.idx.msk $0xffff, v10  }
0x3cb: {  	v2 =	vor.u32 $0x3, v2;
	v41 =	vor.u32 $0x2D, v19;
	v10 =	vld.idx.msk [tilespmem:v39+s3+$0x0], $0xffff  }
0x3cc: {  	v44 =	vadd.s32 v62, v1;
	_ =	sdelay $0x2  }
0x3cd: {  	v21 =	vld.idx.msk [tilespmem:v7+s29+$0x0], $0xffff;
	[tilespmem:v40+s6+$0x0] =	vst.idx.msk $0xffff, v0  }
0x3ce: {  	v45 =	vor.u32 $0x32, v17;
	v0 =	vld.idx.msk [tilespmem:v2+s29+$0x0], $0xffff;
	[tilespmem:v41+s6+$0x0] =	vst.idx.msk $0xffff, v10  }
0x3cf: {  	v19 =	vor.u32 $0x2E, v19;
	v61 =	vld.idx.msk [tilespmem:v44+s3+$0x0], $0xffff;
	_ =	sdelay $0x2  }
0x3d0: {  	v34 =	vld [tilespmem:$0x1FE20]  }
0x3d1: {  	v60 =	vshll.u32 v9, $0x3;
	[tilespmem:v45+s6+$0x0] =	vst.idx.msk $0xffff, v0  }
0x3d2: {  	v63 =	vmin.u32 v18, $0xE;
	v10 =	vand.u32 $0x78, v60;
	[tilespmem:v19+s6+$0x0] =	vst.idx.msk $0xffff, v61  }
0x3d3: {  	v22 =	vadd.s32 $0x1, v63;
	v40 =	vld [tilespmem:$0x1FD80]  }
0x3d4: {  	v3 =	vmax.u32 v18, $0x1;
	v14 =	vand.u32 $0x18, v22  }
0x3d5: {  	v22 =	vand.u32 $0x7, v22;
	v24 =	vimm.s32 $0x1;
	v25 =	vadd.s32 v34, v14  }
0x3d6: {  	v23 =	vsub.s32 v3, v24;
	v26 =	vor.u32 v22, v25  }
0x3d7: {  	v2 =	vld.idx.msk [tilespmem:v10+s24+$0x0], $0xffff;
	v23 =	vor.u32 v34, v23  }
0x3d8: {  	v19 =	vld.idx.msk [tilespmem:v18+s30+$0x0], $0xffff;
	v41 =	vshll.u32 v40, $0x6  }
0x3d9: {  	v44 =	vor.u32 $0x33, v17;
	v39 =	vld.idx.msk [tilespmem:v18+s31+$0x0], $0xffff;
	v5 =	vadd.s32 v37, v41  }
0x3da: {  	v14 =	vld.idx.msk [tilespmem:v58+s13+$0x0], $0xffff;
	v45 =	vor.u32 $0x25, v5  }
0x3db: {  	v0 =	vld.idx.msk [tilespmem:v26+s11+$0x0], $0xffff;
	v58 =	vor.u32 $0x26, v5  }
0x3dc: {  	v23 =	vld.idx.msk [tilespmem:v23+s11+$0x0], $0xffff;
	v60 =	vor.u32 $0x27, v5  }
0x3dd: {  	v61 =	vor.u32 $0x28, v5  }
0x3de: {  	v13 =	vld.idx.msk [tilespmem:v13+s11+$0x0], $0xffff;
	[tilespmem:v44+s6+$0x0] =	vst.idx.msk $0xffff, v2  }
0x3df: {  	vm1 =	veq.s32 v18, $0x0;
	[tilespmem:v45+s6+$0x0] =	vst.idx.add.f32.msk $0xffff, v39  }
0x3e0: {  	v0 =	vsel vm1, $0x0, v0;
	[tilespmem:v58+s6+$0x0] =	vst.idx.add.f32.msk $0xffff, v19  }
0x3e1: {  	v26 =	vsel vm1, $0x0, v23;
	[tilespmem:v60+s6+$0x0] =	vst.idx.add.f32.msk $0xffff, v0  }
0x3e2: {  	[tilespmem:v61+s6+$0x0] =	vst.idx.add.f32.msk $0xffff, v26  }
0x3e3: {  	v3 =	vld [tilespmem:$0x1FD90]  }
0x3e4: {  	v22 =	vor.u32 $0x1, v10  }
0x3e5: {  	v63 =	vor.u32 $0x29, v5  }
0x3e6: {  	v19 =	vor.u32 $0x2A, v5  }
0x3e7: {  	v14 =	vmul.f32 $2.000000030e-01, v14;
	v11 =	vor.u32 v5, v11;
	v18 =	vadd.s32 v5, v18  }
0x3e8: {  	v25 =	vmul.f32 $2.000000030e-01, v13;
	v31 =	vadd.s32 $0x5, v18;
	v18 =	vshrl.u32 v3, $0x7  }
0x3e9: {  	v32 =	vmov v8;
	v8 =	vld.idx.msk [tilespmem:v22+s24+$0x0], $0xffff;
	v30 =	vsel vm1, $0x0, v14;
	v33 =	vand.u32 $0x78, v18  }
0x3ea: {  	v0 =	vsel vm1, $0x0, v25;
	[tilespmem:v63+s6+$0x0] =	vst.idx.add.f32.msk $0xffff, v30  }
0x3eb: {  	[tilespmem:v19+s6+$0x0] =	vst.idx.add.f32.msk $0xffff, v0  }
0x3ec: {  	[tilespmem:v11+s6+$0x0] =	vst.idx.add.f32.msk $0xffff, v50  }
0x3ed: {  	v35 =	vor.u32 $0x34, v17;
	[tilespmem:v31+s6+$0x0] =	vst.idx.add.f32.msk $0xffff, v50  }
0x3ee: {  	v40 =	vor.u32 $0x2F, v5;
	v39 =	vor.u32 $0x2, v10;
	v13 =	vld.idx.msk [tilespmem:v33+s29+$0x0], $0xffff  }
0x3ef: {  	v18 =	vor.u32 $0x1, v33;
	_ =	sdelay $0x2  }
0x3f0: {  	[tilespmem:v35+s6+$0x0] =	vst.idx.msk $0xffff, v8  }
0x3f1: {  	v41 =	vor.u32 $0x35, v17;
	v0 =	vld.idx.msk [tilespmem:v39+s24+$0x0], $0xffff;
	[tilespmem:v40+s6+$0x0] =	vst.idx.msk $0xffff, v13  }
0x3f2: {  	v10 =	vor.u32 $0x3, v10;
	v45 =	vor.u32 $0x30, v5;
	v44 =	vld.idx.msk [tilespmem:v18+s29+$0x0], $0xffff  }
0x3f3: {  	v58 =	vor.u32 $0x2, v33;
	_ =	sdelay $0x2  }
0x3f4: {  	[tilespmem:v41+s6+$0x0] =	vst.idx.msk $0xffff, v0  }
0x3f5: {  	v60 =	vor.u32 $0x36, v17;
	v61 =	vshrl.u32 v9, $0x1;
	v0 =	vld.idx.msk [tilespmem:v10+s24+$0x0], $0xffff;
	[tilespmem:v45+s6+$0x0] =	vst.idx.msk $0xffff, v44  }
0x3f6: {  	v63 =	vor.u32 $0x31, v5;
	v10 =	vand.u32 $0x38, v61;
	v11 =	vld.idx.msk [tilespmem:v58+s29+$0x0], $0xffff  }
0x3f7: {  	v2 =	vor.u32 $0x3, v33;
	_ =	sdelay $0x2  }
0x3f8: {  	[tilespmem:v60+s6+$0x0] =	vst.idx.msk $0xffff, v0  }
0x3f9: {  	v22 =	vor.u32 $0x37, v17;
	v0 =	vld.idx.msk [tilespmem:v10+s26+$0x0], $0xffff;
	[tilespmem:v63+s6+$0x0] =	vst.idx.msk $0xffff, v11  }
0x3fa: {  	v25 =	vor.u32 $0x32, v5;
	v26 =	vshll.u32 v3, $0x3;
	v23 =	vor.u32 $0x1, v10;
	v2 =	vld.idx.msk [tilespmem:v2+s29+$0x0], $0xffff  }
0x3fb: {  	v14 =	vand.u32 $0x78, v26;
	_ =	sdelay $0x2  }
0x3fc: {  	[tilespmem:v22+s6+$0x0] =	vst.idx.msk $0xffff, v0  }
0x3fd: {  	v30 =	vor.u32 $0x38, v17;
	v0 =	vld.idx.msk [tilespmem:v23+s26+$0x0], $0xffff;
	[tilespmem:v25+s6+$0x0] =	vst.idx.msk $0xffff, v2  }
0x3fe: {  	v35 =	vor.u32 $0x33, v5;
	v31 =	vor.u32 $0x2, v10;
	v33 =	vld.idx.msk [tilespmem:v14+s24+$0x0], $0xffff  }
0x3ff: {  	v18 =	vor.u32 $0x1, v14;
	_ =	sdelay $0x2  }
0x400: {  	[tilespmem:v30+s6+$0x0] =	vst.idx.msk $0xffff, v0  }
0x401: {  	v39 =	vor.u32 $0x39, v17;
	v0 =	vld.idx.msk [tilespmem:v31+s26+$0x0], $0xffff;
	[tilespmem:v35+s6+$0x0] =	vst.idx.msk $0xffff, v33  }
0x402: {  	v40 =	vor.u32 $0x3, v10;
	v44 =	vor.u32 $0x34, v5;
	v41 =	vld.idx.msk [tilespmem:v18+s24+$0x0], $0xffff  }
0x403: {  	v45 =	vor.u32 $0x2, v14;
	_ =	sdelay $0x2  }
0x404: {  	[tilespmem:v39+s6+$0x0] =	vst.idx.msk $0xffff, v0  }
0x405: {  	v60 =	vshrl.u32 v9, $0x4;
	v58 =	vor.u32 $0x3A, v17;
	v0 =	vld.idx.msk [tilespmem:v40+s26+$0x0], $0xffff;
	[tilespmem:v44+s6+$0x0] =	vst.idx.msk $0xffff, v41  }
0x406: {  	v61 =	vor.u32 $0x35, v5;
	v8 =	vand.u32 $0x38, v60;
	v10 =	vld.idx.msk [tilespmem:v45+s24+$0x0], $0xffff  }
0x407: {  	v63 =	vor.u32 $0x3, v14;
	_ =	sdelay $0x2  }
0x408: {  	[tilespmem:v58+s6+$0x0] =	vst.idx.msk $0xffff, v0  }
0x409: {  	v22 =	vor.u32 $0x3B, v17;
	v0 =	vld.idx.msk [tilespmem:v8+s28+$0x0], $0xffff;
	[tilespmem:v61+s6+$0x0] =	vst.idx.msk $0xffff, v10  }
0x40a: {  	v26 =	vshrl.u32 v3, $0x1;
	v23 =	vor.u32 $0x1, v8;
	v25 =	vor.u32 $0x36, v5;
	v11 =	vld.idx.msk [tilespmem:v63+s24+$0x0], $0xffff  }
0x40b: {  	v14 =	vand.u32 $0x38, v26;
	_ =	sdelay $0x2  }
0x40c: {  	[tilespmem:v22+s6+$0x0] =	vst.idx.msk $0xffff, v0  }
0x40d: {  	v30 =	vor.u32 $0x3C, v17;
	v0 =	vld.idx.msk [tilespmem:v23+s28+$0x0], $0xffff;
	[tilespmem:v25+s6+$0x0] =	vst.idx.msk $0xffff, v11  }
0x40e: {  	v31 =	vor.u32 $0x2, v8;
	v33 =	vor.u32 $0x37, v5;
	v11 =	vld.idx.msk [tilespmem:v14+s26+$0x0], $0xffff  }
0x40f: {  	v18 =	vor.u32 $0x1, v14;
	_ =	sdelay $0x2  }
0x410: {  	[tilespmem:v30+s6+$0x0] =	vst.idx.msk $0xffff, v0  }
0x411: {  	v35 =	vor.u32 $0x3D, v17;
	v0 =	vld.idx.msk [tilespmem:v31+s28+$0x0], $0xffff;
	[tilespmem:v33+s6+$0x0] =	vst.idx.msk $0xffff, v11  }
0x412: {  	v40 =	vor.u32 $0x38, v5;
	v8 =	vor.u32 $0x3, v8;
	v39 =	vld.idx.msk [tilespmem:v18+s26+$0x0], $0xffff;
	_ =	sdelay $0x2  }
0x413: {  	v41 =	vor.u32 $0x2, v14  }
0x414: {  	[tilespmem:v35+s6+$0x0] =	vst.idx.msk $0xffff, v0  }
0x415: {  	v0 =	vld.idx.msk [tilespmem:v8+s28+$0x0], $0xffff;
	[tilespmem:v40+s6+$0x0] =	vst.idx.msk $0xffff, v39  }
0x416: {  	v25 =	vld [tilespmem:$0x1FE60]  }
0x417: {  	v44 =	vor.u32 $0x3E, v17;
	v22 =	vld [tilespmem:$0x1FF30]  }
0x418: {  	v58 =	vor.u32 $0x39, v5;
	v10 =	vld.idx.msk [tilespmem:v41+s26+$0x0], $0xffff;
	_ =	sdelay $0x2  }
0x419: {  	v60 =	vor.u32 $0x3, v14  }
0x41a: {  	[tilespmem:v44+s6+$0x0] =	vst.idx.msk $0xffff, v0  }
0x41b: {  	v45 =	vadd.s32 v22, v25;
	[tilespmem:v58+s6+$0x0] =	vst.idx.msk $0xffff, v10  }
0x41c: {  	v30 =	vld [tilespmem:$0x1FF40];
	_ =	sdelay $0x1  }
0x41d: {  	v3 =	vshrl.u32 v3, $0x4;
	v23 =	vor.u32 $0x3A, v5;
	v10 =	vld.idx.msk [tilespmem:v60+s26+$0x0], $0xffff  }
0x41e: {  	v3 =	vand.u32 $0x38, v3  }
0x41f: {  	v61 =	vor.u32 $0x2B, v17;
	v0 =	vld.idx.msk [tilespmem:v45+s3+$0x0], $0xffff  }
0x420: {  	v63 =	vadd.s32 v30, v25;
	_ =	sdelay $0x1  }
0x421: {  	[tilespmem:v23+s6+$0x0] =	vst.idx.msk $0xffff, v10  }
0x422: {  	v39 =	vor.u32 $0x3B, v5;
	v11 =	vld.idx.msk [tilespmem:v3+s28+$0x0], $0xffff  }
0x423: {  	v26 =	vor.u32 $0x2F, v20;
	v18 =	vor.u32 $0x1, v3;
	[tilespmem:v61+s6+$0x0] =	vst.idx.msk $0xffff, v0  }
0x424: {  	v31 =	vor.u32 $0x1, v7;
	v33 =	vor.u32 $0x2C, v17;
	v2 =	vld.idx.msk [tilespmem:v63+s3+$0x0], $0xffff  }
0x425: {  	v35 =	vadd.s32 v27, v25;
	_ =	sdelay $0x1  }
0x426: {  	[tilespmem:v39+s6+$0x0] =	vst.idx.msk $0xffff, v11  }
0x427: {  	[tilespmem:v26+s6+$0x0] =	vst.idx.msk $0xffff, v21;
	v14 =	vld.idx.msk [tilespmem:v18+s28+$0x0], $0xffff;
	v18 =	vor.u32 $0x3C, v5  }
0x428: {  	v19 =	vor.u32 $0x2, v3;
	v40 =	vor.u32 $0x30, v20;
	v0 =	vld.idx.msk [tilespmem:v31+s29+$0x0], $0xffff;
	[tilespmem:v33+s6+$0x0] =	vst.idx.msk $0xffff, v2  }
0x429: {  	v41 =	vor.u32 $0x2, v7;
	v44 =	vor.u32 $0x2D, v17;
	v8 =	vld.idx.msk [tilespmem:v35+s3+$0x0], $0xffff  }
0x42a: {  	v45 =	vadd.s32 v29, v25;
	_ =	sdelay $0x1  }
0x42b: {  	[tilespmem:v18+s6+$0x0] =	vst.idx.msk $0xffff, v14  }
0x42c: {  	v21 =	vor.u32 $0x3D, v5;
	[tilespmem:v40+s6+$0x0] =	vst.idx.msk $0xffff, v0;
	v63 =	vld.idx.msk [tilespmem:v19+s28+$0x0], $0xffff  }
0x42d: {  	v3 =	vor.u32 $0x3, v3;
	v0 =	vld.idx.msk [tilespmem:v41+s29+$0x0], $0xffff;
	[tilespmem:v44+s6+$0x0] =	vst.idx.msk $0xffff, v8  }
0x42e: {  	v58 =	vor.u32 $0x31, v20;
	v10 =	vld.idx.msk [tilespmem:v45+s3+$0x0], $0xffff  }
0x42f: {  	v60 =	vor.u32 $0x2E, v17;
	v26 =	vld [tilespmem:$0x1FCD0];
	_ =	sdelay $0x1  }
0x430: {  	[tilespmem:v21+s6+$0x0] =	vst.idx.msk $0xffff, v63  }
0x431: {  	v41 =	vor.u32 $0x3E, v5;
	v40 =	vld.idx.msk [tilespmem:v3+s28+$0x0], $0xffff  }
0x432: {  	[tilespmem:v58+s6+$0x0] =	vst.idx.msk $0xffff, v0  }
0x433: {  	v7 =	vor.u32 $0x3, v7;
	v61 =	vmin.u32 v26, $0xE;
	[tilespmem:v60+s6+$0x0] =	vst.idx.msk $0xffff, v10  }
0x434: {  	v11 =	vadd.s32 $0x1, v61;
	v35 =	vld [tilespmem:$0x1FCB0]  }
0x435: {  	v45 =	vadd.s32 v22, v1;
	v18 =	vand.u32 $0x18, v11  }
0x436: {  	v17 =	vmax.u32 v26, $0x1;
	v58 =	vld [tilespmem:$0x1FD10];
	v31 =	vand.u32 $0x7, v11;
	[tilespmem:v41+s6+$0x0] =	vst.idx.msk $0xffff, v40;
	v33 =	vadd.s32 v49, v18  }
0x437: {  	v17 =	vsub.s32 v17, v24;
	v2 =	vor.u32 v31, v33;
	v31 =	vld [tilespmem:$0x1FD00]  }
0x438: {  	v7 =	vld.idx.msk [tilespmem:v7+s29+$0x0], $0xffff;
	v23 =	vor.u32 v49, v17  }
0x439: {  	v8 =	vld.idx.msk [tilespmem:v26+s30+$0x0], $0xffff;
	v39 =	vshll.u32 v35, $0x6  }
0x43a: {  	v44 =	vor.u32 $0x32, v20;
	v17 =	vld.idx.msk [tilespmem:v26+s31+$0x0], $0xffff;
	v3 =	vadd.s32 v37, v39  }
0x43b: {  	v10 =	vld.idx.msk [tilespmem:v45+s3+$0x0], $0xffff;
	v18 =	vor.u32 $0x25, v3  }
0x43c: {  	v19 =	vor.u32 $0x26, v3;
	v2 =	vld.idx.msk [tilespmem:v2+s11+$0x0], $0xffff  }
0x43d: {  	v0 =	vld.idx.msk [tilespmem:v23+s11+$0x0], $0xffff;
	v61 =	vor.u32 $0x27, v3  }
0x43e: {  	v60 =	vld.idx.msk [tilespmem:v58+s13+$0x0], $0xffff  }
0x43f: {  	[tilespmem:v44+s6+$0x0] =	vst.idx.msk $0xffff, v7;
	v35 =	vor.u32 $0x28, v3;
	v33 =	vld.idx.msk [tilespmem:v31+s11+$0x0], $0xffff  }
0x440: {  	vm1 =	veq.s32 v26, $0x0;
	[tilespmem:v18+s6+$0x0] =	vst.idx.add.f32.msk $0xffff, v17  }
0x441: {  	v39 =	vor.u32 $0x2B, v5;
	[tilespmem:v19+s6+$0x0] =	vst.idx.add.f32.msk $0xffff, v8;
	v2 =	vsel vm1, $0x0, v2  }
0x442: {  	v40 =	vadd.s32 v30, v1;
	[tilespmem:v61+s6+$0x0] =	vst.idx.add.f32.msk $0xffff, v2  }
0x443: {  	v0 =	vsel vm1, $0x0, v0;
	v45 =	vld [tilespmem:$0x1FCE0]  }
0x444: {  	[tilespmem:v35+s6+$0x0] =	vst.idx.add.f32.msk $0xffff, v0  }
0x445: {  	v41 =	vor.u32 $0x29, v3;
	v17 =	vmul.f32 $2.000000030e-01, v60;
	v22 =	vld [tilespmem:$0x1FCC0]  }
0x446: {  	v63 =	vshll.u32 v4, $0x3;
	v44 =	vor.u32 $0x2A, v3;
	[tilespmem:v39+s6+$0x0] =	vst.idx.msk $0xffff, v10  }
0x447: {  	v7 =	vand.u32 $0x78, v63;
	v61 =	vsel vm1, $0x0, v17;
	v17 =	vor.u32 $0x2C, v5;
	v14 =	vld.idx.msk [tilespmem:v40+s3+$0x0], $0xffff  }
0x448: {  	v63 =	vadd.s32 v27, v1;
	v13 =	vmul.f32 $2.000000030e-01, v33  }
0x449: {  	v58 =	vadd.s32 v3, v26;
	v18 =	vor.u32 v3, v45  }
0x44a: {  	v0 =	vadd.s32 $0x5, v58;
	[tilespmem:v41+s6+$0x0] =	vst.idx.add.f32.msk $0xffff, v61;
	v13 =	vsel vm1, $0x0, v13;
	v60 =	vshrl.u32 v22, $0x7  }
0x44b: {  	[tilespmem:v44+s6+$0x0] =	vst.idx.add.f32.msk $0xffff, v13;
	v11 =	vand.u32 $0x78, v60  }
0x44c: {  	v19 =	vld.idx.msk [tilespmem:v7+s24+$0x0], $0xffff;
	[tilespmem:v17+s6+$0x0] =	vst.idx.msk $0xffff, v14  }
0x44d: {  	v8 =	vld.idx.msk [tilespmem:v63+s3+$0x0], $0xffff  }
0x44e: {  	v21 =	vor.u32 $0x33, v20;
	[tilespmem:v18+s6+$0x0] =	vst.idx.add.f32.msk $0xffff, v50  }
0x44f: {  	v17 =	vor.u32 $0x2D, v5;
	[tilespmem:v0+s6+$0x0] =	vst.idx.add.f32.msk $0xffff, v50  }
0x450: {  	v26 =	vor.u32 $0x2F, v3;
	v10 =	vld.idx.msk [tilespmem:v11+s29+$0x0], $0xffff;
	_ =	sdelay $0x2  }
0x451: {  	[tilespmem:v21+s6+$0x0] =	vst.idx.msk $0xffff, v19  }
0x452: {  	[tilespmem:v17+s6+$0x0] =	vst.idx.msk $0xffff, v8  }
0x453: {  	v23 =	vor.u32 $0x1, v7;
	[tilespmem:v26+s6+$0x0] =	vst.idx.msk $0xffff, v10  }
0x454: {  	v27 =	vor.u32 $0x1, v11;
	v35 =	vld [tilespmem:$0x1FDB0]  }
0x455: {  	v18 =	vadd.s32 v29, v1;
	_ =	sdelay $0x2  }
0x456: {  	v30 =	vor.u32 $0x34, v20;
	v0 =	vld.idx.msk [tilespmem:v23+s24+$0x0], $0xffff  }
0x457: {  	v31 =	vor.u32 $0x2, v7;
	v33 =	vor.u32 $0x30, v3;
	v13 =	vld.idx.msk [tilespmem:v27+s29+$0x0], $0xffff;
	v39 =	vmin.u32 v35, $0xE  }
0x458: {  	v5 =	vor.u32 $0x2E, v5;
	v17 =	vor.u32 $0x2, v11;
	v18 =	vld.idx.msk [tilespmem:v18+s3+$0x0], $0xffff;
	v8 =	vadd.s32 $0x1, v39  }
0x459: {  	v19 =	vand.u32 $0x18, v8  }
0x45a: {  	v40 =	vmax.u32 v35, $0x1;
	v8 =	vand.u32 $0x7, v8;
	v19 =	vadd.s32 v34, v19  }
0x45b: {  	[tilespmem:v30+s6+$0x0] =	vst.idx.msk $0xffff, v0;
	v0 =	vsub.s32 v40, v24;
	v41 =	vor.u32 v8, v19  }
0x45c: {  	v44 =	vld.idx.msk [tilespmem:v31+s24+$0x0], $0xffff;
	[tilespmem:v33+s6+$0x0] =	vst.idx.msk $0xffff, v13;
	v0 =	vor.u32 v34, v0  }
0x45d: {  	v58 =	vshll.u32 v6, $0x6;
	v45 =	vor.u32 $0x35, v20;
	[tilespmem:v5+s6+$0x0] =	vst.idx.msk $0xffff, v18;
	v13 =	vld.idx.msk [tilespmem:v17+s29+$0x0], $0xffff  }
0x45e: {  	v60 =	vor.u32 $0x31, v3;
	v5 =	vadd.s32 v37, v58;
	v61 =	vld.idx.msk [tilespmem:v35+s30+$0x0], $0xffff  }
0x45f: {  	v18 =	vor.u32 $0x25, v5;
	v17 =	vld.idx.msk [tilespmem:v35+s31+$0x0], $0xffff  }
0x460: {  	v19 =	vor.u32 $0x26, v5;
	v2 =	vld.idx.msk [tilespmem:v41+s11+$0x0], $0xffff  }
0x461: {  	v63 =	vor.u32 $0x27, v5;
	v0 =	vld.idx.msk [tilespmem:v0+s11+$0x0], $0xffff  }
0x462: {  	v16 =	vld.idx.msk [tilespmem:v16+s13+$0x0], $0xffff;
	v26 =	vor.u32 $0x28, v5;
	[tilespmem:v45+s6+$0x0] =	vst.idx.msk $0xffff, v44  }
0x463: {  	v24 =	vld.idx.msk [tilespmem:v15+s11+$0x0], $0xffff;
	[tilespmem:v60+s6+$0x0] =	vst.idx.msk $0xffff, v13  }
0x464: {  	vm1 =	veq.s32 v35, $0x0;
	[tilespmem:v18+s6+$0x0] =	vst.idx.add.f32.msk $0xffff, v17  }
0x465: {  	[tilespmem:v19+s6+$0x0] =	vst.idx.add.f32.msk $0xffff, v61;
	v2 =	vsel vm1, $0x0, v2  }
0x466: {  	v0 =	vsel vm1, $0x0, v0;
	[tilespmem:v63+s6+$0x0] =	vst.idx.add.f32.msk $0xffff, v2  }
0x467: {  	[tilespmem:v26+s6+$0x0] =	vst.idx.add.f32.msk $0xffff, v0  }
0x468: {  	v7 =	vor.u32 $0x3, v7;
	v33 =	vmul.f32 $2.000000030e-01, v16;
	v16 =	vld [tilespmem:$0x1FDA0]  }
0x469: {  	v27 =	vor.u32 $0x3, v11  }
0x46a: {  	v29 =	vor.u32 $0x29, v5  }
0x46b: {  	v31 =	vor.u32 $0x2A, v5  }
0x46c: {  	v12 =	vor.u32 v5, v12;
	v9 =	vadd.s32 v5, v35  }
0x46d: {  	v7 =	vld.idx.msk [tilespmem:v7+s24+$0x0], $0xffff;
	v35 =	vadd.s32 $0x5, v9;
	v6 =	vmul.f32 $2.000000030e-01, v24;
	v39 =	vshrl.u32 v16, $0x7  }
0x46e: {  	v14 =	vsel vm1, $0x0, v33;
	v10 =	vld.idx.msk [tilespmem:v27+s29+$0x0], $0xffff;
	v8 =	vand.u32 $0x78, v39  }
0x46f: {  	v30 =	vor.u32 $0x36, v20;
	v40 =	vshrl.u32 v4, $0x1;
	v6 =	vsel vm1, $0x0, v6;
	[tilespmem:v29+s6+$0x0] =	vst.idx.add.f32.msk $0xffff, v14  }
0x470: {  	v9 =	vand.u32 $0x38, v40;
	[tilespmem:v31+s6+$0x0] =	vst.idx.add.f32.msk $0xffff, v6  }
0x471: {  	v44 =	vshll.u32 v22, $0x3;
	v41 =	vor.u32 $0x32, v3;
	[tilespmem:v12+s6+$0x0] =	vst.idx.add.f32.msk $0xffff, v50  }
0x472: {  	v45 =	vand.u32 $0x78, v44;
	[tilespmem:v35+s6+$0x0] =	vst.idx.add.f32.msk $0xffff, v50  }
0x473: {  	v58 =	vor.u32 $0x2F, v5;
	v0 =	vld.idx.msk [tilespmem:v8+s29+$0x0], $0xffff  }
0x474: {  	[tilespmem:v30+s6+$0x0] =	vst.idx.msk $0xffff, v7;
	v61 =	vor.u32 $0x1, v8  }
0x475: {  	v60 =	vor.u32 $0x37, v20;
	v7 =	vld.idx.msk [tilespmem:v9+s26+$0x0], $0xffff  }
0x476: {  	v63 =	vor.u32 $0x1, v9;
	[tilespmem:v41+s6+$0x0] =	vst.idx.msk $0xffff, v10  }
0x477: {  	v21 =	vor.u32 $0x33, v3;
	v10 =	vld.idx.msk [tilespmem:v45+s24+$0x0], $0xffff  }
0x478: {  	v15 =	vor.u32 $0x1, v45;
	[tilespmem:v58+s6+$0x0] =	vst.idx.msk $0xffff, v0  }
0x479: {  	v23 =	vor.u32 $0x30, v5;
	v0 =	vld.idx.msk [tilespmem:v61+s29+$0x0], $0xffff  }
0x47a: {  	[tilespmem:v60+s6+$0x0] =	vst.idx.msk $0xffff, v7;
	v26 =	vor.u32 $0x2, v8  }
0x47b: {  	v24 =	vor.u32 $0x38, v20;
	v7 =	vld.idx.msk [tilespmem:v63+s26+$0x0], $0xffff  }
0x47c: {  	v27 =	vor.u32 $0x2, v9;
	[tilespmem:v21+s6+$0x0] =	vst.idx.msk $0xffff, v10  }
0x47d: {  	v29 =	vor.u32 $0x34, v3;
	v10 =	vld.idx.msk [tilespmem:v15+s24+$0x0], $0xffff  }
0x47e: {  	v15 =	vor.u32 $0x2, v45;
	[tilespmem:v23+s6+$0x0] =	vst.idx.msk $0xffff, v0  }
0x47f: {  	v30 =	vor.u32 $0x31, v5;
	v0 =	vld.idx.msk [tilespmem:v26+s29+$0x0], $0xffff  }
0x480: {  	v8 =	vor.u32 $0x3, v8;
	[tilespmem:v24+s6+$0x0] =	vst.idx.msk $0xffff, v7  }
0x481: {  	v31 =	vor.u32 $0x39, v20;
	v7 =	vld.idx.msk [tilespmem:v27+s26+$0x0], $0xffff  }
0x482: {  	v9 =	vor.u32 $0x3, v9;
	[tilespmem:v29+s6+$0x0] =	vst.idx.msk $0xffff, v10  }
0x483: {  	v33 =	vor.u32 $0x35, v3;
	v10 =	vld.idx.msk [tilespmem:v15+s24+$0x0], $0xffff  }
0x484: {  	v2 =	vor.u32 $0x3, v45;
	[tilespmem:v30+s6+$0x0] =	vst.idx.msk $0xffff, v0  }
0x485: {  	v35 =	vor.u32 $0x32, v5;
	v39 =	vshll.u32 v16, $0x3;
	v0 =	vld.idx.msk [tilespmem:v8+s29+$0x0], $0xffff  }
0x486: {  	[tilespmem:v31+s6+$0x0] =	vst.idx.msk $0xffff, v7;
	v7 =	vand.u32 $0x78, v39  }
0x487: {  	v40 =	vor.u32 $0x3A, v20;
	v41 =	vshrl.u32 v4, $0x4;
	v9 =	vld.idx.msk [tilespmem:v9+s26+$0x0], $0xffff  }
0x488: {  	v12 =	vand.u32 $0x38, v41;
	[tilespmem:v33+s6+$0x0] =	vst.idx.msk $0xffff, v10  }
0x489: {  	v44 =	vor.u32 $0x36, v3;
	v45 =	vshrl.u32 v22, $0x1;
	v2 =	vld.idx.msk [tilespmem:v2+s24+$0x0], $0xffff  }
0x48a: {  	v11 =	vand.u32 $0x38, v45;
	[tilespmem:v35+s6+$0x0] =	vst.idx.msk $0xffff, v0  }
0x48b: {  	v58 =	vor.u32 $0x33, v5;
	v0 =	vld.idx.msk [tilespmem:v7+s24+$0x0], $0xffff  }
0x48c: {  	v61 =	vor.u32 $0x1, v7;
	[tilespmem:v40+s6+$0x0] =	vst.idx.msk $0xffff, v9  }
0x48d: {  	v60 =	vor.u32 $0x3B, v20;
	v8 =	vld.idx.msk [tilespmem:v12+s28+$0x0], $0xffff  }
0x48e: {  	v63 =	vor.u32 $0x1, v12;
	[tilespmem:v44+s6+$0x0] =	vst.idx.msk $0xffff, v2  }
0x48f: {  	v21 =	vor.u32 $0x37, v3;
	v2 =	vld.idx.msk [tilespmem:v11+s26+$0x0], $0xffff  }
0x490: {  	v15 =	vor.u32 $0x1, v11;
	[tilespmem:v58+s6+$0x0] =	vst.idx.msk $0xffff, v0  }
0x491: {  	v23 =	vor.u32 $0x34, v5;
	v0 =	vld.idx.msk [tilespmem:v61+s24+$0x0], $0xffff  }
0x492: {  	v26 =	vor.u32 $0x2, v7;
	[tilespmem:v60+s6+$0x0] =	vst.idx.msk $0xffff, v8  }
0x493: {  	v24 =	vor.u32 $0x3C, v20;
	v8 =	vld.idx.msk [tilespmem:v63+s28+$0x0], $0xffff  }
0x494: {  	v27 =	vor.u32 $0x2, v12;
	[tilespmem:v21+s6+$0x0] =	vst.idx.msk $0xffff, v2  }
0x495: {  	v29 =	vor.u32 $0x38, v3;
	v2 =	vld.idx.msk [tilespmem:v15+s26+$0x0], $0xffff  }
0x496: {  	v15 =	vor.u32 $0x2, v11;
	[tilespmem:v23+s6+$0x0] =	vst.idx.msk $0xffff, v0  }
0x497: {  	v30 =	vor.u32 $0x35, v5;
	v0 =	vld.idx.msk [tilespmem:v26+s24+$0x0], $0xffff  }
0x498: {  	v7 =	vor.u32 $0x3, v7;
	[tilespmem:v24+s6+$0x0] =	vst.idx.msk $0xffff, v8  }
0x499: {  	v31 =	vor.u32 $0x3D, v20;
	v8 =	vld.idx.msk [tilespmem:v27+s28+$0x0], $0xffff  }
0x49a: {  	v12 =	vor.u32 $0x3, v12;
	[tilespmem:v29+s6+$0x0] =	vst.idx.msk $0xffff, v2  }
0x49b: {  	v33 =	vor.u32 $0x39, v3;
	v2 =	vld.idx.msk [tilespmem:v15+s26+$0x0], $0xffff  }
0x49c: {  	v11 =	vor.u32 $0x3, v11;
	[tilespmem:v30+s6+$0x0] =	vst.idx.msk $0xffff, v0  }
0x49d: {  	v39 =	vshrl.u32 v16, $0x1;
	v35 =	vor.u32 $0x36, v5;
	v0 =	vld.idx.msk [tilespmem:v7+s24+$0x0], $0xffff  }
0x49e: {  	[tilespmem:v31+s6+$0x0] =	vst.idx.msk $0xffff, v8;
	v7 =	vand.u32 $0x38, v39  }
0x49f: {  	v40 =	vor.u32 $0x3E, v20;
	v8 =	vld.idx.msk [tilespmem:v12+s28+$0x0], $0xffff  }
0x4a0: {  	v41 =	vadd.s32 v42, v57;
	[tilespmem:v33+s6+$0x0] =	vst.idx.msk $0xffff, v2  }
0x4a1: {  	v45 =	vshrl.u32 v22, $0x4;
	v44 =	vor.u32 $0x3A, v3;
	v10 =	vld.idx.msk [tilespmem:v11+s26+$0x0], $0xffff  }
0x4a2: {  	v11 =	vand.u32 $0x38, v45;
	[tilespmem:v35+s6+$0x0] =	vst.idx.msk $0xffff, v0  }
0x4a3: {  	v58 =	vor.u32 $0x37, v5;
	v0 =	vld.idx.msk [tilespmem:v7+s26+$0x0], $0xffff  }
0x4a4: {  	[tilespmem:v40+s6+$0x0] =	vst.idx.msk $0xffff, v8;
	v61 =	vor.u32 $0x1, v7  }
0x4a5: {  	v60 =	vor.u32 $0x2B, v20;
	v8 =	vld.idx.msk [tilespmem:v41+s3+$0x0], $0xffff  }
0x4a6: {  	v63 =	vadd.s32 v55, v57;
	[tilespmem:v44+s6+$0x0] =	vst.idx.msk $0xffff, v10  }
0x4a7: {  	v21 =	vor.u32 $0x3B, v3;
	v2 =	vld.idx.msk [tilespmem:v11+s28+$0x0], $0xffff  }
0x4a8: {  	v22 =	vor.u32 $0x1, v11;
	[tilespmem:v58+s6+$0x0] =	vst.idx.msk $0xffff, v0  }
0x4a9: {  	v23 =	vor.u32 $0x38, v5;
	v0 =	vld.idx.msk [tilespmem:v61+s26+$0x0], $0xffff  }
0x4aa: {  	v26 =	vor.u32 $0x2, v7;
	[tilespmem:v60+s6+$0x0] =	vst.idx.msk $0xffff, v8  }
0x4ab: {  	v24 =	vor.u32 $0x2C, v20;
	v8 =	vld.idx.msk [tilespmem:v63+s3+$0x0], $0xffff  }
0x4ac: {  	v27 =	vadd.s32 v43, v57;
	[tilespmem:v21+s6+$0x0] =	vst.idx.msk $0xffff, v2  }
0x4ad: {  	v29 =	vor.u32 $0x3C, v3;
	v2 =	vld.idx.msk [tilespmem:v22+s28+$0x0], $0xffff  }
0x4ae: {  	v30 =	vor.u32 $0x2, v11;
	[tilespmem:v23+s6+$0x0] =	vst.idx.msk $0xffff, v0  }
0x4af: {  	v31 =	vor.u32 $0x39, v5;
	v0 =	vld.idx.msk [tilespmem:v26+s26+$0x0], $0xffff  }
0x4b0: {  	v7 =	vor.u32 $0x3, v7;
	[tilespmem:v24+s6+$0x0] =	vst.idx.msk $0xffff, v8  }
0x4b1: {  	v33 =	vor.u32 $0x2D, v20;
	v8 =	vld.idx.msk [tilespmem:v27+s3+$0x0], $0xffff  }
0x4b2: {  	[tilespmem:v29+s6+$0x0] =	vst.idx.msk $0xffff, v2  }
0x4b3: {  	v39 =	vor.u32 $0x3D, v3;
	v2 =	vld.idx.msk [tilespmem:v30+s28+$0x0], $0xffff  }
0x4b4: {  	v11 =	vor.u32 $0x3, v11;
	[tilespmem:v31+s6+$0x0] =	vst.idx.msk $0xffff, v0  }
0x4b5: {  	v44 =	vshrl.u32 v16, $0x4;
	v41 =	vor.u32 $0x3A, v5;
	v35 =	vadd.s32 v52, v57;
	v7 =	vld.idx.msk [tilespmem:v7+s26+$0x0], $0xffff  }
0x4b6: {  	[tilespmem:v33+s6+$0x0] =	vst.idx.msk $0xffff, v8;
	v8 =	vand.u32 $0x38, v44;
	_ =	sdelay $0x1  }
0x4b7: {  	[tilespmem:v39+s6+$0x0] =	vst.idx.msk $0xffff, v2  }
0x4b8: {  	v63 =	vor.u32 $0x3E, v3;
	v10 =	vld.idx.msk [tilespmem:v11+s28+$0x0], $0xffff  }
0x4b9: {  	v15 =	vadd.s32 v42, v25;
	v45 =	vor.u32 $0x2E, v20;
	v12 =	vld.idx.msk [tilespmem:v35+s3+$0x0], $0xffff;
	[tilespmem:v41+s6+$0x0] =	vst.idx.msk $0xffff, v7  }
0x4ba: {  	v23 =	vor.u32 $0x3B, v5;
	v6 =	vld.idx.msk [tilespmem:v8+s28+$0x0], $0xffff  }
0x4bb: {  	v24 =	vor.u32 $0x1, v8  }
0x4bc: {  	v40 =	vmax.u32 v28, $0x1  }
0x4bd: {  	v58 =	vmin.u32 v28, $0xE;
	[tilespmem:v63+s6+$0x0] =	vst.idx.msk $0xffff, v10;
	v0 =	vadd.s32 $0xFFFFFFFF, v40  }
0x4be: {  	v61 =	vadd.s32 $0x1, v58;
	v11 =	vld.idx.msk [tilespmem:v15+s3+$0x0], $0xffff;
	[tilespmem:v45+s6+$0x0] =	vst.idx.msk $0xffff, v12;
	v60 =	vand.u32 $0xFFFFFFF8, v0  }
0x4bf: {  	v21 =	vand.u32 $0x18, v61;
	v0 =	vand.u32 $0x7, v0;
	v20 =	vadd.s32 v36, v60;
	v27 =	vld [tilespmem:$0x1FC30];
	[tilespmem:v23+s6+$0x0] =	vst.idx.msk $0xffff, v6  }
0x4c0: {  	v2 =	vand.u32 $0x7, v61;
	v22 =	vadd.s32 v36, v21;
	v0 =	vor.u32 v0, v20;
	v6 =	vld.idx.msk [tilespmem:v24+s28+$0x0], $0xffff  }
0x4c1: {  	v30 =	vor.u32 $0x2B, v3;
	v2 =	vor.u32 v2, v22;
	v35 =	vld [tilespmem:$0x1FC90]  }
0x4c2: {  	v33 =	vor.u32 $0x3C, v5;
	v31 =	vadd.s32 v55, v25;
	v39 =	vld [tilespmem:$0x1FC80]  }
0x4c3: {  	v17 =	vor.u32 $0x2, v8;
	v9 =	vld.idx.msk [tilespmem:v28+s30+$0x0], $0xffff  }
0x4c4: {  	v26 =	vld.idx.msk [tilespmem:v28+s31+$0x0], $0xffff;
	v29 =	vshll.u32 v27, $0x6  }
0x4c5: {  	v15 =	vld.idx.msk [tilespmem:v0+s11+$0x0], $0xffff;
	v0 =	vadd.s32 v37, v29  }
0x4c6: {  	v2 =	vld.idx.msk [tilespmem:v2+s11+$0x0], $0xffff;
	[tilespmem:v30+s6+$0x0] =	vst.idx.msk $0xffff, v11;
	v16 =	vor.u32 $0x25, v0  }
0x4c7: {  	v10 =	vld.idx.msk [tilespmem:v31+s3+$0x0], $0xffff;
	[tilespmem:v33+s6+$0x0] =	vst.idx.msk $0xffff, v6  }
0x4c8: {  	v41 =	vor.u32 $0x2C, v3;
	v7 =	vld.idx.msk [tilespmem:v17+s28+$0x0], $0xffff  }
0x4c9: {  	v44 =	vadd.s32 v43, v25;
	v36 =	vld.idx.msk [tilespmem:v35+s13+$0x0], $0xffff  }
0x4ca: {  	v40 =	vor.u32 $0x26, v0;
	v18 =	vld.idx.msk [tilespmem:v39+s11+$0x0], $0xffff  }
0x4cb: {  	[tilespmem:v16+s6+$0x0] =	vst.idx.add.f32.msk $0x3, v26;
	v16 =	vor.u32 $0x3D, v5  }
0x4cc: {  	v8 =	vor.u32 $0x3, v8  }
0x4cd: {  	v45 =	vor.u32 $0x27, v0;
	[tilespmem:v41+s6+$0x0] =	vst.idx.msk $0xffff, v10  }
0x4ce: {  	v58 =	vor.u32 $0x28, v0;
	v10 =	vld.idx.msk [tilespmem:v44+s3+$0x0], $0xffff  }
0x4cf: {  	v60 =	vor.u32 $0x2D, v3;
	[tilespmem:v40+s6+$0x0] =	vst.idx.add.f32.msk $0x3, v9  }
0x4d0: {  	vm1 =	veq.s32 v28, $0x0;
	[tilespmem:v16+s6+$0x0] =	vst.idx.msk $0xffff, v7  }
0x4d1: {  	v61 =	vadd.s32 v52, v25;
	v21 =	vor.u32 $0x3E, v5;
	v2 =	vsel vm1, $0x0, v2;
	v8 =	vld.idx.msk [tilespmem:v8+s28+$0x0], $0xffff  }
0x4d2: {  	v23 =	vadd.s32 v42, v1;
	v20 =	vsel vm1, $0x0, v15;
	[tilespmem:v45+s6+$0x0] =	vst.idx.add.f32.msk $0x3, v2  }
0x4d3: {  	[tilespmem:v58+s6+$0x0] =	vst.idx.add.f32.msk $0x3, v20  }
0x4d4: {  	v63 =	vor.u32 $0x29, v0;
	[tilespmem:v60+s6+$0x0] =	vst.idx.msk $0xffff, v10  }
0x4d5: {  	v24 =	vor.u32 $0x2A, v0;
	v17 =	vld [tilespmem:$0x1FD30]  }
0x4d6: {  	v3 =	vor.u32 $0x2E, v3;
	v22 =	vmul.f32 $2.000000030e-01, v36;
	v2 =	vld.idx.msk [tilespmem:v61+s3+$0x0], $0xffff;
	[tilespmem:v21+s6+$0x0] =	vst.idx.msk $0xffff, v8  }
0x4d7: {  	v26 =	vmul.f32 $2.000000030e-01, v18;
	v36 =	vor.u32 $0x2B, v5;
	v35 =	vld.idx.msk [tilespmem:v23+s3+$0x0], $0xffff  }
0x4d8: {  	v40 =	vadd.s32 v55, v1;
	v7 =	vsel vm1, $0x0, v22  }
0x4d9: {  	v11 =	vsel vm1, $0x0, v26;
	[tilespmem:v63+s6+$0x0] =	vst.idx.add.f32.msk $0x3, v7  }
0x4da: {  	[tilespmem:v24+s6+$0x0] =	vst.idx.add.f32.msk $0x3, v11;
	v27 =	vmax.u32 v17, $0x1  }
0x4db: {  	[tilespmem:v3+s6+$0x0] =	vst.idx.msk $0xffff, v2;
	v29 =	vmin.u32 v17, $0xE;
	v12 =	vadd.s32 $0xFFFFFFFF, v27  }
0x4dc: {  	v6 =	vadd.s32 $0x1, v29;
	v3 =	vld [tilespmem:$0x1FCF0];
	v30 =	vand.u32 $0xFFFFFFF8, v12;
	[tilespmem:v36+s6+$0x0] =	vst.idx.msk $0xffff, v35  }
0x4dd: {  	v31 =	vand.u32 $0x7, v12;
	v33 =	vand.u32 $0x18, v6;
	v7 =	vadd.s32 v49, v30;
	v8 =	vld.idx.msk [tilespmem:v40+s3+$0x0], $0xffff  }
0x4de: {  	v6 =	vand.u32 $0x7, v6;
	v39 =	vadd.s32 v49, v33;
	v7 =	vor.u32 v31, v7;
	v49 =	vld [tilespmem:$0x1FD60]  }
0x4df: {  	v44 =	vor.u32 $0x2C, v5;
	v6 =	vor.u32 v6, v39;
	v60 =	vld [tilespmem:$0x1FD50]  }
0x4e0: {  	v45 =	vadd.s32 v43, v1  }
0x4e1: {  	v2 =	vld.idx.msk [tilespmem:v17+s30+$0x0], $0xffff;
	v3 =	vshll.u32 v3, $0x6  }
0x4e2: {  	v41 =	vld.idx.msk [tilespmem:v17+s31+$0x0], $0xffff;
	v3 =	vadd.s32 v37, v3  }
0x4e3: {  	v42 =	vor.u32 $0x25, v3;
	v7 =	vld.idx.msk [tilespmem:v7+s11+$0x0], $0xffff  }
0x4e4: {  	v6 =	vld.idx.msk [tilespmem:v6+s11+$0x0], $0xffff;
	[tilespmem:v44+s6+$0x0] =	vst.idx.msk $0xffff, v8  }
0x4e5: {  	v58 =	vor.u32 $0x26, v3;
	v11 =	vld.idx.msk [tilespmem:v45+s3+$0x0], $0xffff  }
0x4e6: {  	v16 =	vor.u32 $0x27, v3;
	v55 =	vld.idx.msk [tilespmem:v49+s13+$0x0], $0xffff  }
0x4e7: {  	v15 =	vld.idx.msk [tilespmem:v60+s11+$0x0], $0xffff  }
0x4e8: {  	v61 =	vor.u32 $0x28, v3;
	[tilespmem:v42+s6+$0x0] =	vst.idx.add.f32.msk $0x3, v41  }
0x4e9: {  	vm1 =	veq.s32 v17, $0x0;
	v63 =	vor.u32 $0x29, v3;
	v24 =	vld [tilespmem:$0x1FC70]  }
0x4ea: {  	v6 =	vsel vm1, $0x0, v6;
	[tilespmem:v58+s6+$0x0] =	vst.idx.add.f32.msk $0x3, v2  }
0x4eb: {  	[tilespmem:v16+s6+$0x0] =	vst.idx.add.f32.msk $0x3, v6;
	v29 =	vmul.f32 $2.000000030e-01, v55  }
0x4ec: {  	v7 =	vsel vm1, $0x0, v7;
	v20 =	vld [tilespmem:$0x1FC60]  }
0x4ed: {  	v27 =	vor.u32 $0x2D, v5;
	[tilespmem:v61+s6+$0x0] =	vst.idx.add.f32.msk $0x3, v7;
	v2 =	vsel vm1, $0x0, v29  }
0x4ee: {  	v30 =	vadd.s32 v52, v1;
	[tilespmem:v63+s6+$0x0] =	vst.idx.add.f32.msk $0x3, v2  }
0x4ef: {  	v40 =	vld [tilespmem:$0x1FD40]  }
0x4f0: {  	v33 =	vor.u32 $0x2A, v3  }
0x4f1: {  	v35 =	vadd.s32 v0, v28;
	v26 =	vor.u32 v0, v24  }
0x4f2: {  	v39 =	vadd.s32 $0x5, v35;
	v36 =	vmul.f32 $2.000000030e-01, v15;
	[tilespmem:v27+s6+$0x0] =	vst.idx.msk $0xffff, v11  }
0x4f3: {  	v5 =	vor.u32 $0x2E, v5;
	v11 =	vld.idx.msk [tilespmem:v30+s3+$0x0], $0xffff  }
0x4f4: {  	v42 =	vsel vm1, $0x0, v36;
	v18 =	vld [tilespmem:$0x1FDF0];
	v41 =	vor.u32 v3, v40  }
0x4f5: {  	[tilespmem:v33+s6+$0x0] =	vst.idx.add.f32.msk $0x3, v42  }
0x4f6: {  	[tilespmem:v26+s6+$0x0] =	vst.idx.add.f32.msk $0x3, v50  }
0x4f7: {  	[tilespmem:v39+s6+$0x0] =	vst.idx.add.f32.msk $0x3, v50  }
0x4f8: {  	[tilespmem:v5+s6+$0x0] =	vst.idx.msk $0xffff, v11  }
0x4f9: {  	v43 =	vmax.u32 v18, $0x1;
	[tilespmem:v41+s6+$0x0] =	vst.idx.add.f32.msk $0x3, v50  }
0x4fa: {  	v23 =	vadd.s32 v3, v17;
	v44 =	vmin.u32 v18, $0xE;
	v10 =	vadd.s32 $0xFFFFFFFF, v43;
	v26 =	vld [tilespmem:$0x1FDD0]  }
0x4fb: {  	v28 =	vadd.s32 $0x5, v23;
	v12 =	vadd.s32 $0x1, v44;
	v45 =	vand.u32 $0xFFFFFFF8, v10  }
0x4fc: {  	v49 =	vand.u32 $0x7, v10;
	v52 =	vand.u32 $0x18, v12;
	v8 =	vadd.s32 v34, v45;
	v33 =	vld [tilespmem:$0x1FE30]  }
0x4fd: {  	v58 =	vand.u32 $0x7, v12;
	v60 =	vadd.s32 v34, v52;
	v55 =	vor.u32 v49, v8;
	v34 =	vld [tilespmem:$0x1FE10]  }
0x4fe: {  	v24 =	vld.idx.msk [tilespmem:v18+s30+$0x0], $0xffff;
	v61 =	vor.u32 v58, v60  }
0x4ff: {  	v29 =	vld.idx.msk [tilespmem:v18+s31+$0x0], $0xffff;
	v27 =	vshll.u32 v26, $0x6  }
0x500: {  	v21 =	vld [tilespmem:$0x1FD20];
	v5 =	vadd.s32 v37, v27  }
0x501: {  	[tilespmem:v28+s6+$0x0] =	vst.idx.add.f32.msk $0x3, v50;
	v10 =	vor.u32 $0x25, v5  }
0x502: {  	v31 =	vshrl.u32 v20, $0x7;
	v2 =	vld.idx.msk [tilespmem:v55+s11+$0x0], $0xffff  }
0x503: {  	v6 =	vand.u32 $0x78, v31;
	v7 =	vld.idx.msk [tilespmem:v61+s11+$0x0], $0xffff;
	v31 =	vor.u32 $0x26, v5  }
0x504: {  	v15 =	vld.idx.msk [tilespmem:v33+s13+$0x0], $0xffff  }
0x505: {  	v16 =	vld.idx.msk [tilespmem:v34+s11+$0x0], $0xffff  }
0x506: {  	[tilespmem:v10+s6+$0x0] =	vst.idx.add.f32.msk $0x3, v29  }
0x507: {  	v30 =	vshrl.u32 v21, $0x7;
	v39 =	vld [tilespmem:$0x1FE00]  }
0x508: {  	v13 =	vand.u32 $0x78, v30;
	[tilespmem:v31+s6+$0x0] =	vst.idx.add.f32.msk $0x3, v24  }
0x509: {  	v17 =	vor.u32 $0x27, v5;
	v22 =	vld [tilespmem:$0x1FDE0]  }
0x50a: {  	v35 =	vor.u32 $0x28, v5  }
0x50b: {  	vm1 =	veq.s32 v18, $0x0;
	v36 =	vor.u32 $0x29, v5;
	v18 =	vadd.s32 v5, v18  }
0x50c: {  	v63 =	vld.idx.msk [tilespmem:v6+s29+$0x0], $0xffff;
	v37 =	vor.u32 $0x2A, v5;
	v42 =	vadd.s32 $0x5, v18  }
0x50d: {  	v7 =	vsel vm1, $0x0, v7;
	v41 =	vld.idx.msk [tilespmem:v13+s29+$0x0], $0xffff;
	v15 =	vmul.f32 $2.000000030e-01, v15;
	v4 =	vor.u32 v5, v39  }
0x50e: {  	v2 =	vsel vm1, $0x0, v2;
	v16 =	vmul.f32 $2.000000030e-01, v16;
	[tilespmem:v17+s6+$0x0] =	vst.idx.add.f32.msk $0x3, v7;
	v40 =	vshrl.u32 v22, $0x7  }
0x50f: {  	v15 =	vsel vm1, $0x0, v15;
	[tilespmem:v35+s6+$0x0] =	vst.idx.add.f32.msk $0x3, v2;
	v43 =	vand.u32 $0x78, v40  }
0x510: {  	v45 =	vor.u32 $0x2F, v0;
	v44 =	vsel vm1, $0x0, v16;
	[tilespmem:v36+s6+$0x0] =	vst.idx.add.f32.msk $0x3, v15  }
0x511: {  	v49 =	vor.u32 $0x1, v6;
	[tilespmem:v37+s6+$0x0] =	vst.idx.add.f32.msk $0x3, v44  }
0x512: {  	[tilespmem:v4+s6+$0x0] =	vst.idx.add.f32.msk $0x3, v50  }
0x513: {  	v52 =	vor.u32 $0x2F, v3;
	[tilespmem:v42+s6+$0x0] =	vst.idx.add.f32.msk $0x3, v50  }
0x514: {  	v55 =	vor.u32 $0x1, v13;
	v58 =	vor.u32 $0x2F, v5;
	v11 =	vld.idx.msk [tilespmem:v43+s29+$0x0], $0xffff  }
0x515: {  	[tilespmem:v45+s6+$0x0] =	vst.idx.msk $0x3, v63;
	v15 =	vor.u32 $0x1, v43  }
0x516: {  	v60 =	vor.u32 $0x30, v0;
	v4 =	vld.idx.msk [tilespmem:v49+s29+$0x0], $0xffff  }
0x517: {  	v61 =	vor.u32 $0x2, v6  }
0x518: {  	[tilespmem:v52+s6+$0x0] =	vst.idx.msk $0x3, v41  }
0x519: {  	v63 =	vor.u32 $0x30, v3;
	v7 =	vld.idx.msk [tilespmem:v55+s29+$0x0], $0xffff;
	[tilespmem:v58+s6+$0x0] =	vst.idx.msk $0x3, v11  }
0x51a: {  	v23 =	vor.u32 $0x2, v13;
	v24 =	vor.u32 $0x30, v5;
	v26 =	vld.idx.msk [tilespmem:v15+s29+$0x0], $0xffff  }
0x51b: {  	[tilespmem:v60+s6+$0x0] =	vst.idx.msk $0x3, v4;
	v15 =	vor.u32 $0x2, v43  }
0x51c: {  	v28 =	vor.u32 $0x31, v0;
	v27 =	vor.u32 $0x3, v46;
	v8 =	vld.idx.msk [tilespmem:v61+s29+$0x0], $0xffff  }
0x51d: {  	v6 =	vor.u32 $0x3, v6  }
0x51e: {  	[tilespmem:v63+s6+$0x0] =	vst.idx.msk $0x3, v7  }
0x51f: {  	v29 =	vor.u32 $0x31, v3;
	v7 =	vld.idx.msk [tilespmem:v23+s29+$0x0], $0xffff;
	[tilespmem:v24+s6+$0x0] =	vst.idx.msk $0x3, v26  }
0x520: {  	v30 =	vor.u32 $0x3, v13;
	v31 =	vor.u32 $0x31, v5;
	v12 =	vld.idx.msk [tilespmem:v15+s29+$0x0], $0xffff  }
0x521: {  	v33 =	vor.u32 $0x32, v53;
	v2 =	vor.u32 $0x3, v43;
	v4 =	vld.idx.msk [tilespmem:v27+s29+$0x0], $0xffff;
	[tilespmem:v28+s6+$0x0] =	vst.idx.msk $0x3, v8;
	v15 =	vshll.u32 v32, $0x3  }
0x522: {  	v35 =	vor.u32 $0x32, v0;
	v6 =	vld.idx.msk [tilespmem:v6+s29+$0x0], $0xffff;
	v34 =	vand.u32 $0x78, v15;
	v15 =	vshll.u32 v20, $0x3  }
0x523: {  	v36 =	vand.u32 $0x78, v15  }
0x524: {  	[tilespmem:v29+s6+$0x0] =	vst.idx.msk $0x3, v7  }
0x525: {  	v37 =	vor.u32 $0x32, v3;
	v10 =	vld.idx.msk [tilespmem:v30+s29+$0x0], $0xffff;
	v15 =	vshll.u32 v21, $0x3;
	[tilespmem:v31+s6+$0x0] =	vst.idx.msk $0x3, v12  }
0x526: {  	v40 =	vor.u32 $0x32, v5;
	[tilespmem:v33+s6+$0x0] =	vst.idx.msk $0x3, v4;
	v39 =	vand.u32 $0x78, v15;
	v15 =	vshll.u32 v22, $0x3;
	v2 =	vld.idx.msk [tilespmem:v2+s29+$0x0], $0xffff  }
0x527: {  	v41 =	vor.u32 $0x33, v53;
	[tilespmem:v35+s6+$0x0] =	vst.idx.msk $0x3, v6;
	v15 =	vand.u32 $0x78, v15;
	v4 =	vld.idx.msk [tilespmem:v34+s24+$0x0], $0xffff  }
0x528: {  	v16 =	vor.u32 $0x33, v0;
	v42 =	vor.u32 $0x1, v34;
	v9 =	vld.idx.msk [tilespmem:v36+s24+$0x0], $0xffff  }
0x529: {  	v43 =	vor.u32 $0x1, v36  }
0x52a: {  	[tilespmem:v37+s6+$0x0] =	vst.idx.msk $0x3, v10  }
0x52b: {  	v17 =	vor.u32 $0x33, v3;
	v11 =	vld.idx.msk [tilespmem:v39+s24+$0x0], $0xffff;
	[tilespmem:v40+s6+$0x0] =	vst.idx.msk $0x3, v2  }
0x52c: {  	v18 =	vor.u32 $0x33, v5;
	v44 =	vor.u32 $0x1, v39;
	[tilespmem:v41+s6+$0x0] =	vst.idx.msk $0x3, v4;
	v13 =	vld.idx.msk [tilespmem:v15+s24+$0x0], $0xffff  }
0x52d: {  	v45 =	vor.u32 $0x34, v53;
	v19 =	vor.u32 $0x1, v15;
	v4 =	vld.idx.msk [tilespmem:v42+s24+$0x0], $0xffff;
	[tilespmem:v16+s6+$0x0] =	vst.idx.msk $0x3, v9  }
0x52e: {  	v49 =	vor.u32 $0x34, v0;
	v46 =	vor.u32 $0x2, v34;
	v10 =	vld.idx.msk [tilespmem:v43+s24+$0x0], $0xffff  }
0x52f: {  	v52 =	vor.u32 $0x2, v36  }
0x530: {  	[tilespmem:v17+s6+$0x0] =	vst.idx.msk $0x3, v11  }
0x531: {  	v16 =	vor.u32 $0x34, v3;
	v2 =	vld.idx.msk [tilespmem:v44+s24+$0x0], $0xffff;
	[tilespmem:v18+s6+$0x0] =	vst.idx.msk $0x3, v13  }
0x532: {  	v55 =	vor.u32 $0x2, v39;
	v18 =	vor.u32 $0x34, v5;
	[tilespmem:v45+s6+$0x0] =	vst.idx.msk $0x3, v4;
	v17 =	vld.idx.msk [tilespmem:v19+s24+$0x0], $0xffff  }
0x533: {  	v58 =	vor.u32 $0x35, v53;
	v19 =	vor.u32 $0x2, v15;
	v4 =	vld.idx.msk [tilespmem:v46+s24+$0x0], $0xffff;
	[tilespmem:v49+s6+$0x0] =	vst.idx.msk $0x3, v10  }
0x534: {  	v61 =	vor.u32 $0x35, v0;
	v8 =	vor.u32 $0x3, v34;
	v60 =	vld.idx.msk [tilespmem:v52+s24+$0x0], $0xffff  }
0x535: {  	v63 =	vor.u32 $0x3, v36  }
0x536: {  	[tilespmem:v16+s6+$0x0] =	vst.idx.msk $0x3, v2  }
0x537: {  	v24 =	vor.u32 $0x35, v3;
	v23 =	vld.idx.msk [tilespmem:v55+s24+$0x0], $0xffff;
	[tilespmem:v18+s6+$0x0] =	vst.idx.msk $0x3, v17  }
0x538: {  	v27 =	vor.u32 $0x35, v5;
	v12 =	vor.u32 $0x3, v39;
	[tilespmem:v58+s6+$0x0] =	vst.idx.msk $0x3, v4;
	v26 =	vld.idx.msk [tilespmem:v19+s24+$0x0], $0xffff  }
0x539: {  	v29 =	vshrl.u32 v32, $0x1;
	v28 =	vor.u32 $0x36, v53;
	v15 =	vor.u32 $0x3, v15;
	v4 =	vld.idx.msk [tilespmem:v8+s24+$0x0], $0xffff;
	[tilespmem:v61+s6+$0x0] =	vst.idx.msk $0x3, v60  }
0x53a: {  	v30 =	vor.u32 $0x36, v0;
	v31 =	vshrl.u32 v20, $0x1;
	v8 =	vand.u32 $0x38, v29;
	v2 =	vld.idx.msk [tilespmem:v63+s24+$0x0], $0xffff  }
0x53b: {  	v33 =	vand.u32 $0x38, v31  }
0x53c: {  	[tilespmem:v24+s6+$0x0] =	vst.idx.msk $0x3, v23  }
0x53d: {  	v35 =	vor.u32 $0x36, v3;
	v36 =	vshrl.u32 v21, $0x1;
	v34 =	vld.idx.msk [tilespmem:v12+s24+$0x0], $0xffff;
	[tilespmem:v27+s6+$0x0] =	vst.idx.msk $0x3, v26  }
0x53e: {  	v37 =	vor.u32 $0x36, v5;
	v12 =	vand.u32 $0x38, v36;
	[tilespmem:v28+s6+$0x0] =	vst.idx.msk $0x3, v4;
	v13 =	vld.idx.msk [tilespmem:v15+s24+$0x0], $0xffff;
	v15 =	vshrl.u32 v22, $0x1  }
0x53f: {  	v39 =	vor.u32 $0x37, v53;
	v4 =	vld.idx.msk [tilespmem:v8+s26+$0x0], $0xffff;
	[tilespmem:v30+s6+$0x0] =	vst.idx.msk $0x3, v2;
	v15 =	vand.u32 $0x38, v15  }
0x540: {  	v16 =	vor.u32 $0x37, v0;
	v40 =	vor.u32 $0x1, v8;
	v9 =	vld.idx.msk [tilespmem:v33+s26+$0x0], $0xffff  }
0x541: {  	v41 =	vor.u32 $0x1, v33  }
0x542: {  	[tilespmem:v35+s6+$0x0] =	vst.idx.msk $0x3, v34  }
0x543: {  	v17 =	vor.u32 $0x37, v3;
	v11 =	vld.idx.msk [tilespmem:v12+s26+$0x0], $0xffff;
	[tilespmem:v37+s6+$0x0] =	vst.idx.msk $0x3, v13  }
0x544: {  	v18 =	vor.u32 $0x37, v5;
	v42 =	vor.u32 $0x1, v12;
	[tilespmem:v39+s6+$0x0] =	vst.idx.msk $0x3, v4;
	v14 =	vld.idx.msk [tilespmem:v15+s26+$0x0], $0xffff  }
0x545: {  	v43 =	vor.u32 $0x38, v53;
	v19 =	vor.u32 $0x1, v15;
	v2 =	vld.idx.msk [tilespmem:v40+s26+$0x0], $0xffff;
	[tilespmem:v16+s6+$0x0] =	vst.idx.msk $0x3, v9  }
0x546: {  	v45 =	vor.u32 $0x38, v0;
	v44 =	vor.u32 $0x2, v8;
	v9 =	vld.idx.msk [tilespmem:v41+s26+$0x0], $0xffff  }
0x547: {  	v46 =	vor.u32 $0x2, v33  }
0x548: {  	[tilespmem:v17+s6+$0x0] =	vst.idx.msk $0x3, v11  }
0x549: {  	v16 =	vor.u32 $0x38, v3;
	v13 =	vld.idx.msk [tilespmem:v42+s26+$0x0], $0xffff;
	[tilespmem:v18+s6+$0x0] =	vst.idx.msk $0x3, v14  }
0x54a: {  	v49 =	vor.u32 $0x2, v12;
	v18 =	vor.u32 $0x38, v5;
	[tilespmem:v43+s6+$0x0] =	vst.idx.msk $0x3, v2;
	v17 =	vld.idx.msk [tilespmem:v19+s26+$0x0], $0xffff  }
0x54b: {  	v52 =	vor.u32 $0x39, v53;
	v19 =	vor.u32 $0x2, v15;
	[tilespmem:v45+s6+$0x0] =	vst.idx.msk $0x3, v9;
	v2 =	vld.idx.msk [tilespmem:v44+s26+$0x0], $0xffff  }
0x54c: {  	v60 =	vor.u32 $0x39, v0;
	v55 =	vor.u32 $0x3, v8;
	v58 =	vld.idx.msk [tilespmem:v46+s26+$0x0], $0xffff  }
0x54d: {  	v7 =	vor.u32 $0x3, v33  }
0x54e: {  	[tilespmem:v16+s6+$0x0] =	vst.idx.msk $0x3, v13  }
0x54f: {  	v63 =	vor.u32 $0x39, v3;
	v61 =	vld.idx.msk [tilespmem:v49+s26+$0x0], $0xffff;
	[tilespmem:v18+s6+$0x0] =	vst.idx.msk $0x3, v17  }
0x550: {  	v24 =	vor.u32 $0x39, v5;
	v12 =	vor.u32 $0x3, v12;
	[tilespmem:v52+s6+$0x0] =	vst.idx.msk $0x3, v2;
	v23 =	vld.idx.msk [tilespmem:v19+s26+$0x0], $0xffff  }
0x551: {  	v26 =	vor.u32 $0x3A, v53;
	v27 =	vshrl.u32 v32, $0x4;
	v15 =	vor.u32 $0x3, v15;
	v2 =	vld.idx.msk [tilespmem:v55+s26+$0x0], $0xffff;
	[tilespmem:v60+s6+$0x0] =	vst.idx.msk $0x3, v58  }
0x552: {  	v29 =	vshrl.u32 v20, $0x4;
	v28 =	vor.u32 $0x3A, v0;
	v6 =	vand.u32 $0x38, v27;
	v7 =	vld.idx.msk [tilespmem:v7+s26+$0x0], $0xffff  }
0x553: {  	v9 =	vand.u32 $0x38, v29  }
0x554: {  	[tilespmem:v63+s6+$0x0] =	vst.idx.msk $0x3, v61  }
0x555: {  	v31 =	vshrl.u32 v21, $0x4;
	v30 =	vor.u32 $0x3A, v3;
	v10 =	vld.idx.msk [tilespmem:v12+s26+$0x0], $0xffff;
	[tilespmem:v24+s6+$0x0] =	vst.idx.msk $0x3, v23  }
0x556: {  	v32 =	vor.u32 $0x3A, v5;
	v12 =	vand.u32 $0x38, v31;
	[tilespmem:v26+s6+$0x0] =	vst.idx.msk $0x3, v2;
	v13 =	vld.idx.msk [tilespmem:v15+s26+$0x0], $0xffff;
	v15 =	vshrl.u32 v22, $0x4  }
0x557: {  	v33 =	vor.u32 $0x3B, v53;
	v2 =	vld.idx.msk [tilespmem:v6+s28+$0x0], $0xffff;
	[tilespmem:v28+s6+$0x0] =	vst.idx.msk $0x3, v7;
	v15 =	vand.u32 $0x38, v15  }
0x558: {  	v34 =	vor.u32 $0x1, v6;
	v16 =	vor.u32 $0x3B, v0;
	v8 =	vld.idx.msk [tilespmem:v9+s28+$0x0], $0xffff  }
0x559: {  	v35 =	vor.u32 $0x1, v9  }
0x55a: {  	[tilespmem:v30+s6+$0x0] =	vst.idx.msk $0x3, v10  }
0x55b: {  	v17 =	vor.u32 $0x3B, v3;
	v11 =	vld.idx.msk [tilespmem:v12+s28+$0x0], $0xffff;
	[tilespmem:v32+s6+$0x0] =	vst.idx.msk $0x3, v13  }
0x55c: {  	v18 =	vor.u32 $0x3B, v5;
	v36 =	vor.u32 $0x1, v12;
	[tilespmem:v33+s6+$0x0] =	vst.idx.msk $0x3, v2;
	v14 =	vld.idx.msk [tilespmem:v15+s28+$0x0], $0xffff  }
0x55d: {  	v37 =	vor.u32 $0x3C, v53;
	v19 =	vor.u32 $0x1, v15;
	v2 =	vld.idx.msk [tilespmem:v34+s28+$0x0], $0xffff;
	[tilespmem:v16+s6+$0x0] =	vst.idx.msk $0x3, v8  }
0x55e: {  	v39 =	vor.u32 $0x2, v6;
	v40 =	vor.u32 $0x3C, v0;
	v8 =	vld.idx.msk [tilespmem:v35+s28+$0x0], $0xffff  }
0x55f: {  	v41 =	vor.u32 $0x2, v9  }
0x560: {  	[tilespmem:v17+s6+$0x0] =	vst.idx.msk $0x3, v11  }
0x561: {  	v16 =	vor.u32 $0x3C, v3;
	v13 =	vld.idx.msk [tilespmem:v36+s28+$0x0], $0xffff;
	[tilespmem:v18+s6+$0x0] =	vst.idx.msk $0x3, v14  }
0x562: {  	v42 =	vor.u32 $0x2, v12;
	v18 =	vor.u32 $0x3C, v5;
	[tilespmem:v37+s6+$0x0] =	vst.idx.msk $0x3, v2;
	v17 =	vld.idx.msk [tilespmem:v19+s28+$0x0], $0xffff  }
0x563: {  	v43 =	vor.u32 $0x3D, v53;
	v19 =	vor.u32 $0x2, v15;
	[tilespmem:v40+s6+$0x0] =	vst.idx.msk $0x3, v8;
	v2 =	vld.idx.msk [tilespmem:v39+s28+$0x0], $0xffff  }
0x564: {  	v45 =	vor.u32 $0x3D, v0;
	v6 =	vor.u32 $0x3, v6;
	v44 =	vld.idx.msk [tilespmem:v41+s28+$0x0], $0xffff;
	_ =	sdelay $0x1  }
0x565: {  	[tilespmem:v16+s6+$0x0] =	vst.idx.msk $0x3, v13  }
0x566: {  	v9 =	vor.u32 $0x3, v9;
	v46 =	vld.idx.msk [tilespmem:v42+s28+$0x0], $0xffff;
	[tilespmem:v18+s6+$0x0] =	vst.idx.msk $0x3, v17  }
0x567: {  	[tilespmem:v43+s6+$0x0] =	vst.idx.msk $0x3, v2;
	v52 =	vld.idx.msk [tilespmem:v19+s28+$0x0], $0xffff  }
0x568: {  	v49 =	vor.u32 $0x3D, v3;
	v2 =	vld.idx.msk [tilespmem:v6+s28+$0x0], $0xffff;
	[tilespmem:v45+s6+$0x0] =	vst.idx.msk $0x3, v44  }
0x569: {  	v55 =	vor.u32 $0x3D, v5;
	v16 =	vld [tilespmem:$0x1FEA0]  }
0x56a: {  	v58 =	vor.u32 $0x3E, v53;
	v18 =	vld [tilespmem:$0x1FFE0]  }
0x56b: {  	v61 =	vor.u32 $0x3E, v0;
	v7 =	vld.idx.msk [tilespmem:v9+s28+$0x0], $0xffff;
	_ =	sdelay $0x1  }
0x56c: {  	v12 =	vor.u32 $0x3, v12;
	[tilespmem:v49+s6+$0x0] =	vst.idx.msk $0x3, v46  }
0x56d: {  	[tilespmem:v55+s6+$0x0] =	vst.idx.msk $0x3, v52  }
0x56e: {  	v15 =	vor.u32 $0x3, v15;
	[tilespmem:v58+s6+$0x0] =	vst.idx.msk $0x3, v2  }
0x56f: {  	v60 =	vadd.s32 v18, v16;
	[tilespmem:v61+s6+$0x0] =	vst.idx.msk $0x3, v7  }
0x570: {  	v63 =	vadd.s32 v18, v57;
	v29 =	vld [tilespmem:$0x1FFB0]  }
0x571: {  	v24 =	vor.u32 $0x3E, v3;
	v10 =	vld.idx.msk [tilespmem:v12+s28+$0x0], $0xffff  }
0x572: {  	v26 =	vadd.s32 v18, v25  }
0x573: {  	v27 =	vor.u32 $0x3E, v5;
	v13 =	vld.idx.msk [tilespmem:v15+s28+$0x0], $0xffff  }
0x574: {  	v28 =	vor.u32 $0x2B, v53;
	v15 =	vadd.s32 v18, v1;
	v2 =	vld.idx.msk [tilespmem:v60+s3+$0x0], $0xffff  }
0x575: {  	v31 =	vor.u32 $0x2B, v0;
	v7 =	vld.idx.msk [tilespmem:v63+s3+$0x0], $0xffff;
	v30 =	vadd.s32 v29, v16  }
0x576: {  	[tilespmem:v24+s6+$0x0] =	vst.idx.msk $0x3, v10  }
0x577: {  	v33 =	vor.u32 $0x2B, v3;
	v10 =	vld.idx.msk [tilespmem:v26+s3+$0x0], $0xffff;
	v32 =	vadd.s32 v29, v57  }
0x578: {  	[tilespmem:v27+s6+$0x0] =	vst.idx.msk $0x3, v13;
	v34 =	vadd.s32 v29, v25  }
0x579: {  	v13 =	vld.idx.msk [tilespmem:v15+s3+$0x0], $0xffff;
	[tilespmem:v28+s6+$0x0] =	vst.idx.msk $0x3, v2  }
0x57a: {  	v35 =	vor.u32 $0x2B, v5;
	[tilespmem:v31+s6+$0x0] =	vst.idx.msk $0x3, v7;
	v2 =	vld.idx.msk [tilespmem:v30+s3+$0x0], $0xffff  }
0x57b: {  	v36 =	vor.u32 $0x2C, v53;
	v19 =	vld [tilespmem:$0x1FFC0]  }
0x57c: {  	v39 =	vor.u32 $0x2C, v0;
	v7 =	vld.idx.msk [tilespmem:v32+s3+$0x0], $0xffff;
	[tilespmem:v33+s6+$0x0] =	vst.idx.msk $0x3, v10  }
0x57d: {  	v41 =	vor.u32 $0x2C, v3;
	v10 =	vld.idx.msk [tilespmem:v34+s3+$0x0], $0xffff;
	_ =	sdelay $0x1  }
0x57e: {  	v15 =	vadd.s32 v29, v1;
	[tilespmem:v35+s6+$0x0] =	vst.idx.msk $0x3, v13  }
0x57f: {  	[tilespmem:v36+s6+$0x0] =	vst.idx.msk $0x3, v2  }
0x580: {  	[tilespmem:v39+s6+$0x0] =	vst.idx.msk $0x3, v7  }
0x581: {  	v37 =	vadd.s32 v19, v16;
	[tilespmem:v41+s6+$0x0] =	vst.idx.msk $0x3, v10  }
0x582: {  	v40 =	vadd.s32 v19, v57;
	v45 =	vld [tilespmem:$0x1FFD0]  }
0x583: {  	v43 =	vor.u32 $0x2C, v5;
	v13 =	vld.idx.msk [tilespmem:v15+s3+$0x0], $0xffff;
	v42 =	vadd.s32 v19, v25  }
0x584: {  	v15 =	vadd.s32 v19, v1;
	_ =	sdelay $0x1  }
0x585: {  	v44 =	vor.u32 $0x2D, v53;
	v2 =	vld.idx.msk [tilespmem:v37+s3+$0x0], $0xffff  }
0x586: {  	v49 =	vor.u32 $0x2D, v0;
	v7 =	vld.idx.msk [tilespmem:v40+s3+$0x0], $0xffff;
	v46 =	vadd.s32 v45, v16  }
0x587: {  	v55 =	vor.u32 $0x2D, v3;
	[tilespmem:v43+s6+$0x0] =	vst.idx.msk $0x3, v13;
	v10 =	vld.idx.msk [tilespmem:v42+s3+$0x0], $0xffff;
	v52 =	vadd.s32 v45, v57  }
0x588: {  	v58 =	vor.u32 $0x2D, v5;
	v13 =	vld.idx.msk [tilespmem:v15+s3+$0x0], $0xffff;
	v57 =	vadd.s32 v45, v25  }
0x589: {  	v1 =	vadd.s32 v45, v1  }
0x58a: {  	[tilespmem:v44+s6+$0x0] =	vst.idx.msk $0x3, v2  }
0x58b: {  	v60 =	vor.u32 $0x2E, v53;
	[tilespmem:v49+s6+$0x0] =	vst.idx.msk $0x3, v7;
	v2 =	vld.idx.msk [tilespmem:v46+s3+$0x0], $0xffff  }
0x58c: {  	v0 =	vor.u32 $0x2E, v0;
	[tilespmem:v55+s6+$0x0] =	vst.idx.msk $0x3, v10;
	v61 =	vld.idx.msk [tilespmem:v52+s3+$0x0], $0xffff  }
0x58d: {  	v3 =	vor.u32 $0x2E, v3;
	[tilespmem:v58+s6+$0x0] =	vst.idx.msk $0x3, v13;
	v63 =	vld.idx.msk [tilespmem:v57+s3+$0x0], $0xffff  }
0x58e: {  	v5 =	vor.u32 $0x2E, v5;
	v1 =	vld.idx.msk [tilespmem:v1+s3+$0x0], $0xffff;
	_ =	sdelay $0x1  }
0x58f: {  	[tilespmem:v60+s6+$0x0] =	vst.idx.msk $0x3, v2  }
0x590: {  	[tilespmem:v0+s6+$0x0] =	vst.idx.msk $0x3, v61  }
0x591: {  	p2 =	seq.s32 s17, $0x0;
	[tilespmem:v3+s6+$0x0] =	vst.idx.msk $0x3, v63  }
0x592: {  	s20 =	simm.s32 @!p2 $0x3;
	[tilespmem:v5+s6+$0x0] =	vst.idx.msk $0x3, v1  }
0x593: {  	_ =	swait.ge @!p2 [sflag:s20], $0xC80  }
0x594: {  	[sflag:s20] =	ssyncset.done @!p2 $0x0  }
0x595: {  	[sflag:s20] =	ssyncadd.s32 @!p2 $0xFFFFF380  }
0x596: {  	_ =	swait.ge @!p2 [sflag:s20], $0xC80  }
0x597: {  	[sflag:s20] =	ssyncset.done @!p2 $0x0  }
0x598: {  	[sflag:s20] =	ssyncadd.s32 @!p2 $0xFFFFF380  }
0x599: {  	_ =	swait.ge @!p2 [sflag:s20], $0xC80  }
0x59a: {  	[sflag:s20] =	ssyncset.done @!p2 $0x0  }
0x59b: {  	[sflag:s20] =	ssyncadd.s32 @!p2 $0xFFFFF380  }
0x59c: {  	_ =	swait.ge @!p2 [sflag:s20], $0xC80  }
0x59d: {  	[sflag:s20] =	ssyncset.done @!p2 $0x0  }
0x59e: {  	[sflag:s20] =	ssyncadd.s32 @!p2 $0xFFFFF380  }
0x59f: {  	_ =	swait.ge @!p2 [sflag:s20], $0xC80  }
0x5a0: {  	[sflag:s20] =	ssyncset.done @!p2 $0x0  }
0x5a1: {  	[sflag:s20] =	ssyncadd.s32 @!p2 $0xFFFFF380  }
0x5a2: {  	_ =	swait.ge @!p2 [sflag:s20], $0xC80  }
0x5a3: {  	[sflag:s20] =	ssyncset.done @!p2 $0x0  }
0x5a4: {  	s21 =	sshll.u32 s17, $0x3;
	[sflag:s20] =	ssyncadd.s32 @!p2 $0xFFFFF380  }
0x5a5: {  	s21 =	sadd.s32 s15, s21;
	_ =	swait.ge @!p2 [sflag:s20], $0xC80  }
0x5a6: {  	s23 =	smul.u32 $0x190, s21;
	[sflag:s20] =	ssyncset.done @!p2 $0x0  }
0x5a7: {  	s21 =	smul.u32 $0xC80, s21;
	[sflag:s20] =	ssyncadd.s32 @!p2 $0xFFFFF380  }
0x5a8: {  	_ =	swait.ge @!p2 [sflag:s20], $0xC80  }
0x5a9: {  	s4 =	sadd.s32 s5, s23;
	s23 =	sshrl.u32 s21, $0x3;
	[sflag:s20] =	ssyncset.done @!p2 $0x0  }
0x5aa: {  	[sflag:s20] =	ssyncadd.s32 @!p2 $0xFFFFF380;
	s20 =	sadd.s32 s5, s23  }
0x5ab: {  	[hbm4b:s4+s6] =	stream.linear.scatter [tilespmem:s19], [sflag:$0x3], $0xC80, $0x38;
	[tilespmem:$0x1BE60] =	vst v63  }
0x5ac: {  	s0 =	sadd.s32 $0x190, s20;
	s4 =	sadd.s32 $0xC80, s19  }
0x5ad: {  	[hbm4b:s0+s6] =	stream.linear.scatter [tilespmem:s4], [sflag:$0x3], $0xC80, $0x38;
	[tilespmem:$0x1BE60] =	vst v63  }
0x5ae: {  	s0 =	sadd.s32 $0x320, s20;
	s4 =	sadd.s32 $0x1900, s19  }
0x5af: {  	[hbm4b:s0+s6] =	stream.linear.scatter [tilespmem:s4], [sflag:$0x3], $0xC80, $0x38;
	[tilespmem:$0x1BE60] =	vst v63  }
0x5b0: {  	s0 =	sadd.s32 $0x4B0, s20;
	s4 =	sadd.s32 $0x2580, s19  }
0x5b1: {  	[hbm4b:s0+s6] =	stream.linear.scatter [tilespmem:s4], [sflag:$0x3], $0xC80, $0x38;
	[tilespmem:$0x1BE60] =	vst v63  }
0x5b2: {  	s0 =	sadd.s32 $0x640, s20;
	s4 =	sadd.s32 $0x3200, s19  }
0x5b3: {  	[hbm4b:s0+s6] =	stream.linear.scatter [tilespmem:s4], [sflag:$0x3], $0xC80, $0x38;
	[tilespmem:$0x1BE60] =	vst v63  }
0x5b4: {  	s0 =	sadd.s32 $0x7D0, s20;
	s4 =	sadd.s32 $0x3E80, s19  }
0x5b5: {  	[hbm4b:s0+s6] =	stream.linear.scatter [tilespmem:s4], [sflag:$0x3], $0xC80, $0x38;
	[tilespmem:$0x1BE60] =	vst v63  }
0x5b6: {  	s21 =	sxor.u32 @!p1 $0x1, s18;
	s23 =	sadd.s32 $0x960, s20;
	s0 =	sadd.s32 $0x4B00, s19  }
0x5b7: {  	[hbm4b:s23+s6] =	stream.linear.scatter [tilespmem:s0], [sflag:$0x3], $0xC80, $0x38;
	[tilespmem:$0x1BE60] =	vst v63  }
0x5b8: {  	s23 =	smul.u32 @!p1 $0x12C00, s21  }
0x5b9: {  	s20 =	sadd.s32 $0xAF0, s20;
	s4 =	sadd.s32 $0x5780, s19;
	s21 =	smul.u32 @!p1 $0x640, s21  }
0x5ba: {  	[hbm4b:s20+s6] =	stream.linear.scatter [tilespmem:s4], [sflag:$0x3], $0xC80, $0x38;
	[tilespmem:$0x1BE60] =	vst v63  }
0x5bb: {  	s19 =	sshrl.u32 @!p1 s23, $0x2;
	s20 =	sshrl.u32 @!p1 s21, $0x2  }
0x5bc: {  	s0 =	simm.s32 @!p1 $0x80;
	s21 =	sadd.s32 @!p1 $0xC800, s19;
	s23 =	sadd.s32 @!p1 $0x1A900, s20  }
0x5bd: {  	[tilespmem:s21], [sflag:$0x2] =	stream.indirect.gather @!p1 [hbm4b:s8+s0], $0x30, s23, s0, $0xb8;
	[tilespmem:$0x1BE60] =	vst v63  }
0x5be: {  	p2 =	sgt.u32 @!p1 s17, $0xD;
	s21 =	sadd.s32 @!p1 $0xE000, s19;
	s23 =	sadd.s32 @!p1 $0x1A980, s20  }
0x5bf: {  	[tilespmem:s21], [sflag:$0x2] =	stream.indirect.gather @!p1 [hbm4b:s8+s0], $0x30, s23, s0, $0xb8;
	[tilespmem:$0x1BE60] =	vst v63  }
0x5c0: {  	p2 =	por p2, p1;
	s21 =	sadd.s32 @!p1 $0xF800, s19;
	s23 =	sor.u32 @!p1 $0x1AA00, s20  }
0x5c1: {  	[tilespmem:s21], [sflag:$0x2] =	stream.indirect.gather @!p1 [hbm4b:s8+s0], $0x30, s23, s0, $0xb8;
	[tilespmem:$0x1BE60] =	vst v63  }
0x5c2: {  	s0 =	sadd.s32 @!p1 $0x11000, s19;
	s19 =	sadd.s32 @!p2 $0x2, s17  }
0x5c3: {  	s20 =	sadd.s32 @!p1 $0x1AA80, s20;
	s21 =	simm.s32 @!p1 $0x10;
	s23 =	smul.u32 @!p2 $0x190, s19  }
0x5c4: {  	[tilespmem:s0], [sflag:$0x2] =	stream.indirect.gather @!p1 [hbm4b:s8+s21], $0x30, s20, s21, $0xb8;
	[tilespmem:$0x1BE60] =	vst v63  }
0x5c5: {  	s0 =	smul.u32 @!p2 $0x190, s18;
	s20 =	sadd.s32 @!p2 s12, s23  }
0x5c6: {  	s20 =	sshrl.u32 @!p2 s20, $0x3  }
0x5c7: {  	s4 =	simm.s32 @!p2 $0x0;
	s21 =	sadd.s32 @!p2 $0x1A900, s0;
	s23 =	sadd.s32 @!p2 s1, s20  }
0x5c8: {  	[tilespmem:s21], [sflag:$0x1] =	stream.linear.gather @!p2 [hbm4b:s23+s4], $0x190, $0x38;
	[tilespmem:$0x1BE60] =	vst v63  }
0x5c9: {  	s19 =	sshll.u32 @!p2 s19, $0x3;
	s0 =	sadd.s32 @!p2 $0x1AC20, s0;
	s20 =	sadd.s32 @!p2 s2, s20  }
0x5ca: {  	[tilespmem:s0], [sflag:$0x1] =	stream.linear.gather @!p2 [hbm4b:s20+s4], $0x190, $0x38;
	[tilespmem:$0x1BE60] =	vst v63  }
0x5cb: {  	s18 =	smul.u32 @!p2 $0x1900, s18;
	s0 =	sadd.s32 @!p2 s15, s19  }
0x5cc: {  	s0 =	smul.u32 @!p2 $0x19, s0  }
0x5cd: {  	s18 =	sshrl.u32 @!p2 s18, $0x2  }
0x5ce: {  	s17 =	sadd.s32 @!p1 $0x1, s17;
	s18 =	sadd.s32 @!p2 $0x1AF40, s18;
	s0 =	sadd.s32 @!p2 s9, s0  }
0x5cf: {  	[tilespmem:s18], [sflag:$0x1] =	stream.linear.gather @!p2 [hbm4b:s0+s4], $0x640, $0x38;
	[tilespmem:$0x1BE60] =	vst v63  }
0x5d0: {  	p2 =	sne.s32 @!p1 s17, $0x10  }
0x5d1: {  	p2 =	por p1, !p2  }
.Ltmp2:
0x5d2: {  	_ = 	snop;
	(pc) =	sbr.rel @!p2 .LBB2_2-.Ltmp2, $2  }
0x5d3: {  	_ =	sdelay $0x2  }
0x5d4: {  	p0 =	por @!p1 !p0, !p0;
	v17 =	vimm.s32 $0x1  }
0x5d5: {  	_ =	swait.ge [sflag:s14], $0xC80  }
0x5d6: {  	[sflag:s14] =	ssyncset.done $0x0  }
0x5d7: {  	[sflag:s14] =	ssyncadd.s32 $0xFFFFF380  }
0x5d8: {  	_ =	swait.ge [sflag:s14], $0xC80  }
0x5d9: {  	[sflag:s14] =	ssyncset.done $0x0  }
0x5da: {  	[sflag:s14] =	ssyncadd.s32 $0xFFFFF380  }
0x5db: {  	_ =	swait.ge [sflag:s14], $0xC80  }
0x5dc: {  	[sflag:s14] =	ssyncset.done $0x0  }
0x5dd: {  	[sflag:s14] =	ssyncadd.s32 $0xFFFFF380  }
0x5de: {  	_ =	swait.ge [sflag:s14], $0xC80  }
0x5df: {  	[sflag:s14] =	ssyncset.done $0x0  }
0x5e0: {  	[sflag:s14] =	ssyncadd.s32 $0xFFFFF380  }
0x5e1: {  	_ =	swait.ge [sflag:s14], $0xC80  }
0x5e2: {  	[sflag:s14] =	ssyncset.done $0x0  }
0x5e3: {  	[sflag:s14] =	ssyncadd.s32 $0xFFFFF380  }
0x5e4: {  	_ =	swait.ge [sflag:s14], $0xC80  }
0x5e5: {  	[sflag:s14] =	ssyncset.done $0x0  }
0x5e6: {  	[sflag:s14] =	ssyncadd.s32 $0xFFFFF380  }
0x5e7: {  	_ =	swait.ge [sflag:s14], $0xC80  }
0x5e8: {  	[sflag:s14] =	ssyncset.done $0x0  }
0x5e9: {  	[sflag:s14] =	ssyncadd.s32 $0xFFFFF380  }
0x5ea: {  	_ =	swait.ge [sflag:s14], $0xC80  }
0x5eb: {  	s16 =	sadd.s32 $0x1, s16;
	s0 =	rddreg [dreg:$0x12]  }
0x5ec: {  	p0 =	sne.s32 s16, s0  }
.Ltmp3:
0x5ed: {  	_ = 	snop;
	(pc) =	sbr.rel @p0 .LBB2_1-.Ltmp3, $3  }
0x5ee: {  	_ =	sdelay $0x1  }
0x5ef: {  	[sflag:s14] =	ssyncset.done $0x0  }
0x5f0: {  	[sflag:s14] =	ssyncadd.s32 $0xFFFFF380  }
0x5f1: {  	_ =	sfence.sel $0x180000  }
0x5f2: {  	[bflag:$0x0] =	sbarrier.arrive $0xFFFF  }
0x5f3: {  	_ =	strace $0x90000047  }
0x5f4: {  	s0 =	stileid.u32;
	[bflag:$0x2] =	sbarrier.arrive $0xFFFF  }
0x5f5: {  	p0 =	sne.s32 s0, $0x0;
	s0 =	rddreg [dreg:$0x7]  }
0x5f6: {  	s0 =	sadd.s32 @!p0 $0x100000, s0  }
0x5f7: {  	[sflag:s0] =	ssyncadd.tile.s32 @!p0 $0x1;
	_ =	shalt  }
.Lfunc_end2:
_tile_overlayer_lowered:
.L_overlay_start_2:
0x5f8: {  	(tag) =	ssettag $0x2  }
0x5f9: {  	s0 =	rddreg [dreg:$0x0];
	s2 =	stileid.u32  }
0x5fa: {  	s1 =	rddreg [dreg:$0x1];
	p0 =	sne.s32 s2, $0x0  }
0x5fb: {  	s3 =	rddreg [dreg:$0x2];
	[bflag:$0x3] =	sbarrier.arrive $0xFFFF;
	s2 =	simm.s32 @!p0 $0x1C04  }
0x5fc: {  	[timem:s3], [sflag:s2] =	dma.local @!p0 [hbm:s0], s1  }
0x5fd: {  	s0 =	simm.s32 @!p0 $0x4  }
0x5fe: {  	_ =	swait.ge @!p0 [sflag:s0], s1  }
0x5ff: {  	s1 =	ssub.s32 @!p0 $0x0, s1;
	[sflag:s0] =	ssyncset.done @!p0 $0x0  }
0x600: {  	[sflag:s0] =	ssyncadd.s32 @!p0 s1  }
0x601: {  	[bflag:$0x3] =	sbarrier.arrive $0xFFFF  }
0x602: {  	_ =	shalt  }

// kernel: sparse-core-data-format-call.cloned.1.call-start
scs
called_computation_lowered:
.L_overlay_start_0:
0x0: {  	s2 =	sld [smem:$0x3FD9]  }
0x1: {  	s3 =	sld [smem:$0x3FFE];
	_ =	sdelay $0x1  }
0x2: {  	s1 =	srdreg.scid  }
0x3: {  	s0 =	sand.u32 $0x1, s1  }
0x4: {  	s18 =	sshll.u32 s0, $0xA;
	s2 =	sadd.s32 s3, s2  }
0x5: {  	s2 =	sadd.s32 s2, s18  }
0x6: {  	[smem:$0x3FBE] =	sst s2  }
0x7: {  	_ = 	snop  }
0x8: {  	s2 =	sld [smem:$0x3FD0];
	(tm) =	ssettm $0x1  }
0x9: {  	s19 =	sld [smem:$0x3FFB];
	_ =	sdelay $0x3  }
0xa: {  	_ =	strace s19  }
0xb: {  	s3 =	sld [smem:$0x3FFC];
	_ =	sdelay $0x3  }
0xc: {  	_ =	strace s3  }
0xd: {  	s3 =	sld [smem:$0x3FFD];
	_ =	sdelay $0x3  }
0xe: {  	_ =	strace s3  }
0xf: {  	_ =	strace $0x8FFFFFFF  }
0x10: {  	s20 =	sld [smem:$0x3FDB];
	_ =	sdelay $0x1  }
0x11: {  	s4 =	simm.s32 $_scs_section_size  }
0x12: {  	s5 =	simm.s32 $_size__tile_overlayer_lowered;
	s6 =	simm.s32 $_tile_overlayer_lowered  }
0x13: {  	s23 =	simm.s32 $0x1BFF;
	s22 =	sshll.u32 s6, $0x1;
	s3 =	sadd.s32 s4, s20  }
0x14: {  	s7 =	simm.s32 $0x0;
	s21 =	sshll.u32 s5, $0x1;
	s5 =	sadd.s32 s22, s3  }
0x15: {  	[timem:s7], [sflag:s23] =	dma.local [hbm:s5], s21  }
0x16: {  	_ =	swait.ge [sflag:s23], s21  }
0x17: {  	s4 =	ssub.s32 $0x0, s21;
	[sflag:s23] =	ssyncset.done $0x0  }
0x18: {  	[sflag:s23] =	ssyncadd.s32 s4;
	_ =	sdelay $0x1  }
0x19: {  	s24 =	simm.s32 $0x1B8B  }
0x1a: {  	_ =	swait.ge [sflag:s24], $0x1  }
0x1b: {  	[sflag:s24] =	ssyncset.done $0x0  }
0x1c: {  	s26 =	simm.s32 $0x1B8E;
	s25 =	sld [smem:$0x3FFE];
	[sflag:s24] =	ssyncadd.s32 $0xFFFFFFFF  }
0x1d: {  	s27 =	simm.s32 $execute0_lowered;
	[smem:$0x3FD2] =	sst s26  }
0x1e: {  	s5 =	sshll.u32 s27, $0x1;
	_ =	strace $0x80000049;
	[dreg:$0x1] =	wrdreg $0xFFFFFFFF  }
0x1f: {  	s28 =	simm.s32 $_size_execute0_lowered;
	s3 =	sadd.s32 s3, s5;
	[dreg:$0x0] =	wrdreg $0x0  }
0x20: {  	s5 =	sshll.u32 s28, $0x1;
	[dreg:$0x2] =	wrdreg s3  }
0x21: {  	[dreg:$0x3] =	wrdreg s5  }
0x22: {  	[dreg:$0x4] =	wrdreg $0xC0  }
0x23: {  	_ =	task [dreg:s7], $0x5FFFF  }
0x24: {  	[dreg:$0x1] =	wrdreg $0xFFFFFFFF  }
0x25: {  	[dreg:$0x0] =	wrdreg $0x60  }
0x26: {  	[dreg:$0x2] =	wrdreg s25  }
0x27: {  	[dreg:$0x3] =	wrdreg s2  }
0x28: {  	[dreg:$0x4] =	wrdreg $0x9  }
0x29: {  	_ =	task.clear_ibuf [dreg:s7], $0x5FFFF;
	_ =	strace $0x90000049  }
0x2a: {  	s29 =	simm.s32 $0x9;
	_ =	strace $0x8000004B  }
0x2b: {  	_ =	swait.ge [sflag:s29], $0x1  }
0x2c: {  	[sflag:s29] =	ssyncadd.s32 $0xFFFFFFFF  }
0x2d: {  	_ =	strace $0x9000004B  }
0x2e: {  	_ =	sfence  }
0x2f: {  	s30 =	sld [smem:$0x0];
	_ =	sdelay $0x2  }
0x30: {  	s31 =	sshll.u32 s1, $0xD;
	s1 =	sshrl.u32 s1, $0x2  }
0x31: {  	s3 =	sand.u32 $0x4000, s31;
	s1 =	sadd.s32 s1, s30  }
0x32: {  	s0 =	sor.u32 s3, s0;
	s1 =	sshll.u32 s1, $0x11  }
0x33: {  	s0 =	sor.u32 s1, s0  }
0x34: {  	s0 =	sadd.s32 $0x8F2B, s0  }
0x35: {  	[sflag:s0] =	ssyncadd.remote.s32 $0x1  }
0x36: {  	_ =	sfence.sel $0xFFFF  }
0x37: {  	[dreg:$0x0] =	wrdreg $0xFFFFFFFF;
	(pc) =	sbr.abs _section_cstart, $3  }
0x38: {  	[dreg:$0x1] =	wrdreg $0xFFFFFFFF  }
0x39: {  	_ =	task.clear_ibuf [dreg:s7], $0x2FFFF;
	_ =	strace $0x9FFFFFFF  }
0x3a: {  	(tm) =	ssettm $0x7FFFFFFF  }
0x3b: {  	_ =	shalt  }
tec
execute0_lowered:
.L_overlay_start_1:
0x0: {  	(tag) =	ssettag $0x1  }
0x1: {  	s0 =	srdreg.scid  }
0x2: {  	s1 =	sshll.u32 s0, $0x4  }
0x3: {  	s0 =	stileid.u32;
	s1 =	sand.u32 $0x10, s1  }
0x4: {  	s1 =	sor.u32 s0, s1  }
0x5: {  	s6 =	rddreg [dreg:$0x0];
	s4 =	simm.s32 $0x1;
	s2 =	sshll.u32 s1, $0x7  }
0x6: {  	s7 =	simm.s32 $0x2;
	s12 =	simm.s32 $0x0;
	s1 =	ssub.s32 $0x1000, s2  }
0x7: {  	s8 =	simm.s32 $0x8000;
	s13 =	simm.s32 $0x0;
	s3 =	sand.u32 $0xF80, s1  }
0x8: {  	s9 =	simm.s32 $0x0;
	s5 =	sshrl.u32 s1, $0xC;
	p0 =	sne.s32 s3, $0x0  }
.Ltmp0:
0x9: {  	s1 =	rddreg [dreg:$0x2];
	s4 =	simm.s32 @!p0 $0x0;
	(pc) =	sbr.rel .LBB1_1-.Ltmp0, $4  }
0xa: {  	s11 =	simm.s32 $0x0;
	s3 =	rddreg [dreg:$0x1];
	s5 =	sadd.s32 s4, s5  }
0xb: {  	_ =	strace $0x8000004A;
	s4 =	simm.s32 $0x1;
	s5 =	smul.u32 $0x32, s5  }
0xc: {  	s6 =	sadd.s32 $0x800, s6;
	s10 =	smov.u32 s2;
	[sflag:s4] =	ssyncpa.u1 $0x0  }
0xd: {  	p0 =	por $0x0, $0x0;
	[sflag:s7] =	ssyncpa.u1 $0x0;
	s7 =	sor.u32 $0x1, s5  }
.LBB1_4:
0xe: {  	s16 =	sshll.u32 s13, $0x3;
	s17 =	sand.u32 $0x78, s13  }
0xf: {  	s30 =	sand.u32 $0x7E00, s13;
	s12 =	sshll.u32 s12, $0xF;
	s16 =	sand.u32 $0xC00, s16  }
0x10: {  	[tilespmem:s15+$0x810 ss:$0x81] =	vst.msk $0xffff, v2;
	s31 =	sand.u32 $0x7, s13;
	s16 =	sor.u32 s17, s16;
	s17 =	sadd.s32 s3, s30  }
0x11: {  	[tilespmem:s15+$0x1020 ss:$0x81] =	vst.msk $0xffff, v0;
	s13 =	sshll.u32 s31, $0x12;
	s12 =	sadd.s32 s12, s17;
	s16 =	sshrl.u32 s16, $0x3  }
0x12: {  	[tilespmem:s15+$0x0 ss:$0x81] =	vst.msk $0xffff, v1;
	s13 =	sor.u32 $0x400, s13;
	s12 =	sadd.s32 s16, s12  }
0x13: {  	[hbm4b:s12+s13] =	stream.strided.scatter [tilespmem:s14], [sflag:$0x2], $0x2000, s8, s13, $0x20;
	[tilespmem:$0x8080] =	vst v63  }
.LBB1_5:
0x14: {  	s14 =	sadd.s32 $0x1, s9  }
0x15: {  	s12 =	sadd.s32 $0x1000, s10;
	s16 =	smov.u32 s10;
	p2 =	sgt.s32 s14, $0x31  }
0x16: {  	s16 =	smov.u32 @p2 s12  }
0x17: {  	s14 =	simm.s32 @p2 $0x0;
	p2 =	sgt.s32 s16, $0xFFF  }
0x18: {  	s16 =	smov.u32 @p2 s2;
	p2 =	sne.s32 s11, s7  }
.Ltmp1:
0x19: {  	p1 =	slt.u32 s11, $0x2;
	(pc) =	sbr.rel @!p2 .LBB1_6-.Ltmp1, $4  }
0x1a: {  	s15 =	simm.s32 @!p1 $0x2  }
0x1b: {  	s13 =	smov.u32 s10;
	p0 =	por !p0, !p0;
	_ =	swait.ge @!p1 [sflag:s15], $0x2000  }
0x1c: {  	s12 =	smov.u32 s9;
	[sflag:s15] =	ssyncset.done @!p1 $0x0;
	s9 =	smov.u32 s14  }
0x1d: {  	s11 =	sadd.s32 $0x1, s11;
	[sflag:s15] =	ssyncadd.s32 @!p1 $0xFFFFE000;
	s10 =	smov.u32 s16  }
.LBB1_1:
0x1e: {  	p1 =	sge.u32 s11, s5  }
0x1f: {  	s14 =	sand.u32 @!p1 $0x1FFFFFF, s9  }
0x20: {  	s15 =	smulhi.u32 @!p1 $0x4924925, s14;
	_ =	sdelay $0x1  }
0x21: {  	s15 =	smul.u32 @!p1 $0x38, s15  }
0x22: {  	s16 =	sxor.u32 @!p1 $0xFFFFFFFF, s11;
	s17 =	smul.u32 @!p1 $0x380, s10  }
0x23: {  	s31 =	sadd.s32 $0xFFFFFFFF, s11;
	s16 =	sshll.u32 @!p1 s16, $0xD;
	s14 =	ssub.s32 @!p1 s14, s15  }
0x24: {  	s15 =	sand.u32 @!p1 $0x2000, s16;
	s16 =	sadd.s32 @!p1 s6, s17;
	s14 =	sshll.u32 @!p1 s14, $0x4  }
0x25: {  	s17 =	simm.s32 @!p1 $0x1C00;
	s14 =	sadd.s32 @!p1 s14, s16;
	s16 =	simm.s32 @!p1 $0x40  }
0x26: {  	[tilespmem:s15], [sflag:$0x1] =	stream.strided.gather @!p1 [hbm4b:s14+s16], $0x2000, s17, s16, $0x38;
	[tilespmem:$0x8080] =	vst v63  }
0x27: {  	p1 =	sge.u32 s31, s5  }
.Ltmp2:
0x28: {  	_ = 	snop;
	(pc) =	sbr.rel @p1 .LBB1_5-.Ltmp2, $1  }
0x29: {  	_ =	sdelay $0x3  }
0x2a: {  	s14 =	simm.s32 $0x1  }
0x2b: {  	_ =	swait.ge [sflag:s4], $0x2000;
	s14 =	simm.s32 @!p0 $0x0  }
0x2c: {  	[sflag:s4] =	ssyncset.done $0x0;
	s15 =	sshll.u32 s14, $0xD  }
0x2d: {  	[sflag:s4] =	ssyncadd.s32 $0xFFFFE000;
	s18 =	sor.u32 $0x20, s15  }
0x2e: {  	s14 =	smul.u32 $0x8100, s14;
	v3 =	vld [tilespmem:s18+$0x10]  }
0x2f: {  	s30 =	sand.u32 $0x1, s11;
	v2 =	vld [tilespmem:s18+$0xFFFFFFF0]  }
0x30: {  	s15 =	smul.u32 $0x8100, s30;
	s14 =	sshrl.u32 s14, $0x2;
	v0 =	vld [tilespmem:s18+$0x0]  }
0x31: {  	v1 =	vld [tilespmem:s18+$0xFFFFFFE0];
	s16 =	sor.u32 $0x4000, s14  }
0x32: {  	s31 =	sshrl.u32 s15, $0x2;
	s15 =	sadd.s32 $0x0, s16  }
0x33: {  	s17 =	simm.s32 $0x4;
	s18 =	sadd.s32 $0x40, s18;
	s14 =	sor.u32 $0x4000, s31;
	[tilespmem:s15+$0x1830 ss:$0x81] =	vst.msk $0xffff, v3  }
.LBB1_3:
0x34: {  	v3 =	vld [tilespmem:s18+$0x10];
	p1 =	sne.s32 s17, $0x1FC;
	[tilespmem:s15+$0x810 ss:$0x81] =	vst.msk $0xffff, v2;
	s19 =	smov.u32 s17;
	s17 =	sadd.s32 $0x4, s17  }
.Ltmp3:
0x35: {  	v2 =	vld [tilespmem:s18+$0xFFFFFFF0];
	[tilespmem:s15+$0x1020 ss:$0x81] =	vst.msk $0xffff, v0;
	(pc) =	sbr.rel @p1 .LBB1_3-.Ltmp3, $4  }
0x36: {  	v0 =	vld [tilespmem:s18+$0x0];
	[tilespmem:s15+$0x0 ss:$0x81] =	vst.msk $0xffff, v1  }
0x37: {  	s15 =	sshra.s32 s19, $0x2;
	v1 =	vld [tilespmem:s18+$0xFFFFFFE0]  }
0x38: {  	s15 =	sadd.s32 s15, s16  }
0x39: {  	s18 =	sadd.s32 $0x40, s18;
	[tilespmem:s15+$0x1830 ss:$0x81] =	vst.msk $0xffff, v3  }
.Ltmp4:
0x3a: {  	_ = 	snop;
	(pc) =	sbr.rel .LBB1_4-.Ltmp4, $1  }
0x3b: {  	_ =	sdelay $0x3  }
.LBB1_6:
0x3c: {  	_ =	sfence.sel $0x180000  }
0x3d: {  	s2 =	simm.s32 $0x1;
	[bflag:$0x0] =	sbarrier.arrive $0xFFFF  }
0x3e: {  	s31 =	simm.s32 $0x2;
	[sflag:s2] =	ssyncpa.u1 $0x1  }
0x3f: {  	[sflag:s31] =	ssyncpa.u1 $0x1  }
0x40: {  	p0 =	sne.s32 s0, $0x0;
	_ =	strace $0x9000004A  }
0x41: {  	s0 =	sadd.s32 @!p0 $0x100000, s1;
	[bflag:$0x2] =	sbarrier.arrive $0xFFFF  }
0x42: {  	[sflag:s0] =	ssyncadd.tile.s32 @!p0 $0x1;
	_ =	shalt  }
.Lfunc_end1:
_tile_overlayer_lowered:
.L_overlay_start_2:
0x43: {  	(tag) =	ssettag $0x2  }
0x44: {  	s0 =	rddreg [dreg:$0x0];
	s2 =	stileid.u32  }
0x45: {  	s1 =	rddreg [dreg:$0x1];
	p0 =	sne.s32 s2, $0x0  }
0x46: {  	s3 =	rddreg [dreg:$0x2];
	[bflag:$0x3] =	sbarrier.arrive $0xFFFF;
	s2 =	simm.s32 @!p0 $0x1C01  }
0x47: {  	[timem:s3], [sflag:s2] =	dma.local @!p0 [hbm:s0], s1  }
0x48: {  	s0 =	simm.s32 @!p0 $0x1  }
0x49: {  	_ =	swait.ge @!p0 [sflag:s0], s1  }
0x4a: {  	s1 =	ssub.s32 @!p0 $0x0, s1;
	[sflag:s0] =	ssyncset.done @!p0 $0x0  }
0x4b: {  	[sflag:s0] =	ssyncadd.s32 @!p0 s1  }
0x4c: {  	[bflag:$0x3] =	sbarrier.arrive $0xFFFF  }
0x4d: {  	_ =	shalt  }

</sc_bundles>
